<compile_context>
chip_gen: v7x
topology: tpu7x:2x2x1
jax: 0.10.2.dev20260603
libtpu: 0.0.44.dev20260713+nightly
codegen_flags: <defaults>
</compile_context>

<pallas_src>
import jax
import jax.numpy as jnp
from jax import lax
from jax.experimental import pallas as pl
from jax.experimental.pallas import tpu as pltpu
from jax.experimental.pallas import tpu_sc as plsc

N_NODES = 10000
D = 128
DP = D // 2
N_EDGES = 320000
C = 80
N_WORKERS = 32
EDGES_PER_WORKER = N_EDGES // N_WORKERS
CHUNKS = EDGES_PER_WORKER // C
GROUPS = C // 16
PAIRS = (CHUNKS + 1) // 2


def _sc_kernel(table_hbm, edges_hbm, out_hbm,
               table_sh, idx0, idx1, s0, s1, d0, d1, o0, o1,
               sem_g, sem_idx, sem_out0, sem_out1, sem_st):
    nc = 2
    wid = lax.axis_index("s") * nc + lax.axis_index("c")
    start = wid * CHUNKS

    sid = lax.axis_index("s")
    rows_per_sub = N_NODES // 16
    pltpu.async_copy(table_hbm.at[pl.ds(sid * rows_per_sub, rows_per_sub)],
                     table_sh.at[pl.ds(sid * rows_per_sub, rows_per_sub)],
                     sem_st).wait()
    plsc.subcore_barrier()

    lane = lax.iota(jnp.int32, 16)
    rots = [(lane + j0) & 15 for j0 in range(16)]
    idx_b = (idx0, idx1)
    s_b = (s0, s1)
    d_b = (d0, d1)
    o_b = (o0, o1)

    def clamp(c):
        return jnp.minimum(c, CHUNKS - 1)

    def issue_idx(c, b):
        pltpu.async_copy(edges_hbm.at[:, pl.ds((start + clamp(c)) * C, C)],
                         idx_b[b], sem_idx)

    def wait_idx(b):
        pltpu.make_async_copy(edges_hbm.at[:, pl.ds(0, C)], idx_b[b],
                              sem_idx).wait()

    def launch_gathers(b):
        pltpu.async_copy(table_sh.at[idx_b[b].at[0]], s_b[b], sem_g)
        pltpu.async_copy(table_sh.at[idx_b[b].at[1]], d_b[b], sem_g)

    def wait_gathers(b):
        pltpu.make_async_copy(table_hbm.at[pl.ds(0, C)], s_b[b], sem_g).wait()
        pltpu.make_async_copy(table_hbm.at[pl.ds(0, C)], d_b[b], sem_g).wait()

    sem_out = (sem_out0, sem_out1)

    def drain_out(b):
        pltpu.make_async_copy(o_b[b], out_hbm.at[pl.ds(0, C)],
                              sem_out[b]).wait()

    def compute(c, b):
        s_rows, d_rows, out_v = s_b[b], d_b[b], o_b[b]

        @pl.when(c >= 2)
        def _():
            drain_out(b)

        for g in range(GROUPS):
            row_idx = g * 16 + lane
            zero = jnp.zeros((16,), jnp.float32)

            hi_mask = jnp.full((16,), -65536, jnp.int32)

            def blk_body(t, accs):
                a0, a1, a2, a3 = accs
                base = t * 16
                for k in range(16):
                    col = rots[k] + base
                    sv = plsc.load_gather(s_rows, [row_idx, col])
                    dv = plsc.load_gather(d_rows, [row_idx, col])
                    p = plsc.bitcast(sv, jnp.bfloat16) * plsc.bitcast(
                        dv, jnp.bfloat16)
                    pi = plsc.bitcast(p, jnp.int32)
                    pa = plsc.bitcast(pi & hi_mask, jnp.float32)
                    pb = plsc.bitcast(pi << 16, jnp.float32)
                    if k & 1:
                        a2, a3 = a2 + pa, a3 + pb
                    else:
                        a0, a1 = a0 + pa, a1 + pb
                return a0, a1, a2, a3

            a0, a1, a2, a3 = lax.fori_loop(0, DP // 16, blk_body,
                                           (zero, zero, zero, zero))
            acc = (a0 + a1) + (a2 + a3)
            prob = 1.0 / (1.0 + jnp.exp(-acc))
            out_v[pl.ds(g * 16, 16)] = prob

        pltpu.async_copy(out_v, out_hbm.at[pl.ds((start + clamp(c)) * C, C)],
                         sem_out[b])

    def step(c, b, nb):
        wait_gathers(b)

        @pl.when(c + 1 < 2 * PAIRS)
        def _():
            wait_idx(nb)
            launch_gathers(nb)

        @pl.when(c + 2 < 2 * PAIRS)
        def _():
            issue_idx(c + 2, b)

        compute(c, b)

    pltpu.sync_copy(edges_hbm.at[:, pl.ds(start * C, C)], idx0)
    launch_gathers(0)
    issue_idx(1, 1)

    def pair_body(p, carry):
        step(2 * p, 0, 1)
        step(2 * p + 1, 1, 0)
        return carry

    lax.fori_loop(0, PAIRS, pair_body, 0)

    drain_out(0)
    drain_out(1)


@jax.jit
def _run(table_pk, edge_index):
    mesh = plsc.VectorSubcoreMesh(core_axis_name="c", subcore_axis_name="s")
    kfn = pl.kernel(
        _sc_kernel,
        mesh=mesh,
        compiler_params=pltpu.CompilerParams(
            use_tc_tiling_on_sc=False, needs_layout_passes=False,
            disable_bounds_checks=True),
        out_type=jax.ShapeDtypeStruct((N_EDGES,), jnp.float32),
        scratch_types=[
            pltpu.VMEM_SHARED((N_NODES, DP), jnp.int32),
            pltpu.VMEM((2, C), jnp.int32),
            pltpu.VMEM((2, C), jnp.int32),
            pltpu.VMEM((C, DP), jnp.int32),
            pltpu.VMEM((C, DP), jnp.int32),
            pltpu.VMEM((C, DP), jnp.int32),
            pltpu.VMEM((C, DP), jnp.int32),
            pltpu.VMEM((C,), jnp.float32),
            pltpu.VMEM((C,), jnp.float32),
            pltpu.SemaphoreType.DMA,
            pltpu.SemaphoreType.DMA,
            pltpu.SemaphoreType.DMA,
            pltpu.SemaphoreType.DMA,
            pltpu.SemaphoreType.DMA,
        ],
    )
    return kfn(table_pk, edge_index)


def kernel(node_embedding_matrix, batch_x_index, edge_index):
    del batch_x_index
    table_bf = node_embedding_matrix.astype(jnp.bfloat16)
    table_pk = jax.lax.bitcast_convert_type(
        table_bf.reshape(N_NODES, DP, 2), jnp.int32)
    return _run(table_pk, edge_index)

# --- scband reference (transcript-rebuilt; emitter-appended) ---
"""Pipeline reference for scband-downstream-task-10539849744788 (READ-ONLY COPY).

The authoritative reference and input builder live on the scoring server;
editing this copy changes nothing except your own understanding.
"""

import jax, jax.numpy as jnp
import numpy as np

N_NODES = 10000
D_FEAT = 128
N_EDGES = 320000


def setup_inputs(seed: int = 0) -> dict:
    key = jax.random.key(seed)
    k1, k2 = jax.random.split(key)
    node_embedding_matrix = jax.random.normal(k1, (N_NODES, D_FEAT), dtype=jnp.float32)
    batch_x_index = jnp.arange(N_NODES, dtype=jnp.int32)
    edge_index = jax.random.randint(k2, (2, N_EDGES), 0, N_NODES, dtype=jnp.int32)
    return {
        "node_embedding_matrix": node_embedding_matrix,
        "batch_x_index": batch_x_index,
        "edge_index": edge_index,
    }


def reference(node_embedding_matrix, batch_x_index, edge_index):
    # Link prediction: gather endpoint embeddings, dot product, sigmoid.
    # (mode='val'/'test' path of the original module, with edge_index given
    # explicitly; batch_x_index is accepted but unused, as in the original.)
    source_node_embedding = jnp.take(node_embedding_matrix, edge_index[0], axis=0)
    target_node_embedding = jnp.take(node_embedding_matrix, edge_index[1], axis=0)
    link_predict = jnp.sum(source_node_embedding * target_node_embedding, axis=-1)
    link_predict = jax.nn.sigmoid(link_predict)
    return link_predict

if __name__ == "__main__":
    import jax
    _d = setup_inputs()
    print(jax.jit(kernel)(*tuple(_d.values())))

</pallas_src>

<mosaic_0001>
#map = affine_map<(d0, d1) -> (0, 0)>
#map1 = affine_map<(d0, d1) -> (0)>
module attributes {stable_mosaic.version = 14 : i64} {
  func.func @_sc_kernel(%arg0: i32, %arg1: i32, %arg2: memref<10000x64xi32, #tpu.memory_space<hbm>>, %arg3: memref<2x320000xi32, #tpu.memory_space<hbm>>, %arg4: memref<320000xf32, #tpu.memory_space<hbm>>, %arg5: memref<10000x64xi32, #tpu.memory_space<vmem_shared>>, %arg6: memref<2x80xi32, #tpu.memory_space<vmem>>, %arg7: memref<2x80xi32, #tpu.memory_space<vmem>>, %arg8: memref<80x64xi32, #tpu.memory_space<vmem>>, %arg9: memref<80x64xi32, #tpu.memory_space<vmem>>, %arg10: memref<80x64xi32, #tpu.memory_space<vmem>>, %arg11: memref<80x64xi32, #tpu.memory_space<vmem>>, %arg12: memref<80xf32, #tpu.memory_space<vmem>>, %arg13: memref<80xf32, #tpu.memory_space<vmem>>, %arg14: memref<!tpu.dma_semaphore, #tpu.memory_space<semaphore_mem>>, %arg15: memref<!tpu.dma_semaphore, #tpu.memory_space<semaphore_mem>>, %arg16: memref<!tpu.dma_semaphore, #tpu.memory_space<semaphore_mem>>, %arg17: memref<!tpu.dma_semaphore, #tpu.memory_space<semaphore_mem>>, %arg18: memref<!tpu.dma_semaphore, #tpu.memory_space<semaphore_mem>>) attributes {dimension_semantics = [#tpu.dimension_semantics<core_parallel>, #tpu.dimension_semantics<subcore_parallel>], iteration_bounds = array<i64: 2, 16>, scalar_prefetch = 0 : i64, scratch_operands = 14 : i64, tpu.core_type = #tpu.core_type<sc_vector_subcore>, window_params = [{transform_indices = #map}, {transform_indices = #map}, {transform_indices = #map1}]} {
    %mul3A = arith.constant 2 : i32
    %mul3A_0 = arith.muli %arg1, %mul3A : i32
    %add3A = arith.addi %mul3A_0, %arg0 : i32
    %mul3A_1 = arith.constant 125 : i32
    %mul3A_2 = arith.muli %add3A, %mul3A_1 : i32
    %mul3A_3 = arith.constant 625 : i32
    %mul3A_4 = arith.muli %arg1, %mul3A_3 : i32
    %mul3A_5 = arith.constant 625 : i32
    %mul3A_6 = arith.muli %arg1, %mul3A_5 : i32
    %dma_start3A = arith.constant 0 : i32
    %dma_start3A_7 = tpu.memref_slice %arg5[%mul3A_6, %dma_start3A] : memref<10000x64xi32, #tpu.memory_space<vmem_shared>> -> memref<625x64xi32, #tpu.memory_space<vmem_shared>>
    %dma_start3A_8 = arith.constant 0 : i32
    %dma_start3A_9 = tpu.memref_slice %arg2[%mul3A_4, %dma_start3A_8] : memref<10000x64xi32, #tpu.memory_space<hbm>> -> memref<625x64xi32, #tpu.memory_space<hbm>>
    tpu.enqueue_dma source(%dma_start3A_9 : memref<625x64xi32, #tpu.memory_space<hbm>>) target(%dma_start3A_7 : memref<625x64xi32, #tpu.memory_space<vmem_shared>>) target_semaphore(%arg18 : memref<!tpu.dma_semaphore, #tpu.memory_space<semaphore_mem>>)
    %dma_wait3A = arith.constant 0 : i32
    %dma_wait3A_10 = tpu.memref_slice %arg5[%mul3A_6, %dma_wait3A] : memref<10000x64xi32, #tpu.memory_space<vmem_shared>> -> memref<625x64xi32, #tpu.memory_space<vmem_shared>>
    %dma_wait3A_11 = arith.constant 0 : i32
    %dma_wait3A_12 = tpu.memref_slice %arg2[%mul3A_4, %dma_wait3A_11] : memref<10000x64xi32, #tpu.memory_space<hbm>> -> memref<625x64xi32, #tpu.memory_space<hbm>>
    tpu.wait_dma2 semaphore(%arg18 : memref<!tpu.dma_semaphore, #tpu.memory_space<semaphore_mem>>) src(%dma_wait3A_12 : memref<625x64xi32, #tpu.memory_space<hbm>>) dst(%dma_wait3A_10 : memref<625x64xi32, #tpu.memory_space<vmem_shared>>)
    %barrier3A = arith.constant 0 : index
    tpu.barrier barrier_id(%barrier3A)
    %iota3A = tpu.iota {dimensions = array<i32: 0>} : vector<16xi32>
    %add3A_13 = arith.constant 0 : i32
    %add3A_14 = vector.broadcast %add3A_13 : i32 to vector<16xi32>
    %add3A_15 = arith.addi %iota3A, %add3A_14 : vector<16xi32>
    %and3A = arith.constant 15 : i32
    %and3A_16 = vector.broadcast %and3A : i32 to vector<16xi32>
    %and3A_17 = arith.andi %add3A_15, %and3A_16 : vector<16xi32>
    %add3A_18 = arith.constant 1 : i32
    %add3A_19 = vector.broadcast %add3A_18 : i32 to vector<16xi32>
    %add3A_20 = arith.addi %iota3A, %add3A_19 : vector<16xi32>
    %and3A_21 = arith.constant 15 : i32
    %and3A_22 = vector.broadcast %and3A_21 : i32 to vector<16xi32>
    %and3A_23 = arith.andi %add3A_20, %and3A_22 : vector<16xi32>
    %add3A_24 = arith.constant 2 : i32
    %add3A_25 = vector.broadcast %add3A_24 : i32 to vector<16xi32>
    %add3A_26 = arith.addi %iota3A, %add3A_25 : vector<16xi32>
    %and3A_27 = arith.constant 15 : i32
    %and3A_28 = vector.broadcast %and3A_27 : i32 to vector<16xi32>
    %and3A_29 = arith.andi %add3A_26, %and3A_28 : vector<16xi32>
    %add3A_30 = arith.constant 3 : i32
    %add3A_31 = vector.broadcast %add3A_30 : i32 to vector<16xi32>
    %add3A_32 = arith.addi %iota3A, %add3A_31 : vector<16xi32>
    %and3A_33 = arith.constant 15 : i32
    %and3A_34 = vector.broadcast %and3A_33 : i32 to vector<16xi32>
    %and3A_35 = arith.andi %add3A_32, %and3A_34 : vector<16xi32>
    %add3A_36 = arith.constant 4 : i32
    %add3A_37 = vector.broadcast %add3A_36 : i32 to vector<16xi32>
    %add3A_38 = arith.addi %iota3A, %add3A_37 : vector<16xi32>
    %and3A_39 = arith.constant 15 : i32
    %and3A_40 = vector.broadcast %and3A_39 : i32 to vector<16xi32>
    %and3A_41 = arith.andi %add3A_38, %and3A_40 : vector<16xi32>
    %add3A_42 = arith.constant 5 : i32
    %add3A_43 = vector.broadcast %add3A_42 : i32 to vector<16xi32>
    %add3A_44 = arith.addi %iota3A, %add3A_43 : vector<16xi32>
    %and3A_45 = arith.constant 15 : i32
    %and3A_46 = vector.broadcast %and3A_45 : i32 to vector<16xi32>
    %and3A_47 = arith.andi %add3A_44, %and3A_46 : vector<16xi32>
    %add3A_48 = arith.constant 6 : i32
    %add3A_49 = vector.broadcast %add3A_48 : i32 to vector<16xi32>
    %add3A_50 = arith.addi %iota3A, %add3A_49 : vector<16xi32>
    %and3A_51 = arith.constant 15 : i32
    %and3A_52 = vector.broadcast %and3A_51 : i32 to vector<16xi32>
    %and3A_53 = arith.andi %add3A_50, %and3A_52 : vector<16xi32>
    %add3A_54 = arith.constant 7 : i32
    %add3A_55 = vector.broadcast %add3A_54 : i32 to vector<16xi32>
    %add3A_56 = arith.addi %iota3A, %add3A_55 : vector<16xi32>
    %and3A_57 = arith.constant 15 : i32
    %and3A_58 = vector.broadcast %and3A_57 : i32 to vector<16xi32>
    %and3A_59 = arith.andi %add3A_56, %and3A_58 : vector<16xi32>
    %add3A_60 = arith.constant 8 : i32
    %add3A_61 = vector.broadcast %add3A_60 : i32 to vector<16xi32>
    %add3A_62 = arith.addi %iota3A, %add3A_61 : vector<16xi32>
    %and3A_63 = arith.constant 15 : i32
    %and3A_64 = vector.broadcast %and3A_63 : i32 to vector<16xi32>
    %and3A_65 = arith.andi %add3A_62, %and3A_64 : vector<16xi32>
    %add3A_66 = arith.constant 9 : i32
    %add3A_67 = vector.broadcast %add3A_66 : i32 to vector<16xi32>
    %add3A_68 = arith.addi %iota3A, %add3A_67 : vector<16xi32>
    %and3A_69 = arith.constant 15 : i32
    %and3A_70 = vector.broadcast %and3A_69 : i32 to vector<16xi32>
    %and3A_71 = arith.andi %add3A_68, %and3A_70 : vector<16xi32>
    %add3A_72 = arith.constant 10 : i32
    %add3A_73 = vector.broadcast %add3A_72 : i32 to vector<16xi32>
    %add3A_74 = arith.addi %iota3A, %add3A_73 : vector<16xi32>
    %and3A_75 = arith.constant 15 : i32
    %and3A_76 = vector.broadcast %and3A_75 : i32 to vector<16xi32>
    %and3A_77 = arith.andi %add3A_74, %and3A_76 : vector<16xi32>
    %add3A_78 = arith.constant 11 : i32
    %add3A_79 = vector.broadcast %add3A_78 : i32 to vector<16xi32>
    %add3A_80 = arith.addi %iota3A, %add3A_79 : vector<16xi32>
    %and3A_81 = arith.constant 15 : i32
    %and3A_82 = vector.broadcast %and3A_81 : i32 to vector<16xi32>
    %and3A_83 = arith.andi %add3A_80, %and3A_82 : vector<16xi32>
    %add3A_84 = arith.constant 12 : i32
    %add3A_85 = vector.broadcast %add3A_84 : i32 to vector<16xi32>
    %add3A_86 = arith.addi %iota3A, %add3A_85 : vector<16xi32>
    %and3A_87 = arith.constant 15 : i32
    %and3A_88 = vector.broadcast %and3A_87 : i32 to vector<16xi32>
    %and3A_89 = arith.andi %add3A_86, %and3A_88 : vector<16xi32>
    %add3A_90 = arith.constant 13 : i32
    %add3A_91 = vector.broadcast %add3A_90 : i32 to vector<16xi32>
    %add3A_92 = arith.addi %iota3A, %add3A_91 : vector<16xi32>
    %and3A_93 = arith.constant 15 : i32
    %and3A_94 = vector.broadcast %and3A_93 : i32 to vector<16xi32>
    %and3A_95 = arith.andi %add3A_92, %and3A_94 : vector<16xi32>
    %add3A_96 = arith.constant 14 : i32
    %add3A_97 = vector.broadcast %add3A_96 : i32 to vector<16xi32>
    %add3A_98 = arith.addi %iota3A, %add3A_97 : vector<16xi32>
    %and3A_99 = arith.constant 15 : i32
    %and3A_100 = vector.broadcast %and3A_99 : i32 to vector<16xi32>
    %and3A_101 = arith.andi %add3A_98, %and3A_100 : vector<16xi32>
    %add3A_102 = arith.constant 15 : i32
    %add3A_103 = vector.broadcast %add3A_102 : i32 to vector<16xi32>
    %add3A_104 = arith.addi %iota3A, %add3A_103 : vector<16xi32>
    %and3A_105 = arith.constant 15 : i32
    %and3A_106 = vector.broadcast %and3A_105 : i32 to vector<16xi32>
    %and3A_107 = arith.andi %add3A_104, %and3A_106 : vector<16xi32>
    %mul3A_108 = arith.constant 80 : i32
    %mul3A_109 = arith.muli %mul3A_2, %mul3A_108 : i32
    "tpu.region"() ({
      %run_scoped3A = tpu.sem_alloc : memref<!tpu.dma_semaphore, #tpu.memory_space<semaphore_mem>>
      %dma_start3A_146 = arith.constant 0 : i32
      %dma_start3A_147 = tpu.memref_slice %arg3[%dma_start3A_146, %mul3A_109] : memref<2x320000xi32, #tpu.memory_space<hbm>> -> memref<2x80xi32, #tpu.memory_space<hbm>>
      %dma_start3A_148 = arith.constant 0 : i32
      %dma_start3A_149 = tpu.memref_slice %arg3[%dma_start3A_148, %mul3A_109] : memref<2x320000xi32, #tpu.memory_space<hbm>> -> memref<2x80xi32, #tpu.memory_space<hbm>>
      tpu.enqueue_dma source(%dma_start3A_149 : memref<2x80xi32, #tpu.memory_space<hbm>>) target(%arg6 : memref<2x80xi32, #tpu.memory_space<vmem>>) target_semaphore(%run_scoped3A : memref<!tpu.dma_semaphore, #tpu.memory_space<semaphore_mem>>)
      %dma_wait3A_150 = arith.constant 0 : i32
      %dma_wait3A_151 = tpu.memref_slice %arg3[%dma_wait3A_150, %mul3A_109] : memref<2x320000xi32, #tpu.memory_space<hbm>> -> memref<2x80xi32, #tpu.memory_space<hbm>>
      %dma_wait3A_152 = arith.constant 0 : i32
      %dma_wait3A_153 = tpu.memref_slice %arg3[%dma_wait3A_152, %mul3A_109] : memref<2x320000xi32, #tpu.memory_space<hbm>> -> memref<2x80xi32, #tpu.memory_space<hbm>>
      tpu.wait_dma2 semaphore(%run_scoped3A : memref<!tpu.dma_semaphore, #tpu.memory_space<semaphore_mem>>) src(%dma_wait3A_153 : memref<2x80xi32, #tpu.memory_space<hbm>>) dst(%arg6 : memref<2x80xi32, #tpu.memory_space<vmem>>)
      tpu.yield
    }) : () -> ()
    %dma_start3A_110 = arith.constant 0 : i32
    %dma_start3A_111 = arith.constant 0 : i32
    %dma_start3A_112 = tpu.memref_slice %arg6[%dma_start3A_110, %dma_start3A_111] : memref<2x80xi32, #tpu.memory_space<vmem>> -> memref<1x80xi32, #tpu.memory_space<vmem>>
    %dma_start3A_113 = tpu.memref_squeeze %dma_start3A_112 : memref<1x80xi32, #tpu.memory_space<vmem>> -> memref<80xi32, #tpu.memory_space<vmem>>
    %dma_start3A_114 = arith.constant 0 : i32
    %dma_start3A_115 = arith.constant 0 : i32
    %dma_start3A_116 = tpu.memref_slice %arg5[%dma_start3A_114, %dma_start3A_115] : memref<10000x64xi32, #tpu.memory_space<vmem_shared>> -> memref<10000x64xi32, #tpu.memory_space<vmem_shared>>
    tpu.enqueue_indirect_dma source(%dma_start3A_116 : memref<10000x64xi32, #tpu.memory_space<vmem_shared>>) target(%arg8 : memref<80x64xi32, #tpu.memory_space<vmem>>) offsets(%dma_start3A_113 : memref<80xi32, #tpu.memory_space<vmem>>) semaphore(%arg14 : memref<!tpu.dma_semaphore, #tpu.memory_space<semaphore_mem>>)
    %dma_start3A_117 = arith.constant 1 : i32
    %dma_start3A_118 = arith.constant 0 : i32
    %dma_start3A_119 = tpu.memref_slice %arg6[%dma_start3A_117, %dma_start3A_118] : memref<2x80xi32, #tpu.memory_space<vmem>> -> memref<1x80xi32, #tpu.memory_space<vmem>>
    %dma_start3A_120 = tpu.memref_squeeze %dma_start3A_119 : memref<1x80xi32, #tpu.memory_space<vmem>> -> memref<80xi32, #tpu.memory_space<vmem>>
    %dma_start3A_121 = arith.constant 0 : i32
    %dma_start3A_122 = arith.constant 0 : i32
    %dma_start3A_123 = tpu.memref_slice %arg5[%dma_start3A_121, %dma_start3A_122] : memref<10000x64xi32, #tpu.memory_space<vmem_shared>> -> memref<10000x64xi32, #tpu.memory_space<vmem_shared>>
    tpu.enqueue_indirect_dma source(%dma_start3A_123 : memref<10000x64xi32, #tpu.memory_space<vmem_shared>>) target(%arg10 : memref<80x64xi32, #tpu.memory_space<vmem>>) offsets(%dma_start3A_120 : memref<80xi32, #tpu.memory_space<vmem>>) semaphore(%arg14 : memref<!tpu.dma_semaphore, #tpu.memory_space<semaphore_mem>>)
    %min3A = arith.constant 1 : i32
    %min3A_124 = arith.constant 124 : i32
    %min3A_125 = arith.minsi %min3A, %min3A_124 : i32
    %add3A_126 = arith.addi %mul3A_2, %min3A_125 : i32
    %mul3A_127 = arith.constant 80 : i32
    %mul3A_128 = arith.muli %add3A_126, %mul3A_127 : i32
    %dma_start3A_129 = arith.constant 0 : i32
    %dma_start3A_130 = tpu.memref_slice %arg3[%dma_start3A_129, %mul3A_128] : memref<2x320000xi32, #tpu.memory_space<hbm>> -> memref<2x80xi32, #tpu.memory_space<hbm>>
    %dma_start3A_131 = arith.constant 0 : i32
    %dma_start3A_132 = tpu.memref_slice %arg3[%dma_start3A_131, %mul3A_128] : memref<2x320000xi32, #tpu.memory_space<hbm>> -> memref<2x80xi32, #tpu.memory_space<hbm>>
    tpu.enqueue_dma source(%dma_start3A_132 : memref<2x80xi32, #tpu.memory_space<hbm>>) target(%arg7 : memref<2x80xi32, #tpu.memory_space<vmem>>) target_semaphore(%arg15 : memref<!tpu.dma_semaphore, #tpu.memory_space<semaphore_mem>>)
    %scan3A = arith.constant 0 : i32
    %scan3A_133 = arith.constant 0 : i32
    %scan3A_134 = arith.constant 63 : i32
    %scan3A_135 = arith.addi %scan3A_133, %scan3A_134 : i32
    %scan3A_136 = arith.constant 1 : i32
    scf.for %scan3A_146 = %scan3A_133 to %scan3A_135 step %scan3A_136  : i32 {
      %mul3A_147 = arith.constant 2 : i32
      %mul3A_148 = arith.muli %mul3A_147, %scan3A_146 : i32
      %dma_wait3A_149 = arith.constant 0 : i32
      %dma_wait3A_150 = arith.constant 0 : i32
      %dma_wait3A_151 = tpu.memref_slice %arg2[%dma_wait3A_149, %dma_wait3A_150] : memref<10000x64xi32, #tpu.memory_space<hbm>> -> memref<80x64xi32, #tpu.memory_space<hbm>>
      %dma_wait3A_152 = arith.constant 0 : i32
      %dma_wait3A_153 = arith.constant 0 : i32
      %dma_wait3A_154 = tpu.memref_slice %arg2[%dma_wait3A_152, %dma_wait3A_153] : memref<10000x64xi32, #tpu.memory_space<hbm>> -> memref<80x64xi32, #tpu.memory_space<hbm>>
      tpu.wait_dma2 semaphore(%arg14 : memref<!tpu.dma_semaphore, #tpu.memory_space<semaphore_mem>>) src(%dma_wait3A_154 : memref<80x64xi32, #tpu.memory_space<hbm>>) dst(%arg8 : memref<80x64xi32, #tpu.memory_space<vmem>>)
      %dma_wait3A_155 = arith.constant 0 : i32
      %dma_wait3A_156 = arith.constant 0 : i32
      %dma_wait3A_157 = tpu.memref_slice %arg2[%dma_wait3A_155, %dma_wait3A_156] : memref<10000x64xi32, #tpu.memory_space<hbm>> -> memref<80x64xi32, #tpu.memory_space<hbm>>
      %dma_wait3A_158 = arith.constant 0 : i32
      %dma_wait3A_159 = arith.constant 0 : i32
      %dma_wait3A_160 = tpu.memref_slice %arg2[%dma_wait3A_158, %dma_wait3A_159] : memref<10000x64xi32, #tpu.memory_space<hbm>> -> memref<80x64xi32, #tpu.memory_space<hbm>>
      tpu.wait_dma2 semaphore(%arg14 : memref<!tpu.dma_semaphore, #tpu.memory_space<semaphore_mem>>) src(%dma_wait3A_160 : memref<80x64xi32, #tpu.memory_space<hbm>>) dst(%arg10 : memref<80x64xi32, #tpu.memory_space<vmem>>)
      %add3A_161 = arith.constant 1 : i32
      %add3A_162 = arith.addi %mul3A_148, %add3A_161 : i32
      %lt3A = arith.constant 126 : i32
      %lt3A_163 = arith.cmpi slt, %add3A_162, %lt3A : i32
      %convert_element_type3A = arith.extui %lt3A_163 : i1 to i32
      %cond3A = arith.constant 0 : i32
      %cond3A_164 = arith.cmpi ne, %convert_element_type3A, %cond3A : i32
      scf.if %cond3A_164 {
        %dma_wait3A_500 = arith.constant 0 : i32
        %dma_wait3A_501 = arith.constant 0 : i32
        %dma_wait3A_502 = tpu.memref_slice %arg3[%dma_wait3A_500, %dma_wait3A_501] : memref<2x320000xi32, #tpu.memory_space<hbm>> -> memref<2x80xi32, #tpu.memory_space<hbm>>
        %dma_wait3A_503 = arith.constant 0 : i32
        %dma_wait3A_504 = arith.constant 0 : i32
        %dma_wait3A_505 = tpu.memref_slice %arg3[%dma_wait3A_503, %dma_wait3A_504] : memref<2x320000xi32, #tpu.memory_space<hbm>> -> memref<2x80xi32, #tpu.memory_space<hbm>>
        tpu.wait_dma2 semaphore(%arg15 : memref<!tpu.dma_semaphore, #tpu.memory_space<semaphore_mem>>) src(%dma_wait3A_505 : memref<2x80xi32, #tpu.memory_space<hbm>>) dst(%arg7 : memref<2x80xi32, #tpu.memory_space<vmem>>)
        %dma_start3A_506 = arith.constant 0 : i32
        %dma_start3A_507 = arith.constant 0 : i32
        %dma_start3A_508 = tpu.memref_slice %arg7[%dma_start3A_506, %dma_start3A_507] : memref<2x80xi32, #tpu.memory_space<vmem>> -> memref<1x80xi32, #tpu.memory_space<vmem>>
        %dma_start3A_509 = tpu.memref_squeeze %dma_start3A_508 : memref<1x80xi32, #tpu.memory_space<vmem>> -> memref<80xi32, #tpu.memory_space<vmem>>
        %dma_start3A_510 = arith.constant 0 : i32
        %dma_start3A_511 = arith.constant 0 : i32
        %dma_start3A_512 = tpu.memref_slice %arg5[%dma_start3A_510, %dma_start3A_511] : memref<10000x64xi32, #tpu.memory_space<vmem_shared>> -> memref<10000x64xi32, #tpu.memory_space<vmem_shared>>
        tpu.enqueue_indirect_dma source(%dma_start3A_512 : memref<10000x64xi32, #tpu.memory_space<vmem_shared>>) target(%arg9 : memref<80x64xi32, #tpu.memory_space<vmem>>) offsets(%dma_start3A_509 : memref<80xi32, #tpu.memory_space<vmem>>) semaphore(%arg14 : memref<!tpu.dma_semaphore, #tpu.memory_space<semaphore_mem>>)
        %dma_start3A_513 = arith.constant 1 : i32
        %dma_start3A_514 = arith.constant 0 : i32
        %dma_start3A_515 = tpu.memref_slice %arg7[%dma_start3A_513, %dma_start3A_514] : memref<2x80xi32, #tpu.memory_space<vmem>> -> memref<1x80xi32, #tpu.memory_space<vmem>>
        %dma_start3A_516 = tpu.memref_squeeze %dma_start3A_515 : memref<1x80xi32, #tpu.memory_space<vmem>> -> memref<80xi32, #tpu.memory_space<vmem>>
        %dma_start3A_517 = arith.constant 0 : i32
        %dma_start3A_518 = arith.constant 0 : i32
        %dma_start3A_519 = tpu.memref_slice %arg5[%dma_start3A_517, %dma_start3A_518] : memref<10000x64xi32, #tpu.memory_space<vmem_shared>> -> memref<10000x64xi32, #tpu.memory_space<vmem_shared>>
        tpu.enqueue_indirect_dma source(%dma_start3A_519 : memref<10000x64xi32, #tpu.memory_space<vmem_shared>>) target(%arg11 : memref<80x64xi32, #tpu.memory_space<vmem>>) offsets(%dma_start3A_516 : memref<80xi32, #tpu.memory_space<vmem>>) semaphore(%arg14 : memref<!tpu.dma_semaphore, #tpu.memory_space<semaphore_mem>>)
      } else {
      }
      %add3A_165 = arith.constant 2 : i32
      %add3A_166 = arith.addi %mul3A_148, %add3A_165 : i32
      %lt3A_167 = arith.constant 126 : i32
      %lt3A_168 = arith.cmpi slt, %add3A_166, %lt3A_167 : i32
      %convert_element_type3A_169 = arith.extui %lt3A_168 : i1 to i32
      %cond3A_170 = arith.constant 0 : i32
      %cond3A_171 = arith.cmpi ne, %convert_element_type3A_169, %cond3A_170 : i32
      scf.if %cond3A_171 {
        %add3A_500 = arith.constant 2 : i32
        %add3A_501 = arith.addi %mul3A_148, %add3A_500 : i32
        %min3A_502 = arith.constant 124 : i32
        %min3A_503 = arith.minsi %add3A_501, %min3A_502 : i32
        %add3A_504 = arith.addi %mul3A_2, %min3A_503 : i32
        %mul3A_505 = arith.constant 80 : i32
        %mul3A_506 = arith.muli %add3A_504, %mul3A_505 : i32
        %dma_start3A_507 = arith.constant 0 : i32
        %dma_start3A_508 = tpu.memref_slice %arg3[%dma_start3A_507, %mul3A_506] : memref<2x320000xi32, #tpu.memory_space<hbm>> -> memref<2x80xi32, #tpu.memory_space<hbm>>
        %dma_start3A_509 = arith.constant 0 : i32
        %dma_start3A_510 = tpu.memref_slice %arg3[%dma_start3A_509, %mul3A_506] : memref<2x320000xi32, #tpu.memory_space<hbm>> -> memref<2x80xi32, #tpu.memory_space<hbm>>
        tpu.enqueue_dma source(%dma_start3A_510 : memref<2x80xi32, #tpu.memory_space<hbm>>) target(%arg6 : memref<2x80xi32, #tpu.memory_space<vmem>>) target_semaphore(%arg15 : memref<!tpu.dma_semaphore, #tpu.memory_space<semaphore_mem>>)
      } else {
      }
      %ge3A = arith.constant 2 : i32
      %ge3A_172 = arith.cmpi sge, %mul3A_148, %ge3A : i32
      %convert_element_type3A_173 = arith.extui %ge3A_172 : i1 to i32
      %cond3A_174 = arith.constant 0 : i32
      %cond3A_175 = arith.cmpi ne, %convert_element_type3A_173, %cond3A_174 : i32
      scf.if %cond3A_175 {
        %dma_wait3A_500 = arith.constant 0 : i32
        %dma_wait3A_501 = tpu.memref_slice %arg4[%dma_wait3A_500] : memref<320000xf32, #tpu.memory_space<hbm>> -> memref<80xf32, #tpu.memory_space<hbm>>
        %dma_wait3A_502 = arith.constant 0 : i32
        %dma_wait3A_503 = tpu.memref_slice %arg4[%dma_wait3A_502] : memref<320000xf32, #tpu.memory_space<hbm>> -> memref<80xf32, #tpu.memory_space<hbm>>
        tpu.wait_dma2 semaphore(%arg16 : memref<!tpu.dma_semaphore, #tpu.memory_space<semaphore_mem>>) src(%arg12 : memref<80xf32, #tpu.memory_space<vmem>>) dst(%dma_wait3A_503 : memref<80xf32, #tpu.memory_space<hbm>>)
      } else {
      }
      %add3A_176 = arith.constant 0 : i32
      %add3A_177 = vector.broadcast %add3A_176 : i32 to vector<16xi32>
      %add3A_178 = arith.addi %add3A_177, %iota3A : vector<16xi32>
      %broadcast_in_dim3A = arith.constant 0.000000e+00 : f32
      %broadcast_in_dim3A_179 = vector.broadcast %broadcast_in_dim3A : f32 to vector<16xf32>
      %broadcast_in_dim3A_180 = arith.constant -65536 : i32
      %broadcast_in_dim3A_181 = vector.broadcast %broadcast_in_dim3A_180 : i32 to vector<16xi32>
      %scan3A_182 = arith.constant 0 : i32
      %scan3A_183 = arith.constant 4 : i32
      %scan3A_184 = arith.addi %scan3A_182, %scan3A_183 : i32
      %scan3A_185 = arith.constant 1 : i32
      %scan3A_186:4 = scf.for %scan3A_500 = %scan3A_182 to %scan3A_184 step %scan3A_185 iter_args(%scan3A_501 = %broadcast_in_dim3A_179, %scan3A_502 = %broadcast_in_dim3A_179, %scan3A_503 = %broadcast_in_dim3A_179, %scan3A_504 = %broadcast_in_dim3A_179) -> (vector<16xf32>, vector<16xf32>, vector<16xf32>, vector<16xf32>)  : i32 {
        %mul3A_505 = arith.constant 16 : i32
        %mul3A_506 = arith.muli %scan3A_500, %mul3A_505 : i32
        %add3A_507 = vector.broadcast %mul3A_506 : i32 to vector<16xi32>
        %add3A_508 = arith.addi %and3A_17, %add3A_507 : vector<16xi32>
        %gather3A = tpu.vector_load_idx %arg8[%add3A_178, %add3A_508] : memref<80x64xi32, #tpu.memory_space<vmem>>[vector<16xi32>, vector<16xi32>], vector<16xi32>,
        %gather3A_509 = tpu.vector_load_idx %arg10[%add3A_178, %add3A_508] : memref<80x64xi32, #tpu.memory_space<vmem>>[vector<16xi32>, vector<16xi32>], vector<16xi32>,
        %bitcast3A = vector.bitcast %gather3A : vector<16xi32> to vector<32xbf16>
        %bitcast3A_510 = vector.bitcast %gather3A_509 : vector<16xi32> to vector<32xbf16>
        %mul3A_511 = arith.mulf %bitcast3A, %bitcast3A_510 : vector<32xbf16>
        %bitcast3A_512 = vector.bitcast %mul3A_511 : vector<32xbf16> to vector<16xi32>
        %and3A_513 = arith.andi %bitcast3A_512, %broadcast_in_dim3A_181 : vector<16xi32>
        %bitcast3A_514 = vector.bitcast %and3A_513 : vector<16xi32> to vector<16xf32>
        %shift_left3A = arith.constant 16 : i32
        %shift_left3A_515 = vector.broadcast %shift_left3A : i32 to vector<16xi32>
        %shift_left3A_516 = arith.shli %bitcast3A_512, %shift_left3A_515 : vector<16xi32>
        %bitcast3A_517 = vector.bitcast %shift_left3A_516 : vector<16xi32> to vector<16xf32>
        %add3A_518 = arith.addf %scan3A_501, %bitcast3A_514 : vector<16xf32>
        %add3A_519 = arith.addf %scan3A_502, %bitcast3A_517 : vector<16xf32>
        %add3A_520 = vector.broadcast %mul3A_506 : i32 to vector<16xi32>
        %add3A_521 = arith.addi %and3A_23, %add3A_520 : vector<16xi32>
        %gather3A_522 = tpu.vector_load_idx %arg8[%add3A_178, %add3A_521] : memref<80x64xi32, #tpu.memory_space<vmem>>[vector<16xi32>, vector<16xi32>], vector<16xi32>,
        %gather3A_523 = tpu.vector_load_idx %arg10[%add3A_178, %add3A_521] : memref<80x64xi32, #tpu.memory_space<vmem>>[vector<16xi32>, vector<16xi32>], vector<16xi32>,
        %bitcast3A_524 = vector.bitcast %gather3A_522 : vector<16xi32> to vector<32xbf16>
        %bitcast3A_525 = vector.bitcast %gather3A_523 : vector<16xi32> to vector<32xbf16>
        %mul3A_526 = arith.mulf %bitcast3A_524, %bitcast3A_525 : vector<32xbf16>
        %bitcast3A_527 = vector.bitcast %mul3A_526 : vector<32xbf16> to vector<16xi32>
        %and3A_528 = arith.andi %bitcast3A_527, %broadcast_in_dim3A_181 : vector<16xi32>
        %bitcast3A_529 = vector.bitcast %and3A_528 : vector<16xi32> to vector<16xf32>
        %shift_left3A_530 = arith.constant 16 : i32
        %shift_left3A_531 = vector.broadcast %shift_left3A_530 : i32 to vector<16xi32>
        %shift_left3A_532 = arith.shli %bitcast3A_527, %shift_left3A_531 : vector<16xi32>
        %bitcast3A_533 = vector.bitcast %shift_left3A_532 : vector<16xi32> to vector<16xf32>
        %add3A_534 = arith.addf %scan3A_503, %bitcast3A_529 : vector<16xf32>
        %add3A_535 = arith.addf %scan3A_504, %bitcast3A_533 : vector<16xf32>
        %add3A_536 = vector.broadcast %mul3A_506 : i32 to vector<16xi32>
        %add3A_537 = arith.addi %and3A_29, %add3A_536 : vector<16xi32>
        %gather3A_538 = tpu.vector_load_idx %arg8[%add3A_178, %add3A_537] : memref<80x64xi32, #tpu.memory_space<vmem>>[vector<16xi32>, vector<16xi32>], vector<16xi32>,
        %gather3A_539 = tpu.vector_load_idx %arg10[%add3A_178, %add3A_537] : memref<80x64xi32, #tpu.memory_space<vmem>>[vector<16xi32>, vector<16xi32>], vector<16xi32>,
        %bitcast3A_540 = vector.bitcast %gather3A_538 : vector<16xi32> to vector<32xbf16>
        %bitcast3A_541 = vector.bitcast %gather3A_539 : vector<16xi32> to vector<32xbf16>
        %mul3A_542 = arith.mulf %bitcast3A_540, %bitcast3A_541 : vector<32xbf16>
        %bitcast3A_543 = vector.bitcast %mul3A_542 : vector<32xbf16> to vector<16xi32>
        %and3A_544 = arith.andi %bitcast3A_543, %broadcast_in_dim3A_181 : vector<16xi32>
        %bitcast3A_545 = vector.bitcast %and3A_544 : vector<16xi32> to vector<16xf32>
        %shift_left3A_546 = arith.constant 16 : i32
        %shift_left3A_547 = vector.broadcast %shift_left3A_546 : i32 to vector<16xi32>
        %shift_left3A_548 = arith.shli %bitcast3A_543, %shift_left3A_547 : vector<16xi32>
        %bitcast3A_549 = vector.bitcast %shift_left3A_548 : vector<16xi32> to vector<16xf32>
        %add3A_550 = arith.addf %add3A_518, %bitcast3A_545 : vector<16xf32>
        %add3A_551 = arith.addf %add3A_519, %bitcast3A_549 : vector<16xf32>
        %add3A_552 = vector.broadcast %mul3A_506 : i32 to vector<16xi32>
        %add3A_553 = arith.addi %and3A_35, %add3A_552 : vector<16xi32>
        %gather3A_554 = tpu.vector_load_idx %arg8[%add3A_178, %add3A_553] : memref<80x64xi32, #tpu.memory_space<vmem>>[vector<16xi32>, vector<16xi32>], vector<16xi32>,
        %gather3A_555 = tpu.vector_load_idx %arg10[%add3A_178, %add3A_553] : memref<80x64xi32, #tpu.memory_space<vmem>>[vector<16xi32>, vector<16xi32>], vector<16xi32>,
        %bitcast3A_556 = vector.bitcast %gather3A_554 : vector<16xi32> to vector<32xbf16>
        %bitcast3A_557 = vector.bitcast %gather3A_555 : vector<16xi32> to vector<32xbf16>
        %mul3A_558 = arith.mulf %bitcast3A_556, %bitcast3A_557 : vector<32xbf16>
        %bitcast3A_559 = vector.bitcast %mul3A_558 : vector<32xbf16> to vector<16xi32>
        %and3A_560 = arith.andi %bitcast3A_559, %broadcast_in_dim3A_181 : vector<16xi32>
        %bitcast3A_561 = vector.bitcast %and3A_560 : vector<16xi32> to vector<16xf32>
        %shift_left3A_562 = arith.constant 16 : i32
        %shift_left3A_563 = vector.broadcast %shift_left3A_562 : i32 to vector<16xi32>
        %shift_left3A_564 = arith.shli %bitcast3A_559, %shift_left3A_563 : vector<16xi32>
        %bitcast3A_565 = vector.bitcast %shift_left3A_564 : vector<16xi32> to vector<16xf32>
        %add3A_566 = arith.addf %add3A_534, %bitcast3A_561 : vector<16xf32>
        %add3A_567 = arith.addf %add3A_535, %bitcast3A_565 : vector<16xf32>
        %add3A_568 = vector.broadcast %mul3A_506 : i32 to vector<16xi32>
        %add3A_569 = arith.addi %and3A_41, %add3A_568 : vector<16xi32>
        %gather3A_570 = tpu.vector_load_idx %arg8[%add3A_178, %add3A_569] : memref<80x64xi32, #tpu.memory_space<vmem>>[vector<16xi32>, vector<16xi32>], vector<16xi32>,
        %gather3A_571 = tpu.vector_load_idx %arg10[%add3A_178, %add3A_569] : memref<80x64xi32, #tpu.memory_space<vmem>>[vector<16xi32>, vector<16xi32>], vector<16xi32>,
        %bitcast3A_572 = vector.bitcast %gather3A_570 : vector<16xi32> to vector<32xbf16>
        %bitcast3A_573 = vector.bitcast %gather3A_571 : vector<16xi32> to vector<32xbf16>
        %mul3A_574 = arith.mulf %bitcast3A_572, %bitcast3A_573 : vector<32xbf16>
        %bitcast3A_575 = vector.bitcast %mul3A_574 : vector<32xbf16> to vector<16xi32>
        %and3A_576 = arith.andi %bitcast3A_575, %broadcast_in_dim3A_181 : vector<16xi32>
        %bitcast3A_577 = vector.bitcast %and3A_576 : vector<16xi32> to vector<16xf32>
        %shift_left3A_578 = arith.constant 16 : i32
        %shift_left3A_579 = vector.broadcast %shift_left3A_578 : i32 to vector<16xi32>
        %shift_left3A_580 = arith.shli %bitcast3A_575, %shift_left3A_579 : vector<16xi32>
        %bitcast3A_581 = vector.bitcast %shift_left3A_580 : vector<16xi32> to vector<16xf32>
        %add3A_582 = arith.addf %add3A_550, %bitcast3A_577 : vector<16xf32>
        %add3A_583 = arith.addf %add3A_551, %bitcast3A_581 : vector<16xf32>
        %add3A_584 = vector.broadcast %mul3A_506 : i32 to vector<16xi32>
        %add3A_585 = arith.addi %and3A_47, %add3A_584 : vector<16xi32>
        %gather3A_586 = tpu.vector_load_idx %arg8[%add3A_178, %add3A_585] : memref<80x64xi32, #tpu.memory_space<vmem>>[vector<16xi32>, vector<16xi32>], vector<16xi32>,
        %gather3A_587 = tpu.vector_load_idx %arg10[%add3A_178, %add3A_585] : memref<80x64xi32, #tpu.memory_space<vmem>>[vector<16xi32>, vector<16xi32>], vector<16xi32>,
        %bitcast3A_588 = vector.bitcast %gather3A_586 : vector<16xi32> to vector<32xbf16>
        %bitcast3A_589 = vector.bitcast %gather3A_587 : vector<16xi32> to vector<32xbf16>
        %mul3A_590 = arith.mulf %bitcast3A_588, %bitcast3A_589 : vector<32xbf16>
        %bitcast3A_591 = vector.bitcast %mul3A_590 : vector<32xbf16> to vector<16xi32>
        %and3A_592 = arith.andi %bitcast3A_591, %broadcast_in_dim3A_181 : vector<16xi32>
        %bitcast3A_593 = vector.bitcast %and3A_592 : vector<16xi32> to vector<16xf32>
        %shift_left3A_594 = arith.constant 16 : i32
        %shift_left3A_595 = vector.broadcast %shift_left3A_594 : i32 to vector<16xi32>
        %shift_left3A_596 = arith.shli %bitcast3A_591, %shift_left3A_595 : vector<16xi32>
        %bitcast3A_597 = vector.bitcast %shift_left3A_596 : vector<16xi32> to vector<16xf32>
        %add3A_598 = arith.addf %add3A_566, %bitcast3A_593 : vector<16xf32>
        %add3A_599 = arith.addf %add3A_567, %bitcast3A_597 : vector<16xf32>
        %add3A_600 = vector.broadcast %mul3A_506 : i32 to vector<16xi32>
        %add3A_601 = arith.addi %and3A_53, %add3A_600 : vector<16xi32>
        %gather3A_602 = tpu.vector_load_idx %arg8[%add3A_178, %add3A_601] : memref<80x64xi32, #tpu.memory_space<vmem>>[vector<16xi32>, vector<16xi32>], vector<16xi32>,
        %gather3A_603 = tpu.vector_load_idx %arg10[%add3A_178, %add3A_601] : memref<80x64xi32, #tpu.memory_space<vmem>>[vector<16xi32>, vector<16xi32>], vector<16xi32>,
        %bitcast3A_604 = vector.bitcast %gather3A_602 : vector<16xi32> to vector<32xbf16>
        %bitcast3A_605 = vector.bitcast %gather3A_603 : vector<16xi32> to vector<32xbf16>
        %mul3A_606 = arith.mulf %bitcast3A_604, %bitcast3A_605 : vector<32xbf16>
        %bitcast3A_607 = vector.bitcast %mul3A_606 : vector<32xbf16> to vector<16xi32>
        %and3A_608 = arith.andi %bitcast3A_607, %broadcast_in_dim3A_181 : vector<16xi32>
        %bitcast3A_609 = vector.bitcast %and3A_608 : vector<16xi32> to vector<16xf32>
        %shift_left3A_610 = arith.constant 16 : i32
        %shift_left3A_611 = vector.broadcast %shift_left3A_610 : i32 to vector<16xi32>
        %shift_left3A_612 = arith.shli %bitcast3A_607, %shift_left3A_611 : vector<16xi32>
        %bitcast3A_613 = vector.bitcast %shift_left3A_612 : vector<16xi32> to vector<16xf32>
        %add3A_614 = arith.addf %add3A_582, %bitcast3A_609 : vector<16xf32>
        %add3A_615 = arith.addf %add3A_583, %bitcast3A_613 : vector<16xf32>
        %add3A_616 = vector.broadcast %mul3A_506 : i32 to vector<16xi32>
        %add3A_617 = arith.addi %and3A_59, %add3A_616 : vector<16xi32>
        %gather3A_618 = tpu.vector_load_idx %arg8[%add3A_178, %add3A_617] : memref<80x64xi32, #tpu.memory_space<vmem>>[vector<16xi32>, vector<16xi32>], vector<16xi32>,
        %gather3A_619 = tpu.vector_load_idx %arg10[%add3A_178, %add3A_617] : memref<80x64xi32, #tpu.memory_space<vmem>>[vector<16xi32>, vector<16xi32>], vector<16xi32>,
        %bitcast3A_620 = vector.bitcast %gather3A_618 : vector<16xi32> to vector<32xbf16>
        %bitcast3A_621 = vector.bitcast %gather3A_619 : vector<16xi32> to vector<32xbf16>
        %mul3A_622 = arith.mulf %bitcast3A_620, %bitcast3A_621 : vector<32xbf16>
        %bitcast3A_623 = vector.bitcast %mul3A_622 : vector<32xbf16> to vector<16xi32>
        %and3A_624 = arith.andi %bitcast3A_623, %broadcast_in_dim3A_181 : vector<16xi32>
        %bitcast3A_625 = vector.bitcast %and3A_624 : vector<16xi32> to vector<16xf32>
        %shift_left3A_626 = arith.constant 16 : i32
        %shift_left3A_627 = vector.broadcast %shift_left3A_626 : i32 to vector<16xi32>
        %shift_left3A_628 = arith.shli %bitcast3A_623, %shift_left3A_627 : vector<16xi32>
        %bitcast3A_629 = vector.bitcast %shift_left3A_628 : vector<16xi32> to vector<16xf32>
        %add3A_630 = arith.addf %add3A_598, %bitcast3A_625 : vector<16xf32>
        %add3A_631 = arith.addf %add3A_599, %bitcast3A_629 : vector<16xf32>
        %add3A_632 = vector.broadcast %mul3A_506 : i32 to vector<16xi32>
        %add3A_633 = arith.addi %and3A_65, %add3A_632 : vector<16xi32>
        %gather3A_634 = tpu.vector_load_idx %arg8[%add3A_178, %add3A_633] : memref<80x64xi32, #tpu.memory_space<vmem>>[vector<16xi32>, vector<16xi32>], vector<16xi32>,
        %gather3A_635 = tpu.vector_load_idx %arg10[%add3A_178, %add3A_633] : memref<80x64xi32, #tpu.memory_space<vmem>>[vector<16xi32>, vector<16xi32>], vector<16xi32>,
        %bitcast3A_636 = vector.bitcast %gather3A_634 : vector<16xi32> to vector<32xbf16>
        %bitcast3A_637 = vector.bitcast %gather3A_635 : vector<16xi32> to vector<32xbf16>
        %mul3A_638 = arith.mulf %bitcast3A_636, %bitcast3A_637 : vector<32xbf16>
        %bitcast3A_639 = vector.bitcast %mul3A_638 : vector<32xbf16> to vector<16xi32>
        %and3A_640 = arith.andi %bitcast3A_639, %broadcast_in_dim3A_181 : vector<16xi32>
        %bitcast3A_641 = vector.bitcast %and3A_640 : vector<16xi32> to vector<16xf32>
        %shift_left3A_642 = arith.constant 16 : i32
        %shift_left3A_643 = vector.broadcast %shift_left3A_642 : i32 to vector<16xi32>
        %shift_left3A_644 = arith.shli %bitcast3A_639, %shift_left3A_643 : vector<16xi32>
        %bitcast3A_645 = vector.bitcast %shift_left3A_644 : vector<16xi32> to vector<16xf32>
        %add3A_646 = arith.addf %add3A_614, %bitcast3A_641 : vector<16xf32>
        %add3A_647 = arith.addf %add3A_615, %bitcast3A_645 : vector<16xf32>
        %add3A_648 = vector.broadcast %mul3A_506 : i32 to vector<16xi32>
        %add3A_649 = arith.addi %and3A_71, %add3A_648 : vector<16xi32>
        %gather3A_650 = tpu.vector_load_idx %arg8[%add3A_178, %add3A_649] : memref<80x64xi32, #tpu.memory_space<vmem>>[vector<16xi32>, vector<16xi32>], vector<16xi32>,
        %gather3A_651 = tpu.vector_load_idx %arg10[%add3A_178, %add3A_649] : memref<80x64xi32, #tpu.memory_space<vmem>>[vector<16xi32>, vector<16xi32>], vector<16xi32>,
        %bitcast3A_652 = vector.bitcast %gather3A_650 : vector<16xi32> to vector<32xbf16>
        %bitcast3A_653 = vector.bitcast %gather3A_651 : vector<16xi32> to vector<32xbf16>
        %mul3A_654 = arith.mulf %bitcast3A_652, %bitcast3A_653 : vector<32xbf16>
        %bitcast3A_655 = vector.bitcast %mul3A_654 : vector<32xbf16> to vector<16xi32>
        %and3A_656 = arith.andi %bitcast3A_655, %broadcast_in_dim3A_181 : vector<16xi32>
        %bitcast3A_657 = vector.bitcast %and3A_656 : vector<16xi32> to vector<16xf32>
        %shift_left3A_658 = arith.constant 16 : i32
        %shift_left3A_659 = vector.broadcast %shift_left3A_658 : i32 to vector<16xi32>
        %shift_left3A_660 = arith.shli %bitcast3A_655, %shift_left3A_659 : vector<16xi32>
        %bitcast3A_661 = vector.bitcast %shift_left3A_660 : vector<16xi32> to vector<16xf32>
        %add3A_662 = arith.addf %add3A_630, %bitcast3A_657 : vector<16xf32>
        %add3A_663 = arith.addf %add3A_631, %bitcast3A_661 : vector<16xf32>
        %add3A_664 = vector.broadcast %mul3A_506 : i32 to vector<16xi32>
        %add3A_665 = arith.addi %and3A_77, %add3A_664 : vector<16xi32>
        %gather3A_666 = tpu.vector_load_idx %arg8[%add3A_178, %add3A_665] : memref<80x64xi32, #tpu.memory_space<vmem>>[vector<16xi32>, vector<16xi32>], vector<16xi32>,
        %gather3A_667 = tpu.vector_load_idx %arg10[%add3A_178, %add3A_665] : memref<80x64xi32, #tpu.memory_space<vmem>>[vector<16xi32>, vector<16xi32>], vector<16xi32>,
        %bitcast3A_668 = vector.bitcast %gather3A_666 : vector<16xi32> to vector<32xbf16>
        %bitcast3A_669 = vector.bitcast %gather3A_667 : vector<16xi32> to vector<32xbf16>
        %mul3A_670 = arith.mulf %bitcast3A_668, %bitcast3A_669 : vector<32xbf16>
        %bitcast3A_671 = vector.bitcast %mul3A_670 : vector<32xbf16> to vector<16xi32>
        %and3A_672 = arith.andi %bitcast3A_671, %broadcast_in_dim3A_181 : vector<16xi32>
        %bitcast3A_673 = vector.bitcast %and3A_672 : vector<16xi32> to vector<16xf32>
        %shift_left3A_674 = arith.constant 16 : i32
        %shift_left3A_675 = vector.broadcast %shift_left3A_674 : i32 to vector<16xi32>
        %shift_left3A_676 = arith.shli %bitcast3A_671, %shift_left3A_675 : vector<16xi32>
        %bitcast3A_677 = vector.bitcast %shift_left3A_676 : vector<16xi32> to vector<16xf32>
        %add3A_678 = arith.addf %add3A_646, %bitcast3A_673 : vector<16xf32>
        %add3A_679 = arith.addf %add3A_647, %bitcast3A_677 : vector<16xf32>
        %add3A_680 = vector.broadcast %mul3A_506 : i32 to vector<16xi32>
        %add3A_681 = arith.addi %and3A_83, %add3A_680 : vector<16xi32>
        %gather3A_682 = tpu.vector_load_idx %arg8[%add3A_178, %add3A_681] : memref<80x64xi32, #tpu.memory_space<vmem>>[vector<16xi32>, vector<16xi32>], vector<16xi32>,
        %gather3A_683 = tpu.vector_load_idx %arg10[%add3A_178, %add3A_681] : memref<80x64xi32, #tpu.memory_space<vmem>>[vector<16xi32>, vector<16xi32>], vector<16xi32>,
        %bitcast3A_684 = vector.bitcast %gather3A_682 : vector<16xi32> to vector<32xbf16>
        %bitcast3A_685 = vector.bitcast %gather3A_683 : vector<16xi32> to vector<32xbf16>
        %mul3A_686 = arith.mulf %bitcast3A_684, %bitcast3A_685 : vector<32xbf16>
        %bitcast3A_687 = vector.bitcast %mul3A_686 : vector<32xbf16> to vector<16xi32>
        %and3A_688 = arith.andi %bitcast3A_687, %broadcast_in_dim3A_181 : vector<16xi32>
        %bitcast3A_689 = vector.bitcast %and3A_688 : vector<16xi32> to vector<16xf32>
        %shift_left3A_690 = arith.constant 16 : i32
        %shift_left3A_691 = vector.broadcast %shift_left3A_690 : i32 to vector<16xi32>
        %shift_left3A_692 = arith.shli %bitcast3A_687, %shift_left3A_691 : vector<16xi32>
        %bitcast3A_693 = vector.bitcast %shift_left3A_692 : vector<16xi32> to vector<16xf32>
        %add3A_694 = arith.addf %add3A_662, %bitcast3A_689 : vector<16xf32>
        %add3A_695 = arith.addf %add3A_663, %bitcast3A_693 : vector<16xf32>
        %add3A_696 = vector.broadcast %mul3A_506 : i32 to vector<16xi32>
        %add3A_697 = arith.addi %and3A_89, %add3A_696 : vector<16xi32>
        %gather3A_698 = tpu.vector_load_idx %arg8[%add3A_178, %add3A_697] : memref<80x64xi32, #tpu.memory_space<vmem>>[vector<16xi32>, vector<16xi32>], vector<16xi32>,
        %gather3A_699 = tpu.vector_load_idx %arg10[%add3A_178, %add3A_697] : memref<80x64xi32, #tpu.memory_space<vmem>>[vector<16xi32>, vector<16xi32>], vector<16xi32>,
        %bitcast3A_700 = vector.bitcast %gather3A_698 : vector<16xi32> to vector<32xbf16>
        %bitcast3A_701 = vector.bitcast %gather3A_699 : vector<16xi32> to vector<32xbf16>
        %mul3A_702 = arith.mulf %bitcast3A_700, %bitcast3A_701 : vector<32xbf16>
        %bitcast3A_703 = vector.bitcast %mul3A_702 : vector<32xbf16> to vector<16xi32>
        %and3A_704 = arith.andi %bitcast3A_703, %broadcast_in_dim3A_181 : vector<16xi32>
        %bitcast3A_705 = vector.bitcast %and3A_704 : vector<16xi32> to vector<16xf32>
        %shift_left3A_706 = arith.constant 16 : i32
        %shift_left3A_707 = vector.broadcast %shift_left3A_706 : i32 to vector<16xi32>
        %shift_left3A_708 = arith.shli %bitcast3A_703, %shift_left3A_707 : vector<16xi32>
        %bitcast3A_709 = vector.bitcast %shift_left3A_708 : vector<16xi32> to vector<16xf32>
        %add3A_710 = arith.addf %add3A_678, %bitcast3A_705 : vector<16xf32>
        %add3A_711 = arith.addf %add3A_679, %bitcast3A_709 : vector<16xf32>
        %add3A_712 = vector.broadcast %mul3A_506 : i32 to vector<16xi32>
        %add3A_713 = arith.addi %and3A_95, %add3A_712 : vector<16xi32>
        %gather3A_714 = tpu.vector_load_idx %arg8[%add3A_178, %add3A_713] : memref<80x64xi32, #tpu.memory_space<vmem>>[vector<16xi32>, vector<16xi32>], vector<16xi32>,
        %gather3A_715 = tpu.vector_load_idx %arg10[%add3A_178, %add3A_713] : memref<80x64xi32, #tpu.memory_space<vmem>>[vector<16xi32>, vector<16xi32>], vector<16xi32>,
        %bitcast3A_716 = vector.bitcast %gather3A_714 : vector<16xi32> to vector<32xbf16>
        %bitcast3A_717 = vector.bitcast %gather3A_715 : vector<16xi32> to vector<32xbf16>
        %mul3A_718 = arith.mulf %bitcast3A_716, %bitcast3A_717 : vector<32xbf16>
        %bitcast3A_719 = vector.bitcast %mul3A_718 : vector<32xbf16> to vector<16xi32>
        %and3A_720 = arith.andi %bitcast3A_719, %broadcast_in_dim3A_181 : vector<16xi32>
        %bitcast3A_721 = vector.bitcast %and3A_720 : vector<16xi32> to vector<16xf32>
        %shift_left3A_722 = arith.constant 16 : i32
        %shift_left3A_723 = vector.broadcast %shift_left3A_722 : i32 to vector<16xi32>
        %shift_left3A_724 = arith.shli %bitcast3A_719, %shift_left3A_723 : vector<16xi32>
        %bitcast3A_725 = vector.bitcast %shift_left3A_724 : vector<16xi32> to vector<16xf32>
        %add3A_726 = arith.addf %add3A_694, %bitcast3A_721 : vector<16xf32>
        %add3A_727 = arith.addf %add3A_695, %bitcast3A_725 : vector<16xf32>
        %add3A_728 = vector.broadcast %mul3A_506 : i32 to vector<16xi32>
        %add3A_729 = arith.addi %and3A_101, %add3A_728 : vector<16xi32>
        %gather3A_730 = tpu.vector_load_idx %arg8[%add3A_178, %add3A_729] : memref<80x64xi32, #tpu.memory_space<vmem>>[vector<16xi32>, vector<16xi32>], vector<16xi32>,
        %gather3A_731 = tpu.vector_load_idx %arg10[%add3A_178, %add3A_729] : memref<80x64xi32, #tpu.memory_space<vmem>>[vector<16xi32>, vector<16xi32>], vector<16xi32>,
        %bitcast3A_732 = vector.bitcast %gather3A_730 : vector<16xi32> to vector<32xbf16>
        %bitcast3A_733 = vector.bitcast %gather3A_731 : vector<16xi32> to vector<32xbf16>
        %mul3A_734 = arith.mulf %bitcast3A_732, %bitcast3A_733 : vector<32xbf16>
        %bitcast3A_735 = vector.bitcast %mul3A_734 : vector<32xbf16> to vector<16xi32>
        %and3A_736 = arith.andi %bitcast3A_735, %broadcast_in_dim3A_181 : vector<16xi32>
        %bitcast3A_737 = vector.bitcast %and3A_736 : vector<16xi32> to vector<16xf32>
        %shift_left3A_738 = arith.constant 16 : i32
        %shift_left3A_739 = vector.broadcast %shift_left3A_738 : i32 to vector<16xi32>
        %shift_left3A_740 = arith.shli %bitcast3A_735, %shift_left3A_739 : vector<16xi32>
        %bitcast3A_741 = vector.bitcast %shift_left3A_740 : vector<16xi32> to vector<16xf32>
        %add3A_742 = arith.addf %add3A_710, %bitcast3A_737 : vector<16xf32>
        %add3A_743 = arith.addf %add3A_711, %bitcast3A_741 : vector<16xf32>
        %add3A_744 = vector.broadcast %mul3A_506 : i32 to vector<16xi32>
        %add3A_745 = arith.addi %and3A_107, %add3A_744 : vector<16xi32>
        %gather3A_746 = tpu.vector_load_idx %arg8[%add3A_178, %add3A_745] : memref<80x64xi32, #tpu.memory_space<vmem>>[vector<16xi32>, vector<16xi32>], vector<16xi32>,
        %gather3A_747 = tpu.vector_load_idx %arg10[%add3A_178, %add3A_745] : memref<80x64xi32, #tpu.memory_space<vmem>>[vector<16xi32>, vector<16xi32>], vector<16xi32>,
        %bitcast3A_748 = vector.bitcast %gather3A_746 : vector<16xi32> to vector<32xbf16>
        %bitcast3A_749 = vector.bitcast %gather3A_747 : vector<16xi32> to vector<32xbf16>
        %mul3A_750 = arith.mulf %bitcast3A_748, %bitcast3A_749 : vector<32xbf16>
        %bitcast3A_751 = vector.bitcast %mul3A_750 : vector<32xbf16> to vector<16xi32>
        %and3A_752 = arith.andi %bitcast3A_751, %broadcast_in_dim3A_181 : vector<16xi32>
        %bitcast3A_753 = vector.bitcast %and3A_752 : vector<16xi32> to vector<16xf32>
        %shift_left3A_754 = arith.constant 16 : i32
        %shift_left3A_755 = vector.broadcast %shift_left3A_754 : i32 to vector<16xi32>
        %shift_left3A_756 = arith.shli %bitcast3A_751, %shift_left3A_755 : vector<16xi32>
        %bitcast3A_757 = vector.bitcast %shift_left3A_756 : vector<16xi32> to vector<16xf32>
        %add3A_758 = arith.addf %add3A_726, %bitcast3A_753 : vector<16xf32>
        %add3A_759 = arith.addf %add3A_727, %bitcast3A_757 : vector<16xf32>
        scf.yield %add3A_742, %add3A_743, %add3A_758, %add3A_759 : vector<16xf32>, vector<16xf32>, vector<16xf32>, vector<16xf32>
      }
      %scan3A_187 = arith.constant 4 : i32
      %add3A_188 = arith.addf %scan3A_186#0, %scan3A_186#1 : vector<16xf32>
      %add3A_189 = arith.addf %scan3A_186#2, %scan3A_186#3 : vector<16xf32>
      %add3A_190 = arith.addf %add3A_188, %add3A_189 : vector<16xf32>
      %neg3A = arith.constant 0.000000e+00 : f32
      %neg3A_191 = vector.broadcast %neg3A : f32 to vector<16xf32>
      %neg3A_192 = arith.subf %neg3A_191, %add3A_190 : vector<16xf32>
      %exp3A = math.exp %neg3A_192 : vector<16xf32>
      %add3A_193 = arith.constant 1.000000e+00 : f32
      %add3A_194 = vector.broadcast %add3A_193 : f32 to vector<16xf32>
      %add3A_195 = arith.addf %add3A_194, %exp3A : vector<16xf32>
      %div3A = arith.constant 1.000000e+00 : f32
      %div3A_196 = vector.broadcast %div3A : f32 to vector<16xf32>
      %div3A_197 = arith.divf %div3A_196, %add3A_195 : vector<16xf32>
      %swap3A = arith.constant 0 : index
      %swap3A_198 = tpu.vector_load %arg12[%swap3A] {strides = array<i32>} : memref<80xf32, #tpu.memory_space<vmem>>, vector<16xf32>,
      tpu.vector_store %arg12[%swap3A], %div3A_197 {strides = array<i32>} : memref<80xf32, #tpu.memory_space<vmem>>, vector<16xf32>,
      %add3A_199 = arith.constant 16 : i32
      %add3A_200 = vector.broadcast %add3A_199 : i32 to vector<16xi32>
      %add3A_201 = arith.addi %add3A_200, %iota3A : vector<16xi32>
      %broadcast_in_dim3A_202 = arith.constant 0.000000e+00 : f32
      %broadcast_in_dim3A_203 = vector.broadcast %broadcast_in_dim3A_202 : f32 to vector<16xf32>
      %broadcast_in_dim3A_204 = arith.constant -65536 : i32
      %broadcast_in_dim3A_205 = vector.broadcast %broadcast_in_dim3A_204 : i32 to vector<16xi32>
      %scan3A_206 = arith.constant 0 : i32
      %scan3A_207 = arith.constant 4 : i32
      %scan3A_208 = arith.addi %scan3A_206, %scan3A_207 : i32
      %scan3A_209 = arith.constant 1 : i32
      %scan3A_210:4 = scf.for %scan3A_500 = %scan3A_206 to %scan3A_208 step %scan3A_209 iter_args(%scan3A_501 = %broadcast_in_dim3A_203, %scan3A_502 = %broadcast_in_dim3A_203, %scan3A_503 = %broadcast_in_dim3A_203, %scan3A_504 = %broadcast_in_dim3A_203) -> (vector<16xf32>, vector<16xf32>, vector<16xf32>, vector<16xf32>)  : i32 {
        %mul3A_505 = arith.constant 16 : i32
        %mul3A_506 = arith.muli %scan3A_500, %mul3A_505 : i32
        %add3A_507 = vector.broadcast %mul3A_506 : i32 to vector<16xi32>
        %add3A_508 = arith.addi %and3A_17, %add3A_507 : vector<16xi32>
        %gather3A = tpu.vector_load_idx %arg8[%add3A_201, %add3A_508] : memref<80x64xi32, #tpu.memory_space<vmem>>[vector<16xi32>, vector<16xi32>], vector<16xi32>,
        %gather3A_509 = tpu.vector_load_idx %arg10[%add3A_201, %add3A_508] : memref<80x64xi32, #tpu.memory_space<vmem>>[vector<16xi32>, vector<16xi32>], vector<16xi32>,
        %bitcast3A = vector.bitcast %gather3A : vector<16xi32> to vector<32xbf16>
        %bitcast3A_510 = vector.bitcast %gather3A_509 : vector<16xi32> to vector<32xbf16>
        %mul3A_511 = arith.mulf %bitcast3A, %bitcast3A_510 : vector<32xbf16>
        %bitcast3A_512 = vector.bitcast %mul3A_511 : vector<32xbf16> to vector<16xi32>
        %and3A_513 = arith.andi %bitcast3A_512, %broadcast_in_dim3A_205 : vector<16xi32>
        %bitcast3A_514 = vector.bitcast %and3A_513 : vector<16xi32> to vector<16xf32>
        %shift_left3A = arith.constant 16 : i32
        %shift_left3A_515 = vector.broadcast %shift_left3A : i32 to vector<16xi32>
        %shift_left3A_516 = arith.shli %bitcast3A_512, %shift_left3A_515 : vector<16xi32>
        %bitcast3A_517 = vector.bitcast %shift_left3A_516 : vector<16xi32> to vector<16xf32>
        %add3A_518 = arith.addf %scan3A_501, %bitcast3A_514 : vector<16xf32>
        %add3A_519 = arith.addf %scan3A_502, %bitcast3A_517 : vector<16xf32>
        %add3A_520 = vector.broadcast %mul3A_506 : i32 to vector<16xi32>
        %add3A_521 = arith.addi %and3A_23, %add3A_520 : vector<16xi32>
        %gather3A_522 = tpu.vector_load_idx %arg8[%add3A_201, %add3A_521] : memref<80x64xi32, #tpu.memory_space<vmem>>[vector<16xi32>, vector<16xi32>], vector<16xi32>,
        %gather3A_523 = tpu.vector_load_idx %arg10[%add3A_201, %add3A_521] : memref<80x64xi32, #tpu.memory_space<vmem>>[vector<16xi32>, vector<16xi32>], vector<16xi32>,
        %bitcast3A_524 = vector.bitcast %gather3A_522 : vector<16xi32> to vector<32xbf16>
        %bitcast3A_525 = vector.bitcast %gather3A_523 : vector<16xi32> to vector<32xbf16>
        %mul3A_526 = arith.mulf %bitcast3A_524, %bitcast3A_525 : vector<32xbf16>
        %bitcast3A_527 = vector.bitcast %mul3A_526 : vector<32xbf16> to vector<16xi32>
        %and3A_528 = arith.andi %bitcast3A_527, %broadcast_in_dim3A_205 : vector<16xi32>
        %bitcast3A_529 = vector.bitcast %and3A_528 : vector<16xi32> to vector<16xf32>
        %shift_left3A_530 = arith.constant 16 : i32
        %shift_left3A_531 = vector.broadcast %shift_left3A_530 : i32 to vector<16xi32>
        %shift_left3A_532 = arith.shli %bitcast3A_527, %shift_left3A_531 : vector<16xi32>
        %bitcast3A_533 = vector.bitcast %shift_left3A_532 : vector<16xi32> to vector<16xf32>
        %add3A_534 = arith.addf %scan3A_503, %bitcast3A_529 : vector<16xf32>
        %add3A_535 = arith.addf %scan3A_504, %bitcast3A_533 : vector<16xf32>
        %add3A_536 = vector.broadcast %mul3A_506 : i32 to vector<16xi32>
        %add3A_537 = arith.addi %and3A_29, %add3A_536 : vector<16xi32>
        %gather3A_538 = tpu.vector_load_idx %arg8[%add3A_201, %add3A_537] : memref<80x64xi32, #tpu.memory_space<vmem>>[vector<16xi32>, vector<16xi32>], vector<16xi32>,
        %gather3A_539 = tpu.vector_load_idx %arg10[%add3A_201, %add3A_537] : memref<80x64xi32, #tpu.memory_space<vmem>>[vector<16xi32>, vector<16xi32>], vector<16xi32>,
        %bitcast3A_540 = vector.bitcast %gather3A_538 : vector<16xi32> to vector<32xbf16>
        %bitcast3A_541 = vector.bitcast %gather3A_539 : vector<16xi32> to vector<32xbf16>
        %mul3A_542 = arith.mulf %bitcast3A_540, %bitcast3A_541 : vector<32xbf16>
        %bitcast3A_543 = vector.bitcast %mul3A_542 : vector<32xbf16> to vector<16xi32>
        %and3A_544 = arith.andi %bitcast3A_543, %broadcast_in_dim3A_205 : vector<16xi32>
        %bitcast3A_545 = vector.bitcast %and3A_544 : vector<16xi32> to vector<16xf32>
        %shift_left3A_546 = arith.constant 16 : i32
        %shift_left3A_547 = vector.broadcast %shift_left3A_546 : i32 to vector<16xi32>
        %shift_left3A_548 = arith.shli %bitcast3A_543, %shift_left3A_547 : vector<16xi32>
        %bitcast3A_549 = vector.bitcast %shift_left3A_548 : vector<16xi32> to vector<16xf32>
        %add3A_550 = arith.addf %add3A_518, %bitcast3A_545 : vector<16xf32>
        %add3A_551 = arith.addf %add3A_519, %bitcast3A_549 : vector<16xf32>
        %add3A_552 = vector.broadcast %mul3A_506 : i32 to vector<16xi32>
        %add3A_553 = arith.addi %and3A_35, %add3A_552 : vector<16xi32>
        %gather3A_554 = tpu.vector_load_idx %arg8[%add3A_201, %add3A_553] : memref<80x64xi32, #tpu.memory_space<vmem>>[vector<16xi32>, vector<16xi32>], vector<16xi32>,
        %gather3A_555 = tpu.vector_load_idx %arg10[%add3A_201, %add3A_553] : memref<80x64xi32, #tpu.memory_space<vmem>>[vector<16xi32>, vector<16xi32>], vector<16xi32>,
        %bitcast3A_556 = vector.bitcast %gather3A_554 : vector<16xi32> to vector<32xbf16>
        %bitcast3A_557 = vector.bitcast %gather3A_555 : vector<16xi32> to vector<32xbf16>
        %mul3A_558 = arith.mulf %bitcast3A_556, %bitcast3A_557 : vector<32xbf16>
        %bitcast3A_559 = vector.bitcast %mul3A_558 : vector<32xbf16> to vector<16xi32>
        %and3A_560 = arith.andi %bitcast3A_559, %broadcast_in_dim3A_205 : vector<16xi32>
        %bitcast3A_561 = vector.bitcast %and3A_560 : vector<16xi32> to vector<16xf32>
        %shift_left3A_562 = arith.constant 16 : i32
        %shift_left3A_563 = vector.broadcast %shift_left3A_562 : i32 to vector<16xi32>
        %shift_left3A_564 = arith.shli %bitcast3A_559, %shift_left3A_563 : vector<16xi32>
        %bitcast3A_565 = vector.bitcast %shift_left3A_564 : vector<16xi32> to vector<16xf32>
        %add3A_566 = arith.addf %add3A_534, %bitcast3A_561 : vector<16xf32>
        %add3A_567 = arith.addf %add3A_535, %bitcast3A_565 : vector<16xf32>
        %add3A_568 = vector.broadcast %mul3A_506 : i32 to vector<16xi32>
        %add3A_569 = arith.addi %and3A_41, %add3A_568 : vector<16xi32>
        %gather3A_570 = tpu.vector_load_idx %arg8[%add3A_201, %add3A_569] : memref<80x64xi32, #tpu.memory_space<vmem>>[vector<16xi32>, vector<16xi32>], vector<16xi32>,
        %gather3A_571 = tpu.vector_load_idx %arg10[%add3A_201, %add3A_569] : memref<80x64xi32, #tpu.memory_space<vmem>>[vector<16xi32>, vector<16xi32>], vector<16xi32>,
        %bitcast3A_572 = vector.bitcast %gather3A_570 : vector<16xi32> to vector<32xbf16>
        %bitcast3A_573 = vector.bitcast %gather3A_571 : vector<16xi32> to vector<32xbf16>
        %mul3A_574 = arith.mulf %bitcast3A_572, %bitcast3A_573 : vector<32xbf16>
        %bitcast3A_575 = vector.bitcast %mul3A_574 : vector<32xbf16> to vector<16xi32>
        %and3A_576 = arith.andi %bitcast3A_575, %broadcast_in_dim3A_205 : vector<16xi32>
        %bitcast3A_577 = vector.bitcast %and3A_576 : vector<16xi32> to vector<16xf32>
        %shift_left3A_578 = arith.constant 16 : i32
        %shift_left3A_579 = vector.broadcast %shift_left3A_578 : i32 to vector<16xi32>
        %shift_left3A_580 = arith.shli %bitcast3A_575, %shift_left3A_579 : vector<16xi32>
        %bitcast3A_581 = vector.bitcast %shift_left3A_580 : vector<16xi32> to vector<16xf32>
        %add3A_582 = arith.addf %add3A_550, %bitcast3A_577 : vector<16xf32>
        %add3A_583 = arith.addf %add3A_551, %bitcast3A_581 : vector<16xf32>
        %add3A_584 = vector.broadcast %mul3A_506 : i32 to vector<16xi32>
        %add3A_585 = arith.addi %and3A_47, %add3A_584 : vector<16xi32>
        %gather3A_586 = tpu.vector_load_idx %arg8[%add3A_201, %add3A_585] : memref<80x64xi32, #tpu.memory_space<vmem>>[vector<16xi32>, vector<16xi32>], vector<16xi32>,
        %gather3A_587 = tpu.vector_load_idx %arg10[%add3A_201, %add3A_585] : memref<80x64xi32, #tpu.memory_space<vmem>>[vector<16xi32>, vector<16xi32>], vector<16xi32>,
        %bitcast3A_588 = vector.bitcast %gather3A_586 : vector<16xi32> to vector<32xbf16>
        %bitcast3A_589 = vector.bitcast %gather3A_587 : vector<16xi32> to vector<32xbf16>
        %mul3A_590 = arith.mulf %bitcast3A_588, %bitcast3A_589 : vector<32xbf16>
        %bitcast3A_591 = vector.bitcast %mul3A_590 : vector<32xbf16> to vector<16xi32>
        %and3A_592 = arith.andi %bitcast3A_591, %broadcast_in_dim3A_205 : vector<16xi32>
        %bitcast3A_593 = vector.bitcast %and3A_592 : vector<16xi32> to vector<16xf32>
        %shift_left3A_594 = arith.constant 16 : i32
        %shift_left3A_595 = vector.broadcast %shift_left3A_594 : i32 to vector<16xi32>
        %shift_left3A_596 = arith.shli %bitcast3A_591, %shift_left3A_595 : vector<16xi32>
        %bitcast3A_597 = vector.bitcast %shift_left3A_596 : vector<16xi32> to vector<16xf32>
        %add3A_598 = arith.addf %add3A_566, %bitcast3A_593 : vector<16xf32>
        %add3A_599 = arith.addf %add3A_567, %bitcast3A_597 : vector<16xf32>
        %add3A_600 = vector.broadcast %mul3A_506 : i32 to vector<16xi32>
        %add3A_601 = arith.addi %and3A_53, %add3A_600 : vector<16xi32>
        %gather3A_602 = tpu.vector_load_idx %arg8[%add3A_201, %add3A_601] : memref<80x64xi32, #tpu.memory_space<vmem>>[vector<16xi32>, vector<16xi32>], vector<16xi32>,
        %gather3A_603 = tpu.vector_load_idx %arg10[%add3A_201, %add3A_601] : memref<80x64xi32, #tpu.memory_space<vmem>>[vector<16xi32>, vector<16xi32>], vector<16xi32>,
        %bitcast3A_604 = vector.bitcast %gather3A_602 : vector<16xi32> to vector<32xbf16>
        %bitcast3A_605 = vector.bitcast %gather3A_603 : vector<16xi32> to vector<32xbf16>
        %mul3A_606 = arith.mulf %bitcast3A_604, %bitcast3A_605 : vector<32xbf16>
        %bitcast3A_607 = vector.bitcast %mul3A_606 : vector<32xbf16> to vector<16xi32>
        %and3A_608 = arith.andi %bitcast3A_607, %broadcast_in_dim3A_205 : vector<16xi32>
        %bitcast3A_609 = vector.bitcast %and3A_608 : vector<16xi32> to vector<16xf32>
        %shift_left3A_610 = arith.constant 16 : i32
        %shift_left3A_611 = vector.broadcast %shift_left3A_610 : i32 to vector<16xi32>
        %shift_left3A_612 = arith.shli %bitcast3A_607, %shift_left3A_611 : vector<16xi32>
        %bitcast3A_613 = vector.bitcast %shift_left3A_612 : vector<16xi32> to vector<16xf32>
        %add3A_614 = arith.addf %add3A_582, %bitcast3A_609 : vector<16xf32>
        %add3A_615 = arith.addf %add3A_583, %bitcast3A_613 : vector<16xf32>
        %add3A_616 = vector.broadcast %mul3A_506 : i32 to vector<16xi32>
        %add3A_617 = arith.addi %and3A_59, %add3A_616 : vector<16xi32>
        %gather3A_618 = tpu.vector_load_idx %arg8[%add3A_201, %add3A_617] : memref<80x64xi32, #tpu.memory_space<vmem>>[vector<16xi32>, vector<16xi32>], vector<16xi32>,
        %gather3A_619 = tpu.vector_load_idx %arg10[%add3A_201, %add3A_617] : memref<80x64xi32, #tpu.memory_space<vmem>>[vector<16xi32>, vector<16xi32>], vector<16xi32>,
        %bitcast3A_620 = vector.bitcast %gather3A_618 : vector<16xi32> to vector<32xbf16>
        %bitcast3A_621 = vector.bitcast %gather3A_619 : vector<16xi32> to vector<32xbf16>
        %mul3A_622 = arith.mulf %bitcast3A_620, %bitcast3A_621 : vector<32xbf16>
        %bitcast3A_623 = vector.bitcast %mul3A_622 : vector<32xbf16> to vector<16xi32>
        %and3A_624 = arith.andi %bitcast3A_623, %broadcast_in_dim3A_205 : vector<16xi32>
        %bitcast3A_625 = vector.bitcast %and3A_624 : vector<16xi32> to vector<16xf32>
        %shift_left3A_626 = arith.constant 16 : i32
        %shift_left3A_627 = vector.broadcast %shift_left3A_626 : i32 to vector<16xi32>
        %shift_left3A_628 = arith.shli %bitcast3A_623, %shift_left3A_627 : vector<16xi32>
        %bitcast3A_629 = vector.bitcast %shift_left3A_628 : vector<16xi32> to vector<16xf32>
        %add3A_630 = arith.addf %add3A_598, %bitcast3A_625 : vector<16xf32>
        %add3A_631 = arith.addf %add3A_599, %bitcast3A_629 : vector<16xf32>
        %add3A_632 = vector.broadcast %mul3A_506 : i32 to vector<16xi32>
        %add3A_633 = arith.addi %and3A_65, %add3A_632 : vector<16xi32>
        %gather3A_634 = tpu.vector_load_idx %arg8[%add3A_201, %add3A_633] : memref<80x64xi32, #tpu.memory_space<vmem>>[vector<16xi32>, vector<16xi32>], vector<16xi32>,
        %gather3A_635 = tpu.vector_load_idx %arg10[%add3A_201, %add3A_633] : memref<80x64xi32, #tpu.memory_space<vmem>>[vector<16xi32>, vector<16xi32>], vector<16xi32>,
        %bitcast3A_636 = vector.bitcast %gather3A_634 : vector<16xi32> to vector<32xbf16>
        %bitcast3A_637 = vector.bitcast %gather3A_635 : vector<16xi32> to vector<32xbf16>
        %mul3A_638 = arith.mulf %bitcast3A_636, %bitcast3A_637 : vector<32xbf16>
        %bitcast3A_639 = vector.bitcast %mul3A_638 : vector<32xbf16> to vector<16xi32>
        %and3A_640 = arith.andi %bitcast3A_639, %broadcast_in_dim3A_205 : vector<16xi32>
        %bitcast3A_641 = vector.bitcast %and3A_640 : vector<16xi32> to vector<16xf32>
        %shift_left3A_642 = arith.constant 16 : i32
        %shift_left3A_643 = vector.broadcast %shift_left3A_642 : i32 to vector<16xi32>
        %shift_left3A_644 = arith.shli %bitcast3A_639, %shift_left3A_643 : vector<16xi32>
        %bitcast3A_645 = vector.bitcast %shift_left3A_644 : vector<16xi32> to vector<16xf32>
        %add3A_646 = arith.addf %add3A_614, %bitcast3A_641 : vector<16xf32>
        %add3A_647 = arith.addf %add3A_615, %bitcast3A_645 : vector<16xf32>
        %add3A_648 = vector.broadcast %mul3A_506 : i32 to vector<16xi32>
        %add3A_649 = arith.addi %and3A_71, %add3A_648 : vector<16xi32>
        %gather3A_650 = tpu.vector_load_idx %arg8[%add3A_201, %add3A_649] : memref<80x64xi32, #tpu.memory_space<vmem>>[vector<16xi32>, vector<16xi32>], vector<16xi32>,
        %gather3A_651 = tpu.vector_load_idx %arg10[%add3A_201, %add3A_649] : memref<80x64xi32, #tpu.memory_space<vmem>>[vector<16xi32>, vector<16xi32>], vector<16xi32>,
        %bitcast3A_652 = vector.bitcast %gather3A_650 : vector<16xi32> to vector<32xbf16>
        %bitcast3A_653 = vector.bitcast %gather3A_651 : vector<16xi32> to vector<32xbf16>
        %mul3A_654 = arith.mulf %bitcast3A_652, %bitcast3A_653 : vector<32xbf16>
        %bitcast3A_655 = vector.bitcast %mul3A_654 : vector<32xbf16> to vector<16xi32>
        %and3A_656 = arith.andi %bitcast3A_655, %broadcast_in_dim3A_205 : vector<16xi32>
        %bitcast3A_657 = vector.bitcast %and3A_656 : vector<16xi32> to vector<16xf32>
        %shift_left3A_658 = arith.constant 16 : i32
        %shift_left3A_659 = vector.broadcast %shift_left3A_658 : i32 to vector<16xi32>
        %shift_left3A_660 = arith.shli %bitcast3A_655, %shift_left3A_659 : vector<16xi32>
        %bitcast3A_661 = vector.bitcast %shift_left3A_660 : vector<16xi32> to vector<16xf32>
        %add3A_662 = arith.addf %add3A_630, %bitcast3A_657 : vector<16xf32>
        %add3A_663 = arith.addf %add3A_631, %bitcast3A_661 : vector<16xf32>
        %add3A_664 = vector.broadcast %mul3A_506 : i32 to vector<16xi32>
        %add3A_665 = arith.addi %and3A_77, %add3A_664 : vector<16xi32>
        %gather3A_666 = tpu.vector_load_idx %arg8[%add3A_201, %add3A_665] : memref<80x64xi32, #tpu.memory_space<vmem>>[vector<16xi32>, vector<16xi32>], vector<16xi32>,
        %gather3A_667 = tpu.vector_load_idx %arg10[%add3A_201, %add3A_665] : memref<80x64xi32, #tpu.memory_space<vmem>>[vector<16xi32>, vector<16xi32>], vector<16xi32>,
        %bitcast3A_668 = vector.bitcast %gather3A_666 : vector<16xi32> to vector<32xbf16>
        %bitcast3A_669 = vector.bitcast %gather3A_667 : vector<16xi32> to vector<32xbf16>
        %mul3A_670 = arith.mulf %bitcast3A_668, %bitcast3A_669 : vector<32xbf16>
        %bitcast3A_671 = vector.bitcast %mul3A_670 : vector<32xbf16> to vector<16xi32>
        %and3A_672 = arith.andi %bitcast3A_671, %broadcast_in_dim3A_205 : vector<16xi32>
        %bitcast3A_673 = vector.bitcast %and3A_672 : vector<16xi32> to vector<16xf32>
        %shift_left3A_674 = arith.constant 16 : i32
        %shift_left3A_675 = vector.broadcast %shift_left3A_674 : i32 to vector<16xi32>
        %shift_left3A_676 = arith.shli %bitcast3A_671, %shift_left3A_675 : vector<16xi32>
        %bitcast3A_677 = vector.bitcast %shift_left3A_676 : vector<16xi32> to vector<16xf32>
        %add3A_678 = arith.addf %add3A_646, %bitcast3A_673 : vector<16xf32>
        %add3A_679 = arith.addf %add3A_647, %bitcast3A_677 : vector<16xf32>
        %add3A_680 = vector.broadcast %mul3A_506 : i32 to vector<16xi32>
        %add3A_681 = arith.addi %and3A_83, %add3A_680 : vector<16xi32>
        %gather3A_682 = tpu.vector_load_idx %arg8[%add3A_201, %add3A_681] : memref<80x64xi32, #tpu.memory_space<vmem>>[vector<16xi32>, vector<16xi32>], vector<16xi32>,
        %gather3A_683 = tpu.vector_load_idx %arg10[%add3A_201, %add3A_681] : memref<80x64xi32, #tpu.memory_space<vmem>>[vector<16xi32>, vector<16xi32>], vector<16xi32>,
        %bitcast3A_684 = vector.bitcast %gather3A_682 : vector<16xi32> to vector<32xbf16>
        %bitcast3A_685 = vector.bitcast %gather3A_683 : vector<16xi32> to vector<32xbf16>
        %mul3A_686 = arith.mulf %bitcast3A_684, %bitcast3A_685 : vector<32xbf16>
        %bitcast3A_687 = vector.bitcast %mul3A_686 : vector<32xbf16> to vector<16xi32>
        %and3A_688 = arith.andi %bitcast3A_687, %broadcast_in_dim3A_205 : vector<16xi32>
        %bitcast3A_689 = vector.bitcast %and3A_688 : vector<16xi32> to vector<16xf32>
        %shift_left3A_690 = arith.constant 16 : i32
        %shift_left3A_691 = vector.broadcast %shift_left3A_690 : i32 to vector<16xi32>
        %shift_left3A_692 = arith.shli %bitcast3A_687, %shift_left3A_691 : vector<16xi32>
        %bitcast3A_693 = vector.bitcast %shift_left3A_692 : vector<16xi32> to vector<16xf32>
        %add3A_694 = arith.addf %add3A_662, %bitcast3A_689 : vector<16xf32>
        %add3A_695 = arith.addf %add3A_663, %bitcast3A_693 : vector<16xf32>
        %add3A_696 = vector.broadcast %mul3A_506 : i32 to vector<16xi32>
        %add3A_697 = arith.addi %and3A_89, %add3A_696 : vector<16xi32>
        %gather3A_698 = tpu.vector_load_idx %arg8[%add3A_201, %add3A_697] : memref<80x64xi32, #tpu.memory_space<vmem>>[vector<16xi32>, vector<16xi32>], vector<16xi32>,
        %gather3A_699 = tpu.vector_load_idx %arg10[%add3A_201, %add3A_697] : memref<80x64xi32, #tpu.memory_space<vmem>>[vector<16xi32>, vector<16xi32>], vector<16xi32>,
        %bitcast3A_700 = vector.bitcast %gather3A_698 : vector<16xi32> to vector<32xbf16>
        %bitcast3A_701 = vector.bitcast %gather3A_699 : vector<16xi32> to vector<32xbf16>
        %mul3A_702 = arith.mulf %bitcast3A_700, %bitcast3A_701 : vector<32xbf16>
        %bitcast3A_703 = vector.bitcast %mul3A_702 : vector<32xbf16> to vector<16xi32>
        %and3A_704 = arith.andi %bitcast3A_703, %broadcast_in_dim3A_205 : vector<16xi32>
        %bitcast3A_705 = vector.bitcast %and3A_704 : vector<16xi32> to vector<16xf32>
        %shift_left3A_706 = arith.constant 16 : i32
        %shift_left3A_707 = vector.broadcast %shift_left3A_706 : i32 to vector<16xi32>
        %shift_left3A_708 = arith.shli %bitcast3A_703, %shift_left3A_707 : vector<16xi32>
        %bitcast3A_709 = vector.bitcast %shift_left3A_708 : vector<16xi32> to vector<16xf32>
        %add3A_710 = arith.addf %add3A_678, %bitcast3A_705 : vector<16xf32>
        %add3A_711 = arith.addf %add3A_679, %bitcast3A_709 : vector<16xf32>
        %add3A_712 = vector.broadcast %mul3A_506 : i32 to vector<16xi32>
        %add3A_713 = arith.addi %and3A_95, %add3A_712 : vector<16xi32>
        %gather3A_714 = tpu.vector_load_idx %arg8[%add3A_201, %add3A_713] : memref<80x64xi32, #tpu.memory_space<vmem>>[vector<16xi32>, vector<16xi32>], vector<16xi32>,
        %gather3A_715 = tpu.vector_load_idx %arg10[%add3A_201, %add3A_713] : memref<80x64xi32, #tpu.memory_space<vmem>>[vector<16xi32>, vector<16xi32>], vector<16xi32>,
        %bitcast3A_716 = vector.bitcast %gather3A_714 : vector<16xi32> to vector<32xbf16>
        %bitcast3A_717 = vector.bitcast %gather3A_715 : vector<16xi32> to vector<32xbf16>
        %mul3A_718 = arith.mulf %bitcast3A_716, %bitcast3A_717 : vector<32xbf16>
        %bitcast3A_719 = vector.bitcast %mul3A_718 : vector<32xbf16> to vector<16xi32>
        %and3A_720 = arith.andi %bitcast3A_719, %broadcast_in_dim3A_205 : vector<16xi32>
        %bitcast3A_721 = vector.bitcast %and3A_720 : vector<16xi32> to vector<16xf32>
        %shift_left3A_722 = arith.constant 16 : i32
        %shift_left3A_723 = vector.broadcast %shift_left3A_722 : i32 to vector<16xi32>
        %shift_left3A_724 = arith.shli %bitcast3A_719, %shift_left3A_723 : vector<16xi32>
        %bitcast3A_725 = vector.bitcast %shift_left3A_724 : vector<16xi32> to vector<16xf32>
        %add3A_726 = arith.addf %add3A_694, %bitcast3A_721 : vector<16xf32>
        %add3A_727 = arith.addf %add3A_695, %bitcast3A_725 : vector<16xf32>
        %add3A_728 = vector.broadcast %mul3A_506 : i32 to vector<16xi32>
        %add3A_729 = arith.addi %and3A_101, %add3A_728 : vector<16xi32>
        %gather3A_730 = tpu.vector_load_idx %arg8[%add3A_201, %add3A_729] : memref<80x64xi32, #tpu.memory_space<vmem>>[vector<16xi32>, vector<16xi32>], vector<16xi32>,
        %gather3A_731 = tpu.vector_load_idx %arg10[%add3A_201, %add3A_729] : memref<80x64xi32, #tpu.memory_space<vmem>>[vector<16xi32>, vector<16xi32>], vector<16xi32>,
        %bitcast3A_732 = vector.bitcast %gather3A_730 : vector<16xi32> to vector<32xbf16>
        %bitcast3A_733 = vector.bitcast %gather3A_731 : vector<16xi32> to vector<32xbf16>
        %mul3A_734 = arith.mulf %bitcast3A_732, %bitcast3A_733 : vector<32xbf16>
        %bitcast3A_735 = vector.bitcast %mul3A_734 : vector<32xbf16> to vector<16xi32>
        %and3A_736 = arith.andi %bitcast3A_735, %broadcast_in_dim3A_205 : vector<16xi32>
        %bitcast3A_737 = vector.bitcast %and3A_736 : vector<16xi32> to vector<16xf32>
        %shift_left3A_738 = arith.constant 16 : i32
        %shift_left3A_739 = vector.broadcast %shift_left3A_738 : i32 to vector<16xi32>
        %shift_left3A_740 = arith.shli %bitcast3A_735, %shift_left3A_739 : vector<16xi32>
        %bitcast3A_741 = vector.bitcast %shift_left3A_740 : vector<16xi32> to vector<16xf32>
        %add3A_742 = arith.addf %add3A_710, %bitcast3A_737 : vector<16xf32>
        %add3A_743 = arith.addf %add3A_711, %bitcast3A_741 : vector<16xf32>
        %add3A_744 = vector.broadcast %mul3A_506 : i32 to vector<16xi32>
        %add3A_745 = arith.addi %and3A_107, %add3A_744 : vector<16xi32>
        %gather3A_746 = tpu.vector_load_idx %arg8[%add3A_201, %add3A_745] : memref<80x64xi32, #tpu.memory_space<vmem>>[vector<16xi32>, vector<16xi32>], vector<16xi32>,
        %gather3A_747 = tpu.vector_load_idx %arg10[%add3A_201, %add3A_745] : memref<80x64xi32, #tpu.memory_space<vmem>>[vector<16xi32>, vector<16xi32>], vector<16xi32>,
        %bitcast3A_748 = vector.bitcast %gather3A_746 : vector<16xi32> to vector<32xbf16>
        %bitcast3A_749 = vector.bitcast %gather3A_747 : vector<16xi32> to vector<32xbf16>
        %mul3A_750 = arith.mulf %bitcast3A_748, %bitcast3A_749 : vector<32xbf16>
        %bitcast3A_751 = vector.bitcast %mul3A_750 : vector<32xbf16> to vector<16xi32>
        %and3A_752 = arith.andi %bitcast3A_751, %broadcast_in_dim3A_205 : vector<16xi32>
        %bitcast3A_753 = vector.bitcast %and3A_752 : vector<16xi32> to vector<16xf32>
        %shift_left3A_754 = arith.constant 16 : i32
        %shift_left3A_755 = vector.broadcast %shift_left3A_754 : i32 to vector<16xi32>
        %shift_left3A_756 = arith.shli %bitcast3A_751, %shift_left3A_755 : vector<16xi32>
        %bitcast3A_757 = vector.bitcast %shift_left3A_756 : vector<16xi32> to vector<16xf32>
        %add3A_758 = arith.addf %add3A_726, %bitcast3A_753 : vector<16xf32>
        %add3A_759 = arith.addf %add3A_727, %bitcast3A_757 : vector<16xf32>
        scf.yield %add3A_742, %add3A_743, %add3A_758, %add3A_759 : vector<16xf32>, vector<16xf32>, vector<16xf32>, vector<16xf32>
      }
      %scan3A_211 = arith.constant 4 : i32
      %add3A_212 = arith.addf %scan3A_210#0, %scan3A_210#1 : vector<16xf32>
      %add3A_213 = arith.addf %scan3A_210#2, %scan3A_210#3 : vector<16xf32>
      %add3A_214 = arith.addf %add3A_212, %add3A_213 : vector<16xf32>
      %neg3A_215 = arith.constant 0.000000e+00 : f32
      %neg3A_216 = vector.broadcast %neg3A_215 : f32 to vector<16xf32>
      %neg3A_217 = arith.subf %neg3A_216, %add3A_214 : vector<16xf32>
      %exp3A_218 = math.exp %neg3A_217 : vector<16xf32>
      %add3A_219 = arith.constant 1.000000e+00 : f32
      %add3A_220 = vector.broadcast %add3A_219 : f32 to vector<16xf32>
      %add3A_221 = arith.addf %add3A_220, %exp3A_218 : vector<16xf32>
      %div3A_222 = arith.constant 1.000000e+00 : f32
      %div3A_223 = vector.broadcast %div3A_222 : f32 to vector<16xf32>
      %div3A_224 = arith.divf %div3A_223, %add3A_221 : vector<16xf32>
      %swap3A_225 = arith.constant 16 : index
      %swap3A_226 = tpu.vector_load %arg12[%swap3A_225] {strides = array<i32>} : memref<80xf32, #tpu.memory_space<vmem>>, vector<16xf32>,
      tpu.vector_store %arg12[%swap3A_225], %div3A_224 {strides = array<i32>} : memref<80xf32, #tpu.memory_space<vmem>>, vector<16xf32>,
      %add3A_227 = arith.constant 32 : i32
      %add3A_228 = vector.broadcast %add3A_227 : i32 to vector<16xi32>
      %add3A_229 = arith.addi %add3A_228, %iota3A : vector<16xi32>
      %broadcast_in_dim3A_230 = arith.constant 0.000000e+00 : f32
      %broadcast_in_dim3A_231 = vector.broadcast %broadcast_in_dim3A_230 : f32 to vector<16xf32>
      %broadcast_in_dim3A_232 = arith.constant -65536 : i32
      %broadcast_in_dim3A_233 = vector.broadcast %broadcast_in_dim3A_232 : i32 to vector<16xi32>
      %scan3A_234 = arith.constant 0 : i32
      %scan3A_235 = arith.constant 4 : i32
      %scan3A_236 = arith.addi %scan3A_234, %scan3A_235 : i32
      %scan3A_237 = arith.constant 1 : i32
      %scan3A_238:4 = scf.for %scan3A_500 = %scan3A_234 to %scan3A_236 step %scan3A_237 iter_args(%scan3A_501 = %broadcast_in_dim3A_231, %scan3A_502 = %broadcast_in_dim3A_231, %scan3A_503 = %broadcast_in_dim3A_231, %scan3A_504 = %broadcast_in_dim3A_231) -> (vector<16xf32>, vector<16xf32>, vector<16xf32>, vector<16xf32>)  : i32 {
        %mul3A_505 = arith.constant 16 : i32
        %mul3A_506 = arith.muli %scan3A_500, %mul3A_505 : i32
        %add3A_507 = vector.broadcast %mul3A_506 : i32 to vector<16xi32>
        %add3A_508 = arith.addi %and3A_17, %add3A_507 : vector<16xi32>
        %gather3A = tpu.vector_load_idx %arg8[%add3A_229, %add3A_508] : memref<80x64xi32, #tpu.memory_space<vmem>>[vector<16xi32>, vector<16xi32>], vector<16xi32>,
        %gather3A_509 = tpu.vector_load_idx %arg10[%add3A_229, %add3A_508] : memref<80x64xi32, #tpu.memory_space<vmem>>[vector<16xi32>, vector<16xi32>], vector<16xi32>,
        %bitcast3A = vector.bitcast %gather3A : vector<16xi32> to vector<32xbf16>
        %bitcast3A_510 = vector.bitcast %gather3A_509 : vector<16xi32> to vector<32xbf16>
        %mul3A_511 = arith.mulf %bitcast3A, %bitcast3A_510 : vector<32xbf16>
        %bitcast3A_512 = vector.bitcast %mul3A_511 : vector<32xbf16> to vector<16xi32>
        %and3A_513 = arith.andi %bitcast3A_512, %broadcast_in_dim3A_233 : vector<16xi32>
        %bitcast3A_514 = vector.bitcast %and3A_513 : vector<16xi32> to vector<16xf32>
        %shift_left3A = arith.constant 16 : i32
        %shift_left3A_515 = vector.broadcast %shift_left3A : i32 to vector<16xi32>
        %shift_left3A_516 = arith.shli %bitcast3A_512, %shift_left3A_515 : vector<16xi32>
        %bitcast3A_517 = vector.bitcast %shift_left3A_516 : vector<16xi32> to vector<16xf32>
        %add3A_518 = arith.addf %scan3A_501, %bitcast3A_514 : vector<16xf32>
        %add3A_519 = arith.addf %scan3A_502, %bitcast3A_517 : vector<16xf32>
        %add3A_520 = vector.broadcast %mul3A_506 : i32 to vector<16xi32>
        %add3A_521 = arith.addi %and3A_23, %add3A_520 : vector<16xi32>
        %gather3A_522 = tpu.vector_load_idx %arg8[%add3A_229, %add3A_521] : memref<80x64xi32, #tpu.memory_space<vmem>>[vector<16xi32>, vector<16xi32>], vector<16xi32>,
        %gather3A_523 = tpu.vector_load_idx %arg10[%add3A_229, %add3A_521] : memref<80x64xi32, #tpu.memory_space<vmem>>[vector<16xi32>, vector<16xi32>], vector<16xi32>,
        %bitcast3A_524 = vector.bitcast %gather3A_522 : vector<16xi32> to vector<32xbf16>
        %bitcast3A_525 = vector.bitcast %gather3A_523 : vector<16xi32> to vector<32xbf16>
        %mul3A_526 = arith.mulf %bitcast3A_524, %bitcast3A_525 : vector<32xbf16>
        %bitcast3A_527 = vector.bitcast %mul3A_526 : vector<32xbf16> to vector<16xi32>
        %and3A_528 = arith.andi %bitcast3A_527, %broadcast_in_dim3A_233 : vector<16xi32>
        %bitcast3A_529 = vector.bitcast %and3A_528 : vector<16xi32> to vector<16xf32>
        %shift_left3A_530 = arith.constant 16 : i32
        %shift_left3A_531 = vector.broadcast %shift_left3A_530 : i32 to vector<16xi32>
        %shift_left3A_532 = arith.shli %bitcast3A_527, %shift_left3A_531 : vector<16xi32>
        %bitcast3A_533 = vector.bitcast %shift_left3A_532 : vector<16xi32> to vector<16xf32>
        %add3A_534 = arith.addf %scan3A_503, %bitcast3A_529 : vector<16xf32>
        %add3A_535 = arith.addf %scan3A_504, %bitcast3A_533 : vector<16xf32>
        %add3A_536 = vector.broadcast %mul3A_506 : i32 to vector<16xi32>
        %add3A_537 = arith.addi %and3A_29, %add3A_536 : vector<16xi32>
        %gather3A_538 = tpu.vector_load_idx %arg8[%add3A_229, %add3A_537] : memref<80x64xi32, #tpu.memory_space<vmem>>[vector<16xi32>, vector<16xi32>], vector<16xi32>,
        %gather3A_539 = tpu.vector_load_idx %arg10[%add3A_229, %add3A_537] : memref<80x64xi32, #tpu.memory_space<vmem>>[vector<16xi32>, vector<16xi32>], vector<16xi32>,
        %bitcast3A_540 = vector.bitcast %gather3A_538 : vector<16xi32> to vector<32xbf16>
        %bitcast3A_541 = vector.bitcast %gather3A_539 : vector<16xi32> to vector<32xbf16>
        %mul3A_542 = arith.mulf %bitcast3A_540, %bitcast3A_541 : vector<32xbf16>
        %bitcast3A_543 = vector.bitcast %mul3A_542 : vector<32xbf16> to vector<16xi32>
        %and3A_544 = arith.andi %bitcast3A_543, %broadcast_in_dim3A_233 : vector<16xi32>
        %bitcast3A_545 = vector.bitcast %and3A_544 : vector<16xi32> to vector<16xf32>
        %shift_left3A_546 = arith.constant 16 : i32
        %shift_left3A_547 = vector.broadcast %shift_left3A_546 : i32 to vector<16xi32>
        %shift_left3A_548 = arith.shli %bitcast3A_543, %shift_left3A_547 : vector<16xi32>
        %bitcast3A_549 = vector.bitcast %shift_left3A_548 : vector<16xi32> to vector<16xf32>
        %add3A_550 = arith.addf %add3A_518, %bitcast3A_545 : vector<16xf32>
        %add3A_551 = arith.addf %add3A_519, %bitcast3A_549 : vector<16xf32>
        %add3A_552 = vector.broadcast %mul3A_506 : i32 to vector<16xi32>
        %add3A_553 = arith.addi %and3A_35, %add3A_552 : vector<16xi32>
        %gather3A_554 = tpu.vector_load_idx %arg8[%add3A_229, %add3A_553] : memref<80x64xi32, #tpu.memory_space<vmem>>[vector<16xi32>, vector<16xi32>], vector<16xi32>,
        %gather3A_555 = tpu.vector_load_idx %arg10[%add3A_229, %add3A_553] : memref<80x64xi32, #tpu.memory_space<vmem>>[vector<16xi32>, vector<16xi32>], vector<16xi32>,
        %bitcast3A_556 = vector.bitcast %gather3A_554 : vector<16xi32> to vector<32xbf16>
        %bitcast3A_557 = vector.bitcast %gather3A_555 : vector<16xi32> to vector<32xbf16>
        %mul3A_558 = arith.mulf %bitcast3A_556, %bitcast3A_557 : vector<32xbf16>
        %bitcast3A_559 = vector.bitcast %mul3A_558 : vector<32xbf16> to vector<16xi32>
        %and3A_560 = arith.andi %bitcast3A_559, %broadcast_in_dim3A_233 : vector<16xi32>
        %bitcast3A_561 = vector.bitcast %and3A_560 : vector<16xi32> to vector<16xf32>
        %shift_left3A_562 = arith.constant 16 : i32
        %shift_left3A_563 = vector.broadcast %shift_left3A_562 : i32 to vector<16xi32>
        %shift_left3A_564 = arith.shli %bitcast3A_559, %shift_left3A_563 : vector<16xi32>
        %bitcast3A_565 = vector.bitcast %shift_left3A_564 : vector<16xi32> to vector<16xf32>
        %add3A_566 = arith.addf %add3A_534, %bitcast3A_561 : vector<16xf32>
        %add3A_567 = arith.addf %add3A_535, %bitcast3A_565 : vector<16xf32>
        %add3A_568 = vector.broadcast %mul3A_506 : i32 to vector<16xi32>
        %add3A_569 = arith.addi %and3A_41, %add3A_568 : vector<16xi32>
        %gather3A_570 = tpu.vector_load_idx %arg8[%add3A_229, %add3A_569] : memref<80x64xi32, #tpu.memory_space<vmem>>[vector<16xi32>, vector<16xi32>], vector<16xi32>,
        %gather3A_571 = tpu.vector_load_idx %arg10[%add3A_229, %add3A_569] : memref<80x64xi32, #tpu.memory_space<vmem>>[vector<16xi32>, vector<16xi32>], vector<16xi32>,
        %bitcast3A_572 = vector.bitcast %gather3A_570 : vector<16xi32> to vector<32xbf16>
        %bitcast3A_573 = vector.bitcast %gather3A_571 : vector<16xi32> to vector<32xbf16>
        %mul3A_574 = arith.mulf %bitcast3A_572, %bitcast3A_573 : vector<32xbf16>
        %bitcast3A_575 = vector.bitcast %mul3A_574 : vector<32xbf16> to vector<16xi32>
        %and3A_576 = arith.andi %bitcast3A_575, %broadcast_in_dim3A_233 : vector<16xi32>
        %bitcast3A_577 = vector.bitcast %and3A_576 : vector<16xi32> to vector<16xf32>
        %shift_left3A_578 = arith.constant 16 : i32
        %shift_left3A_579 = vector.broadcast %shift_left3A_578 : i32 to vector<16xi32>
        %shift_left3A_580 = arith.shli %bitcast3A_575, %shift_left3A_579 : vector<16xi32>
        %bitcast3A_581 = vector.bitcast %shift_left3A_580 : vector<16xi32> to vector<16xf32>
        %add3A_582 = arith.addf %add3A_550, %bitcast3A_577 : vector<16xf32>
        %add3A_583 = arith.addf %add3A_551, %bitcast3A_581 : vector<16xf32>
        %add3A_584 = vector.broadcast %mul3A_506 : i32 to vector<16xi32>
        %add3A_585 = arith.addi %and3A_47, %add3A_584 : vector<16xi32>
        %gather3A_586 = tpu.vector_load_idx %arg8[%add3A_229, %add3A_585] : memref<80x64xi32, #tpu.memory_space<vmem>>[vector<16xi32>, vector<16xi32>], vector<16xi32>,
        %gather3A_587 = tpu.vector_load_idx %arg10[%add3A_229, %add3A_585] : memref<80x64xi32, #tpu.memory_space<vmem>>[vector<16xi32>, vector<16xi32>], vector<16xi32>,
        %bitcast3A_588 = vector.bitcast %gather3A_586 : vector<16xi32> to vector<32xbf16>
        %bitcast3A_589 = vector.bitcast %gather3A_587 : vector<16xi32> to vector<32xbf16>
        %mul3A_590 = arith.mulf %bitcast3A_588, %bitcast3A_589 : vector<32xbf16>
        %bitcast3A_591 = vector.bitcast %mul3A_590 : vector<32xbf16> to vector<16xi32>
        %and3A_592 = arith.andi %bitcast3A_591, %broadcast_in_dim3A_233 : vector<16xi32>
        %bitcast3A_593 = vector.bitcast %and3A_592 : vector<16xi32> to vector<16xf32>
        %shift_left3A_594 = arith.constant 16 : i32
        %shift_left3A_595 = vector.broadcast %shift_left3A_594 : i32 to vector<16xi32>
        %shift_left3A_596 = arith.shli %bitcast3A_591, %shift_left3A_595 : vector<16xi32>
        %bitcast3A_597 = vector.bitcast %shift_left3A_596 : vector<16xi32> to vector<16xf32>
        %add3A_598 = arith.addf %add3A_566, %bitcast3A_593 : vector<16xf32>
        %add3A_599 = arith.addf %add3A_567, %bitcast3A_597 : vector<16xf32>
        %add3A_600 = vector.broadcast %mul3A_506 : i32 to vector<16xi32>
        %add3A_601 = arith.addi %and3A_53, %add3A_600 : vector<16xi32>
        %gather3A_602 = tpu.vector_load_idx %arg8[%add3A_229, %add3A_601] : memref<80x64xi32, #tpu.memory_space<vmem>>[vector<16xi32>, vector<16xi32>], vector<16xi32>,
        %gather3A_603 = tpu.vector_load_idx %arg10[%add3A_229, %add3A_601] : memref<80x64xi32, #tpu.memory_space<vmem>>[vector<16xi32>, vector<16xi32>], vector<16xi32>,
        %bitcast3A_604 = vector.bitcast %gather3A_602 : vector<16xi32> to vector<32xbf16>
        %bitcast3A_605 = vector.bitcast %gather3A_603 : vector<16xi32> to vector<32xbf16>
        %mul3A_606 = arith.mulf %bitcast3A_604, %bitcast3A_605 : vector<32xbf16>
        %bitcast3A_607 = vector.bitcast %mul3A_606 : vector<32xbf16> to vector<16xi32>
        %and3A_608 = arith.andi %bitcast3A_607, %broadcast_in_dim3A_233 : vector<16xi32>
        %bitcast3A_609 = vector.bitcast %and3A_608 : vector<16xi32> to vector<16xf32>
        %shift_left3A_610 = arith.constant 16 : i32
        %shift_left3A_611 = vector.broadcast %shift_left3A_610 : i32 to vector<16xi32>
        %shift_left3A_612 = arith.shli %bitcast3A_607, %shift_left3A_611 : vector<16xi32>
        %bitcast3A_613 = vector.bitcast %shift_left3A_612 : vector<16xi32> to vector<16xf32>
        %add3A_614 = arith.addf %add3A_582, %bitcast3A_609 : vector<16xf32>
        %add3A_615 = arith.addf %add3A_583, %bitcast3A_613 : vector<16xf32>
        %add3A_616 = vector.broadcast %mul3A_506 : i32 to vector<16xi32>
        %add3A_617 = arith.addi %and3A_59, %add3A_616 : vector<16xi32>
        %gather3A_618 = tpu.vector_load_idx %arg8[%add3A_229, %add3A_617] : memref<80x64xi32, #tpu.memory_space<vmem>>[vector<16xi32>, vector<16xi32>], vector<16xi32>,
        %gather3A_619 = tpu.vector_load_idx %arg10[%add3A_229, %add3A_617] : memref<80x64xi32, #tpu.memory_space<vmem>>[vector<16xi32>, vector<16xi32>], vector<16xi32>,
        %bitcast3A_620 = vector.bitcast %gather3A_618 : vector<16xi32> to vector<32xbf16>
        %bitcast3A_621 = vector.bitcast %gather3A_619 : vector<16xi32> to vector<32xbf16>
        %mul3A_622 = arith.mulf %bitcast3A_620, %bitcast3A_621 : vector<32xbf16>
        %bitcast3A_623 = vector.bitcast %mul3A_622 : vector<32xbf16> to vector<16xi32>
        %and3A_624 = arith.andi %bitcast3A_623, %broadcast_in_dim3A_233 : vector<16xi32>
        %bitcast3A_625 = vector.bitcast %and3A_624 : vector<16xi32> to vector<16xf32>
        %shift_left3A_626 = arith.constant 16 : i32
        %shift_left3A_627 = vector.broadcast %shift_left3A_626 : i32 to vector<16xi32>
        %shift_left3A_628 = arith.shli %bitcast3A_623, %shift_left3A_627 : vector<16xi32>
        %bitcast3A_629 = vector.bitcast %shift_left3A_628 : vector<16xi32> to vector<16xf32>
        %add3A_630 = arith.addf %add3A_598, %bitcast3A_625 : vector<16xf32>
        %add3A_631 = arith.addf %add3A_599, %bitcast3A_629 : vector<16xf32>
        %add3A_632 = vector.broadcast %mul3A_506 : i32 to vector<16xi32>
        %add3A_633 = arith.addi %and3A_65, %add3A_632 : vector<16xi32>
        %gather3A_634 = tpu.vector_load_idx %arg8[%add3A_229, %add3A_633] : memref<80x64xi32, #tpu.memory_space<vmem>>[vector<16xi32>, vector<16xi32>], vector<16xi32>,
        %gather3A_635 = tpu.vector_load_idx %arg10[%add3A_229, %add3A_633] : memref<80x64xi32, #tpu.memory_space<vmem>>[vector<16xi32>, vector<16xi32>], vector<16xi32>,
        %bitcast3A_636 = vector.bitcast %gather3A_634 : vector<16xi32> to vector<32xbf16>
        %bitcast3A_637 = vector.bitcast %gather3A_635 : vector<16xi32> to vector<32xbf16>
        %mul3A_638 = arith.mulf %bitcast3A_636, %bitcast3A_637 : vector<32xbf16>
        %bitcast3A_639 = vector.bitcast %mul3A_638 : vector<32xbf16> to vector<16xi32>
        %and3A_640 = arith.andi %bitcast3A_639, %broadcast_in_dim3A_233 : vector<16xi32>
        %bitcast3A_641 = vector.bitcast %and3A_640 : vector<16xi32> to vector<16xf32>
        %shift_left3A_642 = arith.constant 16 : i32
        %shift_left3A_643 = vector.broadcast %shift_left3A_642 : i32 to vector<16xi32>
        %shift_left3A_644 = arith.shli %bitcast3A_639, %shift_left3A_643 : vector<16xi32>
        %bitcast3A_645 = vector.bitcast %shift_left3A_644 : vector<16xi32> to vector<16xf32>
        %add3A_646 = arith.addf %add3A_614, %bitcast3A_641 : vector<16xf32>
        %add3A_647 = arith.addf %add3A_615, %bitcast3A_645 : vector<16xf32>
        %add3A_648 = vector.broadcast %mul3A_506 : i32 to vector<16xi32>
        %add3A_649 = arith.addi %and3A_71, %add3A_648 : vector<16xi32>
        %gather3A_650 = tpu.vector_load_idx %arg8[%add3A_229, %add3A_649] : memref<80x64xi32, #tpu.memory_space<vmem>>[vector<16xi32>, vector<16xi32>], vector<16xi32>,
        %gather3A_651 = tpu.vector_load_idx %arg10[%add3A_229, %add3A_649] : memref<80x64xi32, #tpu.memory_space<vmem>>[vector<16xi32>, vector<16xi32>], vector<16xi32>,
        %bitcast3A_652 = vector.bitcast %gather3A_650 : vector<16xi32> to vector<32xbf16>
        %bitcast3A_653 = vector.bitcast %gather3A_651 : vector<16xi32> to vector<32xbf16>
        %mul3A_654 = arith.mulf %bitcast3A_652, %bitcast3A_653 : vector<32xbf16>
        %bitcast3A_655 = vector.bitcast %mul3A_654 : vector<32xbf16> to vector<16xi32>
        %and3A_656 = arith.andi %bitcast3A_655, %broadcast_in_dim3A_233 : vector<16xi32>
        %bitcast3A_657 = vector.bitcast %and3A_656 : vector<16xi32> to vector<16xf32>
        %shift_left3A_658 = arith.constant 16 : i32
        %shift_left3A_659 = vector.broadcast %shift_left3A_658 : i32 to vector<16xi32>
        %shift_left3A_660 = arith.shli %bitcast3A_655, %shift_left3A_659 : vector<16xi32>
        %bitcast3A_661 = vector.bitcast %shift_left3A_660 : vector<16xi32> to vector<16xf32>
        %add3A_662 = arith.addf %add3A_630, %bitcast3A_657 : vector<16xf32>
        %add3A_663 = arith.addf %add3A_631, %bitcast3A_661 : vector<16xf32>
        %add3A_664 = vector.broadcast %mul3A_506 : i32 to vector<16xi32>
        %add3A_665 = arith.addi %and3A_77, %add3A_664 : vector<16xi32>
        %gather3A_666 = tpu.vector_load_idx %arg8[%add3A_229, %add3A_665] : memref<80x64xi32, #tpu.memory_space<vmem>>[vector<16xi32>, vector<16xi32>], vector<16xi32>,
        %gather3A_667 = tpu.vector_load_idx %arg10[%add3A_229, %add3A_665] : memref<80x64xi32, #tpu.memory_space<vmem>>[vector<16xi32>, vector<16xi32>], vector<16xi32>,
        %bitcast3A_668 = vector.bitcast %gather3A_666 : vector<16xi32> to vector<32xbf16>
        %bitcast3A_669 = vector.bitcast %gather3A_667 : vector<16xi32> to vector<32xbf16>
        %mul3A_670 = arith.mulf %bitcast3A_668, %bitcast3A_669 : vector<32xbf16>
        %bitcast3A_671 = vector.bitcast %mul3A_670 : vector<32xbf16> to vector<16xi32>
        %and3A_672 = arith.andi %bitcast3A_671, %broadcast_in_dim3A_233 : vector<16xi32>
        %bitcast3A_673 = vector.bitcast %and3A_672 : vector<16xi32> to vector<16xf32>
        %shift_left3A_674 = arith.constant 16 : i32
        %shift_left3A_675 = vector.broadcast %shift_left3A_674 : i32 to vector<16xi32>
        %shift_left3A_676 = arith.shli %bitcast3A_671, %shift_left3A_675 : vector<16xi32>
        %bitcast3A_677 = vector.bitcast %shift_left3A_676 : vector<16xi32> to vector<16xf32>
        %add3A_678 = arith.addf %add3A_646, %bitcast3A_673 : vector<16xf32>
        %add3A_679 = arith.addf %add3A_647, %bitcast3A_677 : vector<16xf32>
        %add3A_680 = vector.broadcast %mul3A_506 : i32 to vector<16xi32>
        %add3A_681 = arith.addi %and3A_83, %add3A_680 : vector<16xi32>
        %gather3A_682 = tpu.vector_load_idx %arg8[%add3A_229, %add3A_681] : memref<80x64xi32, #tpu.memory_space<vmem>>[vector<16xi32>, vector<16xi32>], vector<16xi32>,
        %gather3A_683 = tpu.vector_load_idx %arg10[%add3A_229, %add3A_681] : memref<80x64xi32, #tpu.memory_space<vmem>>[vector<16xi32>, vector<16xi32>], vector<16xi32>,
        %bitcast3A_684 = vector.bitcast %gather3A_682 : vector<16xi32> to vector<32xbf16>
        %bitcast3A_685 = vector.bitcast %gather3A_683 : vector<16xi32> to vector<32xbf16>
        %mul3A_686 = arith.mulf %bitcast3A_684, %bitcast3A_685 : vector<32xbf16>
        %bitcast3A_687 = vector.bitcast %mul3A_686 : vector<32xbf16> to vector<16xi32>
        %and3A_688 = arith.andi %bitcast3A_687, %broadcast_in_dim3A_233 : vector<16xi32>
        %bitcast3A_689 = vector.bitcast %and3A_688 : vector<16xi32> to vector<16xf32>
        %shift_left3A_690 = arith.constant 16 : i32
        %shift_left3A_691 = vector.broadcast %shift_left3A_690 : i32 to vector<16xi32>
        %shift_left3A_692 = arith.shli %bitcast3A_687, %shift_left3A_691 : vector<16xi32>
        %bitcast3A_693 = vector.bitcast %shift_left3A_692 : vector<16xi32> to vector<16xf32>
        %add3A_694 = arith.addf %add3A_662, %bitcast3A_689 : vector<16xf32>
        %add3A_695 = arith.addf %add3A_663, %bitcast3A_693 : vector<16xf32>
        %add3A_696 = vector.broadcast %mul3A_506 : i32 to vector<16xi32>
        %add3A_697 = arith.addi %and3A_89, %add3A_696 : vector<16xi32>
        %gather3A_698 = tpu.vector_load_idx %arg8[%add3A_229, %add3A_697] : memref<80x64xi32, #tpu.memory_space<vmem>>[vector<16xi32>, vector<16xi32>], vector<16xi32>,
        %gather3A_699 = tpu.vector_load_idx %arg10[%add3A_229, %add3A_697] : memref<80x64xi32, #tpu.memory_space<vmem>>[vector<16xi32>, vector<16xi32>], vector<16xi32>,
        %bitcast3A_700 = vector.bitcast %gather3A_698 : vector<16xi32> to vector<32xbf16>
        %bitcast3A_701 = vector.bitcast %gather3A_699 : vector<16xi32> to vector<32xbf16>
        %mul3A_702 = arith.mulf %bitcast3A_700, %bitcast3A_701 : vector<32xbf16>
        %bitcast3A_703 = vector.bitcast %mul3A_702 : vector<32xbf16> to vector<16xi32>
        %and3A_704 = arith.andi %bitcast3A_703, %broadcast_in_dim3A_233 : vector<16xi32>
        %bitcast3A_705 = vector.bitcast %and3A_704 : vector<16xi32> to vector<16xf32>
        %shift_left3A_706 = arith.constant 16 : i32
        %shift_left3A_707 = vector.broadcast %shift_left3A_706 : i32 to vector<16xi32>
        %shift_left3A_708 = arith.shli %bitcast3A_703, %shift_left3A_707 : vector<16xi32>
        %bitcast3A_709 = vector.bitcast %shift_left3A_708 : vector<16xi32> to vector<16xf32>
        %add3A_710 = arith.addf %add3A_678, %bitcast3A_705 : vector<16xf32>
        %add3A_711 = arith.addf %add3A_679, %bitcast3A_709 : vector<16xf32>
        %add3A_712 = vector.broadcast %mul3A_506 : i32 to vector<16xi32>
        %add3A_713 = arith.addi %and3A_95, %add3A_712 : vector<16xi32>
        %gather3A_714 = tpu.vector_load_idx %arg8[%add3A_229, %add3A_713] : memref<80x64xi32, #tpu.memory_space<vmem>>[vector<16xi32>, vector<16xi32>], vector<16xi32>,
        %gather3A_715 = tpu.vector_load_idx %arg10[%add3A_229, %add3A_713] : memref<80x64xi32, #tpu.memory_space<vmem>>[vector<16xi32>, vector<16xi32>], vector<16xi32>,
        %bitcast3A_716 = vector.bitcast %gather3A_714 : vector<16xi32> to vector<32xbf16>
        %bitcast3A_717 = vector.bitcast %gather3A_715 : vector<16xi32> to vector<32xbf16>
        %mul3A_718 = arith.mulf %bitcast3A_716, %bitcast3A_717 : vector<32xbf16>
        %bitcast3A_719 = vector.bitcast %mul3A_718 : vector<32xbf16> to vector<16xi32>
        %and3A_720 = arith.andi %bitcast3A_719, %broadcast_in_dim3A_233 : vector<16xi32>
        %bitcast3A_721 = vector.bitcast %and3A_720 : vector<16xi32> to vector<16xf32>
        %shift_left3A_722 = arith.constant 16 : i32
        %shift_left3A_723 = vector.broadcast %shift_left3A_722 : i32 to vector<16xi32>
        %shift_left3A_724 = arith.shli %bitcast3A_719, %shift_left3A_723 : vector<16xi32>
        %bitcast3A_725 = vector.bitcast %shift_left3A_724 : vector<16xi32> to vector<16xf32>
        %add3A_726 = arith.addf %add3A_694, %bitcast3A_721 : vector<16xf32>
        %add3A_727 = arith.addf %add3A_695, %bitcast3A_725 : vector<16xf32>
        %add3A_728 = vector.broadcast %mul3A_506 : i32 to vector<16xi32>
        %add3A_729 = arith.addi %and3A_101, %add3A_728 : vector<16xi32>
        %gather3A_730 = tpu.vector_load_idx %arg8[%add3A_229, %add3A_729] : memref<80x64xi32, #tpu.memory_space<vmem>>[vector<16xi32>, vector<16xi32>], vector<16xi32>,
        %gather3A_731 = tpu.vector_load_idx %arg10[%add3A_229, %add3A_729] : memref<80x64xi32, #tpu.memory_space<vmem>>[vector<16xi32>, vector<16xi32>], vector<16xi32>,
        %bitcast3A_732 = vector.bitcast %gather3A_730 : vector<16xi32> to vector<32xbf16>
        %bitcast3A_733 = vector.bitcast %gather3A_731 : vector<16xi32> to vector<32xbf16>
        %mul3A_734 = arith.mulf %bitcast3A_732, %bitcast3A_733 : vector<32xbf16>
        %bitcast3A_735 = vector.bitcast %mul3A_734 : vector<32xbf16> to vector<16xi32>
        %and3A_736 = arith.andi %bitcast3A_735, %broadcast_in_dim3A_233 : vector<16xi32>
        %bitcast3A_737 = vector.bitcast %and3A_736 : vector<16xi32> to vector<16xf32>
        %shift_left3A_738 = arith.constant 16 : i32
        %shift_left3A_739 = vector.broadcast %shift_left3A_738 : i32 to vector<16xi32>
        %shift_left3A_740 = arith.shli %bitcast3A_735, %shift_left3A_739 : vector<16xi32>
        %bitcast3A_741 = vector.bitcast %shift_left3A_740 : vector<16xi32> to vector<16xf32>
        %add3A_742 = arith.addf %add3A_710, %bitcast3A_737 : vector<16xf32>
        %add3A_743 = arith.addf %add3A_711, %bitcast3A_741 : vector<16xf32>
        %add3A_744 = vector.broadcast %mul3A_506 : i32 to vector<16xi32>
        %add3A_745 = arith.addi %and3A_107, %add3A_744 : vector<16xi32>
        %gather3A_746 = tpu.vector_load_idx %arg8[%add3A_229, %add3A_745] : memref<80x64xi32, #tpu.memory_space<vmem>>[vector<16xi32>, vector<16xi32>], vector<16xi32>,
        %gather3A_747 = tpu.vector_load_idx %arg10[%add3A_229, %add3A_745] : memref<80x64xi32, #tpu.memory_space<vmem>>[vector<16xi32>, vector<16xi32>], vector<16xi32>,
        %bitcast3A_748 = vector.bitcast %gather3A_746 : vector<16xi32> to vector<32xbf16>
        %bitcast3A_749 = vector.bitcast %gather3A_747 : vector<16xi32> to vector<32xbf16>
        %mul3A_750 = arith.mulf %bitcast3A_748, %bitcast3A_749 : vector<32xbf16>
        %bitcast3A_751 = vector.bitcast %mul3A_750 : vector<32xbf16> to vector<16xi32>
        %and3A_752 = arith.andi %bitcast3A_751, %broadcast_in_dim3A_233 : vector<16xi32>
        %bitcast3A_753 = vector.bitcast %and3A_752 : vector<16xi32> to vector<16xf32>
        %shift_left3A_754 = arith.constant 16 : i32
        %shift_left3A_755 = vector.broadcast %shift_left3A_754 : i32 to vector<16xi32>
        %shift_left3A_756 = arith.shli %bitcast3A_751, %shift_left3A_755 : vector<16xi32>
        %bitcast3A_757 = vector.bitcast %shift_left3A_756 : vector<16xi32> to vector<16xf32>
        %add3A_758 = arith.addf %add3A_726, %bitcast3A_753 : vector<16xf32>
        %add3A_759 = arith.addf %add3A_727, %bitcast3A_757 : vector<16xf32>
        scf.yield %add3A_742, %add3A_743, %add3A_758, %add3A_759 : vector<16xf32>, vector<16xf32>, vector<16xf32>, vector<16xf32>
      }
      %scan3A_239 = arith.constant 4 : i32
      %add3A_240 = arith.addf %scan3A_238#0, %scan3A_238#1 : vector<16xf32>
      %add3A_241 = arith.addf %scan3A_238#2, %scan3A_238#3 : vector<16xf32>
      %add3A_242 = arith.addf %add3A_240, %add3A_241 : vector<16xf32>
      %neg3A_243 = arith.constant 0.000000e+00 : f32
      %neg3A_244 = vector.broadcast %neg3A_243 : f32 to vector<16xf32>
      %neg3A_245 = arith.subf %neg3A_244, %add3A_242 : vector<16xf32>
      %exp3A_246 = math.exp %neg3A_245 : vector<16xf32>
      %add3A_247 = arith.constant 1.000000e+00 : f32
      %add3A_248 = vector.broadcast %add3A_247 : f32 to vector<16xf32>
      %add3A_249 = arith.addf %add3A_248, %exp3A_246 : vector<16xf32>
      %div3A_250 = arith.constant 1.000000e+00 : f32
      %div3A_251 = vector.broadcast %div3A_250 : f32 to vector<16xf32>
      %div3A_252 = arith.divf %div3A_251, %add3A_249 : vector<16xf32>
      %swap3A_253 = arith.constant 32 : index
      %swap3A_254 = tpu.vector_load %arg12[%swap3A_253] {strides = array<i32>} : memref<80xf32, #tpu.memory_space<vmem>>, vector<16xf32>,
      tpu.vector_store %arg12[%swap3A_253], %div3A_252 {strides = array<i32>} : memref<80xf32, #tpu.memory_space<vmem>>, vector<16xf32>,
      %add3A_255 = arith.constant 48 : i32
      %add3A_256 = vector.broadcast %add3A_255 : i32 to vector<16xi32>
      %add3A_257 = arith.addi %add3A_256, %iota3A : vector<16xi32>
      %broadcast_in_dim3A_258 = arith.constant 0.000000e+00 : f32
      %broadcast_in_dim3A_259 = vector.broadcast %broadcast_in_dim3A_258 : f32 to vector<16xf32>
      %broadcast_in_dim3A_260 = arith.constant -65536 : i32
      %broadcast_in_dim3A_261 = vector.broadcast %broadcast_in_dim3A_260 : i32 to vector<16xi32>
      %scan3A_262 = arith.constant 0 : i32
      %scan3A_263 = arith.constant 4 : i32
      %scan3A_264 = arith.addi %scan3A_262, %scan3A_263 : i32
      %scan3A_265 = arith.constant 1 : i32
      %scan3A_266:4 = scf.for %scan3A_500 = %scan3A_262 to %scan3A_264 step %scan3A_265 iter_args(%scan3A_501 = %broadcast_in_dim3A_259, %scan3A_502 = %broadcast_in_dim3A_259, %scan3A_503 = %broadcast_in_dim3A_259, %scan3A_504 = %broadcast_in_dim3A_259) -> (vector<16xf32>, vector<16xf32>, vector<16xf32>, vector<16xf32>)  : i32 {
        %mul3A_505 = arith.constant 16 : i32
        %mul3A_506 = arith.muli %scan3A_500, %mul3A_505 : i32
        %add3A_507 = vector.broadcast %mul3A_506 : i32 to vector<16xi32>
        %add3A_508 = arith.addi %and3A_17, %add3A_507 : vector<16xi32>
        %gather3A = tpu.vector_load_idx %arg8[%add3A_257, %add3A_508] : memref<80x64xi32, #tpu.memory_space<vmem>>[vector<16xi32>, vector<16xi32>], vector<16xi32>,
        %gather3A_509 = tpu.vector_load_idx %arg10[%add3A_257, %add3A_508] : memref<80x64xi32, #tpu.memory_space<vmem>>[vector<16xi32>, vector<16xi32>], vector<16xi32>,
        %bitcast3A = vector.bitcast %gather3A : vector<16xi32> to vector<32xbf16>
        %bitcast3A_510 = vector.bitcast %gather3A_509 : vector<16xi32> to vector<32xbf16>
        %mul3A_511 = arith.mulf %bitcast3A, %bitcast3A_510 : vector<32xbf16>
        %bitcast3A_512 = vector.bitcast %mul3A_511 : vector<32xbf16> to vector<16xi32>
        %and3A_513 = arith.andi %bitcast3A_512, %broadcast_in_dim3A_261 : vector<16xi32>
        %bitcast3A_514 = vector.bitcast %and3A_513 : vector<16xi32> to vector<16xf32>
        %shift_left3A = arith.constant 16 : i32
        %shift_left3A_515 = vector.broadcast %shift_left3A : i32 to vector<16xi32>
        %shift_left3A_516 = arith.shli %bitcast3A_512, %shift_left3A_515 : vector<16xi32>
        %bitcast3A_517 = vector.bitcast %shift_left3A_516 : vector<16xi32> to vector<16xf32>
        %add3A_518 = arith.addf %scan3A_501, %bitcast3A_514 : vector<16xf32>
        %add3A_519 = arith.addf %scan3A_502, %bitcast3A_517 : vector<16xf32>
        %add3A_520 = vector.broadcast %mul3A_506 : i32 to vector<16xi32>
        %add3A_521 = arith.addi %and3A_23, %add3A_520 : vector<16xi32>
        %gather3A_522 = tpu.vector_load_idx %arg8[%add3A_257, %add3A_521] : memref<80x64xi32, #tpu.memory_space<vmem>>[vector<16xi32>, vector<16xi32>], vector<16xi32>,
        %gather3A_523 = tpu.vector_load_idx %arg10[%add3A_257, %add3A_521] : memref<80x64xi32, #tpu.memory_space<vmem>>[vector<16xi32>, vector<16xi32>], vector<16xi32>,
        %bitcast3A_524 = vector.bitcast %gather3A_522 : vector<16xi32> to vector<32xbf16>
        %bitcast3A_525 = vector.bitcast %gather3A_523 : vector<16xi32> to vector<32xbf16>
        %mul3A_526 = arith.mulf %bitcast3A_524, %bitcast3A_525 : vector<32xbf16>
        %bitcast3A_527 = vector.bitcast %mul3A_526 : vector<32xbf16> to vector<16xi32>
        %and3A_528 = arith.andi %bitcast3A_527, %broadcast_in_dim3A_261 : vector<16xi32>
        %bitcast3A_529 = vector.bitcast %and3A_528 : vector<16xi32> to vector<16xf32>
        %shift_left3A_530 = arith.constant 16 : i32
        %shift_left3A_531 = vector.broadcast %shift_left3A_530 : i32 to vector<16xi32>
        %shift_left3A_532 = arith.shli %bitcast3A_527, %shift_left3A_531 : vector<16xi32>
        %bitcast3A_533 = vector.bitcast %shift_left3A_532 : vector<16xi32> to vector<16xf32>
        %add3A_534 = arith.addf %scan3A_503, %bitcast3A_529 : vector<16xf32>
        %add3A_535 = arith.addf %scan3A_504, %bitcast3A_533 : vector<16xf32>
        %add3A_536 = vector.broadcast %mul3A_506 : i32 to vector<16xi32>
        %add3A_537 = arith.addi %and3A_29, %add3A_536 : vector<16xi32>
        %gather3A_538 = tpu.vector_load_idx %arg8[%add3A_257, %add3A_537] : memref<80x64xi32, #tpu.memory_space<vmem>>[vector<16xi32>, vector<16xi32>], vector<16xi32>,
        %gather3A_539 = tpu.vector_load_idx %arg10[%add3A_257, %add3A_537] : memref<80x64xi32, #tpu.memory_space<vmem>>[vector<16xi32>, vector<16xi32>], vector<16xi32>,
        %bitcast3A_540 = vector.bitcast %gather3A_538 : vector<16xi32> to vector<32xbf16>
        %bitcast3A_541 = vector.bitcast %gather3A_539 : vector<16xi32> to vector<32xbf16>
        %mul3A_542 = arith.mulf %bitcast3A_540, %bitcast3A_541 : vector<32xbf16>
        %bitcast3A_543 = vector.bitcast %mul3A_542 : vector<32xbf16> to vector<16xi32>
        %and3A_544 = arith.andi %bitcast3A_543, %broadcast_in_dim3A_261 : vector<16xi32>
        %bitcast3A_545 = vector.bitcast %and3A_544 : vector<16xi32> to vector<16xf32>
        %shift_left3A_546 = arith.constant 16 : i32
        %shift_left3A_547 = vector.broadcast %shift_left3A_546 : i32 to vector<16xi32>
        %shift_left3A_548 = arith.shli %bitcast3A_543, %shift_left3A_547 : vector<16xi32>
        %bitcast3A_549 = vector.bitcast %shift_left3A_548 : vector<16xi32> to vector<16xf32>
        %add3A_550 = arith.addf %add3A_518, %bitcast3A_545 : vector<16xf32>
        %add3A_551 = arith.addf %add3A_519, %bitcast3A_549 : vector<16xf32>
        %add3A_552 = vector.broadcast %mul3A_506 : i32 to vector<16xi32>
        %add3A_553 = arith.addi %and3A_35, %add3A_552 : vector<16xi32>
        %gather3A_554 = tpu.vector_load_idx %arg8[%add3A_257, %add3A_553] : memref<80x64xi32, #tpu.memory_space<vmem>>[vector<16xi32>, vector<16xi32>], vector<16xi32>,
        %gather3A_555 = tpu.vector_load_idx %arg10[%add3A_257, %add3A_553] : memref<80x64xi32, #tpu.memory_space<vmem>>[vector<16xi32>, vector<16xi32>], vector<16xi32>,
        %bitcast3A_556 = vector.bitcast %gather3A_554 : vector<16xi32> to vector<32xbf16>
        %bitcast3A_557 = vector.bitcast %gather3A_555 : vector<16xi32> to vector<32xbf16>
        %mul3A_558 = arith.mulf %bitcast3A_556, %bitcast3A_557 : vector<32xbf16>
        %bitcast3A_559 = vector.bitcast %mul3A_558 : vector<32xbf16> to vector<16xi32>
        %and3A_560 = arith.andi %bitcast3A_559, %broadcast_in_dim3A_261 : vector<16xi32>
        %bitcast3A_561 = vector.bitcast %and3A_560 : vector<16xi32> to vector<16xf32>
        %shift_left3A_562 = arith.constant 16 : i32
        %shift_left3A_563 = vector.broadcast %shift_left3A_562 : i32 to vector<16xi32>
        %shift_left3A_564 = arith.shli %bitcast3A_559, %shift_left3A_563 : vector<16xi32>
        %bitcast3A_565 = vector.bitcast %shift_left3A_564 : vector<16xi32> to vector<16xf32>
        %add3A_566 = arith.addf %add3A_534, %bitcast3A_561 : vector<16xf32>
        %add3A_567 = arith.addf %add3A_535, %bitcast3A_565 : vector<16xf32>
        %add3A_568 = vector.broadcast %mul3A_506 : i32 to vector<16xi32>
        %add3A_569 = arith.addi %and3A_41, %add3A_568 : vector<16xi32>
        %gather3A_570 = tpu.vector_load_idx %arg8[%add3A_257, %add3A_569] : memref<80x64xi32, #tpu.memory_space<vmem>>[vector<16xi32>, vector<16xi32>], vector<16xi32>,
        %gather3A_571 = tpu.vector_load_idx %arg10[%add3A_257, %add3A_569] : memref<80x64xi32, #tpu.memory_space<vmem>>[vector<16xi32>, vector<16xi32>], vector<16xi32>,
        %bitcast3A_572 = vector.bitcast %gather3A_570 : vector<16xi32> to vector<32xbf16>
        %bitcast3A_573 = vector.bitcast %gather3A_571 : vector<16xi32> to vector<32xbf16>
        %mul3A_574 = arith.mulf %bitcast3A_572, %bitcast3A_573 : vector<32xbf16>
        %bitcast3A_575 = vector.bitcast %mul3A_574 : vector<32xbf16> to vector<16xi32>
        %and3A_576 = arith.andi %bitcast3A_575, %broadcast_in_dim3A_261 : vector<16xi32>
        %bitcast3A_577 = vector.bitcast %and3A_576 : vector<16xi32> to vector<16xf32>
        %shift_left3A_578 = arith.constant 16 : i32
        %shift_left3A_579 = vector.broadcast %shift_left3A_578 : i32 to vector<16xi32>
        %shift_left3A_580 = arith.shli %bitcast3A_575, %shift_left3A_579 : vector<16xi32>
        %bitcast3A_581 = vector.bitcast %shift_left3A_580 : vector<16xi32> to vector<16xf32>
        %add3A_582 = arith.addf %add3A_550, %bitcast3A_577 : vector<16xf32>
        %add3A_583 = arith.addf %add3A_551, %bitcast3A_581 : vector<16xf32>
        %add3A_584 = vector.broadcast %mul3A_506 : i32 to vector<16xi32>
        %add3A_585 = arith.addi %and3A_47, %add3A_584 : vector<16xi32>
        %gather3A_586 = tpu.vector_load_idx %arg8[%add3A_257, %add3A_585] : memref<80x64xi32, #tpu.memory_space<vmem>>[vector<16xi32>, vector<16xi32>], vector<16xi32>,
        %gather3A_587 = tpu.vector_load_idx %arg10[%add3A_257, %add3A_585] : memref<80x64xi32, #tpu.memory_space<vmem>>[vector<16xi32>, vector<16xi32>], vector<16xi32>,
        %bitcast3A_588 = vector.bitcast %gather3A_586 : vector<16xi32> to vector<32xbf16>
        %bitcast3A_589 = vector.bitcast %gather3A_587 : vector<16xi32> to vector<32xbf16>
        %mul3A_590 = arith.mulf %bitcast3A_588, %bitcast3A_589 : vector<32xbf16>
        %bitcast3A_591 = vector.bitcast %mul3A_590 : vector<32xbf16> to vector<16xi32>
        %and3A_592 = arith.andi %bitcast3A_591, %broadcast_in_dim3A_261 : vector<16xi32>
        %bitcast3A_593 = vector.bitcast %and3A_592 : vector<16xi32> to vector<16xf32>
        %shift_left3A_594 = arith.constant 16 : i32
        %shift_left3A_595 = vector.broadcast %shift_left3A_594 : i32 to vector<16xi32>
        %shift_left3A_596 = arith.shli %bitcast3A_591, %shift_left3A_595 : vector<16xi32>
        %bitcast3A_597 = vector.bitcast %shift_left3A_596 : vector<16xi32> to vector<16xf32>
        %add3A_598 = arith.addf %add3A_566, %bitcast3A_593 : vector<16xf32>
        %add3A_599 = arith.addf %add3A_567, %bitcast3A_597 : vector<16xf32>
        %add3A_600 = vector.broadcast %mul3A_506 : i32 to vector<16xi32>
        %add3A_601 = arith.addi %and3A_53, %add3A_600 : vector<16xi32>
        %gather3A_602 = tpu.vector_load_idx %arg8[%add3A_257, %add3A_601] : memref<80x64xi32, #tpu.memory_space<vmem>>[vector<16xi32>, vector<16xi32>], vector<16xi32>,
        %gather3A_603 = tpu.vector_load_idx %arg10[%add3A_257, %add3A_601] : memref<80x64xi32, #tpu.memory_space<vmem>>[vector<16xi32>, vector<16xi32>], vector<16xi32>,
        %bitcast3A_604 = vector.bitcast %gather3A_602 : vector<16xi32> to vector<32xbf16>
        %bitcast3A_605 = vector.bitcast %gather3A_603 : vector<16xi32> to vector<32xbf16>
        %mul3A_606 = arith.mulf %bitcast3A_604, %bitcast3A_605 : vector<32xbf16>
        %bitcast3A_607 = vector.bitcast %mul3A_606 : vector<32xbf16> to vector<16xi32>
        %and3A_608 = arith.andi %bitcast3A_607, %broadcast_in_dim3A_261 : vector<16xi32>
        %bitcast3A_609 = vector.bitcast %and3A_608 : vector<16xi32> to vector<16xf32>
        %shift_left3A_610 = arith.constant 16 : i32
        %shift_left3A_611 = vector.broadcast %shift_left3A_610 : i32 to vector<16xi32>
        %shift_left3A_612 = arith.shli %bitcast3A_607, %shift_left3A_611 : vector<16xi32>
        %bitcast3A_613 = vector.bitcast %shift_left3A_612 : vector<16xi32> to vector<16xf32>
        %add3A_614 = arith.addf %add3A_582, %bitcast3A_609 : vector<16xf32>
        %add3A_615 = arith.addf %add3A_583, %bitcast3A_613 : vector<16xf32>
        %add3A_616 = vector.broadcast %mul3A_506 : i32 to vector<16xi32>
        %add3A_617 = arith.addi %and3A_59, %add3A_616 : vector<16xi32>
        %gather3A_618 = tpu.vector_load_idx %arg8[%add3A_257, %add3A_617] : memref<80x64xi32, #tpu.memory_space<vmem>>[vector<16xi32>, vector<16xi32>], vector<16xi32>,
        %gather3A_619 = tpu.vector_load_idx %arg10[%add3A_257, %add3A_617] : memref<80x64xi32, #tpu.memory_space<vmem>>[vector<16xi32>, vector<16xi32>], vector<16xi32>,
        %bitcast3A_620 = vector.bitcast %gather3A_618 : vector<16xi32> to vector<32xbf16>
        %bitcast3A_621 = vector.bitcast %gather3A_619 : vector<16xi32> to vector<32xbf16>
        %mul3A_622 = arith.mulf %bitcast3A_620, %bitcast3A_621 : vector<32xbf16>
        %bitcast3A_623 = vector.bitcast %mul3A_622 : vector<32xbf16> to vector<16xi32>
        %and3A_624 = arith.andi %bitcast3A_623, %broadcast_in_dim3A_261 : vector<16xi32>
        %bitcast3A_625 = vector.bitcast %and3A_624 : vector<16xi32> to vector<16xf32>
        %shift_left3A_626 = arith.constant 16 : i32
        %shift_left3A_627 = vector.broadcast %shift_left3A_626 : i32 to vector<16xi32>
        %shift_left3A_628 = arith.shli %bitcast3A_623, %shift_left3A_627 : vector<16xi32>
        %bitcast3A_629 = vector.bitcast %shift_left3A_628 : vector<16xi32> to vector<16xf32>
        %add3A_630 = arith.addf %add3A_598, %bitcast3A_625 : vector<16xf32>
        %add3A_631 = arith.addf %add3A_599, %bitcast3A_629 : vector<16xf32>
        %add3A_632 = vector.broadcast %mul3A_506 : i32 to vector<16xi32>
        %add3A_633 = arith.addi %and3A_65, %add3A_632 : vector<16xi32>
        %gather3A_634 = tpu.vector_load_idx %arg8[%add3A_257, %add3A_633] : memref<80x64xi32, #tpu.memory_space<vmem>>[vector<16xi32>, vector<16xi32>], vector<16xi32>,
        %gather3A_635 = tpu.vector_load_idx %arg10[%add3A_257, %add3A_633] : memref<80x64xi32, #tpu.memory_space<vmem>>[vector<16xi32>, vector<16xi32>], vector<16xi32>,
        %bitcast3A_636 = vector.bitcast %gather3A_634 : vector<16xi32> to vector<32xbf16>
        %bitcast3A_637 = vector.bitcast %gather3A_635 : vector<16xi32> to vector<32xbf16>
        %mul3A_638 = arith.mulf %bitcast3A_636, %bitcast3A_637 : vector<32xbf16>
        %bitcast3A_639 = vector.bitcast %mul3A_638 : vector<32xbf16> to vector<16xi32>
        %and3A_640 = arith.andi %bitcast3A_639, %broadcast_in_dim3A_261 : vector<16xi32>
        %bitcast3A_641 = vector.bitcast %and3A_640 : vector<16xi32> to vector<16xf32>
        %shift_left3A_642 = arith.constant 16 : i32
        %shift_left3A_643 = vector.broadcast %shift_left3A_642 : i32 to vector<16xi32>
        %shift_left3A_644 = arith.shli %bitcast3A_639, %shift_left3A_643 : vector<16xi32>
        %bitcast3A_645 = vector.bitcast %shift_left3A_644 : vector<16xi32> to vector<16xf32>
        %add3A_646 = arith.addf %add3A_614, %bitcast3A_641 : vector<16xf32>
        %add3A_647 = arith.addf %add3A_615, %bitcast3A_645 : vector<16xf32>
        %add3A_648 = vector.broadcast %mul3A_506 : i32 to vector<16xi32>
        %add3A_649 = arith.addi %and3A_71, %add3A_648 : vector<16xi32>
        %gather3A_650 = tpu.vector_load_idx %arg8[%add3A_257, %add3A_649] : memref<80x64xi32, #tpu.memory_space<vmem>>[vector<16xi32>, vector<16xi32>], vector<16xi32>,
        %gather3A_651 = tpu.vector_load_idx %arg10[%add3A_257, %add3A_649] : memref<80x64xi32, #tpu.memory_space<vmem>>[vector<16xi32>, vector<16xi32>], vector<16xi32>,
        %bitcast3A_652 = vector.bitcast %gather3A_650 : vector<16xi32> to vector<32xbf16>
        %bitcast3A_653 = vector.bitcast %gather3A_651 : vector<16xi32> to vector<32xbf16>
        %mul3A_654 = arith.mulf %bitcast3A_652, %bitcast3A_653 : vector<32xbf16>
        %bitcast3A_655 = vector.bitcast %mul3A_654 : vector<32xbf16> to vector<16xi32>
        %and3A_656 = arith.andi %bitcast3A_655, %broadcast_in_dim3A_261 : vector<16xi32>
        %bitcast3A_657 = vector.bitcast %and3A_656 : vector<16xi32> to vector<16xf32>
        %shift_left3A_658 = arith.constant 16 : i32
        %shift_left3A_659 = vector.broadcast %shift_left3A_658 : i32 to vector<16xi32>
        %shift_left3A_660 = arith.shli %bitcast3A_655, %shift_left3A_659 : vector<16xi32>
        %bitcast3A_661 = vector.bitcast %shift_left3A_660 : vector<16xi32> to vector<16xf32>
        %add3A_662 = arith.addf %add3A_630, %bitcast3A_657 : vector<16xf32>
        %add3A_663 = arith.addf %add3A_631, %bitcast3A_661 : vector<16xf32>
        %add3A_664 = vector.broadcast %mul3A_506 : i32 to vector<16xi32>
        %add3A_665 = arith.addi %and3A_77, %add3A_664 : vector<16xi32>
        %gather3A_666 = tpu.vector_load_idx %arg8[%add3A_257, %add3A_665] : memref<80x64xi32, #tpu.memory_space<vmem>>[vector<16xi32>, vector<16xi32>], vector<16xi32>,
        %gather3A_667 = tpu.vector_load_idx %arg10[%add3A_257, %add3A_665] : memref<80x64xi32, #tpu.memory_space<vmem>>[vector<16xi32>, vector<16xi32>], vector<16xi32>,
        %bitcast3A_668 = vector.bitcast %gather3A_666 : vector<16xi32> to vector<32xbf16>
        %bitcast3A_669 = vector.bitcast %gather3A_667 : vector<16xi32> to vector<32xbf16>
        %mul3A_670 = arith.mulf %bitcast3A_668, %bitcast3A_669 : vector<32xbf16>
        %bitcast3A_671 = vector.bitcast %mul3A_670 : vector<32xbf16> to vector<16xi32>
        %and3A_672 = arith.andi %bitcast3A_671, %broadcast_in_dim3A_261 : vector<16xi32>
        %bitcast3A_673 = vector.bitcast %and3A_672 : vector<16xi32> to vector<16xf32>
        %shift_left3A_674 = arith.constant 16 : i32
        %shift_left3A_675 = vector.broadcast %shift_left3A_674 : i32 to vector<16xi32>
        %shift_left3A_676 = arith.shli %bitcast3A_671, %shift_left3A_675 : vector<16xi32>
        %bitcast3A_677 = vector.bitcast %shift_left3A_676 : vector<16xi32> to vector<16xf32>
        %add3A_678 = arith.addf %add3A_646, %bitcast3A_673 : vector<16xf32>
        %add3A_679 = arith.addf %add3A_647, %bitcast3A_677 : vector<16xf32>
        %add3A_680 = vector.broadcast %mul3A_506 : i32 to vector<16xi32>
        %add3A_681 = arith.addi %and3A_83, %add3A_680 : vector<16xi32>
        %gather3A_682 = tpu.vector_load_idx %arg8[%add3A_257, %add3A_681] : memref<80x64xi32, #tpu.memory_space<vmem>>[vector<16xi32>, vector<16xi32>], vector<16xi32>,
        %gather3A_683 = tpu.vector_load_idx %arg10[%add3A_257, %add3A_681] : memref<80x64xi32, #tpu.memory_space<vmem>>[vector<16xi32>, vector<16xi32>], vector<16xi32>,
        %bitcast3A_684 = vector.bitcast %gather3A_682 : vector<16xi32> to vector<32xbf16>
        %bitcast3A_685 = vector.bitcast %gather3A_683 : vector<16xi32> to vector<32xbf16>
        %mul3A_686 = arith.mulf %bitcast3A_684, %bitcast3A_685 : vector<32xbf16>
        %bitcast3A_687 = vector.bitcast %mul3A_686 : vector<32xbf16> to vector<16xi32>
        %and3A_688 = arith.andi %bitcast3A_687, %broadcast_in_dim3A_261 : vector<16xi32>
        %bitcast3A_689 = vector.bitcast %and3A_688 : vector<16xi32> to vector<16xf32>
        %shift_left3A_690 = arith.constant 16 : i32
        %shift_left3A_691 = vector.broadcast %shift_left3A_690 : i32 to vector<16xi32>
        %shift_left3A_692 = arith.shli %bitcast3A_687, %shift_left3A_691 : vector<16xi32>
        %bitcast3A_693 = vector.bitcast %shift_left3A_692 : vector<16xi32> to vector<16xf32>
        %add3A_694 = arith.addf %add3A_662, %bitcast3A_689 : vector<16xf32>
        %add3A_695 = arith.addf %add3A_663, %bitcast3A_693 : vector<16xf32>
        %add3A_696 = vector.broadcast %mul3A_506 : i32 to vector<16xi32>
        %add3A_697 = arith.addi %and3A_89, %add3A_696 : vector<16xi32>
        %gather3A_698 = tpu.vector_load_idx %arg8[%add3A_257, %add3A_697] : memref<80x64xi32, #tpu.memory_space<vmem>>[vector<16xi32>, vector<16xi32>], vector<16xi32>,
        %gather3A_699 = tpu.vector_load_idx %arg10[%add3A_257, %add3A_697] : memref<80x64xi32, #tpu.memory_space<vmem>>[vector<16xi32>, vector<16xi32>], vector<16xi32>,
        %bitcast3A_700 = vector.bitcast %gather3A_698 : vector<16xi32> to vector<32xbf16>
        %bitcast3A_701 = vector.bitcast %gather3A_699 : vector<16xi32> to vector<32xbf16>
        %mul3A_702 = arith.mulf %bitcast3A_700, %bitcast3A_701 : vector<32xbf16>
        %bitcast3A_703 = vector.bitcast %mul3A_702 : vector<32xbf16> to vector<16xi32>
        %and3A_704 = arith.andi %bitcast3A_703, %broadcast_in_dim3A_261 : vector<16xi32>
        %bitcast3A_705 = vector.bitcast %and3A_704 : vector<16xi32> to vector<16xf32>
        %shift_left3A_706 = arith.constant 16 : i32
        %shift_left3A_707 = vector.broadcast %shift_left3A_706 : i32 to vector<16xi32>
        %shift_left3A_708 = arith.shli %bitcast3A_703, %shift_left3A_707 : vector<16xi32>
        %bitcast3A_709 = vector.bitcast %shift_left3A_708 : vector<16xi32> to vector<16xf32>
        %add3A_710 = arith.addf %add3A_678, %bitcast3A_705 : vector<16xf32>
        %add3A_711 = arith.addf %add3A_679, %bitcast3A_709 : vector<16xf32>
        %add3A_712 = vector.broadcast %mul3A_506 : i32 to vector<16xi32>
        %add3A_713 = arith.addi %and3A_95, %add3A_712 : vector<16xi32>
        %gather3A_714 = tpu.vector_load_idx %arg8[%add3A_257, %add3A_713] : memref<80x64xi32, #tpu.memory_space<vmem>>[vector<16xi32>, vector<16xi32>], vector<16xi32>,
        %gather3A_715 = tpu.vector_load_idx %arg10[%add3A_257, %add3A_713] : memref<80x64xi32, #tpu.memory_space<vmem>>[vector<16xi32>, vector<16xi32>], vector<16xi32>,
        %bitcast3A_716 = vector.bitcast %gather3A_714 : vector<16xi32> to vector<32xbf16>
        %bitcast3A_717 = vector.bitcast %gather3A_715 : vector<16xi32> to vector<32xbf16>
        %mul3A_718 = arith.mulf %bitcast3A_716, %bitcast3A_717 : vector<32xbf16>
        %bitcast3A_719 = vector.bitcast %mul3A_718 : vector<32xbf16> to vector<16xi32>
        %and3A_720 = arith.andi %bitcast3A_719, %broadcast_in_dim3A_261 : vector<16xi32>
        %bitcast3A_721 = vector.bitcast %and3A_720 : vector<16xi32> to vector<16xf32>
        %shift_left3A_722 = arith.constant 16 : i32
        %shift_left3A_723 = vector.broadcast %shift_left3A_722 : i32 to vector<16xi32>
        %shift_left3A_724 = arith.shli %bitcast3A_719, %shift_left3A_723 : vector<16xi32>
        %bitcast3A_725 = vector.bitcast %shift_left3A_724 : vector<16xi32> to vector<16xf32>
        %add3A_726 = arith.addf %add3A_694, %bitcast3A_721 : vector<16xf32>
        %add3A_727 = arith.addf %add3A_695, %bitcast3A_725 : vector<16xf32>
        %add3A_728 = vector.broadcast %mul3A_506 : i32 to vector<16xi32>
        %add3A_729 = arith.addi %and3A_101, %add3A_728 : vector<16xi32>
        %gather3A_730 = tpu.vector_load_idx %arg8[%add3A_257, %add3A_729] : memref<80x64xi32, #tpu.memory_space<vmem>>[vector<16xi32>, vector<16xi32>], vector<16xi32>,
        %gather3A_731 = tpu.vector_load_idx %arg10[%add3A_257, %add3A_729] : memref<80x64xi32, #tpu.memory_space<vmem>>[vector<16xi32>, vector<16xi32>], vector<16xi32>,
        %bitcast3A_732 = vector.bitcast %gather3A_730 : vector<16xi32> to vector<32xbf16>
        %bitcast3A_733 = vector.bitcast %gather3A_731 : vector<16xi32> to vector<32xbf16>
        %mul3A_734 = arith.mulf %bitcast3A_732, %bitcast3A_733 : vector<32xbf16>
        %bitcast3A_735 = vector.bitcast %mul3A_734 : vector<32xbf16> to vector<16xi32>
        %and3A_736 = arith.andi %bitcast3A_735, %broadcast_in_dim3A_261 : vector<16xi32>
        %bitcast3A_737 = vector.bitcast %and3A_736 : vector<16xi32> to vector<16xf32>
        %shift_left3A_738 = arith.constant 16 : i32
        %shift_left3A_739 = vector.broadcast %shift_left3A_738 : i32 to vector<16xi32>
        %shift_left3A_740 = arith.shli %bitcast3A_735, %shift_left3A_739 : vector<16xi32>
        %bitcast3A_741 = vector.bitcast %shift_left3A_740 : vector<16xi32> to vector<16xf32>
        %add3A_742 = arith.addf %add3A_710, %bitcast3A_737 : vector<16xf32>
        %add3A_743 = arith.addf %add3A_711, %bitcast3A_741 : vector<16xf32>
        %add3A_744 = vector.broadcast %mul3A_506 : i32 to vector<16xi32>
        %add3A_745 = arith.addi %and3A_107, %add3A_744 : vector<16xi32>
        %gather3A_746 = tpu.vector_load_idx %arg8[%add3A_257, %add3A_745] : memref<80x64xi32, #tpu.memory_space<vmem>>[vector<16xi32>, vector<16xi32>], vector<16xi32>,
        %gather3A_747 = tpu.vector_load_idx %arg10[%add3A_257, %add3A_745] : memref<80x64xi32, #tpu.memory_space<vmem>>[vector<16xi32>, vector<16xi32>], vector<16xi32>,
        %bitcast3A_748 = vector.bitcast %gather3A_746 : vector<16xi32> to vector<32xbf16>
        %bitcast3A_749 = vector.bitcast %gather3A_747 : vector<16xi32> to vector<32xbf16>
        %mul3A_750 = arith.mulf %bitcast3A_748, %bitcast3A_749 : vector<32xbf16>
        %bitcast3A_751 = vector.bitcast %mul3A_750 : vector<32xbf16> to vector<16xi32>
        %and3A_752 = arith.andi %bitcast3A_751, %broadcast_in_dim3A_261 : vector<16xi32>
        %bitcast3A_753 = vector.bitcast %and3A_752 : vector<16xi32> to vector<16xf32>
        %shift_left3A_754 = arith.constant 16 : i32
        %shift_left3A_755 = vector.broadcast %shift_left3A_754 : i32 to vector<16xi32>
        %shift_left3A_756 = arith.shli %bitcast3A_751, %shift_left3A_755 : vector<16xi32>
        %bitcast3A_757 = vector.bitcast %shift_left3A_756 : vector<16xi32> to vector<16xf32>
        %add3A_758 = arith.addf %add3A_726, %bitcast3A_753 : vector<16xf32>
        %add3A_759 = arith.addf %add3A_727, %bitcast3A_757 : vector<16xf32>
        scf.yield %add3A_742, %add3A_743, %add3A_758, %add3A_759 : vector<16xf32>, vector<16xf32>, vector<16xf32>, vector<16xf32>
      }
      %scan3A_267 = arith.constant 4 : i32
      %add3A_268 = arith.addf %scan3A_266#0, %scan3A_266#1 : vector<16xf32>
      %add3A_269 = arith.addf %scan3A_266#2, %scan3A_266#3 : vector<16xf32>
      %add3A_270 = arith.addf %add3A_268, %add3A_269 : vector<16xf32>
      %neg3A_271 = arith.constant 0.000000e+00 : f32
      %neg3A_272 = vector.broadcast %neg3A_271 : f32 to vector<16xf32>
      %neg3A_273 = arith.subf %neg3A_272, %add3A_270 : vector<16xf32>
      %exp3A_274 = math.exp %neg3A_273 : vector<16xf32>
      %add3A_275 = arith.constant 1.000000e+00 : f32
      %add3A_276 = vector.broadcast %add3A_275 : f32 to vector<16xf32>
      %add3A_277 = arith.addf %add3A_276, %exp3A_274 : vector<16xf32>
      %div3A_278 = arith.constant 1.000000e+00 : f32
      %div3A_279 = vector.broadcast %div3A_278 : f32 to vector<16xf32>
      %div3A_280 = arith.divf %div3A_279, %add3A_277 : vector<16xf32>
      %swap3A_281 = arith.constant 48 : index
      %swap3A_282 = tpu.vector_load %arg12[%swap3A_281] {strides = array<i32>} : memref<80xf32, #tpu.memory_space<vmem>>, vector<16xf32>,
      tpu.vector_store %arg12[%swap3A_281], %div3A_280 {strides = array<i32>} : memref<80xf32, #tpu.memory_space<vmem>>, vector<16xf32>,
      %add3A_283 = arith.constant 64 : i32
      %add3A_284 = vector.broadcast %add3A_283 : i32 to vector<16xi32>
      %add3A_285 = arith.addi %add3A_284, %iota3A : vector<16xi32>
      %broadcast_in_dim3A_286 = arith.constant 0.000000e+00 : f32
      %broadcast_in_dim3A_287 = vector.broadcast %broadcast_in_dim3A_286 : f32 to vector<16xf32>
      %broadcast_in_dim3A_288 = arith.constant -65536 : i32
      %broadcast_in_dim3A_289 = vector.broadcast %broadcast_in_dim3A_288 : i32 to vector<16xi32>
      %scan3A_290 = arith.constant 0 : i32
      %scan3A_291 = arith.constant 4 : i32
      %scan3A_292 = arith.addi %scan3A_290, %scan3A_291 : i32
      %scan3A_293 = arith.constant 1 : i32
      %scan3A_294:4 = scf.for %scan3A_500 = %scan3A_290 to %scan3A_292 step %scan3A_293 iter_args(%scan3A_501 = %broadcast_in_dim3A_287, %scan3A_502 = %broadcast_in_dim3A_287, %scan3A_503 = %broadcast_in_dim3A_287, %scan3A_504 = %broadcast_in_dim3A_287) -> (vector<16xf32>, vector<16xf32>, vector<16xf32>, vector<16xf32>)  : i32 {
        %mul3A_505 = arith.constant 16 : i32
        %mul3A_506 = arith.muli %scan3A_500, %mul3A_505 : i32
        %add3A_507 = vector.broadcast %mul3A_506 : i32 to vector<16xi32>
        %add3A_508 = arith.addi %and3A_17, %add3A_507 : vector<16xi32>
        %gather3A = tpu.vector_load_idx %arg8[%add3A_285, %add3A_508] : memref<80x64xi32, #tpu.memory_space<vmem>>[vector<16xi32>, vector<16xi32>], vector<16xi32>,
        %gather3A_509 = tpu.vector_load_idx %arg10[%add3A_285, %add3A_508] : memref<80x64xi32, #tpu.memory_space<vmem>>[vector<16xi32>, vector<16xi32>], vector<16xi32>,
        %bitcast3A = vector.bitcast %gather3A : vector<16xi32> to vector<32xbf16>
        %bitcast3A_510 = vector.bitcast %gather3A_509 : vector<16xi32> to vector<32xbf16>
        %mul3A_511 = arith.mulf %bitcast3A, %bitcast3A_510 : vector<32xbf16>
        %bitcast3A_512 = vector.bitcast %mul3A_511 : vector<32xbf16> to vector<16xi32>
        %and3A_513 = arith.andi %bitcast3A_512, %broadcast_in_dim3A_289 : vector<16xi32>
        %bitcast3A_514 = vector.bitcast %and3A_513 : vector<16xi32> to vector<16xf32>
        %shift_left3A = arith.constant 16 : i32
        %shift_left3A_515 = vector.broadcast %shift_left3A : i32 to vector<16xi32>
        %shift_left3A_516 = arith.shli %bitcast3A_512, %shift_left3A_515 : vector<16xi32>
        %bitcast3A_517 = vector.bitcast %shift_left3A_516 : vector<16xi32> to vector<16xf32>
        %add3A_518 = arith.addf %scan3A_501, %bitcast3A_514 : vector<16xf32>
        %add3A_519 = arith.addf %scan3A_502, %bitcast3A_517 : vector<16xf32>
        %add3A_520 = vector.broadcast %mul3A_506 : i32 to vector<16xi32>
        %add3A_521 = arith.addi %and3A_23, %add3A_520 : vector<16xi32>
        %gather3A_522 = tpu.vector_load_idx %arg8[%add3A_285, %add3A_521] : memref<80x64xi32, #tpu.memory_space<vmem>>[vector<16xi32>, vector<16xi32>], vector<16xi32>,
        %gather3A_523 = tpu.vector_load_idx %arg10[%add3A_285, %add3A_521] : memref<80x64xi32, #tpu.memory_space<vmem>>[vector<16xi32>, vector<16xi32>], vector<16xi32>,
        %bitcast3A_524 = vector.bitcast %gather3A_522 : vector<16xi32> to vector<32xbf16>
        %bitcast3A_525 = vector.bitcast %gather3A_523 : vector<16xi32> to vector<32xbf16>
        %mul3A_526 = arith.mulf %bitcast3A_524, %bitcast3A_525 : vector<32xbf16>
        %bitcast3A_527 = vector.bitcast %mul3A_526 : vector<32xbf16> to vector<16xi32>
        %and3A_528 = arith.andi %bitcast3A_527, %broadcast_in_dim3A_289 : vector<16xi32>
        %bitcast3A_529 = vector.bitcast %and3A_528 : vector<16xi32> to vector<16xf32>
        %shift_left3A_530 = arith.constant 16 : i32
        %shift_left3A_531 = vector.broadcast %shift_left3A_530 : i32 to vector<16xi32>
        %shift_left3A_532 = arith.shli %bitcast3A_527, %shift_left3A_531 : vector<16xi32>
        %bitcast3A_533 = vector.bitcast %shift_left3A_532 : vector<16xi32> to vector<16xf32>
        %add3A_534 = arith.addf %scan3A_503, %bitcast3A_529 : vector<16xf32>
        %add3A_535 = arith.addf %scan3A_504, %bitcast3A_533 : vector<16xf32>
        %add3A_536 = vector.broadcast %mul3A_506 : i32 to vector<16xi32>
        %add3A_537 = arith.addi %and3A_29, %add3A_536 : vector<16xi32>
        %gather3A_538 = tpu.vector_load_idx %arg8[%add3A_285, %add3A_537] : memref<80x64xi32, #tpu.memory_space<vmem>>[vector<16xi32>, vector<16xi32>], vector<16xi32>,
        %gather3A_539 = tpu.vector_load_idx %arg10[%add3A_285, %add3A_537] : memref<80x64xi32, #tpu.memory_space<vmem>>[vector<16xi32>, vector<16xi32>], vector<16xi32>,
        %bitcast3A_540 = vector.bitcast %gather3A_538 : vector<16xi32> to vector<32xbf16>
        %bitcast3A_541 = vector.bitcast %gather3A_539 : vector<16xi32> to vector<32xbf16>
        %mul3A_542 = arith.mulf %bitcast3A_540, %bitcast3A_541 : vector<32xbf16>
        %bitcast3A_543 = vector.bitcast %mul3A_542 : vector<32xbf16> to vector<16xi32>
        %and3A_544 = arith.andi %bitcast3A_543, %broadcast_in_dim3A_289 : vector<16xi32>
        %bitcast3A_545 = vector.bitcast %and3A_544 : vector<16xi32> to vector<16xf32>
        %shift_left3A_546 = arith.constant 16 : i32
        %shift_left3A_547 = vector.broadcast %shift_left3A_546 : i32 to vector<16xi32>
        %shift_left3A_548 = arith.shli %bitcast3A_543, %shift_left3A_547 : vector<16xi32>
        %bitcast3A_549 = vector.bitcast %shift_left3A_548 : vector<16xi32> to vector<16xf32>
        %add3A_550 = arith.addf %add3A_518, %bitcast3A_545 : vector<16xf32>
        %add3A_551 = arith.addf %add3A_519, %bitcast3A_549 : vector<16xf32>
        %add3A_552 = vector.broadcast %mul3A_506 : i32 to vector<16xi32>
        %add3A_553 = arith.addi %and3A_35, %add3A_552 : vector<16xi32>
        %gather3A_554 = tpu.vector_load_idx %arg8[%add3A_285, %add3A_553] : memref<80x64xi32, #tpu.memory_space<vmem>>[vector<16xi32>, vector<16xi32>], vector<16xi32>,
        %gather3A_555 = tpu.vector_load_idx %arg10[%add3A_285, %add3A_553] : memref<80x64xi32, #tpu.memory_space<vmem>>[vector<16xi32>, vector<16xi32>], vector<16xi32>,
        %bitcast3A_556 = vector.bitcast %gather3A_554 : vector<16xi32> to vector<32xbf16>
        %bitcast3A_557 = vector.bitcast %gather3A_555 : vector<16xi32> to vector<32xbf16>
        %mul3A_558 = arith.mulf %bitcast3A_556, %bitcast3A_557 : vector<32xbf16>
        %bitcast3A_559 = vector.bitcast %mul3A_558 : vector<32xbf16> to vector<16xi32>
        %and3A_560 = arith.andi %bitcast3A_559, %broadcast_in_dim3A_289 : vector<16xi32>
        %bitcast3A_561 = vector.bitcast %and3A_560 : vector<16xi32> to vector<16xf32>
        %shift_left3A_562 = arith.constant 16 : i32
        %shift_left3A_563 = vector.broadcast %shift_left3A_562 : i32 to vector<16xi32>
        %shift_left3A_564 = arith.shli %bitcast3A_559, %shift_left3A_563 : vector<16xi32>
        %bitcast3A_565 = vector.bitcast %shift_left3A_564 : vector<16xi32> to vector<16xf32>
        %add3A_566 = arith.addf %add3A_534, %bitcast3A_561 : vector<16xf32>
        %add3A_567 = arith.addf %add3A_535, %bitcast3A_565 : vector<16xf32>
        %add3A_568 = vector.broadcast %mul3A_506 : i32 to vector<16xi32>
        %add3A_569 = arith.addi %and3A_41, %add3A_568 : vector<16xi32>
        %gather3A_570 = tpu.vector_load_idx %arg8[%add3A_285, %add3A_569] : memref<80x64xi32, #tpu.memory_space<vmem>>[vector<16xi32>, vector<16xi32>], vector<16xi32>,
        %gather3A_571 = tpu.vector_load_idx %arg10[%add3A_285, %add3A_569] : memref<80x64xi32, #tpu.memory_space<vmem>>[vector<16xi32>, vector<16xi32>], vector<16xi32>,
        %bitcast3A_572 = vector.bitcast %gather3A_570 : vector<16xi32> to vector<32xbf16>
        %bitcast3A_573 = vector.bitcast %gather3A_571 : vector<16xi32> to vector<32xbf16>
        %mul3A_574 = arith.mulf %bitcast3A_572, %bitcast3A_573 : vector<32xbf16>
        %bitcast3A_575 = vector.bitcast %mul3A_574 : vector<32xbf16> to vector<16xi32>
        %and3A_576 = arith.andi %bitcast3A_575, %broadcast_in_dim3A_289 : vector<16xi32>
        %bitcast3A_577 = vector.bitcast %and3A_576 : vector<16xi32> to vector<16xf32>
        %shift_left3A_578 = arith.constant 16 : i32
        %shift_left3A_579 = vector.broadcast %shift_left3A_578 : i32 to vector<16xi32>
        %shift_left3A_580 = arith.shli %bitcast3A_575, %shift_left3A_579 : vector<16xi32>
        %bitcast3A_581 = vector.bitcast %shift_left3A_580 : vector<16xi32> to vector<16xf32>
        %add3A_582 = arith.addf %add3A_550, %bitcast3A_577 : vector<16xf32>
        %add3A_583 = arith.addf %add3A_551, %bitcast3A_581 : vector<16xf32>
        %add3A_584 = vector.broadcast %mul3A_506 : i32 to vector<16xi32>
        %add3A_585 = arith.addi %and3A_47, %add3A_584 : vector<16xi32>
        %gather3A_586 = tpu.vector_load_idx %arg8[%add3A_285, %add3A_585] : memref<80x64xi32, #tpu.memory_space<vmem>>[vector<16xi32>, vector<16xi32>], vector<16xi32>,
        %gather3A_587 = tpu.vector_load_idx %arg10[%add3A_285, %add3A_585] : memref<80x64xi32, #tpu.memory_space<vmem>>[vector<16xi32>, vector<16xi32>], vector<16xi32>,
        %bitcast3A_588 = vector.bitcast %gather3A_586 : vector<16xi32> to vector<32xbf16>
        %bitcast3A_589 = vector.bitcast %gather3A_587 : vector<16xi32> to vector<32xbf16>
        %mul3A_590 = arith.mulf %bitcast3A_588, %bitcast3A_589 : vector<32xbf16>
        %bitcast3A_591 = vector.bitcast %mul3A_590 : vector<32xbf16> to vector<16xi32>
        %and3A_592 = arith.andi %bitcast3A_591, %broadcast_in_dim3A_289 : vector<16xi32>
        %bitcast3A_593 = vector.bitcast %and3A_592 : vector<16xi32> to vector<16xf32>
        %shift_left3A_594 = arith.constant 16 : i32
        %shift_left3A_595 = vector.broadcast %shift_left3A_594 : i32 to vector<16xi32>
        %shift_left3A_596 = arith.shli %bitcast3A_591, %shift_left3A_595 : vector<16xi32>
        %bitcast3A_597 = vector.bitcast %shift_left3A_596 : vector<16xi32> to vector<16xf32>
        %add3A_598 = arith.addf %add3A_566, %bitcast3A_593 : vector<16xf32>
        %add3A_599 = arith.addf %add3A_567, %bitcast3A_597 : vector<16xf32>
        %add3A_600 = vector.broadcast %mul3A_506 : i32 to vector<16xi32>
        %add3A_601 = arith.addi %and3A_53, %add3A_600 : vector<16xi32>
        %gather3A_602 = tpu.vector_load_idx %arg8[%add3A_285, %add3A_601] : memref<80x64xi32, #tpu.memory_space<vmem>>[vector<16xi32>, vector<16xi32>], vector<16xi32>,
        %gather3A_603 = tpu.vector_load_idx %arg10[%add3A_285, %add3A_601] : memref<80x64xi32, #tpu.memory_space<vmem>>[vector<16xi32>, vector<16xi32>], vector<16xi32>,
        %bitcast3A_604 = vector.bitcast %gather3A_602 : vector<16xi32> to vector<32xbf16>
        %bitcast3A_605 = vector.bitcast %gather3A_603 : vector<16xi32> to vector<32xbf16>
        %mul3A_606 = arith.mulf %bitcast3A_604, %bitcast3A_605 : vector<32xbf16>
        %bitcast3A_607 = vector.bitcast %mul3A_606 : vector<32xbf16> to vector<16xi32>
        %and3A_608 = arith.andi %bitcast3A_607, %broadcast_in_dim3A_289 : vector<16xi32>
        %bitcast3A_609 = vector.bitcast %and3A_608 : vector<16xi32> to vector<16xf32>
        %shift_left3A_610 = arith.constant 16 : i32
        %shift_left3A_611 = vector.broadcast %shift_left3A_610 : i32 to vector<16xi32>
        %shift_left3A_612 = arith.shli %bitcast3A_607, %shift_left3A_611 : vector<16xi32>
        %bitcast3A_613 = vector.bitcast %shift_left3A_612 : vector<16xi32> to vector<16xf32>
        %add3A_614 = arith.addf %add3A_582, %bitcast3A_609 : vector<16xf32>
        %add3A_615 = arith.addf %add3A_583, %bitcast3A_613 : vector<16xf32>
        %add3A_616 = vector.broadcast %mul3A_506 : i32 to vector<16xi32>
        %add3A_617 = arith.addi %and3A_59, %add3A_616 : vector<16xi32>
        %gather3A_618 = tpu.vector_load_idx %arg8[%add3A_285, %add3A_617] : memref<80x64xi32, #tpu.memory_space<vmem>>[vector<16xi32>, vector<16xi32>], vector<16xi32>,
        %gather3A_619 = tpu.vector_load_idx %arg10[%add3A_285, %add3A_617] : memref<80x64xi32, #tpu.memory_space<vmem>>[vector<16xi32>, vector<16xi32>], vector<16xi32>,
        %bitcast3A_620 = vector.bitcast %gather3A_618 : vector<16xi32> to vector<32xbf16>
        %bitcast3A_621 = vector.bitcast %gather3A_619 : vector<16xi32> to vector<32xbf16>
        %mul3A_622 = arith.mulf %bitcast3A_620, %bitcast3A_621 : vector<32xbf16>
        %bitcast3A_623 = vector.bitcast %mul3A_622 : vector<32xbf16> to vector<16xi32>
        %and3A_624 = arith.andi %bitcast3A_623, %broadcast_in_dim3A_289 : vector<16xi32>
        %bitcast3A_625 = vector.bitcast %and3A_624 : vector<16xi32> to vector<16xf32>
        %shift_left3A_626 = arith.constant 16 : i32
        %shift_left3A_627 = vector.broadcast %shift_left3A_626 : i32 to vector<16xi32>
        %shift_left3A_628 = arith.shli %bitcast3A_623, %shift_left3A_627 : vector<16xi32>
        %bitcast3A_629 = vector.bitcast %shift_left3A_628 : vector<16xi32> to vector<16xf32>
        %add3A_630 = arith.addf %add3A_598, %bitcast3A_625 : vector<16xf32>
        %add3A_631 = arith.addf %add3A_599, %bitcast3A_629 : vector<16xf32>
        %add3A_632 = vector.broadcast %mul3A_506 : i32 to vector<16xi32>
        %add3A_633 = arith.addi %and3A_65, %add3A_632 : vector<16xi32>
        %gather3A_634 = tpu.vector_load_idx %arg8[%add3A_285, %add3A_633] : memref<80x64xi32, #tpu.memory_space<vmem>>[vector<16xi32>, vector<16xi32>], vector<16xi32>,
        %gather3A_635 = tpu.vector_load_idx %arg10[%add3A_285, %add3A_633] : memref<80x64xi32, #tpu.memory_space<vmem>>[vector<16xi32>, vector<16xi32>], vector<16xi32>,
        %bitcast3A_636 = vector.bitcast %gather3A_634 : vector<16xi32> to vector<32xbf16>
        %bitcast3A_637 = vector.bitcast %gather3A_635 : vector<16xi32> to vector<32xbf16>
        %mul3A_638 = arith.mulf %bitcast3A_636, %bitcast3A_637 : vector<32xbf16>
        %bitcast3A_639 = vector.bitcast %mul3A_638 : vector<32xbf16> to vector<16xi32>
        %and3A_640 = arith.andi %bitcast3A_639, %broadcast_in_dim3A_289 : vector<16xi32>
        %bitcast3A_641 = vector.bitcast %and3A_640 : vector<16xi32> to vector<16xf32>
        %shift_left3A_642 = arith.constant 16 : i32
        %shift_left3A_643 = vector.broadcast %shift_left3A_642 : i32 to vector<16xi32>
        %shift_left3A_644 = arith.shli %bitcast3A_639, %shift_left3A_643 : vector<16xi32>
        %bitcast3A_645 = vector.bitcast %shift_left3A_644 : vector<16xi32> to vector<16xf32>
        %add3A_646 = arith.addf %add3A_614, %bitcast3A_641 : vector<16xf32>
        %add3A_647 = arith.addf %add3A_615, %bitcast3A_645 : vector<16xf32>
        %add3A_648 = vector.broadcast %mul3A_506 : i32 to vector<16xi32>
        %add3A_649 = arith.addi %and3A_71, %add3A_648 : vector<16xi32>
        %gather3A_650 = tpu.vector_load_idx %arg8[%add3A_285, %add3A_649] : memref<80x64xi32, #tpu.memory_space<vmem>>[vector<16xi32>, vector<16xi32>], vector<16xi32>,
        %gather3A_651 = tpu.vector_load_idx %arg10[%add3A_285, %add3A_649] : memref<80x64xi32, #tpu.memory_space<vmem>>[vector<16xi32>, vector<16xi32>], vector<16xi32>,
        %bitcast3A_652 = vector.bitcast %gather3A_650 : vector<16xi32> to vector<32xbf16>
        %bitcast3A_653 = vector.bitcast %gather3A_651 : vector<16xi32> to vector<32xbf16>
        %mul3A_654 = arith.mulf %bitcast3A_652, %bitcast3A_653 : vector<32xbf16>
        %bitcast3A_655 = vector.bitcast %mul3A_654 : vector<32xbf16> to vector<16xi32>
        %and3A_656 = arith.andi %bitcast3A_655, %broadcast_in_dim3A_289 : vector<16xi32>
        %bitcast3A_657 = vector.bitcast %and3A_656 : vector<16xi32> to vector<16xf32>
        %shift_left3A_658 = arith.constant 16 : i32
        %shift_left3A_659 = vector.broadcast %shift_left3A_658 : i32 to vector<16xi32>
        %shift_left3A_660 = arith.shli %bitcast3A_655, %shift_left3A_659 : vector<16xi32>
        %bitcast3A_661 = vector.bitcast %shift_left3A_660 : vector<16xi32> to vector<16xf32>
        %add3A_662 = arith.addf %add3A_630, %bitcast3A_657 : vector<16xf32>
        %add3A_663 = arith.addf %add3A_631, %bitcast3A_661 : vector<16xf32>
        %add3A_664 = vector.broadcast %mul3A_506 : i32 to vector<16xi32>
        %add3A_665 = arith.addi %and3A_77, %add3A_664 : vector<16xi32>
        %gather3A_666 = tpu.vector_load_idx %arg8[%add3A_285, %add3A_665] : memref<80x64xi32, #tpu.memory_space<vmem>>[vector<16xi32>, vector<16xi32>], vector<16xi32>,
        %gather3A_667 = tpu.vector_load_idx %arg10[%add3A_285, %add3A_665] : memref<80x64xi32, #tpu.memory_space<vmem>>[vector<16xi32>, vector<16xi32>], vector<16xi32>,
        %bitcast3A_668 = vector.bitcast %gather3A_666 : vector<16xi32> to vector<32xbf16>
        %bitcast3A_669 = vector.bitcast %gather3A_667 : vector<16xi32> to vector<32xbf16>
        %mul3A_670 = arith.mulf %bitcast3A_668, %bitcast3A_669 : vector<32xbf16>
        %bitcast3A_671 = vector.bitcast %mul3A_670 : vector<32xbf16> to vector<16xi32>
        %and3A_672 = arith.andi %bitcast3A_671, %broadcast_in_dim3A_289 : vector<16xi32>
        %bitcast3A_673 = vector.bitcast %and3A_672 : vector<16xi32> to vector<16xf32>
        %shift_left3A_674 = arith.constant 16 : i32
        %shift_left3A_675 = vector.broadcast %shift_left3A_674 : i32 to vector<16xi32>
        %shift_left3A_676 = arith.shli %bitcast3A_671, %shift_left3A_675 : vector<16xi32>
        %bitcast3A_677 = vector.bitcast %shift_left3A_676 : vector<16xi32> to vector<16xf32>
        %add3A_678 = arith.addf %add3A_646, %bitcast3A_673 : vector<16xf32>
        %add3A_679 = arith.addf %add3A_647, %bitcast3A_677 : vector<16xf32>
        %add3A_680 = vector.broadcast %mul3A_506 : i32 to vector<16xi32>
        %add3A_681 = arith.addi %and3A_83, %add3A_680 : vector<16xi32>
        %gather3A_682 = tpu.vector_load_idx %arg8[%add3A_285, %add3A_681] : memref<80x64xi32, #tpu.memory_space<vmem>>[vector<16xi32>, vector<16xi32>], vector<16xi32>,
        %gather3A_683 = tpu.vector_load_idx %arg10[%add3A_285, %add3A_681] : memref<80x64xi32, #tpu.memory_space<vmem>>[vector<16xi32>, vector<16xi32>], vector<16xi32>,
        %bitcast3A_684 = vector.bitcast %gather3A_682 : vector<16xi32> to vector<32xbf16>
        %bitcast3A_685 = vector.bitcast %gather3A_683 : vector<16xi32> to vector<32xbf16>
        %mul3A_686 = arith.mulf %bitcast3A_684, %bitcast3A_685 : vector<32xbf16>
        %bitcast3A_687 = vector.bitcast %mul3A_686 : vector<32xbf16> to vector<16xi32>
        %and3A_688 = arith.andi %bitcast3A_687, %broadcast_in_dim3A_289 : vector<16xi32>
        %bitcast3A_689 = vector.bitcast %and3A_688 : vector<16xi32> to vector<16xf32>
        %shift_left3A_690 = arith.constant 16 : i32
        %shift_left3A_691 = vector.broadcast %shift_left3A_690 : i32 to vector<16xi32>
        %shift_left3A_692 = arith.shli %bitcast3A_687, %shift_left3A_691 : vector<16xi32>
        %bitcast3A_693 = vector.bitcast %shift_left3A_692 : vector<16xi32> to vector<16xf32>
        %add3A_694 = arith.addf %add3A_662, %bitcast3A_689 : vector<16xf32>
        %add3A_695 = arith.addf %add3A_663, %bitcast3A_693 : vector<16xf32>
        %add3A_696 = vector.broadcast %mul3A_506 : i32 to vector<16xi32>
        %add3A_697 = arith.addi %and3A_89, %add3A_696 : vector<16xi32>
        %gather3A_698 = tpu.vector_load_idx %arg8[%add3A_285, %add3A_697] : memref<80x64xi32, #tpu.memory_space<vmem>>[vector<16xi32>, vector<16xi32>], vector<16xi32>,
        %gather3A_699 = tpu.vector_load_idx %arg10[%add3A_285, %add3A_697] : memref<80x64xi32, #tpu.memory_space<vmem>>[vector<16xi32>, vector<16xi32>], vector<16xi32>,
        %bitcast3A_700 = vector.bitcast %gather3A_698 : vector<16xi32> to vector<32xbf16>
        %bitcast3A_701 = vector.bitcast %gather3A_699 : vector<16xi32> to vector<32xbf16>
        %mul3A_702 = arith.mulf %bitcast3A_700, %bitcast3A_701 : vector<32xbf16>
        %bitcast3A_703 = vector.bitcast %mul3A_702 : vector<32xbf16> to vector<16xi32>
        %and3A_704 = arith.andi %bitcast3A_703, %broadcast_in_dim3A_289 : vector<16xi32>
        %bitcast3A_705 = vector.bitcast %and3A_704 : vector<16xi32> to vector<16xf32>
        %shift_left3A_706 = arith.constant 16 : i32
        %shift_left3A_707 = vector.broadcast %shift_left3A_706 : i32 to vector<16xi32>
        %shift_left3A_708 = arith.shli %bitcast3A_703, %shift_left3A_707 : vector<16xi32>
        %bitcast3A_709 = vector.bitcast %shift_left3A_708 : vector<16xi32> to vector<16xf32>
        %add3A_710 = arith.addf %add3A_678, %bitcast3A_705 : vector<16xf32>
        %add3A_711 = arith.addf %add3A_679, %bitcast3A_709 : vector<16xf32>
        %add3A_712 = vector.broadcast %mul3A_506 : i32 to vector<16xi32>
        %add3A_713 = arith.addi %and3A_95, %add3A_712 : vector<16xi32>
        %gather3A_714 = tpu.vector_load_idx %arg8[%add3A_285, %add3A_713] : memref<80x64xi32, #tpu.memory_space<vmem>>[vector<16xi32>, vector<16xi32>], vector<16xi32>,
        %gather3A_715 = tpu.vector_load_idx %arg10[%add3A_285, %add3A_713] : memref<80x64xi32, #tpu.memory_space<vmem>>[vector<16xi32>, vector<16xi32>], vector<16xi32>,
        %bitcast3A_716 = vector.bitcast %gather3A_714 : vector<16xi32> to vector<32xbf16>
        %bitcast3A_717 = vector.bitcast %gather3A_715 : vector<16xi32> to vector<32xbf16>
        %mul3A_718 = arith.mulf %bitcast3A_716, %bitcast3A_717 : vector<32xbf16>
        %bitcast3A_719 = vector.bitcast %mul3A_718 : vector<32xbf16> to vector<16xi32>
        %and3A_720 = arith.andi %bitcast3A_719, %broadcast_in_dim3A_289 : vector<16xi32>
        %bitcast3A_721 = vector.bitcast %and3A_720 : vector<16xi32> to vector<16xf32>
        %shift_left3A_722 = arith.constant 16 : i32
        %shift_left3A_723 = vector.broadcast %shift_left3A_722 : i32 to vector<16xi32>
        %shift_left3A_724 = arith.shli %bitcast3A_719, %shift_left3A_723 : vector<16xi32>
        %bitcast3A_725 = vector.bitcast %shift_left3A_724 : vector<16xi32> to vector<16xf32>
        %add3A_726 = arith.addf %add3A_694, %bitcast3A_721 : vector<16xf32>
        %add3A_727 = arith.addf %add3A_695, %bitcast3A_725 : vector<16xf32>
        %add3A_728 = vector.broadcast %mul3A_506 : i32 to vector<16xi32>
        %add3A_729 = arith.addi %and3A_101, %add3A_728 : vector<16xi32>
        %gather3A_730 = tpu.vector_load_idx %arg8[%add3A_285, %add3A_729] : memref<80x64xi32, #tpu.memory_space<vmem>>[vector<16xi32>, vector<16xi32>], vector<16xi32>,
        %gather3A_731 = tpu.vector_load_idx %arg10[%add3A_285, %add3A_729] : memref<80x64xi32, #tpu.memory_space<vmem>>[vector<16xi32>, vector<16xi32>], vector<16xi32>,
        %bitcast3A_732 = vector.bitcast %gather3A_730 : vector<16xi32> to vector<32xbf16>
        %bitcast3A_733 = vector.bitcast %gather3A_731 : vector<16xi32> to vector<32xbf16>
        %mul3A_734 = arith.mulf %bitcast3A_732, %bitcast3A_733 : vector<32xbf16>
        %bitcast3A_735 = vector.bitcast %mul3A_734 : vector<32xbf16> to vector<16xi32>
        %and3A_736 = arith.andi %bitcast3A_735, %broadcast_in_dim3A_289 : vector<16xi32>
        %bitcast3A_737 = vector.bitcast %and3A_736 : vector<16xi32> to vector<16xf32>
        %shift_left3A_738 = arith.constant 16 : i32
        %shift_left3A_739 = vector.broadcast %shift_left3A_738 : i32 to vector<16xi32>
        %shift_left3A_740 = arith.shli %bitcast3A_735, %shift_left3A_739 : vector<16xi32>
        %bitcast3A_741 = vector.bitcast %shift_left3A_740 : vector<16xi32> to vector<16xf32>
        %add3A_742 = arith.addf %add3A_710, %bitcast3A_737 : vector<16xf32>
        %add3A_743 = arith.addf %add3A_711, %bitcast3A_741 : vector<16xf32>
        %add3A_744 = vector.broadcast %mul3A_506 : i32 to vector<16xi32>
        %add3A_745 = arith.addi %and3A_107, %add3A_744 : vector<16xi32>
        %gather3A_746 = tpu.vector_load_idx %arg8[%add3A_285, %add3A_745] : memref<80x64xi32, #tpu.memory_space<vmem>>[vector<16xi32>, vector<16xi32>], vector<16xi32>,
        %gather3A_747 = tpu.vector_load_idx %arg10[%add3A_285, %add3A_745] : memref<80x64xi32, #tpu.memory_space<vmem>>[vector<16xi32>, vector<16xi32>], vector<16xi32>,
        %bitcast3A_748 = vector.bitcast %gather3A_746 : vector<16xi32> to vector<32xbf16>
        %bitcast3A_749 = vector.bitcast %gather3A_747 : vector<16xi32> to vector<32xbf16>
        %mul3A_750 = arith.mulf %bitcast3A_748, %bitcast3A_749 : vector<32xbf16>
        %bitcast3A_751 = vector.bitcast %mul3A_750 : vector<32xbf16> to vector<16xi32>
        %and3A_752 = arith.andi %bitcast3A_751, %broadcast_in_dim3A_289 : vector<16xi32>
        %bitcast3A_753 = vector.bitcast %and3A_752 : vector<16xi32> to vector<16xf32>
        %shift_left3A_754 = arith.constant 16 : i32
        %shift_left3A_755 = vector.broadcast %shift_left3A_754 : i32 to vector<16xi32>
        %shift_left3A_756 = arith.shli %bitcast3A_751, %shift_left3A_755 : vector<16xi32>
        %bitcast3A_757 = vector.bitcast %shift_left3A_756 : vector<16xi32> to vector<16xf32>
        %add3A_758 = arith.addf %add3A_726, %bitcast3A_753 : vector<16xf32>
        %add3A_759 = arith.addf %add3A_727, %bitcast3A_757 : vector<16xf32>
        scf.yield %add3A_742, %add3A_743, %add3A_758, %add3A_759 : vector<16xf32>, vector<16xf32>, vector<16xf32>, vector<16xf32>
      }
      %scan3A_295 = arith.constant 4 : i32
      %add3A_296 = arith.addf %scan3A_294#0, %scan3A_294#1 : vector<16xf32>
      %add3A_297 = arith.addf %scan3A_294#2, %scan3A_294#3 : vector<16xf32>
      %add3A_298 = arith.addf %add3A_296, %add3A_297 : vector<16xf32>
      %neg3A_299 = arith.constant 0.000000e+00 : f32
      %neg3A_300 = vector.broadcast %neg3A_299 : f32 to vector<16xf32>
      %neg3A_301 = arith.subf %neg3A_300, %add3A_298 : vector<16xf32>
      %exp3A_302 = math.exp %neg3A_301 : vector<16xf32>
      %add3A_303 = arith.constant 1.000000e+00 : f32
      %add3A_304 = vector.broadcast %add3A_303 : f32 to vector<16xf32>
      %add3A_305 = arith.addf %add3A_304, %exp3A_302 : vector<16xf32>
      %div3A_306 = arith.constant 1.000000e+00 : f32
      %div3A_307 = vector.broadcast %div3A_306 : f32 to vector<16xf32>
      %div3A_308 = arith.divf %div3A_307, %add3A_305 : vector<16xf32>
      %swap3A_309 = arith.constant 64 : index
      %swap3A_310 = tpu.vector_load %arg12[%swap3A_309] {strides = array<i32>} : memref<80xf32, #tpu.memory_space<vmem>>, vector<16xf32>,
      tpu.vector_store %arg12[%swap3A_309], %div3A_308 {strides = array<i32>} : memref<80xf32, #tpu.memory_space<vmem>>, vector<16xf32>,
      %min3A_311 = arith.constant 124 : i32
      %min3A_312 = arith.minsi %mul3A_148, %min3A_311 : i32
      %add3A_313 = arith.addi %mul3A_2, %min3A_312 : i32
      %mul3A_314 = arith.constant 80 : i32
      %mul3A_315 = arith.muli %add3A_313, %mul3A_314 : i32
      %dma_start3A_316 = tpu.memref_slice %arg4[%mul3A_315] : memref<320000xf32, #tpu.memory_space<hbm>> -> memref<80xf32, #tpu.memory_space<hbm>>
      %dma_start3A_317 = tpu.memref_slice %arg4[%mul3A_315] : memref<320000xf32, #tpu.memory_space<hbm>> -> memref<80xf32, #tpu.memory_space<hbm>>
      tpu.enqueue_dma source(%arg12 : memref<80xf32, #tpu.memory_space<vmem>>) target(%dma_start3A_317 : memref<80xf32, #tpu.memory_space<hbm>>) target_semaphore(%arg16 : memref<!tpu.dma_semaphore, #tpu.memory_space<semaphore_mem>>)
      %mul3A_318 = arith.constant 2 : i32
      %mul3A_319 = arith.muli %mul3A_318, %scan3A_146 : i32
      %add3A_320 = arith.constant 1 : i32
      %add3A_321 = arith.addi %mul3A_319, %add3A_320 : i32
      %dma_wait3A_322 = arith.constant 0 : i32
      %dma_wait3A_323 = arith.constant 0 : i32
      %dma_wait3A_324 = tpu.memref_slice %arg2[%dma_wait3A_322, %dma_wait3A_323] : memref<10000x64xi32, #tpu.memory_space<hbm>> -> memref<80x64xi32, #tpu.memory_space<hbm>>
      %dma_wait3A_325 = arith.constant 0 : i32
      %dma_wait3A_326 = arith.constant 0 : i32
      %dma_wait3A_327 = tpu.memref_slice %arg2[%dma_wait3A_325, %dma_wait3A_326] : memref<10000x64xi32, #tpu.memory_space<hbm>> -> memref<80x64xi32, #tpu.memory_space<hbm>>
      tpu.wait_dma2 semaphore(%arg14 : memref<!tpu.dma_semaphore, #tpu.memory_space<semaphore_mem>>) src(%dma_wait3A_327 : memref<80x64xi32, #tpu.memory_space<hbm>>) dst(%arg9 : memref<80x64xi32, #tpu.memory_space<vmem>>)
      %dma_wait3A_328 = arith.constant 0 : i32
      %dma_wait3A_329 = arith.constant 0 : i32
      %dma_wait3A_330 = tpu.memref_slice %arg2[%dma_wait3A_328, %dma_wait3A_329] : memref<10000x64xi32, #tpu.memory_space<hbm>> -> memref<80x64xi32, #tpu.memory_space<hbm>>
      %dma_wait3A_331 = arith.constant 0 : i32
      %dma_wait3A_332 = arith.constant 0 : i32
      %dma_wait3A_333 = tpu.memref_slice %arg2[%dma_wait3A_331, %dma_wait3A_332] : memref<10000x64xi32, #tpu.memory_space<hbm>> -> memref<80x64xi32, #tpu.memory_space<hbm>>
      tpu.wait_dma2 semaphore(%arg14 : memref<!tpu.dma_semaphore, #tpu.memory_space<semaphore_mem>>) src(%dma_wait3A_333 : memref<80x64xi32, #tpu.memory_space<hbm>>) dst(%arg11 : memref<80x64xi32, #tpu.memory_space<vmem>>)
      %add3A_334 = arith.constant 1 : i32
      %add3A_335 = arith.addi %add3A_321, %add3A_334 : i32
      %lt3A_336 = arith.constant 126 : i32
      %lt3A_337 = arith.cmpi slt, %add3A_335, %lt3A_336 : i32
      %convert_element_type3A_338 = arith.extui %lt3A_337 : i1 to i32
      %cond3A_339 = arith.constant 0 : i32
      %cond3A_340 = arith.cmpi ne, %convert_element_type3A_338, %cond3A_339 : i32
      scf.if %cond3A_340 {
        %dma_wait3A_500 = arith.constant 0 : i32
        %dma_wait3A_501 = arith.constant 0 : i32
        %dma_wait3A_502 = tpu.memref_slice %arg3[%dma_wait3A_500, %dma_wait3A_501] : memref<2x320000xi32, #tpu.memory_space<hbm>> -> memref<2x80xi32, #tpu.memory_space<hbm>>
        %dma_wait3A_503 = arith.constant 0 : i32
        %dma_wait3A_504 = arith.constant 0 : i32
        %dma_wait3A_505 = tpu.memref_slice %arg3[%dma_wait3A_503, %dma_wait3A_504] : memref<2x320000xi32, #tpu.memory_space<hbm>> -> memref<2x80xi32, #tpu.memory_space<hbm>>
        tpu.wait_dma2 semaphore(%arg15 : memref<!tpu.dma_semaphore, #tpu.memory_space<semaphore_mem>>) src(%dma_wait3A_505 : memref<2x80xi32, #tpu.memory_space<hbm>>) dst(%arg6 : memref<2x80xi32, #tpu.memory_space<vmem>>)
        %dma_start3A_506 = arith.constant 0 : i32
        %dma_start3A_507 = arith.constant 0 : i32
        %dma_start3A_508 = tpu.memref_slice %arg6[%dma_start3A_506, %dma_start3A_507] : memref<2x80xi32, #tpu.memory_space<vmem>> -> memref<1x80xi32, #tpu.memory_space<vmem>>
        %dma_start3A_509 = tpu.memref_squeeze %dma_start3A_508 : memref<1x80xi32, #tpu.memory_space<vmem>> -> memref<80xi32, #tpu.memory_space<vmem>>
        %dma_start3A_510 = arith.constant 0 : i32
        %dma_start3A_511 = arith.constant 0 : i32
        %dma_start3A_512 = tpu.memref_slice %arg5[%dma_start3A_510, %dma_start3A_511] : memref<10000x64xi32, #tpu.memory_space<vmem_shared>> -> memref<10000x64xi32, #tpu.memory_space<vmem_shared>>
        tpu.enqueue_indirect_dma source(%dma_start3A_512 : memref<10000x64xi32, #tpu.memory_space<vmem_shared>>) target(%arg8 : memref<80x64xi32, #tpu.memory_space<vmem>>) offsets(%dma_start3A_509 : memref<80xi32, #tpu.memory_space<vmem>>) semaphore(%arg14 : memref<!tpu.dma_semaphore, #tpu.memory_space<semaphore_mem>>)
        %dma_start3A_513 = arith.constant 1 : i32
        %dma_start3A_514 = arith.constant 0 : i32
        %dma_start3A_515 = tpu.memref_slice %arg6[%dma_start3A_513, %dma_start3A_514] : memref<2x80xi32, #tpu.memory_space<vmem>> -> memref<1x80xi32, #tpu.memory_space<vmem>>
        %dma_start3A_516 = tpu.memref_squeeze %dma_start3A_515 : memref<1x80xi32, #tpu.memory_space<vmem>> -> memref<80xi32, #tpu.memory_space<vmem>>
        %dma_start3A_517 = arith.constant 0 : i32
        %dma_start3A_518 = arith.constant 0 : i32
        %dma_start3A_519 = tpu.memref_slice %arg5[%dma_start3A_517, %dma_start3A_518] : memref<10000x64xi32, #tpu.memory_space<vmem_shared>> -> memref<10000x64xi32, #tpu.memory_space<vmem_shared>>
        tpu.enqueue_indirect_dma source(%dma_start3A_519 : memref<10000x64xi32, #tpu.memory_space<vmem_shared>>) target(%arg10 : memref<80x64xi32, #tpu.memory_space<vmem>>) offsets(%dma_start3A_516 : memref<80xi32, #tpu.memory_space<vmem>>) semaphore(%arg14 : memref<!tpu.dma_semaphore, #tpu.memory_space<semaphore_mem>>)
      } else {
      }
      %add3A_341 = arith.constant 2 : i32
      %add3A_342 = arith.addi %add3A_321, %add3A_341 : i32
      %lt3A_343 = arith.constant 126 : i32
      %lt3A_344 = arith.cmpi slt, %add3A_342, %lt3A_343 : i32
      %convert_element_type3A_345 = arith.extui %lt3A_344 : i1 to i32
      %cond3A_346 = arith.constant 0 : i32
      %cond3A_347 = arith.cmpi ne, %convert_element_type3A_345, %cond3A_346 : i32
      scf.if %cond3A_347 {
        %add3A_500 = arith.constant 2 : i32
        %add3A_501 = arith.addi %add3A_321, %add3A_500 : i32
        %min3A_502 = arith.constant 124 : i32
        %min3A_503 = arith.minsi %add3A_501, %min3A_502 : i32
        %add3A_504 = arith.addi %mul3A_2, %min3A_503 : i32
        %mul3A_505 = arith.constant 80 : i32
        %mul3A_506 = arith.muli %add3A_504, %mul3A_505 : i32
        %dma_start3A_507 = arith.constant 0 : i32
        %dma_start3A_508 = tpu.memref_slice %arg3[%dma_start3A_507, %mul3A_506] : memref<2x320000xi32, #tpu.memory_space<hbm>> -> memref<2x80xi32, #tpu.memory_space<hbm>>
        %dma_start3A_509 = arith.constant 0 : i32
        %dma_start3A_510 = tpu.memref_slice %arg3[%dma_start3A_509, %mul3A_506] : memref<2x320000xi32, #tpu.memory_space<hbm>> -> memref<2x80xi32, #tpu.memory_space<hbm>>
        tpu.enqueue_dma source(%dma_start3A_510 : memref<2x80xi32, #tpu.memory_space<hbm>>) target(%arg7 : memref<2x80xi32, #tpu.memory_space<vmem>>) target_semaphore(%arg15 : memref<!tpu.dma_semaphore, #tpu.memory_space<semaphore_mem>>)
      } else {
      }
      %ge3A_348 = arith.constant 2 : i32
      %ge3A_349 = arith.cmpi sge, %add3A_321, %ge3A_348 : i32
      %convert_element_type3A_350 = arith.extui %ge3A_349 : i1 to i32
      %cond3A_351 = arith.constant 0 : i32
      %cond3A_352 = arith.cmpi ne, %convert_element_type3A_350, %cond3A_351 : i32
      scf.if %cond3A_352 {
        %dma_wait3A_500 = arith.constant 0 : i32
        %dma_wait3A_501 = tpu.memref_slice %arg4[%dma_wait3A_500] : memref<320000xf32, #tpu.memory_space<hbm>> -> memref<80xf32, #tpu.memory_space<hbm>>
        %dma_wait3A_502 = arith.constant 0 : i32
        %dma_wait3A_503 = tpu.memref_slice %arg4[%dma_wait3A_502] : memref<320000xf32, #tpu.memory_space<hbm>> -> memref<80xf32, #tpu.memory_space<hbm>>
        tpu.wait_dma2 semaphore(%arg17 : memref<!tpu.dma_semaphore, #tpu.memory_space<semaphore_mem>>) src(%arg13 : memref<80xf32, #tpu.memory_space<vmem>>) dst(%dma_wait3A_503 : memref<80xf32, #tpu.memory_space<hbm>>)
      } else {
      }
      %add3A_353 = arith.constant 0 : i32
      %add3A_354 = vector.broadcast %add3A_353 : i32 to vector<16xi32>
      %add3A_355 = arith.addi %add3A_354, %iota3A : vector<16xi32>
      %broadcast_in_dim3A_356 = arith.constant 0.000000e+00 : f32
      %broadcast_in_dim3A_357 = vector.broadcast %broadcast_in_dim3A_356 : f32 to vector<16xf32>
      %broadcast_in_dim3A_358 = arith.constant -65536 : i32
      %broadcast_in_dim3A_359 = vector.broadcast %broadcast_in_dim3A_358 : i32 to vector<16xi32>
      %scan3A_360 = arith.constant 0 : i32
      %scan3A_361 = arith.constant 4 : i32
      %scan3A_362 = arith.addi %scan3A_360, %scan3A_361 : i32
      %scan3A_363 = arith.constant 1 : i32
      %scan3A_364:4 = scf.for %scan3A_500 = %scan3A_360 to %scan3A_362 step %scan3A_363 iter_args(%scan3A_501 = %broadcast_in_dim3A_357, %scan3A_502 = %broadcast_in_dim3A_357, %scan3A_503 = %broadcast_in_dim3A_357, %scan3A_504 = %broadcast_in_dim3A_357) -> (vector<16xf32>, vector<16xf32>, vector<16xf32>, vector<16xf32>)  : i32 {
        %mul3A_505 = arith.constant 16 : i32
        %mul3A_506 = arith.muli %scan3A_500, %mul3A_505 : i32
        %add3A_507 = vector.broadcast %mul3A_506 : i32 to vector<16xi32>
        %add3A_508 = arith.addi %and3A_17, %add3A_507 : vector<16xi32>
        %gather3A = tpu.vector_load_idx %arg9[%add3A_355, %add3A_508] : memref<80x64xi32, #tpu.memory_space<vmem>>[vector<16xi32>, vector<16xi32>], vector<16xi32>,
        %gather3A_509 = tpu.vector_load_idx %arg11[%add3A_355, %add3A_508] : memref<80x64xi32, #tpu.memory_space<vmem>>[vector<16xi32>, vector<16xi32>], vector<16xi32>,
        %bitcast3A = vector.bitcast %gather3A : vector<16xi32> to vector<32xbf16>
        %bitcast3A_510 = vector.bitcast %gather3A_509 : vector<16xi32> to vector<32xbf16>
        %mul3A_511 = arith.mulf %bitcast3A, %bitcast3A_510 : vector<32xbf16>
        %bitcast3A_512 = vector.bitcast %mul3A_511 : vector<32xbf16> to vector<16xi32>
        %and3A_513 = arith.andi %bitcast3A_512, %broadcast_in_dim3A_359 : vector<16xi32>
        %bitcast3A_514 = vector.bitcast %and3A_513 : vector<16xi32> to vector<16xf32>
        %shift_left3A = arith.constant 16 : i32
        %shift_left3A_515 = vector.broadcast %shift_left3A : i32 to vector<16xi32>
        %shift_left3A_516 = arith.shli %bitcast3A_512, %shift_left3A_515 : vector<16xi32>
        %bitcast3A_517 = vector.bitcast %shift_left3A_516 : vector<16xi32> to vector<16xf32>
        %add3A_518 = arith.addf %scan3A_501, %bitcast3A_514 : vector<16xf32>
        %add3A_519 = arith.addf %scan3A_502, %bitcast3A_517 : vector<16xf32>
        %add3A_520 = vector.broadcast %mul3A_506 : i32 to vector<16xi32>
        %add3A_521 = arith.addi %and3A_23, %add3A_520 : vector<16xi32>
        %gather3A_522 = tpu.vector_load_idx %arg9[%add3A_355, %add3A_521] : memref<80x64xi32, #tpu.memory_space<vmem>>[vector<16xi32>, vector<16xi32>], vector<16xi32>,
        %gather3A_523 = tpu.vector_load_idx %arg11[%add3A_355, %add3A_521] : memref<80x64xi32, #tpu.memory_space<vmem>>[vector<16xi32>, vector<16xi32>], vector<16xi32>,
        %bitcast3A_524 = vector.bitcast %gather3A_522 : vector<16xi32> to vector<32xbf16>
        %bitcast3A_525 = vector.bitcast %gather3A_523 : vector<16xi32> to vector<32xbf16>
        %mul3A_526 = arith.mulf %bitcast3A_524, %bitcast3A_525 : vector<32xbf16>
        %bitcast3A_527 = vector.bitcast %mul3A_526 : vector<32xbf16> to vector<16xi32>
        %and3A_528 = arith.andi %bitcast3A_527, %broadcast_in_dim3A_359 : vector<16xi32>
        %bitcast3A_529 = vector.bitcast %and3A_528 : vector<16xi32> to vector<16xf32>
        %shift_left3A_530 = arith.constant 16 : i32
        %shift_left3A_531 = vector.broadcast %shift_left3A_530 : i32 to vector<16xi32>
        %shift_left3A_532 = arith.shli %bitcast3A_527, %shift_left3A_531 : vector<16xi32>
        %bitcast3A_533 = vector.bitcast %shift_left3A_532 : vector<16xi32> to vector<16xf32>
        %add3A_534 = arith.addf %scan3A_503, %bitcast3A_529 : vector<16xf32>
        %add3A_535 = arith.addf %scan3A_504, %bitcast3A_533 : vector<16xf32>
        %add3A_536 = vector.broadcast %mul3A_506 : i32 to vector<16xi32>
        %add3A_537 = arith.addi %and3A_29, %add3A_536 : vector<16xi32>
        %gather3A_538 = tpu.vector_load_idx %arg9[%add3A_355, %add3A_537] : memref<80x64xi32, #tpu.memory_space<vmem>>[vector<16xi32>, vector<16xi32>], vector<16xi32>,
        %gather3A_539 = tpu.vector_load_idx %arg11[%add3A_355, %add3A_537] : memref<80x64xi32, #tpu.memory_space<vmem>>[vector<16xi32>, vector<16xi32>], vector<16xi32>,
        %bitcast3A_540 = vector.bitcast %gather3A_538 : vector<16xi32> to vector<32xbf16>
        %bitcast3A_541 = vector.bitcast %gather3A_539 : vector<16xi32> to vector<32xbf16>
        %mul3A_542 = arith.mulf %bitcast3A_540, %bitcast3A_541 : vector<32xbf16>
        %bitcast3A_543 = vector.bitcast %mul3A_542 : vector<32xbf16> to vector<16xi32>
        %and3A_544 = arith.andi %bitcast3A_543, %broadcast_in_dim3A_359 : vector<16xi32>
        %bitcast3A_545 = vector.bitcast %and3A_544 : vector<16xi32> to vector<16xf32>
        %shift_left3A_546 = arith.constant 16 : i32
        %shift_left3A_547 = vector.broadcast %shift_left3A_546 : i32 to vector<16xi32>
        %shift_left3A_548 = arith.shli %bitcast3A_543, %shift_left3A_547 : vector<16xi32>
        %bitcast3A_549 = vector.bitcast %shift_left3A_548 : vector<16xi32> to vector<16xf32>
        %add3A_550 = arith.addf %add3A_518, %bitcast3A_545 : vector<16xf32>
        %add3A_551 = arith.addf %add3A_519, %bitcast3A_549 : vector<16xf32>
        %add3A_552 = vector.broadcast %mul3A_506 : i32 to vector<16xi32>
        %add3A_553 = arith.addi %and3A_35, %add3A_552 : vector<16xi32>
        %gather3A_554 = tpu.vector_load_idx %arg9[%add3A_355, %add3A_553] : memref<80x64xi32, #tpu.memory_space<vmem>>[vector<16xi32>, vector<16xi32>], vector<16xi32>,
        %gather3A_555 = tpu.vector_load_idx %arg11[%add3A_355, %add3A_553] : memref<80x64xi32, #tpu.memory_space<vmem>>[vector<16xi32>, vector<16xi32>], vector<16xi32>,
        %bitcast3A_556 = vector.bitcast %gather3A_554 : vector<16xi32> to vector<32xbf16>
        %bitcast3A_557 = vector.bitcast %gather3A_555 : vector<16xi32> to vector<32xbf16>
        %mul3A_558 = arith.mulf %bitcast3A_556, %bitcast3A_557 : vector<32xbf16>
        %bitcast3A_559 = vector.bitcast %mul3A_558 : vector<32xbf16> to vector<16xi32>
        %and3A_560 = arith.andi %bitcast3A_559, %broadcast_in_dim3A_359 : vector<16xi32>
        %bitcast3A_561 = vector.bitcast %and3A_560 : vector<16xi32> to vector<16xf32>
        %shift_left3A_562 = arith.constant 16 : i32
        %shift_left3A_563 = vector.broadcast %shift_left3A_562 : i32 to vector<16xi32>
        %shift_left3A_564 = arith.shli %bitcast3A_559, %shift_left3A_563 : vector<16xi32>
        %bitcast3A_565 = vector.bitcast %shift_left3A_564 : vector<16xi32> to vector<16xf32>
        %add3A_566 = arith.addf %add3A_534, %bitcast3A_561 : vector<16xf32>
        %add3A_567 = arith.addf %add3A_535, %bitcast3A_565 : vector<16xf32>
        %add3A_568 = vector.broadcast %mul3A_506 : i32 to vector<16xi32>
        %add3A_569 = arith.addi %and3A_41, %add3A_568 : vector<16xi32>
        %gather3A_570 = tpu.vector_load_idx %arg9[%add3A_355, %add3A_569] : memref<80x64xi32, #tpu.memory_space<vmem>>[vector<16xi32>, vector<16xi32>], vector<16xi32>,
        %gather3A_571 = tpu.vector_load_idx %arg11[%add3A_355, %add3A_569] : memref<80x64xi32, #tpu.memory_space<vmem>>[vector<16xi32>, vector<16xi32>], vector<16xi32>,
        %bitcast3A_572 = vector.bitcast %gather3A_570 : vector<16xi32> to vector<32xbf16>
        %bitcast3A_573 = vector.bitcast %gather3A_571 : vector<16xi32> to vector<32xbf16>
        %mul3A_574 = arith.mulf %bitcast3A_572, %bitcast3A_573 : vector<32xbf16>
        %bitcast3A_575 = vector.bitcast %mul3A_574 : vector<32xbf16> to vector<16xi32>
        %and3A_576 = arith.andi %bitcast3A_575, %broadcast_in_dim3A_359 : vector<16xi32>
        %bitcast3A_577 = vector.bitcast %and3A_576 : vector<16xi32> to vector<16xf32>
        %shift_left3A_578 = arith.constant 16 : i32
        %shift_left3A_579 = vector.broadcast %shift_left3A_578 : i32 to vector<16xi32>
        %shift_left3A_580 = arith.shli %bitcast3A_575, %shift_left3A_579 : vector<16xi32>
        %bitcast3A_581 = vector.bitcast %shift_left3A_580 : vector<16xi32> to vector<16xf32>
        %add3A_582 = arith.addf %add3A_550, %bitcast3A_577 : vector<16xf32>
        %add3A_583 = arith.addf %add3A_551, %bitcast3A_581 : vector<16xf32>
        %add3A_584 = vector.broadcast %mul3A_506 : i32 to vector<16xi32>
        %add3A_585 = arith.addi %and3A_47, %add3A_584 : vector<16xi32>
        %gather3A_586 = tpu.vector_load_idx %arg9[%add3A_355, %add3A_585] : memref<80x64xi32, #tpu.memory_space<vmem>>[vector<16xi32>, vector<16xi32>], vector<16xi32>,
        %gather3A_587 = tpu.vector_load_idx %arg11[%add3A_355, %add3A_585] : memref<80x64xi32, #tpu.memory_space<vmem>>[vector<16xi32>, vector<16xi32>], vector<16xi32>,
        %bitcast3A_588 = vector.bitcast %gather3A_586 : vector<16xi32> to vector<32xbf16>
        %bitcast3A_589 = vector.bitcast %gather3A_587 : vector<16xi32> to vector<32xbf16>
        %mul3A_590 = arith.mulf %bitcast3A_588, %bitcast3A_589 : vector<32xbf16>
        %bitcast3A_591 = vector.bitcast %mul3A_590 : vector<32xbf16> to vector<16xi32>
        %and3A_592 = arith.andi %bitcast3A_591, %broadcast_in_dim3A_359 : vector<16xi32>
        %bitcast3A_593 = vector.bitcast %and3A_592 : vector<16xi32> to vector<16xf32>
        %shift_left3A_594 = arith.constant 16 : i32
        %shift_left3A_595 = vector.broadcast %shift_left3A_594 : i32 to vector<16xi32>
        %shift_left3A_596 = arith.shli %bitcast3A_591, %shift_left3A_595 : vector<16xi32>
        %bitcast3A_597 = vector.bitcast %shift_left3A_596 : vector<16xi32> to vector<16xf32>
        %add3A_598 = arith.addf %add3A_566, %bitcast3A_593 : vector<16xf32>
        %add3A_599 = arith.addf %add3A_567, %bitcast3A_597 : vector<16xf32>
        %add3A_600 = vector.broadcast %mul3A_506 : i32 to vector<16xi32>
        %add3A_601 = arith.addi %and3A_53, %add3A_600 : vector<16xi32>
        %gather3A_602 = tpu.vector_load_idx %arg9[%add3A_355, %add3A_601] : memref<80x64xi32, #tpu.memory_space<vmem>>[vector<16xi32>, vector<16xi32>], vector<16xi32>,
        %gather3A_603 = tpu.vector_load_idx %arg11[%add3A_355, %add3A_601] : memref<80x64xi32, #tpu.memory_space<vmem>>[vector<16xi32>, vector<16xi32>], vector<16xi32>,
        %bitcast3A_604 = vector.bitcast %gather3A_602 : vector<16xi32> to vector<32xbf16>
        %bitcast3A_605 = vector.bitcast %gather3A_603 : vector<16xi32> to vector<32xbf16>
        %mul3A_606 = arith.mulf %bitcast3A_604, %bitcast3A_605 : vector<32xbf16>
        %bitcast3A_607 = vector.bitcast %mul3A_606 : vector<32xbf16> to vector<16xi32>
        %and3A_608 = arith.andi %bitcast3A_607, %broadcast_in_dim3A_359 : vector<16xi32>
        %bitcast3A_609 = vector.bitcast %and3A_608 : vector<16xi32> to vector<16xf32>
        %shift_left3A_610 = arith.constant 16 : i32
        %shift_left3A_611 = vector.broadcast %shift_left3A_610 : i32 to vector<16xi32>
        %shift_left3A_612 = arith.shli %bitcast3A_607, %shift_left3A_611 : vector<16xi32>
        %bitcast3A_613 = vector.bitcast %shift_left3A_612 : vector<16xi32> to vector<16xf32>
        %add3A_614 = arith.addf %add3A_582, %bitcast3A_609 : vector<16xf32>
        %add3A_615 = arith.addf %add3A_583, %bitcast3A_613 : vector<16xf32>
        %add3A_616 = vector.broadcast %mul3A_506 : i32 to vector<16xi32>
        %add3A_617 = arith.addi %and3A_59, %add3A_616 : vector<16xi32>
        %gather3A_618 = tpu.vector_load_idx %arg9[%add3A_355, %add3A_617] : memref<80x64xi32, #tpu.memory_space<vmem>>[vector<16xi32>, vector<16xi32>], vector<16xi32>,
        %gather3A_619 = tpu.vector_load_idx %arg11[%add3A_355, %add3A_617] : memref<80x64xi32, #tpu.memory_space<vmem>>[vector<16xi32>, vector<16xi32>], vector<16xi32>,
        %bitcast3A_620 = vector.bitcast %gather3A_618 : vector<16xi32> to vector<32xbf16>
        %bitcast3A_621 = vector.bitcast %gather3A_619 : vector<16xi32> to vector<32xbf16>
        %mul3A_622 = arith.mulf %bitcast3A_620, %bitcast3A_621 : vector<32xbf16>
        %bitcast3A_623 = vector.bitcast %mul3A_622 : vector<32xbf16> to vector<16xi32>
        %and3A_624 = arith.andi %bitcast3A_623, %broadcast_in_dim3A_359 : vector<16xi32>
        %bitcast3A_625 = vector.bitcast %and3A_624 : vector<16xi32> to vector<16xf32>
        %shift_left3A_626 = arith.constant 16 : i32
        %shift_left3A_627 = vector.broadcast %shift_left3A_626 : i32 to vector<16xi32>
        %shift_left3A_628 = arith.shli %bitcast3A_623, %shift_left3A_627 : vector<16xi32>
        %bitcast3A_629 = vector.bitcast %shift_left3A_628 : vector<16xi32> to vector<16xf32>
        %add3A_630 = arith.addf %add3A_598, %bitcast3A_625 : vector<16xf32>
        %add3A_631 = arith.addf %add3A_599, %bitcast3A_629 : vector<16xf32>
        %add3A_632 = vector.broadcast %mul3A_506 : i32 to vector<16xi32>
        %add3A_633 = arith.addi %and3A_65, %add3A_632 : vector<16xi32>
        %gather3A_634 = tpu.vector_load_idx %arg9[%add3A_355, %add3A_633] : memref<80x64xi32, #tpu.memory_space<vmem>>[vector<16xi32>, vector<16xi32>], vector<16xi32>,
        %gather3A_635 = tpu.vector_load_idx %arg11[%add3A_355, %add3A_633] : memref<80x64xi32, #tpu.memory_space<vmem>>[vector<16xi32>, vector<16xi32>], vector<16xi32>,
        %bitcast3A_636 = vector.bitcast %gather3A_634 : vector<16xi32> to vector<32xbf16>
        %bitcast3A_637 = vector.bitcast %gather3A_635 : vector<16xi32> to vector<32xbf16>
        %mul3A_638 = arith.mulf %bitcast3A_636, %bitcast3A_637 : vector<32xbf16>
        %bitcast3A_639 = vector.bitcast %mul3A_638 : vector<32xbf16> to vector<16xi32>
        %and3A_640 = arith.andi %bitcast3A_639, %broadcast_in_dim3A_359 : vector<16xi32>
        %bitcast3A_641 = vector.bitcast %and3A_640 : vector<16xi32> to vector<16xf32>
        %shift_left3A_642 = arith.constant 16 : i32
        %shift_left3A_643 = vector.broadcast %shift_left3A_642 : i32 to vector<16xi32>
        %shift_left3A_644 = arith.shli %bitcast3A_639, %shift_left3A_643 : vector<16xi32>
        %bitcast3A_645 = vector.bitcast %shift_left3A_644 : vector<16xi32> to vector<16xf32>
        %add3A_646 = arith.addf %add3A_614, %bitcast3A_641 : vector<16xf32>
        %add3A_647 = arith.addf %add3A_615, %bitcast3A_645 : vector<16xf32>
        %add3A_648 = vector.broadcast %mul3A_506 : i32 to vector<16xi32>
        %add3A_649 = arith.addi %and3A_71, %add3A_648 : vector<16xi32>
        %gather3A_650 = tpu.vector_load_idx %arg9[%add3A_355, %add3A_649] : memref<80x64xi32, #tpu.memory_space<vmem>>[vector<16xi32>, vector<16xi32>], vector<16xi32>,
        %gather3A_651 = tpu.vector_load_idx %arg11[%add3A_355, %add3A_649] : memref<80x64xi32, #tpu.memory_space<vmem>>[vector<16xi32>, vector<16xi32>], vector<16xi32>,
        %bitcast3A_652 = vector.bitcast %gather3A_650 : vector<16xi32> to vector<32xbf16>
        %bitcast3A_653 = vector.bitcast %gather3A_651 : vector<16xi32> to vector<32xbf16>
        %mul3A_654 = arith.mulf %bitcast3A_652, %bitcast3A_653 : vector<32xbf16>
        %bitcast3A_655 = vector.bitcast %mul3A_654 : vector<32xbf16> to vector<16xi32>
        %and3A_656 = arith.andi %bitcast3A_655, %broadcast_in_dim3A_359 : vector<16xi32>
        %bitcast3A_657 = vector.bitcast %and3A_656 : vector<16xi32> to vector<16xf32>
        %shift_left3A_658 = arith.constant 16 : i32
        %shift_left3A_659 = vector.broadcast %shift_left3A_658 : i32 to vector<16xi32>
        %shift_left3A_660 = arith.shli %bitcast3A_655, %shift_left3A_659 : vector<16xi32>
        %bitcast3A_661 = vector.bitcast %shift_left3A_660 : vector<16xi32> to vector<16xf32>
        %add3A_662 = arith.addf %add3A_630, %bitcast3A_657 : vector<16xf32>
        %add3A_663 = arith.addf %add3A_631, %bitcast3A_661 : vector<16xf32>
        %add3A_664 = vector.broadcast %mul3A_506 : i32 to vector<16xi32>
        %add3A_665 = arith.addi %and3A_77, %add3A_664 : vector<16xi32>
        %gather3A_666 = tpu.vector_load_idx %arg9[%add3A_355, %add3A_665] : memref<80x64xi32, #tpu.memory_space<vmem>>[vector<16xi32>, vector<16xi32>], vector<16xi32>,
        %gather3A_667 = tpu.vector_load_idx %arg11[%add3A_355, %add3A_665] : memref<80x64xi32, #tpu.memory_space<vmem>>[vector<16xi32>, vector<16xi32>], vector<16xi32>,
        %bitcast3A_668 = vector.bitcast %gather3A_666 : vector<16xi32> to vector<32xbf16>
        %bitcast3A_669 = vector.bitcast %gather3A_667 : vector<16xi32> to vector<32xbf16>
        %mul3A_670 = arith.mulf %bitcast3A_668, %bitcast3A_669 : vector<32xbf16>
        %bitcast3A_671 = vector.bitcast %mul3A_670 : vector<32xbf16> to vector<16xi32>
        %and3A_672 = arith.andi %bitcast3A_671, %broadcast_in_dim3A_359 : vector<16xi32>
        %bitcast3A_673 = vector.bitcast %and3A_672 : vector<16xi32> to vector<16xf32>
        %shift_left3A_674 = arith.constant 16 : i32
        %shift_left3A_675 = vector.broadcast %shift_left3A_674 : i32 to vector<16xi32>
        %shift_left3A_676 = arith.shli %bitcast3A_671, %shift_left3A_675 : vector<16xi32>
        %bitcast3A_677 = vector.bitcast %shift_left3A_676 : vector<16xi32> to vector<16xf32>
        %add3A_678 = arith.addf %add3A_646, %bitcast3A_673 : vector<16xf32>
        %add3A_679 = arith.addf %add3A_647, %bitcast3A_677 : vector<16xf32>
        %add3A_680 = vector.broadcast %mul3A_506 : i32 to vector<16xi32>
        %add3A_681 = arith.addi %and3A_83, %add3A_680 : vector<16xi32>
        %gather3A_682 = tpu.vector_load_idx %arg9[%add3A_355, %add3A_681] : memref<80x64xi32, #tpu.memory_space<vmem>>[vector<16xi32>, vector<16xi32>], vector<16xi32>,
        %gather3A_683 = tpu.vector_load_idx %arg11[%add3A_355, %add3A_681] : memref<80x64xi32, #tpu.memory_space<vmem>>[vector<16xi32>, vector<16xi32>], vector<16xi32>,
        %bitcast3A_684 = vector.bitcast %gather3A_682 : vector<16xi32> to vector<32xbf16>
        %bitcast3A_685 = vector.bitcast %gather3A_683 : vector<16xi32> to vector<32xbf16>
        %mul3A_686 = arith.mulf %bitcast3A_684, %bitcast3A_685 : vector<32xbf16>
        %bitcast3A_687 = vector.bitcast %mul3A_686 : vector<32xbf16> to vector<16xi32>
        %and3A_688 = arith.andi %bitcast3A_687, %broadcast_in_dim3A_359 : vector<16xi32>
        %bitcast3A_689 = vector.bitcast %and3A_688 : vector<16xi32> to vector<16xf32>
        %shift_left3A_690 = arith.constant 16 : i32
        %shift_left3A_691 = vector.broadcast %shift_left3A_690 : i32 to vector<16xi32>
        %shift_left3A_692 = arith.shli %bitcast3A_687, %shift_left3A_691 : vector<16xi32>
        %bitcast3A_693 = vector.bitcast %shift_left3A_692 : vector<16xi32> to vector<16xf32>
        %add3A_694 = arith.addf %add3A_662, %bitcast3A_689 : vector<16xf32>
        %add3A_695 = arith.addf %add3A_663, %bitcast3A_693 : vector<16xf32>
        %add3A_696 = vector.broadcast %mul3A_506 : i32 to vector<16xi32>
        %add3A_697 = arith.addi %and3A_89, %add3A_696 : vector<16xi32>
        %gather3A_698 = tpu.vector_load_idx %arg9[%add3A_355, %add3A_697] : memref<80x64xi32, #tpu.memory_space<vmem>>[vector<16xi32>, vector<16xi32>], vector<16xi32>,
        %gather3A_699 = tpu.vector_load_idx %arg11[%add3A_355, %add3A_697] : memref<80x64xi32, #tpu.memory_space<vmem>>[vector<16xi32>, vector<16xi32>], vector<16xi32>,
        %bitcast3A_700 = vector.bitcast %gather3A_698 : vector<16xi32> to vector<32xbf16>
        %bitcast3A_701 = vector.bitcast %gather3A_699 : vector<16xi32> to vector<32xbf16>
        %mul3A_702 = arith.mulf %bitcast3A_700, %bitcast3A_701 : vector<32xbf16>
        %bitcast3A_703 = vector.bitcast %mul3A_702 : vector<32xbf16> to vector<16xi32>
        %and3A_704 = arith.andi %bitcast3A_703, %broadcast_in_dim3A_359 : vector<16xi32>
        %bitcast3A_705 = vector.bitcast %and3A_704 : vector<16xi32> to vector<16xf32>
        %shift_left3A_706 = arith.constant 16 : i32
        %shift_left3A_707 = vector.broadcast %shift_left3A_706 : i32 to vector<16xi32>
        %shift_left3A_708 = arith.shli %bitcast3A_703, %shift_left3A_707 : vector<16xi32>
        %bitcast3A_709 = vector.bitcast %shift_left3A_708 : vector<16xi32> to vector<16xf32>
        %add3A_710 = arith.addf %add3A_678, %bitcast3A_705 : vector<16xf32>
        %add3A_711 = arith.addf %add3A_679, %bitcast3A_709 : vector<16xf32>
        %add3A_712 = vector.broadcast %mul3A_506 : i32 to vector<16xi32>
        %add3A_713 = arith.addi %and3A_95, %add3A_712 : vector<16xi32>
        %gather3A_714 = tpu.vector_load_idx %arg9[%add3A_355, %add3A_713] : memref<80x64xi32, #tpu.memory_space<vmem>>[vector<16xi32>, vector<16xi32>], vector<16xi32>,
        %gather3A_715 = tpu.vector_load_idx %arg11[%add3A_355, %add3A_713] : memref<80x64xi32, #tpu.memory_space<vmem>>[vector<16xi32>, vector<16xi32>], vector<16xi32>,
        %bitcast3A_716 = vector.bitcast %gather3A_714 : vector<16xi32> to vector<32xbf16>
        %bitcast3A_717 = vector.bitcast %gather3A_715 : vector<16xi32> to vector<32xbf16>
        %mul3A_718 = arith.mulf %bitcast3A_716, %bitcast3A_717 : vector<32xbf16>
        %bitcast3A_719 = vector.bitcast %mul3A_718 : vector<32xbf16> to vector<16xi32>
        %and3A_720 = arith.andi %bitcast3A_719, %broadcast_in_dim3A_359 : vector<16xi32>
        %bitcast3A_721 = vector.bitcast %and3A_720 : vector<16xi32> to vector<16xf32>
        %shift_left3A_722 = arith.constant 16 : i32
        %shift_left3A_723 = vector.broadcast %shift_left3A_722 : i32 to vector<16xi32>
        %shift_left3A_724 = arith.shli %bitcast3A_719, %shift_left3A_723 : vector<16xi32>
        %bitcast3A_725 = vector.bitcast %shift_left3A_724 : vector<16xi32> to vector<16xf32>
        %add3A_726 = arith.addf %add3A_694, %bitcast3A_721 : vector<16xf32>
        %add3A_727 = arith.addf %add3A_695, %bitcast3A_725 : vector<16xf32>
        %add3A_728 = vector.broadcast %mul3A_506 : i32 to vector<16xi32>
        %add3A_729 = arith.addi %and3A_101, %add3A_728 : vector<16xi32>
        %gather3A_730 = tpu.vector_load_idx %arg9[%add3A_355, %add3A_729] : memref<80x64xi32, #tpu.memory_space<vmem>>[vector<16xi32>, vector<16xi32>], vector<16xi32>,
        %gather3A_731 = tpu.vector_load_idx %arg11[%add3A_355, %add3A_729] : memref<80x64xi32, #tpu.memory_space<vmem>>[vector<16xi32>, vector<16xi32>], vector<16xi32>,
        %bitcast3A_732 = vector.bitcast %gather3A_730 : vector<16xi32> to vector<32xbf16>
        %bitcast3A_733 = vector.bitcast %gather3A_731 : vector<16xi32> to vector<32xbf16>
        %mul3A_734 = arith.mulf %bitcast3A_732, %bitcast3A_733 : vector<32xbf16>
        %bitcast3A_735 = vector.bitcast %mul3A_734 : vector<32xbf16> to vector<16xi32>
        %and3A_736 = arith.andi %bitcast3A_735, %broadcast_in_dim3A_359 : vector<16xi32>
        %bitcast3A_737 = vector.bitcast %and3A_736 : vector<16xi32> to vector<16xf32>
        %shift_left3A_738 = arith.constant 16 : i32
        %shift_left3A_739 = vector.broadcast %shift_left3A_738 : i32 to vector<16xi32>
        %shift_left3A_740 = arith.shli %bitcast3A_735, %shift_left3A_739 : vector<16xi32>
        %bitcast3A_741 = vector.bitcast %shift_left3A_740 : vector<16xi32> to vector<16xf32>
        %add3A_742 = arith.addf %add3A_710, %bitcast3A_737 : vector<16xf32>
        %add3A_743 = arith.addf %add3A_711, %bitcast3A_741 : vector<16xf32>
        %add3A_744 = vector.broadcast %mul3A_506 : i32 to vector<16xi32>
        %add3A_745 = arith.addi %and3A_107, %add3A_744 : vector<16xi32>
        %gather3A_746 = tpu.vector_load_idx %arg9[%add3A_355, %add3A_745] : memref<80x64xi32, #tpu.memory_space<vmem>>[vector<16xi32>, vector<16xi32>], vector<16xi32>,
        %gather3A_747 = tpu.vector_load_idx %arg11[%add3A_355, %add3A_745] : memref<80x64xi32, #tpu.memory_space<vmem>>[vector<16xi32>, vector<16xi32>], vector<16xi32>,
        %bitcast3A_748 = vector.bitcast %gather3A_746 : vector<16xi32> to vector<32xbf16>
        %bitcast3A_749 = vector.bitcast %gather3A_747 : vector<16xi32> to vector<32xbf16>
        %mul3A_750 = arith.mulf %bitcast3A_748, %bitcast3A_749 : vector<32xbf16>
        %bitcast3A_751 = vector.bitcast %mul3A_750 : vector<32xbf16> to vector<16xi32>
        %and3A_752 = arith.andi %bitcast3A_751, %broadcast_in_dim3A_359 : vector<16xi32>
        %bitcast3A_753 = vector.bitcast %and3A_752 : vector<16xi32> to vector<16xf32>
        %shift_left3A_754 = arith.constant 16 : i32
        %shift_left3A_755 = vector.broadcast %shift_left3A_754 : i32 to vector<16xi32>
        %shift_left3A_756 = arith.shli %bitcast3A_751, %shift_left3A_755 : vector<16xi32>
        %bitcast3A_757 = vector.bitcast %shift_left3A_756 : vector<16xi32> to vector<16xf32>
        %add3A_758 = arith.addf %add3A_726, %bitcast3A_753 : vector<16xf32>
        %add3A_759 = arith.addf %add3A_727, %bitcast3A_757 : vector<16xf32>
        scf.yield %add3A_742, %add3A_743, %add3A_758, %add3A_759 : vector<16xf32>, vector<16xf32>, vector<16xf32>, vector<16xf32>
      }
      %scan3A_365 = arith.constant 4 : i32
      %add3A_366 = arith.addf %scan3A_364#0, %scan3A_364#1 : vector<16xf32>
      %add3A_367 = arith.addf %scan3A_364#2, %scan3A_364#3 : vector<16xf32>
      %add3A_368 = arith.addf %add3A_366, %add3A_367 : vector<16xf32>
      %neg3A_369 = arith.constant 0.000000e+00 : f32
      %neg3A_370 = vector.broadcast %neg3A_369 : f32 to vector<16xf32>
      %neg3A_371 = arith.subf %neg3A_370, %add3A_368 : vector<16xf32>
      %exp3A_372 = math.exp %neg3A_371 : vector<16xf32>
      %add3A_373 = arith.constant 1.000000e+00 : f32
      %add3A_374 = vector.broadcast %add3A_373 : f32 to vector<16xf32>
      %add3A_375 = arith.addf %add3A_374, %exp3A_372 : vector<16xf32>
      %div3A_376 = arith.constant 1.000000e+00 : f32
      %div3A_377 = vector.broadcast %div3A_376 : f32 to vector<16xf32>
      %div3A_378 = arith.divf %div3A_377, %add3A_375 : vector<16xf32>
      %swap3A_379 = arith.constant 0 : index
      %swap3A_380 = tpu.vector_load %arg13[%swap3A_379] {strides = array<i32>} : memref<80xf32, #tpu.memory_space<vmem>>, vector<16xf32>,
      tpu.vector_store %arg13[%swap3A_379], %div3A_378 {strides = array<i32>} : memref<80xf32, #tpu.memory_space<vmem>>, vector<16xf32>,
      %add3A_381 = arith.constant 16 : i32
      %add3A_382 = vector.broadcast %add3A_381 : i32 to vector<16xi32>
      %add3A_383 = arith.addi %add3A_382, %iota3A : vector<16xi32>
      %broadcast_in_dim3A_384 = arith.constant 0.000000e+00 : f32
      %broadcast_in_dim3A_385 = vector.broadcast %broadcast_in_dim3A_384 : f32 to vector<16xf32>
      %broadcast_in_dim3A_386 = arith.constant -65536 : i32
      %broadcast_in_dim3A_387 = vector.broadcast %broadcast_in_dim3A_386 : i32 to vector<16xi32>
      %scan3A_388 = arith.constant 0 : i32
      %scan3A_389 = arith.constant 4 : i32
      %scan3A_390 = arith.addi %scan3A_388, %scan3A_389 : i32
      %scan3A_391 = arith.constant 1 : i32
      %scan3A_392:4 = scf.for %scan3A_500 = %scan3A_388 to %scan3A_390 step %scan3A_391 iter_args(%scan3A_501 = %broadcast_in_dim3A_385, %scan3A_502 = %broadcast_in_dim3A_385, %scan3A_503 = %broadcast_in_dim3A_385, %scan3A_504 = %broadcast_in_dim3A_385) -> (vector<16xf32>, vector<16xf32>, vector<16xf32>, vector<16xf32>)  : i32 {
        %mul3A_505 = arith.constant 16 : i32
        %mul3A_506 = arith.muli %scan3A_500, %mul3A_505 : i32
        %add3A_507 = vector.broadcast %mul3A_506 : i32 to vector<16xi32>
        %add3A_508 = arith.addi %and3A_17, %add3A_507 : vector<16xi32>
        %gather3A = tpu.vector_load_idx %arg9[%add3A_383, %add3A_508] : memref<80x64xi32, #tpu.memory_space<vmem>>[vector<16xi32>, vector<16xi32>], vector<16xi32>,
        %gather3A_509 = tpu.vector_load_idx %arg11[%add3A_383, %add3A_508] : memref<80x64xi32, #tpu.memory_space<vmem>>[vector<16xi32>, vector<16xi32>], vector<16xi32>,
        %bitcast3A = vector.bitcast %gather3A : vector<16xi32> to vector<32xbf16>
        %bitcast3A_510 = vector.bitcast %gather3A_509 : vector<16xi32> to vector<32xbf16>
        %mul3A_511 = arith.mulf %bitcast3A, %bitcast3A_510 : vector<32xbf16>
        %bitcast3A_512 = vector.bitcast %mul3A_511 : vector<32xbf16> to vector<16xi32>
        %and3A_513 = arith.andi %bitcast3A_512, %broadcast_in_dim3A_387 : vector<16xi32>
        %bitcast3A_514 = vector.bitcast %and3A_513 : vector<16xi32> to vector<16xf32>
        %shift_left3A = arith.constant 16 : i32
        %shift_left3A_515 = vector.broadcast %shift_left3A : i32 to vector<16xi32>
        %shift_left3A_516 = arith.shli %bitcast3A_512, %shift_left3A_515 : vector<16xi32>
        %bitcast3A_517 = vector.bitcast %shift_left3A_516 : vector<16xi32> to vector<16xf32>
        %add3A_518 = arith.addf %scan3A_501, %bitcast3A_514 : vector<16xf32>
        %add3A_519 = arith.addf %scan3A_502, %bitcast3A_517 : vector<16xf32>
        %add3A_520 = vector.broadcast %mul3A_506 : i32 to vector<16xi32>
        %add3A_521 = arith.addi %and3A_23, %add3A_520 : vector<16xi32>
        %gather3A_522 = tpu.vector_load_idx %arg9[%add3A_383, %add3A_521] : memref<80x64xi32, #tpu.memory_space<vmem>>[vector<16xi32>, vector<16xi32>], vector<16xi32>,
        %gather3A_523 = tpu.vector_load_idx %arg11[%add3A_383, %add3A_521] : memref<80x64xi32, #tpu.memory_space<vmem>>[vector<16xi32>, vector<16xi32>], vector<16xi32>,
        %bitcast3A_524 = vector.bitcast %gather3A_522 : vector<16xi32> to vector<32xbf16>
        %bitcast3A_525 = vector.bitcast %gather3A_523 : vector<16xi32> to vector<32xbf16>
        %mul3A_526 = arith.mulf %bitcast3A_524, %bitcast3A_525 : vector<32xbf16>
        %bitcast3A_527 = vector.bitcast %mul3A_526 : vector<32xbf16> to vector<16xi32>
        %and3A_528 = arith.andi %bitcast3A_527, %broadcast_in_dim3A_387 : vector<16xi32>
        %bitcast3A_529 = vector.bitcast %and3A_528 : vector<16xi32> to vector<16xf32>
        %shift_left3A_530 = arith.constant 16 : i32
        %shift_left3A_531 = vector.broadcast %shift_left3A_530 : i32 to vector<16xi32>
        %shift_left3A_532 = arith.shli %bitcast3A_527, %shift_left3A_531 : vector<16xi32>
        %bitcast3A_533 = vector.bitcast %shift_left3A_532 : vector<16xi32> to vector<16xf32>
        %add3A_534 = arith.addf %scan3A_503, %bitcast3A_529 : vector<16xf32>
        %add3A_535 = arith.addf %scan3A_504, %bitcast3A_533 : vector<16xf32>
        %add3A_536 = vector.broadcast %mul3A_506 : i32 to vector<16xi32>
        %add3A_537 = arith.addi %and3A_29, %add3A_536 : vector<16xi32>
        %gather3A_538 = tpu.vector_load_idx %arg9[%add3A_383, %add3A_537] : memref<80x64xi32, #tpu.memory_space<vmem>>[vector<16xi32>, vector<16xi32>], vector<16xi32>,
        %gather3A_539 = tpu.vector_load_idx %arg11[%add3A_383, %add3A_537] : memref<80x64xi32, #tpu.memory_space<vmem>>[vector<16xi32>, vector<16xi32>], vector<16xi32>,
        %bitcast3A_540 = vector.bitcast %gather3A_538 : vector<16xi32> to vector<32xbf16>
        %bitcast3A_541 = vector.bitcast %gather3A_539 : vector<16xi32> to vector<32xbf16>
        %mul3A_542 = arith.mulf %bitcast3A_540, %bitcast3A_541 : vector<32xbf16>
        %bitcast3A_543 = vector.bitcast %mul3A_542 : vector<32xbf16> to vector<16xi32>
        %and3A_544 = arith.andi %bitcast3A_543, %broadcast_in_dim3A_387 : vector<16xi32>
        %bitcast3A_545 = vector.bitcast %and3A_544 : vector<16xi32> to vector<16xf32>
        %shift_left3A_546 = arith.constant 16 : i32
        %shift_left3A_547 = vector.broadcast %shift_left3A_546 : i32 to vector<16xi32>
        %shift_left3A_548 = arith.shli %bitcast3A_543, %shift_left3A_547 : vector<16xi32>
        %bitcast3A_549 = vector.bitcast %shift_left3A_548 : vector<16xi32> to vector<16xf32>
        %add3A_550 = arith.addf %add3A_518, %bitcast3A_545 : vector<16xf32>
        %add3A_551 = arith.addf %add3A_519, %bitcast3A_549 : vector<16xf32>
        %add3A_552 = vector.broadcast %mul3A_506 : i32 to vector<16xi32>
        %add3A_553 = arith.addi %and3A_35, %add3A_552 : vector<16xi32>
        %gather3A_554 = tpu.vector_load_idx %arg9[%add3A_383, %add3A_553] : memref<80x64xi32, #tpu.memory_space<vmem>>[vector<16xi32>, vector<16xi32>], vector<16xi32>,
        %gather3A_555 = tpu.vector_load_idx %arg11[%add3A_383, %add3A_553] : memref<80x64xi32, #tpu.memory_space<vmem>>[vector<16xi32>, vector<16xi32>], vector<16xi32>,
        %bitcast3A_556 = vector.bitcast %gather3A_554 : vector<16xi32> to vector<32xbf16>
        %bitcast3A_557 = vector.bitcast %gather3A_555 : vector<16xi32> to vector<32xbf16>
        %mul3A_558 = arith.mulf %bitcast3A_556, %bitcast3A_557 : vector<32xbf16>
        %bitcast3A_559 = vector.bitcast %mul3A_558 : vector<32xbf16> to vector<16xi32>
        %and3A_560 = arith.andi %bitcast3A_559, %broadcast_in_dim3A_387 : vector<16xi32>
        %bitcast3A_561 = vector.bitcast %and3A_560 : vector<16xi32> to vector<16xf32>
        %shift_left3A_562 = arith.constant 16 : i32
        %shift_left3A_563 = vector.broadcast %shift_left3A_562 : i32 to vector<16xi32>
        %shift_left3A_564 = arith.shli %bitcast3A_559, %shift_left3A_563 : vector<16xi32>
        %bitcast3A_565 = vector.bitcast %shift_left3A_564 : vector<16xi32> to vector<16xf32>
        %add3A_566 = arith.addf %add3A_534, %bitcast3A_561 : vector<16xf32>
        %add3A_567 = arith.addf %add3A_535, %bitcast3A_565 : vector<16xf32>
        %add3A_568 = vector.broadcast %mul3A_506 : i32 to vector<16xi32>
        %add3A_569 = arith.addi %and3A_41, %add3A_568 : vector<16xi32>
        %gather3A_570 = tpu.vector_load_idx %arg9[%add3A_383, %add3A_569] : memref<80x64xi32, #tpu.memory_space<vmem>>[vector<16xi32>, vector<16xi32>], vector<16xi32>,
        %gather3A_571 = tpu.vector_load_idx %arg11[%add3A_383, %add3A_569] : memref<80x64xi32, #tpu.memory_space<vmem>>[vector<16xi32>, vector<16xi32>], vector<16xi32>,
        %bitcast3A_572 = vector.bitcast %gather3A_570 : vector<16xi32> to vector<32xbf16>
        %bitcast3A_573 = vector.bitcast %gather3A_571 : vector<16xi32> to vector<32xbf16>
        %mul3A_574 = arith.mulf %bitcast3A_572, %bitcast3A_573 : vector<32xbf16>
        %bitcast3A_575 = vector.bitcast %mul3A_574 : vector<32xbf16> to vector<16xi32>
        %and3A_576 = arith.andi %bitcast3A_575, %broadcast_in_dim3A_387 : vector<16xi32>
        %bitcast3A_577 = vector.bitcast %and3A_576 : vector<16xi32> to vector<16xf32>
        %shift_left3A_578 = arith.constant 16 : i32
        %shift_left3A_579 = vector.broadcast %shift_left3A_578 : i32 to vector<16xi32>
        %shift_left3A_580 = arith.shli %bitcast3A_575, %shift_left3A_579 : vector<16xi32>
        %bitcast3A_581 = vector.bitcast %shift_left3A_580 : vector<16xi32> to vector<16xf32>
        %add3A_582 = arith.addf %add3A_550, %bitcast3A_577 : vector<16xf32>
        %add3A_583 = arith.addf %add3A_551, %bitcast3A_581 : vector<16xf32>
        %add3A_584 = vector.broadcast %mul3A_506 : i32 to vector<16xi32>
        %add3A_585 = arith.addi %and3A_47, %add3A_584 : vector<16xi32>
        %gather3A_586 = tpu.vector_load_idx %arg9[%add3A_383, %add3A_585] : memref<80x64xi32, #tpu.memory_space<vmem>>[vector<16xi32>, vector<16xi32>], vector<16xi32>,
        %gather3A_587 = tpu.vector_load_idx %arg11[%add3A_383, %add3A_585] : memref<80x64xi32, #tpu.memory_space<vmem>>[vector<16xi32>, vector<16xi32>], vector<16xi32>,
        %bitcast3A_588 = vector.bitcast %gather3A_586 : vector<16xi32> to vector<32xbf16>
        %bitcast3A_589 = vector.bitcast %gather3A_587 : vector<16xi32> to vector<32xbf16>
        %mul3A_590 = arith.mulf %bitcast3A_588, %bitcast3A_589 : vector<32xbf16>
        %bitcast3A_591 = vector.bitcast %mul3A_590 : vector<32xbf16> to vector<16xi32>
        %and3A_592 = arith.andi %bitcast3A_591, %broadcast_in_dim3A_387 : vector<16xi32>
        %bitcast3A_593 = vector.bitcast %and3A_592 : vector<16xi32> to vector<16xf32>
        %shift_left3A_594 = arith.constant 16 : i32
        %shift_left3A_595 = vector.broadcast %shift_left3A_594 : i32 to vector<16xi32>
        %shift_left3A_596 = arith.shli %bitcast3A_591, %shift_left3A_595 : vector<16xi32>
        %bitcast3A_597 = vector.bitcast %shift_left3A_596 : vector<16xi32> to vector<16xf32>
        %add3A_598 = arith.addf %add3A_566, %bitcast3A_593 : vector<16xf32>
        %add3A_599 = arith.addf %add3A_567, %bitcast3A_597 : vector<16xf32>
        %add3A_600 = vector.broadcast %mul3A_506 : i32 to vector<16xi32>
        %add3A_601 = arith.addi %and3A_53, %add3A_600 : vector<16xi32>
        %gather3A_602 = tpu.vector_load_idx %arg9[%add3A_383, %add3A_601] : memref<80x64xi32, #tpu.memory_space<vmem>>[vector<16xi32>, vector<16xi32>], vector<16xi32>,
        %gather3A_603 = tpu.vector_load_idx %arg11[%add3A_383, %add3A_601] : memref<80x64xi32, #tpu.memory_space<vmem>>[vector<16xi32>, vector<16xi32>], vector<16xi32>,
        %bitcast3A_604 = vector.bitcast %gather3A_602 : vector<16xi32> to vector<32xbf16>
        %bitcast3A_605 = vector.bitcast %gather3A_603 : vector<16xi32> to vector<32xbf16>
        %mul3A_606 = arith.mulf %bitcast3A_604, %bitcast3A_605 : vector<32xbf16>
        %bitcast3A_607 = vector.bitcast %mul3A_606 : vector<32xbf16> to vector<16xi32>
        %and3A_608 = arith.andi %bitcast3A_607, %broadcast_in_dim3A_387 : vector<16xi32>
        %bitcast3A_609 = vector.bitcast %and3A_608 : vector<16xi32> to vector<16xf32>
        %shift_left3A_610 = arith.constant 16 : i32
        %shift_left3A_611 = vector.broadcast %shift_left3A_610 : i32 to vector<16xi32>
        %shift_left3A_612 = arith.shli %bitcast3A_607, %shift_left3A_611 : vector<16xi32>
        %bitcast3A_613 = vector.bitcast %shift_left3A_612 : vector<16xi32> to vector<16xf32>
        %add3A_614 = arith.addf %add3A_582, %bitcast3A_609 : vector<16xf32>
        %add3A_615 = arith.addf %add3A_583, %bitcast3A_613 : vector<16xf32>
        %add3A_616 = vector.broadcast %mul3A_506 : i32 to vector<16xi32>
        %add3A_617 = arith.addi %and3A_59, %add3A_616 : vector<16xi32>
        %gather3A_618 = tpu.vector_load_idx %arg9[%add3A_383, %add3A_617] : memref<80x64xi32, #tpu.memory_space<vmem>>[vector<16xi32>, vector<16xi32>], vector<16xi32>,
        %gather3A_619 = tpu.vector_load_idx %arg11[%add3A_383, %add3A_617] : memref<80x64xi32, #tpu.memory_space<vmem>>[vector<16xi32>, vector<16xi32>], vector<16xi32>,
        %bitcast3A_620 = vector.bitcast %gather3A_618 : vector<16xi32> to vector<32xbf16>
        %bitcast3A_621 = vector.bitcast %gather3A_619 : vector<16xi32> to vector<32xbf16>
        %mul3A_622 = arith.mulf %bitcast3A_620, %bitcast3A_621 : vector<32xbf16>
        %bitcast3A_623 = vector.bitcast %mul3A_622 : vector<32xbf16> to vector<16xi32>
        %and3A_624 = arith.andi %bitcast3A_623, %broadcast_in_dim3A_387 : vector<16xi32>
        %bitcast3A_625 = vector.bitcast %and3A_624 : vector<16xi32> to vector<16xf32>
        %shift_left3A_626 = arith.constant 16 : i32
        %shift_left3A_627 = vector.broadcast %shift_left3A_626 : i32 to vector<16xi32>
        %shift_left3A_628 = arith.shli %bitcast3A_623, %shift_left3A_627 : vector<16xi32>
        %bitcast3A_629 = vector.bitcast %shift_left3A_628 : vector<16xi32> to vector<16xf32>
        %add3A_630 = arith.addf %add3A_598, %bitcast3A_625 : vector<16xf32>
        %add3A_631 = arith.addf %add3A_599, %bitcast3A_629 : vector<16xf32>
        %add3A_632 = vector.broadcast %mul3A_506 : i32 to vector<16xi32>
        %add3A_633 = arith.addi %and3A_65, %add3A_632 : vector<16xi32>
        %gather3A_634 = tpu.vector_load_idx %arg9[%add3A_383, %add3A_633] : memref<80x64xi32, #tpu.memory_space<vmem>>[vector<16xi32>, vector<16xi32>], vector<16xi32>,
        %gather3A_635 = tpu.vector_load_idx %arg11[%add3A_383, %add3A_633] : memref<80x64xi32, #tpu.memory_space<vmem>>[vector<16xi32>, vector<16xi32>], vector<16xi32>,
        %bitcast3A_636 = vector.bitcast %gather3A_634 : vector<16xi32> to vector<32xbf16>
        %bitcast3A_637 = vector.bitcast %gather3A_635 : vector<16xi32> to vector<32xbf16>
        %mul3A_638 = arith.mulf %bitcast3A_636, %bitcast3A_637 : vector<32xbf16>
        %bitcast3A_639 = vector.bitcast %mul3A_638 : vector<32xbf16> to vector<16xi32>
        %and3A_640 = arith.andi %bitcast3A_639, %broadcast_in_dim3A_387 : vector<16xi32>
        %bitcast3A_641 = vector.bitcast %and3A_640 : vector<16xi32> to vector<16xf32>
        %shift_left3A_642 = arith.constant 16 : i32
        %shift_left3A_643 = vector.broadcast %shift_left3A_642 : i32 to vector<16xi32>
        %shift_left3A_644 = arith.shli %bitcast3A_639, %shift_left3A_643 : vector<16xi32>
        %bitcast3A_645 = vector.bitcast %shift_left3A_644 : vector<16xi32> to vector<16xf32>
        %add3A_646 = arith.addf %add3A_614, %bitcast3A_641 : vector<16xf32>
        %add3A_647 = arith.addf %add3A_615, %bitcast3A_645 : vector<16xf32>
        %add3A_648 = vector.broadcast %mul3A_506 : i32 to vector<16xi32>
        %add3A_649 = arith.addi %and3A_71, %add3A_648 : vector<16xi32>
        %gather3A_650 = tpu.vector_load_idx %arg9[%add3A_383, %add3A_649] : memref<80x64xi32, #tpu.memory_space<vmem>>[vector<16xi32>, vector<16xi32>], vector<16xi32>,
        %gather3A_651 = tpu.vector_load_idx %arg11[%add3A_383, %add3A_649] : memref<80x64xi32, #tpu.memory_space<vmem>>[vector<16xi32>, vector<16xi32>], vector<16xi32>,
        %bitcast3A_652 = vector.bitcast %gather3A_650 : vector<16xi32> to vector<32xbf16>
        %bitcast3A_653 = vector.bitcast %gather3A_651 : vector<16xi32> to vector<32xbf16>
        %mul3A_654 = arith.mulf %bitcast3A_652, %bitcast3A_653 : vector<32xbf16>
        %bitcast3A_655 = vector.bitcast %mul3A_654 : vector<32xbf16> to vector<16xi32>
        %and3A_656 = arith.andi %bitcast3A_655, %broadcast_in_dim3A_387 : vector<16xi32>
        %bitcast3A_657 = vector.bitcast %and3A_656 : vector<16xi32> to vector<16xf32>
        %shift_left3A_658 = arith.constant 16 : i32
        %shift_left3A_659 = vector.broadcast %shift_left3A_658 : i32 to vector<16xi32>
        %shift_left3A_660 = arith.shli %bitcast3A_655, %shift_left3A_659 : vector<16xi32>
        %bitcast3A_661 = vector.bitcast %shift_left3A_660 : vector<16xi32> to vector<16xf32>
        %add3A_662 = arith.addf %add3A_630, %bitcast3A_657 : vector<16xf32>
        %add3A_663 = arith.addf %add3A_631, %bitcast3A_661 : vector<16xf32>
        %add3A_664 = vector.broadcast %mul3A_506 : i32 to vector<16xi32>
        %add3A_665 = arith.addi %and3A_77, %add3A_664 : vector<16xi32>
        %gather3A_666 = tpu.vector_load_idx %arg9[%add3A_383, %add3A_665] : memref<80x64xi32, #tpu.memory_space<vmem>>[vector<16xi32>, vector<16xi32>], vector<16xi32>,
        %gather3A_667 = tpu.vector_load_idx %arg11[%add3A_383, %add3A_665] : memref<80x64xi32, #tpu.memory_space<vmem>>[vector<16xi32>, vector<16xi32>], vector<16xi32>,
        %bitcast3A_668 = vector.bitcast %gather3A_666 : vector<16xi32> to vector<32xbf16>
        %bitcast3A_669 = vector.bitcast %gather3A_667 : vector<16xi32> to vector<32xbf16>
        %mul3A_670 = arith.mulf %bitcast3A_668, %bitcast3A_669 : vector<32xbf16>
        %bitcast3A_671 = vector.bitcast %mul3A_670 : vector<32xbf16> to vector<16xi32>
        %and3A_672 = arith.andi %bitcast3A_671, %broadcast_in_dim3A_387 : vector<16xi32>
        %bitcast3A_673 = vector.bitcast %and3A_672 : vector<16xi32> to vector<16xf32>
        %shift_left3A_674 = arith.constant 16 : i32
        %shift_left3A_675 = vector.broadcast %shift_left3A_674 : i32 to vector<16xi32>
        %shift_left3A_676 = arith.shli %bitcast3A_671, %shift_left3A_675 : vector<16xi32>
        %bitcast3A_677 = vector.bitcast %shift_left3A_676 : vector<16xi32> to vector<16xf32>
        %add3A_678 = arith.addf %add3A_646, %bitcast3A_673 : vector<16xf32>
        %add3A_679 = arith.addf %add3A_647, %bitcast3A_677 : vector<16xf32>
        %add3A_680 = vector.broadcast %mul3A_506 : i32 to vector<16xi32>
        %add3A_681 = arith.addi %and3A_83, %add3A_680 : vector<16xi32>
        %gather3A_682 = tpu.vector_load_idx %arg9[%add3A_383, %add3A_681] : memref<80x64xi32, #tpu.memory_space<vmem>>[vector<16xi32>, vector<16xi32>], vector<16xi32>,
        %gather3A_683 = tpu.vector_load_idx %arg11[%add3A_383, %add3A_681] : memref<80x64xi32, #tpu.memory_space<vmem>>[vector<16xi32>, vector<16xi32>], vector<16xi32>,
        %bitcast3A_684 = vector.bitcast %gather3A_682 : vector<16xi32> to vector<32xbf16>
        %bitcast3A_685 = vector.bitcast %gather3A_683 : vector<16xi32> to vector<32xbf16>
        %mul3A_686 = arith.mulf %bitcast3A_684, %bitcast3A_685 : vector<32xbf16>
        %bitcast3A_687 = vector.bitcast %mul3A_686 : vector<32xbf16> to vector<16xi32>
        %and3A_688 = arith.andi %bitcast3A_687, %broadcast_in_dim3A_387 : vector<16xi32>
        %bitcast3A_689 = vector.bitcast %and3A_688 : vector<16xi32> to vector<16xf32>
        %shift_left3A_690 = arith.constant 16 : i32
        %shift_left3A_691 = vector.broadcast %shift_left3A_690 : i32 to vector<16xi32>
        %shift_left3A_692 = arith.shli %bitcast3A_687, %shift_left3A_691 : vector<16xi32>
        %bitcast3A_693 = vector.bitcast %shift_left3A_692 : vector<16xi32> to vector<16xf32>
        %add3A_694 = arith.addf %add3A_662, %bitcast3A_689 : vector<16xf32>
        %add3A_695 = arith.addf %add3A_663, %bitcast3A_693 : vector<16xf32>
        %add3A_696 = vector.broadcast %mul3A_506 : i32 to vector<16xi32>
        %add3A_697 = arith.addi %and3A_89, %add3A_696 : vector<16xi32>
        %gather3A_698 = tpu.vector_load_idx %arg9[%add3A_383, %add3A_697] : memref<80x64xi32, #tpu.memory_space<vmem>>[vector<16xi32>, vector<16xi32>], vector<16xi32>,
        %gather3A_699 = tpu.vector_load_idx %arg11[%add3A_383, %add3A_697] : memref<80x64xi32, #tpu.memory_space<vmem>>[vector<16xi32>, vector<16xi32>], vector<16xi32>,
        %bitcast3A_700 = vector.bitcast %gather3A_698 : vector<16xi32> to vector<32xbf16>
        %bitcast3A_701 = vector.bitcast %gather3A_699 : vector<16xi32> to vector<32xbf16>
        %mul3A_702 = arith.mulf %bitcast3A_700, %bitcast3A_701 : vector<32xbf16>
        %bitcast3A_703 = vector.bitcast %mul3A_702 : vector<32xbf16> to vector<16xi32>
        %and3A_704 = arith.andi %bitcast3A_703, %broadcast_in_dim3A_387 : vector<16xi32>
        %bitcast3A_705 = vector.bitcast %and3A_704 : vector<16xi32> to vector<16xf32>
        %shift_left3A_706 = arith.constant 16 : i32
        %shift_left3A_707 = vector.broadcast %shift_left3A_706 : i32 to vector<16xi32>
        %shift_left3A_708 = arith.shli %bitcast3A_703, %shift_left3A_707 : vector<16xi32>
        %bitcast3A_709 = vector.bitcast %shift_left3A_708 : vector<16xi32> to vector<16xf32>
        %add3A_710 = arith.addf %add3A_678, %bitcast3A_705 : vector<16xf32>
        %add3A_711 = arith.addf %add3A_679, %bitcast3A_709 : vector<16xf32>
        %add3A_712 = vector.broadcast %mul3A_506 : i32 to vector<16xi32>
        %add3A_713 = arith.addi %and3A_95, %add3A_712 : vector<16xi32>
        %gather3A_714 = tpu.vector_load_idx %arg9[%add3A_383, %add3A_713] : memref<80x64xi32, #tpu.memory_space<vmem>>[vector<16xi32>, vector<16xi32>], vector<16xi32>,
        %gather3A_715 = tpu.vector_load_idx %arg11[%add3A_383, %add3A_713] : memref<80x64xi32, #tpu.memory_space<vmem>>[vector<16xi32>, vector<16xi32>], vector<16xi32>,
        %bitcast3A_716 = vector.bitcast %gather3A_714 : vector<16xi32> to vector<32xbf16>
        %bitcast3A_717 = vector.bitcast %gather3A_715 : vector<16xi32> to vector<32xbf16>
        %mul3A_718 = arith.mulf %bitcast3A_716, %bitcast3A_717 : vector<32xbf16>
        %bitcast3A_719 = vector.bitcast %mul3A_718 : vector<32xbf16> to vector<16xi32>
        %and3A_720 = arith.andi %bitcast3A_719, %broadcast_in_dim3A_387 : vector<16xi32>
        %bitcast3A_721 = vector.bitcast %and3A_720 : vector<16xi32> to vector<16xf32>
        %shift_left3A_722 = arith.constant 16 : i32
        %shift_left3A_723 = vector.broadcast %shift_left3A_722 : i32 to vector<16xi32>
        %shift_left3A_724 = arith.shli %bitcast3A_719, %shift_left3A_723 : vector<16xi32>
        %bitcast3A_725 = vector.bitcast %shift_left3A_724 : vector<16xi32> to vector<16xf32>
        %add3A_726 = arith.addf %add3A_694, %bitcast3A_721 : vector<16xf32>
        %add3A_727 = arith.addf %add3A_695, %bitcast3A_725 : vector<16xf32>
        %add3A_728 = vector.broadcast %mul3A_506 : i32 to vector<16xi32>
        %add3A_729 = arith.addi %and3A_101, %add3A_728 : vector<16xi32>
        %gather3A_730 = tpu.vector_load_idx %arg9[%add3A_383, %add3A_729] : memref<80x64xi32, #tpu.memory_space<vmem>>[vector<16xi32>, vector<16xi32>], vector<16xi32>,
        %gather3A_731 = tpu.vector_load_idx %arg11[%add3A_383, %add3A_729] : memref<80x64xi32, #tpu.memory_space<vmem>>[vector<16xi32>, vector<16xi32>], vector<16xi32>,
        %bitcast3A_732 = vector.bitcast %gather3A_730 : vector<16xi32> to vector<32xbf16>
        %bitcast3A_733 = vector.bitcast %gather3A_731 : vector<16xi32> to vector<32xbf16>
        %mul3A_734 = arith.mulf %bitcast3A_732, %bitcast3A_733 : vector<32xbf16>
        %bitcast3A_735 = vector.bitcast %mul3A_734 : vector<32xbf16> to vector<16xi32>
        %and3A_736 = arith.andi %bitcast3A_735, %broadcast_in_dim3A_387 : vector<16xi32>
        %bitcast3A_737 = vector.bitcast %and3A_736 : vector<16xi32> to vector<16xf32>
        %shift_left3A_738 = arith.constant 16 : i32
        %shift_left3A_739 = vector.broadcast %shift_left3A_738 : i32 to vector<16xi32>
        %shift_left3A_740 = arith.shli %bitcast3A_735, %shift_left3A_739 : vector<16xi32>
        %bitcast3A_741 = vector.bitcast %shift_left3A_740 : vector<16xi32> to vector<16xf32>
        %add3A_742 = arith.addf %add3A_710, %bitcast3A_737 : vector<16xf32>
        %add3A_743 = arith.addf %add3A_711, %bitcast3A_741 : vector<16xf32>
        %add3A_744 = vector.broadcast %mul3A_506 : i32 to vector<16xi32>
        %add3A_745 = arith.addi %and3A_107, %add3A_744 : vector<16xi32>
        %gather3A_746 = tpu.vector_load_idx %arg9[%add3A_383, %add3A_745] : memref<80x64xi32, #tpu.memory_space<vmem>>[vector<16xi32>, vector<16xi32>], vector<16xi32>,
        %gather3A_747 = tpu.vector_load_idx %arg11[%add3A_383, %add3A_745] : memref<80x64xi32, #tpu.memory_space<vmem>>[vector<16xi32>, vector<16xi32>], vector<16xi32>,
        %bitcast3A_748 = vector.bitcast %gather3A_746 : vector<16xi32> to vector<32xbf16>
        %bitcast3A_749 = vector.bitcast %gather3A_747 : vector<16xi32> to vector<32xbf16>
        %mul3A_750 = arith.mulf %bitcast3A_748, %bitcast3A_749 : vector<32xbf16>
        %bitcast3A_751 = vector.bitcast %mul3A_750 : vector<32xbf16> to vector<16xi32>
        %and3A_752 = arith.andi %bitcast3A_751, %broadcast_in_dim3A_387 : vector<16xi32>
        %bitcast3A_753 = vector.bitcast %and3A_752 : vector<16xi32> to vector<16xf32>
        %shift_left3A_754 = arith.constant 16 : i32
        %shift_left3A_755 = vector.broadcast %shift_left3A_754 : i32 to vector<16xi32>
        %shift_left3A_756 = arith.shli %bitcast3A_751, %shift_left3A_755 : vector<16xi32>
        %bitcast3A_757 = vector.bitcast %shift_left3A_756 : vector<16xi32> to vector<16xf32>
        %add3A_758 = arith.addf %add3A_726, %bitcast3A_753 : vector<16xf32>
        %add3A_759 = arith.addf %add3A_727, %bitcast3A_757 : vector<16xf32>
        scf.yield %add3A_742, %add3A_743, %add3A_758, %add3A_759 : vector<16xf32>, vector<16xf32>, vector<16xf32>, vector<16xf32>
      }
      %scan3A_393 = arith.constant 4 : i32
      %add3A_394 = arith.addf %scan3A_392#0, %scan3A_392#1 : vector<16xf32>
      %add3A_395 = arith.addf %scan3A_392#2, %scan3A_392#3 : vector<16xf32>
      %add3A_396 = arith.addf %add3A_394, %add3A_395 : vector<16xf32>
      %neg3A_397 = arith.constant 0.000000e+00 : f32
      %neg3A_398 = vector.broadcast %neg3A_397 : f32 to vector<16xf32>
      %neg3A_399 = arith.subf %neg3A_398, %add3A_396 : vector<16xf32>
      %exp3A_400 = math.exp %neg3A_399 : vector<16xf32>
      %add3A_401 = arith.constant 1.000000e+00 : f32
      %add3A_402 = vector.broadcast %add3A_401 : f32 to vector<16xf32>
      %add3A_403 = arith.addf %add3A_402, %exp3A_400 : vector<16xf32>
      %div3A_404 = arith.constant 1.000000e+00 : f32
      %div3A_405 = vector.broadcast %div3A_404 : f32 to vector<16xf32>
      %div3A_406 = arith.divf %div3A_405, %add3A_403 : vector<16xf32>
      %swap3A_407 = arith.constant 16 : index
      %swap3A_408 = tpu.vector_load %arg13[%swap3A_407] {strides = array<i32>} : memref<80xf32, #tpu.memory_space<vmem>>, vector<16xf32>,
      tpu.vector_store %arg13[%swap3A_407], %div3A_406 {strides = array<i32>} : memref<80xf32, #tpu.memory_space<vmem>>, vector<16xf32>,
      %add3A_409 = arith.constant 32 : i32
      %add3A_410 = vector.broadcast %add3A_409 : i32 to vector<16xi32>
      %add3A_411 = arith.addi %add3A_410, %iota3A : vector<16xi32>
      %broadcast_in_dim3A_412 = arith.constant 0.000000e+00 : f32
      %broadcast_in_dim3A_413 = vector.broadcast %broadcast_in_dim3A_412 : f32 to vector<16xf32>
      %broadcast_in_dim3A_414 = arith.constant -65536 : i32
      %broadcast_in_dim3A_415 = vector.broadcast %broadcast_in_dim3A_414 : i32 to vector<16xi32>
      %scan3A_416 = arith.constant 0 : i32
      %scan3A_417 = arith.constant 4 : i32
      %scan3A_418 = arith.addi %scan3A_416, %scan3A_417 : i32
      %scan3A_419 = arith.constant 1 : i32
      %scan3A_420:4 = scf.for %scan3A_500 = %scan3A_416 to %scan3A_418 step %scan3A_419 iter_args(%scan3A_501 = %broadcast_in_dim3A_413, %scan3A_502 = %broadcast_in_dim3A_413, %scan3A_503 = %broadcast_in_dim3A_413, %scan3A_504 = %broadcast_in_dim3A_413) -> (vector<16xf32>, vector<16xf32>, vector<16xf32>, vector<16xf32>)  : i32 {
        %mul3A_505 = arith.constant 16 : i32
        %mul3A_506 = arith.muli %scan3A_500, %mul3A_505 : i32
        %add3A_507 = vector.broadcast %mul3A_506 : i32 to vector<16xi32>
        %add3A_508 = arith.addi %and3A_17, %add3A_507 : vector<16xi32>
        %gather3A = tpu.vector_load_idx %arg9[%add3A_411, %add3A_508] : memref<80x64xi32, #tpu.memory_space<vmem>>[vector<16xi32>, vector<16xi32>], vector<16xi32>,
        %gather3A_509 = tpu.vector_load_idx %arg11[%add3A_411, %add3A_508] : memref<80x64xi32, #tpu.memory_space<vmem>>[vector<16xi32>, vector<16xi32>], vector<16xi32>,
        %bitcast3A = vector.bitcast %gather3A : vector<16xi32> to vector<32xbf16>
        %bitcast3A_510 = vector.bitcast %gather3A_509 : vector<16xi32> to vector<32xbf16>
        %mul3A_511 = arith.mulf %bitcast3A, %bitcast3A_510 : vector<32xbf16>
        %bitcast3A_512 = vector.bitcast %mul3A_511 : vector<32xbf16> to vector<16xi32>
        %and3A_513 = arith.andi %bitcast3A_512, %broadcast_in_dim3A_415 : vector<16xi32>
        %bitcast3A_514 = vector.bitcast %and3A_513 : vector<16xi32> to vector<16xf32>
        %shift_left3A = arith.constant 16 : i32
        %shift_left3A_515 = vector.broadcast %shift_left3A : i32 to vector<16xi32>
        %shift_left3A_516 = arith.shli %bitcast3A_512, %shift_left3A_515 : vector<16xi32>
        %bitcast3A_517 = vector.bitcast %shift_left3A_516 : vector<16xi32> to vector<16xf32>
        %add3A_518 = arith.addf %scan3A_501, %bitcast3A_514 : vector<16xf32>
        %add3A_519 = arith.addf %scan3A_502, %bitcast3A_517 : vector<16xf32>
        %add3A_520 = vector.broadcast %mul3A_506 : i32 to vector<16xi32>
        %add3A_521 = arith.addi %and3A_23, %add3A_520 : vector<16xi32>
        %gather3A_522 = tpu.vector_load_idx %arg9[%add3A_411, %add3A_521] : memref<80x64xi32, #tpu.memory_space<vmem>>[vector<16xi32>, vector<16xi32>], vector<16xi32>,
        %gather3A_523 = tpu.vector_load_idx %arg11[%add3A_411, %add3A_521] : memref<80x64xi32, #tpu.memory_space<vmem>>[vector<16xi32>, vector<16xi32>], vector<16xi32>,
        %bitcast3A_524 = vector.bitcast %gather3A_522 : vector<16xi32> to vector<32xbf16>
        %bitcast3A_525 = vector.bitcast %gather3A_523 : vector<16xi32> to vector<32xbf16>
        %mul3A_526 = arith.mulf %bitcast3A_524, %bitcast3A_525 : vector<32xbf16>
        %bitcast3A_527 = vector.bitcast %mul3A_526 : vector<32xbf16> to vector<16xi32>
        %and3A_528 = arith.andi %bitcast3A_527, %broadcast_in_dim3A_415 : vector<16xi32>
        %bitcast3A_529 = vector.bitcast %and3A_528 : vector<16xi32> to vector<16xf32>
        %shift_left3A_530 = arith.constant 16 : i32
        %shift_left3A_531 = vector.broadcast %shift_left3A_530 : i32 to vector<16xi32>
        %shift_left3A_532 = arith.shli %bitcast3A_527, %shift_left3A_531 : vector<16xi32>
        %bitcast3A_533 = vector.bitcast %shift_left3A_532 : vector<16xi32> to vector<16xf32>
        %add3A_534 = arith.addf %scan3A_503, %bitcast3A_529 : vector<16xf32>
        %add3A_535 = arith.addf %scan3A_504, %bitcast3A_533 : vector<16xf32>
        %add3A_536 = vector.broadcast %mul3A_506 : i32 to vector<16xi32>
        %add3A_537 = arith.addi %and3A_29, %add3A_536 : vector<16xi32>
        %gather3A_538 = tpu.vector_load_idx %arg9[%add3A_411, %add3A_537] : memref<80x64xi32, #tpu.memory_space<vmem>>[vector<16xi32>, vector<16xi32>], vector<16xi32>,
        %gather3A_539 = tpu.vector_load_idx %arg11[%add3A_411, %add3A_537] : memref<80x64xi32, #tpu.memory_space<vmem>>[vector<16xi32>, vector<16xi32>], vector<16xi32>,
        %bitcast3A_540 = vector.bitcast %gather3A_538 : vector<16xi32> to vector<32xbf16>
        %bitcast3A_541 = vector.bitcast %gather3A_539 : vector<16xi32> to vector<32xbf16>
        %mul3A_542 = arith.mulf %bitcast3A_540, %bitcast3A_541 : vector<32xbf16>
        %bitcast3A_543 = vector.bitcast %mul3A_542 : vector<32xbf16> to vector<16xi32>
        %and3A_544 = arith.andi %bitcast3A_543, %broadcast_in_dim3A_415 : vector<16xi32>
        %bitcast3A_545 = vector.bitcast %and3A_544 : vector<16xi32> to vector<16xf32>
        %shift_left3A_546 = arith.constant 16 : i32
        %shift_left3A_547 = vector.broadcast %shift_left3A_546 : i32 to vector<16xi32>
        %shift_left3A_548 = arith.shli %bitcast3A_543, %shift_left3A_547 : vector<16xi32>
        %bitcast3A_549 = vector.bitcast %shift_left3A_548 : vector<16xi32> to vector<16xf32>
        %add3A_550 = arith.addf %add3A_518, %bitcast3A_545 : vector<16xf32>
        %add3A_551 = arith.addf %add3A_519, %bitcast3A_549 : vector<16xf32>
        %add3A_552 = vector.broadcast %mul3A_506 : i32 to vector<16xi32>
        %add3A_553 = arith.addi %and3A_35, %add3A_552 : vector<16xi32>
        %gather3A_554 = tpu.vector_load_idx %arg9[%add3A_411, %add3A_553] : memref<80x64xi32, #tpu.memory_space<vmem>>[vector<16xi32>, vector<16xi32>], vector<16xi32>,
        %gather3A_555 = tpu.vector_load_idx %arg11[%add3A_411, %add3A_553] : memref<80x64xi32, #tpu.memory_space<vmem>>[vector<16xi32>, vector<16xi32>], vector<16xi32>,
        %bitcast3A_556 = vector.bitcast %gather3A_554 : vector<16xi32> to vector<32xbf16>
        %bitcast3A_557 = vector.bitcast %gather3A_555 : vector<16xi32> to vector<32xbf16>
        %mul3A_558 = arith.mulf %bitcast3A_556, %bitcast3A_557 : vector<32xbf16>
        %bitcast3A_559 = vector.bitcast %mul3A_558 : vector<32xbf16> to vector<16xi32>
        %and3A_560 = arith.andi %bitcast3A_559, %broadcast_in_dim3A_415 : vector<16xi32>
        %bitcast3A_561 = vector.bitcast %and3A_560 : vector<16xi32> to vector<16xf32>
        %shift_left3A_562 = arith.constant 16 : i32
        %shift_left3A_563 = vector.broadcast %shift_left3A_562 : i32 to vector<16xi32>
        %shift_left3A_564 = arith.shli %bitcast3A_559, %shift_left3A_563 : vector<16xi32>
        %bitcast3A_565 = vector.bitcast %shift_left3A_564 : vector<16xi32> to vector<16xf32>
        %add3A_566 = arith.addf %add3A_534, %bitcast3A_561 : vector<16xf32>
        %add3A_567 = arith.addf %add3A_535, %bitcast3A_565 : vector<16xf32>
        %add3A_568 = vector.broadcast %mul3A_506 : i32 to vector<16xi32>
        %add3A_569 = arith.addi %and3A_41, %add3A_568 : vector<16xi32>
        %gather3A_570 = tpu.vector_load_idx %arg9[%add3A_411, %add3A_569] : memref<80x64xi32, #tpu.memory_space<vmem>>[vector<16xi32>, vector<16xi32>], vector<16xi32>,
        %gather3A_571 = tpu.vector_load_idx %arg11[%add3A_411, %add3A_569] : memref<80x64xi32, #tpu.memory_space<vmem>>[vector<16xi32>, vector<16xi32>], vector<16xi32>,
        %bitcast3A_572 = vector.bitcast %gather3A_570 : vector<16xi32> to vector<32xbf16>
        %bitcast3A_573 = vector.bitcast %gather3A_571 : vector<16xi32> to vector<32xbf16>
        %mul3A_574 = arith.mulf %bitcast3A_572, %bitcast3A_573 : vector<32xbf16>
        %bitcast3A_575 = vector.bitcast %mul3A_574 : vector<32xbf16> to vector<16xi32>
        %and3A_576 = arith.andi %bitcast3A_575, %broadcast_in_dim3A_415 : vector<16xi32>
        %bitcast3A_577 = vector.bitcast %and3A_576 : vector<16xi32> to vector<16xf32>
        %shift_left3A_578 = arith.constant 16 : i32
        %shift_left3A_579 = vector.broadcast %shift_left3A_578 : i32 to vector<16xi32>
        %shift_left3A_580 = arith.shli %bitcast3A_575, %shift_left3A_579 : vector<16xi32>
        %bitcast3A_581 = vector.bitcast %shift_left3A_580 : vector<16xi32> to vector<16xf32>
        %add3A_582 = arith.addf %add3A_550, %bitcast3A_577 : vector<16xf32>
        %add3A_583 = arith.addf %add3A_551, %bitcast3A_581 : vector<16xf32>
        %add3A_584 = vector.broadcast %mul3A_506 : i32 to vector<16xi32>
        %add3A_585 = arith.addi %and3A_47, %add3A_584 : vector<16xi32>
        %gather3A_586 = tpu.vector_load_idx %arg9[%add3A_411, %add3A_585] : memref<80x64xi32, #tpu.memory_space<vmem>>[vector<16xi32>, vector<16xi32>], vector<16xi32>,
        %gather3A_587 = tpu.vector_load_idx %arg11[%add3A_411, %add3A_585] : memref<80x64xi32, #tpu.memory_space<vmem>>[vector<16xi32>, vector<16xi32>], vector<16xi32>,
        %bitcast3A_588 = vector.bitcast %gather3A_586 : vector<16xi32> to vector<32xbf16>
        %bitcast3A_589 = vector.bitcast %gather3A_587 : vector<16xi32> to vector<32xbf16>
        %mul3A_590 = arith.mulf %bitcast3A_588, %bitcast3A_589 : vector<32xbf16>
        %bitcast3A_591 = vector.bitcast %mul3A_590 : vector<32xbf16> to vector<16xi32>
        %and3A_592 = arith.andi %bitcast3A_591, %broadcast_in_dim3A_415 : vector<16xi32>
        %bitcast3A_593 = vector.bitcast %and3A_592 : vector<16xi32> to vector<16xf32>
        %shift_left3A_594 = arith.constant 16 : i32
        %shift_left3A_595 = vector.broadcast %shift_left3A_594 : i32 to vector<16xi32>
        %shift_left3A_596 = arith.shli %bitcast3A_591, %shift_left3A_595 : vector<16xi32>
        %bitcast3A_597 = vector.bitcast %shift_left3A_596 : vector<16xi32> to vector<16xf32>
        %add3A_598 = arith.addf %add3A_566, %bitcast3A_593 : vector<16xf32>
        %add3A_599 = arith.addf %add3A_567, %bitcast3A_597 : vector<16xf32>
        %add3A_600 = vector.broadcast %mul3A_506 : i32 to vector<16xi32>
        %add3A_601 = arith.addi %and3A_53, %add3A_600 : vector<16xi32>
        %gather3A_602 = tpu.vector_load_idx %arg9[%add3A_411, %add3A_601] : memref<80x64xi32, #tpu.memory_space<vmem>>[vector<16xi32>, vector<16xi32>], vector<16xi32>,
        %gather3A_603 = tpu.vector_load_idx %arg11[%add3A_411, %add3A_601] : memref<80x64xi32, #tpu.memory_space<vmem>>[vector<16xi32>, vector<16xi32>], vector<16xi32>,
        %bitcast3A_604 = vector.bitcast %gather3A_602 : vector<16xi32> to vector<32xbf16>
        %bitcast3A_605 = vector.bitcast %gather3A_603 : vector<16xi32> to vector<32xbf16>
        %mul3A_606 = arith.mulf %bitcast3A_604, %bitcast3A_605 : vector<32xbf16>
        %bitcast3A_607 = vector.bitcast %mul3A_606 : vector<32xbf16> to vector<16xi32>
        %and3A_608 = arith.andi %bitcast3A_607, %broadcast_in_dim3A_415 : vector<16xi32>
        %bitcast3A_609 = vector.bitcast %and3A_608 : vector<16xi32> to vector<16xf32>
        %shift_left3A_610 = arith.constant 16 : i32
        %shift_left3A_611 = vector.broadcast %shift_left3A_610 : i32 to vector<16xi32>
        %shift_left3A_612 = arith.shli %bitcast3A_607, %shift_left3A_611 : vector<16xi32>
        %bitcast3A_613 = vector.bitcast %shift_left3A_612 : vector<16xi32> to vector<16xf32>
        %add3A_614 = arith.addf %add3A_582, %bitcast3A_609 : vector<16xf32>
        %add3A_615 = arith.addf %add3A_583, %bitcast3A_613 : vector<16xf32>
        %add3A_616 = vector.broadcast %mul3A_506 : i32 to vector<16xi32>
        %add3A_617 = arith.addi %and3A_59, %add3A_616 : vector<16xi32>
        %gather3A_618 = tpu.vector_load_idx %arg9[%add3A_411, %add3A_617] : memref<80x64xi32, #tpu.memory_space<vmem>>[vector<16xi32>, vector<16xi32>], vector<16xi32>,
        %gather3A_619 = tpu.vector_load_idx %arg11[%add3A_411, %add3A_617] : memref<80x64xi32, #tpu.memory_space<vmem>>[vector<16xi32>, vector<16xi32>], vector<16xi32>,
        %bitcast3A_620 = vector.bitcast %gather3A_618 : vector<16xi32> to vector<32xbf16>
        %bitcast3A_621 = vector.bitcast %gather3A_619 : vector<16xi32> to vector<32xbf16>
        %mul3A_622 = arith.mulf %bitcast3A_620, %bitcast3A_621 : vector<32xbf16>
        %bitcast3A_623 = vector.bitcast %mul3A_622 : vector<32xbf16> to vector<16xi32>
        %and3A_624 = arith.andi %bitcast3A_623, %broadcast_in_dim3A_415 : vector<16xi32>
        %bitcast3A_625 = vector.bitcast %and3A_624 : vector<16xi32> to vector<16xf32>
        %shift_left3A_626 = arith.constant 16 : i32
        %shift_left3A_627 = vector.broadcast %shift_left3A_626 : i32 to vector<16xi32>
        %shift_left3A_628 = arith.shli %bitcast3A_623, %shift_left3A_627 : vector<16xi32>
        %bitcast3A_629 = vector.bitcast %shift_left3A_628 : vector<16xi32> to vector<16xf32>
        %add3A_630 = arith.addf %add3A_598, %bitcast3A_625 : vector<16xf32>
        %add3A_631 = arith.addf %add3A_599, %bitcast3A_629 : vector<16xf32>
        %add3A_632 = vector.broadcast %mul3A_506 : i32 to vector<16xi32>
        %add3A_633 = arith.addi %and3A_65, %add3A_632 : vector<16xi32>
        %gather3A_634 = tpu.vector_load_idx %arg9[%add3A_411, %add3A_633] : memref<80x64xi32, #tpu.memory_space<vmem>>[vector<16xi32>, vector<16xi32>], vector<16xi32>,
        %gather3A_635 = tpu.vector_load_idx %arg11[%add3A_411, %add3A_633] : memref<80x64xi32, #tpu.memory_space<vmem>>[vector<16xi32>, vector<16xi32>], vector<16xi32>,
        %bitcast3A_636 = vector.bitcast %gather3A_634 : vector<16xi32> to vector<32xbf16>
        %bitcast3A_637 = vector.bitcast %gather3A_635 : vector<16xi32> to vector<32xbf16>
        %mul3A_638 = arith.mulf %bitcast3A_636, %bitcast3A_637 : vector<32xbf16>
        %bitcast3A_639 = vector.bitcast %mul3A_638 : vector<32xbf16> to vector<16xi32>
        %and3A_640 = arith.andi %bitcast3A_639, %broadcast_in_dim3A_415 : vector<16xi32>
        %bitcast3A_641 = vector.bitcast %and3A_640 : vector<16xi32> to vector<16xf32>
        %shift_left3A_642 = arith.constant 16 : i32
        %shift_left3A_643 = vector.broadcast %shift_left3A_642 : i32 to vector<16xi32>
        %shift_left3A_644 = arith.shli %bitcast3A_639, %shift_left3A_643 : vector<16xi32>
        %bitcast3A_645 = vector.bitcast %shift_left3A_644 : vector<16xi32> to vector<16xf32>
        %add3A_646 = arith.addf %add3A_614, %bitcast3A_641 : vector<16xf32>
        %add3A_647 = arith.addf %add3A_615, %bitcast3A_645 : vector<16xf32>
        %add3A_648 = vector.broadcast %mul3A_506 : i32 to vector<16xi32>
        %add3A_649 = arith.addi %and3A_71, %add3A_648 : vector<16xi32>
        %gather3A_650 = tpu.vector_load_idx %arg9[%add3A_411, %add3A_649] : memref<80x64xi32, #tpu.memory_space<vmem>>[vector<16xi32>, vector<16xi32>], vector<16xi32>,
        %gather3A_651 = tpu.vector_load_idx %arg11[%add3A_411, %add3A_649] : memref<80x64xi32, #tpu.memory_space<vmem>>[vector<16xi32>, vector<16xi32>], vector<16xi32>,
        %bitcast3A_652 = vector.bitcast %gather3A_650 : vector<16xi32> to vector<32xbf16>
        %bitcast3A_653 = vector.bitcast %gather3A_651 : vector<16xi32> to vector<32xbf16>
        %mul3A_654 = arith.mulf %bitcast3A_652, %bitcast3A_653 : vector<32xbf16>
        %bitcast3A_655 = vector.bitcast %mul3A_654 : vector<32xbf16> to vector<16xi32>
        %and3A_656 = arith.andi %bitcast3A_655, %broadcast_in_dim3A_415 : vector<16xi32>
        %bitcast3A_657 = vector.bitcast %and3A_656 : vector<16xi32> to vector<16xf32>
        %shift_left3A_658 = arith.constant 16 : i32
        %shift_left3A_659 = vector.broadcast %shift_left3A_658 : i32 to vector<16xi32>
        %shift_left3A_660 = arith.shli %bitcast3A_655, %shift_left3A_659 : vector<16xi32>
        %bitcast3A_661 = vector.bitcast %shift_left3A_660 : vector<16xi32> to vector<16xf32>
        %add3A_662 = arith.addf %add3A_630, %bitcast3A_657 : vector<16xf32>
        %add3A_663 = arith.addf %add3A_631, %bitcast3A_661 : vector<16xf32>
        %add3A_664 = vector.broadcast %mul3A_506 : i32 to vector<16xi32>
        %add3A_665 = arith.addi %and3A_77, %add3A_664 : vector<16xi32>
        %gather3A_666 = tpu.vector_load_idx %arg9[%add3A_411, %add3A_665] : memref<80x64xi32, #tpu.memory_space<vmem>>[vector<16xi32>, vector<16xi32>], vector<16xi32>,
        %gather3A_667 = tpu.vector_load_idx %arg11[%add3A_411, %add3A_665] : memref<80x64xi32, #tpu.memory_space<vmem>>[vector<16xi32>, vector<16xi32>], vector<16xi32>,
        %bitcast3A_668 = vector.bitcast %gather3A_666 : vector<16xi32> to vector<32xbf16>
        %bitcast3A_669 = vector.bitcast %gather3A_667 : vector<16xi32> to vector<32xbf16>
        %mul3A_670 = arith.mulf %bitcast3A_668, %bitcast3A_669 : vector<32xbf16>
        %bitcast3A_671 = vector.bitcast %mul3A_670 : vector<32xbf16> to vector<16xi32>
        %and3A_672 = arith.andi %bitcast3A_671, %broadcast_in_dim3A_415 : vector<16xi32>
        %bitcast3A_673 = vector.bitcast %and3A_672 : vector<16xi32> to vector<16xf32>
        %shift_left3A_674 = arith.constant 16 : i32
        %shift_left3A_675 = vector.broadcast %shift_left3A_674 : i32 to vector<16xi32>
        %shift_left3A_676 = arith.shli %bitcast3A_671, %shift_left3A_675 : vector<16xi32>
        %bitcast3A_677 = vector.bitcast %shift_left3A_676 : vector<16xi32> to vector<16xf32>
        %add3A_678 = arith.addf %add3A_646, %bitcast3A_673 : vector<16xf32>
        %add3A_679 = arith.addf %add3A_647, %bitcast3A_677 : vector<16xf32>
        %add3A_680 = vector.broadcast %mul3A_506 : i32 to vector<16xi32>
        %add3A_681 = arith.addi %and3A_83, %add3A_680 : vector<16xi32>
        %gather3A_682 = tpu.vector_load_idx %arg9[%add3A_411, %add3A_681] : memref<80x64xi32, #tpu.memory_space<vmem>>[vector<16xi32>, vector<16xi32>], vector<16xi32>,
        %gather3A_683 = tpu.vector_load_idx %arg11[%add3A_411, %add3A_681] : memref<80x64xi32, #tpu.memory_space<vmem>>[vector<16xi32>, vector<16xi32>], vector<16xi32>,
        %bitcast3A_684 = vector.bitcast %gather3A_682 : vector<16xi32> to vector<32xbf16>
        %bitcast3A_685 = vector.bitcast %gather3A_683 : vector<16xi32> to vector<32xbf16>
        %mul3A_686 = arith.mulf %bitcast3A_684, %bitcast3A_685 : vector<32xbf16>
        %bitcast3A_687 = vector.bitcast %mul3A_686 : vector<32xbf16> to vector<16xi32>
        %and3A_688 = arith.andi %bitcast3A_687, %broadcast_in_dim3A_415 : vector<16xi32>
        %bitcast3A_689 = vector.bitcast %and3A_688 : vector<16xi32> to vector<16xf32>
        %shift_left3A_690 = arith.constant 16 : i32
        %shift_left3A_691 = vector.broadcast %shift_left3A_690 : i32 to vector<16xi32>
        %shift_left3A_692 = arith.shli %bitcast3A_687, %shift_left3A_691 : vector<16xi32>
        %bitcast3A_693 = vector.bitcast %shift_left3A_692 : vector<16xi32> to vector<16xf32>
        %add3A_694 = arith.addf %add3A_662, %bitcast3A_689 : vector<16xf32>
        %add3A_695 = arith.addf %add3A_663, %bitcast3A_693 : vector<16xf32>
        %add3A_696 = vector.broadcast %mul3A_506 : i32 to vector<16xi32>
        %add3A_697 = arith.addi %and3A_89, %add3A_696 : vector<16xi32>
        %gather3A_698 = tpu.vector_load_idx %arg9[%add3A_411, %add3A_697] : memref<80x64xi32, #tpu.memory_space<vmem>>[vector<16xi32>, vector<16xi32>], vector<16xi32>,
        %gather3A_699 = tpu.vector_load_idx %arg11[%add3A_411, %add3A_697] : memref<80x64xi32, #tpu.memory_space<vmem>>[vector<16xi32>, vector<16xi32>], vector<16xi32>,
        %bitcast3A_700 = vector.bitcast %gather3A_698 : vector<16xi32> to vector<32xbf16>
        %bitcast3A_701 = vector.bitcast %gather3A_699 : vector<16xi32> to vector<32xbf16>
        %mul3A_702 = arith.mulf %bitcast3A_700, %bitcast3A_701 : vector<32xbf16>
        %bitcast3A_703 = vector.bitcast %mul3A_702 : vector<32xbf16> to vector<16xi32>
        %and3A_704 = arith.andi %bitcast3A_703, %broadcast_in_dim3A_415 : vector<16xi32>
        %bitcast3A_705 = vector.bitcast %and3A_704 : vector<16xi32> to vector<16xf32>
        %shift_left3A_706 = arith.constant 16 : i32
        %shift_left3A_707 = vector.broadcast %shift_left3A_706 : i32 to vector<16xi32>
        %shift_left3A_708 = arith.shli %bitcast3A_703, %shift_left3A_707 : vector<16xi32>
        %bitcast3A_709 = vector.bitcast %shift_left3A_708 : vector<16xi32> to vector<16xf32>
        %add3A_710 = arith.addf %add3A_678, %bitcast3A_705 : vector<16xf32>
        %add3A_711 = arith.addf %add3A_679, %bitcast3A_709 : vector<16xf32>
        %add3A_712 = vector.broadcast %mul3A_506 : i32 to vector<16xi32>
        %add3A_713 = arith.addi %and3A_95, %add3A_712 : vector<16xi32>
        %gather3A_714 = tpu.vector_load_idx %arg9[%add3A_411, %add3A_713] : memref<80x64xi32, #tpu.memory_space<vmem>>[vector<16xi32>, vector<16xi32>], vector<16xi32>,
        %gather3A_715 = tpu.vector_load_idx %arg11[%add3A_411, %add3A_713] : memref<80x64xi32, #tpu.memory_space<vmem>>[vector<16xi32>, vector<16xi32>], vector<16xi32>,
        %bitcast3A_716 = vector.bitcast %gather3A_714 : vector<16xi32> to vector<32xbf16>
        %bitcast3A_717 = vector.bitcast %gather3A_715 : vector<16xi32> to vector<32xbf16>
        %mul3A_718 = arith.mulf %bitcast3A_716, %bitcast3A_717 : vector<32xbf16>
        %bitcast3A_719 = vector.bitcast %mul3A_718 : vector<32xbf16> to vector<16xi32>
        %and3A_720 = arith.andi %bitcast3A_719, %broadcast_in_dim3A_415 : vector<16xi32>
        %bitcast3A_721 = vector.bitcast %and3A_720 : vector<16xi32> to vector<16xf32>
        %shift_left3A_722 = arith.constant 16 : i32
        %shift_left3A_723 = vector.broadcast %shift_left3A_722 : i32 to vector<16xi32>
        %shift_left3A_724 = arith.shli %bitcast3A_719, %shift_left3A_723 : vector<16xi32>
        %bitcast3A_725 = vector.bitcast %shift_left3A_724 : vector<16xi32> to vector<16xf32>
        %add3A_726 = arith.addf %add3A_694, %bitcast3A_721 : vector<16xf32>
        %add3A_727 = arith.addf %add3A_695, %bitcast3A_725 : vector<16xf32>
        %add3A_728 = vector.broadcast %mul3A_506 : i32 to vector<16xi32>
        %add3A_729 = arith.addi %and3A_101, %add3A_728 : vector<16xi32>
        %gather3A_730 = tpu.vector_load_idx %arg9[%add3A_411, %add3A_729] : memref<80x64xi32, #tpu.memory_space<vmem>>[vector<16xi32>, vector<16xi32>], vector<16xi32>,
        %gather3A_731 = tpu.vector_load_idx %arg11[%add3A_411, %add3A_729] : memref<80x64xi32, #tpu.memory_space<vmem>>[vector<16xi32>, vector<16xi32>], vector<16xi32>,
        %bitcast3A_732 = vector.bitcast %gather3A_730 : vector<16xi32> to vector<32xbf16>
        %bitcast3A_733 = vector.bitcast %gather3A_731 : vector<16xi32> to vector<32xbf16>
        %mul3A_734 = arith.mulf %bitcast3A_732, %bitcast3A_733 : vector<32xbf16>
        %bitcast3A_735 = vector.bitcast %mul3A_734 : vector<32xbf16> to vector<16xi32>
        %and3A_736 = arith.andi %bitcast3A_735, %broadcast_in_dim3A_415 : vector<16xi32>
        %bitcast3A_737 = vector.bitcast %and3A_736 : vector<16xi32> to vector<16xf32>
        %shift_left3A_738 = arith.constant 16 : i32
        %shift_left3A_739 = vector.broadcast %shift_left3A_738 : i32 to vector<16xi32>
        %shift_left3A_740 = arith.shli %bitcast3A_735, %shift_left3A_739 : vector<16xi32>
        %bitcast3A_741 = vector.bitcast %shift_left3A_740 : vector<16xi32> to vector<16xf32>
        %add3A_742 = arith.addf %add3A_710, %bitcast3A_737 : vector<16xf32>
        %add3A_743 = arith.addf %add3A_711, %bitcast3A_741 : vector<16xf32>
        %add3A_744 = vector.broadcast %mul3A_506 : i32 to vector<16xi32>
        %add3A_745 = arith.addi %and3A_107, %add3A_744 : vector<16xi32>
        %gather3A_746 = tpu.vector_load_idx %arg9[%add3A_411, %add3A_745] : memref<80x64xi32, #tpu.memory_space<vmem>>[vector<16xi32>, vector<16xi32>], vector<16xi32>,
        %gather3A_747 = tpu.vector_load_idx %arg11[%add3A_411, %add3A_745] : memref<80x64xi32, #tpu.memory_space<vmem>>[vector<16xi32>, vector<16xi32>], vector<16xi32>,
        %bitcast3A_748 = vector.bitcast %gather3A_746 : vector<16xi32> to vector<32xbf16>
        %bitcast3A_749 = vector.bitcast %gather3A_747 : vector<16xi32> to vector<32xbf16>
        %mul3A_750 = arith.mulf %bitcast3A_748, %bitcast3A_749 : vector<32xbf16>
        %bitcast3A_751 = vector.bitcast %mul3A_750 : vector<32xbf16> to vector<16xi32>
        %and3A_752 = arith.andi %bitcast3A_751, %broadcast_in_dim3A_415 : vector<16xi32>
        %bitcast3A_753 = vector.bitcast %and3A_752 : vector<16xi32> to vector<16xf32>
        %shift_left3A_754 = arith.constant 16 : i32
        %shift_left3A_755 = vector.broadcast %shift_left3A_754 : i32 to vector<16xi32>
        %shift_left3A_756 = arith.shli %bitcast3A_751, %shift_left3A_755 : vector<16xi32>
        %bitcast3A_757 = vector.bitcast %shift_left3A_756 : vector<16xi32> to vector<16xf32>
        %add3A_758 = arith.addf %add3A_726, %bitcast3A_753 : vector<16xf32>
        %add3A_759 = arith.addf %add3A_727, %bitcast3A_757 : vector<16xf32>
        scf.yield %add3A_742, %add3A_743, %add3A_758, %add3A_759 : vector<16xf32>, vector<16xf32>, vector<16xf32>, vector<16xf32>
      }
      %scan3A_421 = arith.constant 4 : i32
      %add3A_422 = arith.addf %scan3A_420#0, %scan3A_420#1 : vector<16xf32>
      %add3A_423 = arith.addf %scan3A_420#2, %scan3A_420#3 : vector<16xf32>
      %add3A_424 = arith.addf %add3A_422, %add3A_423 : vector<16xf32>
      %neg3A_425 = arith.constant 0.000000e+00 : f32
      %neg3A_426 = vector.broadcast %neg3A_425 : f32 to vector<16xf32>
      %neg3A_427 = arith.subf %neg3A_426, %add3A_424 : vector<16xf32>
      %exp3A_428 = math.exp %neg3A_427 : vector<16xf32>
      %add3A_429 = arith.constant 1.000000e+00 : f32
      %add3A_430 = vector.broadcast %add3A_429 : f32 to vector<16xf32>
      %add3A_431 = arith.addf %add3A_430, %exp3A_428 : vector<16xf32>
      %div3A_432 = arith.constant 1.000000e+00 : f32
      %div3A_433 = vector.broadcast %div3A_432 : f32 to vector<16xf32>
      %div3A_434 = arith.divf %div3A_433, %add3A_431 : vector<16xf32>
      %swap3A_435 = arith.constant 32 : index
      %swap3A_436 = tpu.vector_load %arg13[%swap3A_435] {strides = array<i32>} : memref<80xf32, #tpu.memory_space<vmem>>, vector<16xf32>,
      tpu.vector_store %arg13[%swap3A_435], %div3A_434 {strides = array<i32>} : memref<80xf32, #tpu.memory_space<vmem>>, vector<16xf32>,
      %add3A_437 = arith.constant 48 : i32
      %add3A_438 = vector.broadcast %add3A_437 : i32 to vector<16xi32>
      %add3A_439 = arith.addi %add3A_438, %iota3A : vector<16xi32>
      %broadcast_in_dim3A_440 = arith.constant 0.000000e+00 : f32
      %broadcast_in_dim3A_441 = vector.broadcast %broadcast_in_dim3A_440 : f32 to vector<16xf32>
      %broadcast_in_dim3A_442 = arith.constant -65536 : i32
      %broadcast_in_dim3A_443 = vector.broadcast %broadcast_in_dim3A_442 : i32 to vector<16xi32>
      %scan3A_444 = arith.constant 0 : i32
      %scan3A_445 = arith.constant 4 : i32
      %scan3A_446 = arith.addi %scan3A_444, %scan3A_445 : i32
      %scan3A_447 = arith.constant 1 : i32
      %scan3A_448:4 = scf.for %scan3A_500 = %scan3A_444 to %scan3A_446 step %scan3A_447 iter_args(%scan3A_501 = %broadcast_in_dim3A_441, %scan3A_502 = %broadcast_in_dim3A_441, %scan3A_503 = %broadcast_in_dim3A_441, %scan3A_504 = %broadcast_in_dim3A_441) -> (vector<16xf32>, vector<16xf32>, vector<16xf32>, vector<16xf32>)  : i32 {
        %mul3A_505 = arith.constant 16 : i32
        %mul3A_506 = arith.muli %scan3A_500, %mul3A_505 : i32
        %add3A_507 = vector.broadcast %mul3A_506 : i32 to vector<16xi32>
        %add3A_508 = arith.addi %and3A_17, %add3A_507 : vector<16xi32>
        %gather3A = tpu.vector_load_idx %arg9[%add3A_439, %add3A_508] : memref<80x64xi32, #tpu.memory_space<vmem>>[vector<16xi32>, vector<16xi32>], vector<16xi32>,
        %gather3A_509 = tpu.vector_load_idx %arg11[%add3A_439, %add3A_508] : memref<80x64xi32, #tpu.memory_space<vmem>>[vector<16xi32>, vector<16xi32>], vector<16xi32>,
        %bitcast3A = vector.bitcast %gather3A : vector<16xi32> to vector<32xbf16>
        %bitcast3A_510 = vector.bitcast %gather3A_509 : vector<16xi32> to vector<32xbf16>
        %mul3A_511 = arith.mulf %bitcast3A, %bitcast3A_510 : vector<32xbf16>
        %bitcast3A_512 = vector.bitcast %mul3A_511 : vector<32xbf16> to vector<16xi32>
        %and3A_513 = arith.andi %bitcast3A_512, %broadcast_in_dim3A_443 : vector<16xi32>
        %bitcast3A_514 = vector.bitcast %and3A_513 : vector<16xi32> to vector<16xf32>
        %shift_left3A = arith.constant 16 : i32
        %shift_left3A_515 = vector.broadcast %shift_left3A : i32 to vector<16xi32>
        %shift_left3A_516 = arith.shli %bitcast3A_512, %shift_left3A_515 : vector<16xi32>
        %bitcast3A_517 = vector.bitcast %shift_left3A_516 : vector<16xi32> to vector<16xf32>
        %add3A_518 = arith.addf %scan3A_501, %bitcast3A_514 : vector<16xf32>
        %add3A_519 = arith.addf %scan3A_502, %bitcast3A_517 : vector<16xf32>
        %add3A_520 = vector.broadcast %mul3A_506 : i32 to vector<16xi32>
        %add3A_521 = arith.addi %and3A_23, %add3A_520 : vector<16xi32>
        %gather3A_522 = tpu.vector_load_idx %arg9[%add3A_439, %add3A_521] : memref<80x64xi32, #tpu.memory_space<vmem>>[vector<16xi32>, vector<16xi32>], vector<16xi32>,
        %gather3A_523 = tpu.vector_load_idx %arg11[%add3A_439, %add3A_521] : memref<80x64xi32, #tpu.memory_space<vmem>>[vector<16xi32>, vector<16xi32>], vector<16xi32>,
        %bitcast3A_524 = vector.bitcast %gather3A_522 : vector<16xi32> to vector<32xbf16>
        %bitcast3A_525 = vector.bitcast %gather3A_523 : vector<16xi32> to vector<32xbf16>
        %mul3A_526 = arith.mulf %bitcast3A_524, %bitcast3A_525 : vector<32xbf16>
        %bitcast3A_527 = vector.bitcast %mul3A_526 : vector<32xbf16> to vector<16xi32>
        %and3A_528 = arith.andi %bitcast3A_527, %broadcast_in_dim3A_443 : vector<16xi32>
        %bitcast3A_529 = vector.bitcast %and3A_528 : vector<16xi32> to vector<16xf32>
        %shift_left3A_530 = arith.constant 16 : i32
        %shift_left3A_531 = vector.broadcast %shift_left3A_530 : i32 to vector<16xi32>
        %shift_left3A_532 = arith.shli %bitcast3A_527, %shift_left3A_531 : vector<16xi32>
        %bitcast3A_533 = vector.bitcast %shift_left3A_532 : vector<16xi32> to vector<16xf32>
        %add3A_534 = arith.addf %scan3A_503, %bitcast3A_529 : vector<16xf32>
        %add3A_535 = arith.addf %scan3A_504, %bitcast3A_533 : vector<16xf32>
        %add3A_536 = vector.broadcast %mul3A_506 : i32 to vector<16xi32>
        %add3A_537 = arith.addi %and3A_29, %add3A_536 : vector<16xi32>
        %gather3A_538 = tpu.vector_load_idx %arg9[%add3A_439, %add3A_537] : memref<80x64xi32, #tpu.memory_space<vmem>>[vector<16xi32>, vector<16xi32>], vector<16xi32>,
        %gather3A_539 = tpu.vector_load_idx %arg11[%add3A_439, %add3A_537] : memref<80x64xi32, #tpu.memory_space<vmem>>[vector<16xi32>, vector<16xi32>], vector<16xi32>,
        %bitcast3A_540 = vector.bitcast %gather3A_538 : vector<16xi32> to vector<32xbf16>
        %bitcast3A_541 = vector.bitcast %gather3A_539 : vector<16xi32> to vector<32xbf16>
        %mul3A_542 = arith.mulf %bitcast3A_540, %bitcast3A_541 : vector<32xbf16>
        %bitcast3A_543 = vector.bitcast %mul3A_542 : vector<32xbf16> to vector<16xi32>
        %and3A_544 = arith.andi %bitcast3A_543, %broadcast_in_dim3A_443 : vector<16xi32>
        %bitcast3A_545 = vector.bitcast %and3A_544 : vector<16xi32> to vector<16xf32>
        %shift_left3A_546 = arith.constant 16 : i32
        %shift_left3A_547 = vector.broadcast %shift_left3A_546 : i32 to vector<16xi32>
        %shift_left3A_548 = arith.shli %bitcast3A_543, %shift_left3A_547 : vector<16xi32>
        %bitcast3A_549 = vector.bitcast %shift_left3A_548 : vector<16xi32> to vector<16xf32>
        %add3A_550 = arith.addf %add3A_518, %bitcast3A_545 : vector<16xf32>
        %add3A_551 = arith.addf %add3A_519, %bitcast3A_549 : vector<16xf32>
        %add3A_552 = vector.broadcast %mul3A_506 : i32 to vector<16xi32>
        %add3A_553 = arith.addi %and3A_35, %add3A_552 : vector<16xi32>
        %gather3A_554 = tpu.vector_load_idx %arg9[%add3A_439, %add3A_553] : memref<80x64xi32, #tpu.memory_space<vmem>>[vector<16xi32>, vector<16xi32>], vector<16xi32>,
        %gather3A_555 = tpu.vector_load_idx %arg11[%add3A_439, %add3A_553] : memref<80x64xi32, #tpu.memory_space<vmem>>[vector<16xi32>, vector<16xi32>], vector<16xi32>,
        %bitcast3A_556 = vector.bitcast %gather3A_554 : vector<16xi32> to vector<32xbf16>
        %bitcast3A_557 = vector.bitcast %gather3A_555 : vector<16xi32> to vector<32xbf16>
        %mul3A_558 = arith.mulf %bitcast3A_556, %bitcast3A_557 : vector<32xbf16>
        %bitcast3A_559 = vector.bitcast %mul3A_558 : vector<32xbf16> to vector<16xi32>
        %and3A_560 = arith.andi %bitcast3A_559, %broadcast_in_dim3A_443 : vector<16xi32>
        %bitcast3A_561 = vector.bitcast %and3A_560 : vector<16xi32> to vector<16xf32>
        %shift_left3A_562 = arith.constant 16 : i32
        %shift_left3A_563 = vector.broadcast %shift_left3A_562 : i32 to vector<16xi32>
        %shift_left3A_564 = arith.shli %bitcast3A_559, %shift_left3A_563 : vector<16xi32>
        %bitcast3A_565 = vector.bitcast %shift_left3A_564 : vector<16xi32> to vector<16xf32>
        %add3A_566 = arith.addf %add3A_534, %bitcast3A_561 : vector<16xf32>
        %add3A_567 = arith.addf %add3A_535, %bitcast3A_565 : vector<16xf32>
        %add3A_568 = vector.broadcast %mul3A_506 : i32 to vector<16xi32>
        %add3A_569 = arith.addi %and3A_41, %add3A_568 : vector<16xi32>
        %gather3A_570 = tpu.vector_load_idx %arg9[%add3A_439, %add3A_569] : memref<80x64xi32, #tpu.memory_space<vmem>>[vector<16xi32>, vector<16xi32>], vector<16xi32>,
        %gather3A_571 = tpu.vector_load_idx %arg11[%add3A_439, %add3A_569] : memref<80x64xi32, #tpu.memory_space<vmem>>[vector<16xi32>, vector<16xi32>], vector<16xi32>,
        %bitcast3A_572 = vector.bitcast %gather3A_570 : vector<16xi32> to vector<32xbf16>
        %bitcast3A_573 = vector.bitcast %gather3A_571 : vector<16xi32> to vector<32xbf16>
        %mul3A_574 = arith.mulf %bitcast3A_572, %bitcast3A_573 : vector<32xbf16>
        %bitcast3A_575 = vector.bitcast %mul3A_574 : vector<32xbf16> to vector<16xi32>
        %and3A_576 = arith.andi %bitcast3A_575, %broadcast_in_dim3A_443 : vector<16xi32>
        %bitcast3A_577 = vector.bitcast %and3A_576 : vector<16xi32> to vector<16xf32>
        %shift_left3A_578 = arith.constant 16 : i32
        %shift_left3A_579 = vector.broadcast %shift_left3A_578 : i32 to vector<16xi32>
        %shift_left3A_580 = arith.shli %bitcast3A_575, %shift_left3A_579 : vector<16xi32>
        %bitcast3A_581 = vector.bitcast %shift_left3A_580 : vector<16xi32> to vector<16xf32>
        %add3A_582 = arith.addf %add3A_550, %bitcast3A_577 : vector<16xf32>
        %add3A_583 = arith.addf %add3A_551, %bitcast3A_581 : vector<16xf32>
        %add3A_584 = vector.broadcast %mul3A_506 : i32 to vector<16xi32>
        %add3A_585 = arith.addi %and3A_47, %add3A_584 : vector<16xi32>
        %gather3A_586 = tpu.vector_load_idx %arg9[%add3A_439, %add3A_585] : memref<80x64xi32, #tpu.memory_space<vmem>>[vector<16xi32>, vector<16xi32>], vector<16xi32>,
        %gather3A_587 = tpu.vector_load_idx %arg11[%add3A_439, %add3A_585] : memref<80x64xi32, #tpu.memory_space<vmem>>[vector<16xi32>, vector<16xi32>], vector<16xi32>,
        %bitcast3A_588 = vector.bitcast %gather3A_586 : vector<16xi32> to vector<32xbf16>
        %bitcast3A_589 = vector.bitcast %gather3A_587 : vector<16xi32> to vector<32xbf16>
        %mul3A_590 = arith.mulf %bitcast3A_588, %bitcast3A_589 : vector<32xbf16>
        %bitcast3A_591 = vector.bitcast %mul3A_590 : vector<32xbf16> to vector<16xi32>
        %and3A_592 = arith.andi %bitcast3A_591, %broadcast_in_dim3A_443 : vector<16xi32>
        %bitcast3A_593 = vector.bitcast %and3A_592 : vector<16xi32> to vector<16xf32>
        %shift_left3A_594 = arith.constant 16 : i32
        %shift_left3A_595 = vector.broadcast %shift_left3A_594 : i32 to vector<16xi32>
        %shift_left3A_596 = arith.shli %bitcast3A_591, %shift_left3A_595 : vector<16xi32>
        %bitcast3A_597 = vector.bitcast %shift_left3A_596 : vector<16xi32> to vector<16xf32>
        %add3A_598 = arith.addf %add3A_566, %bitcast3A_593 : vector<16xf32>
        %add3A_599 = arith.addf %add3A_567, %bitcast3A_597 : vector<16xf32>
        %add3A_600 = vector.broadcast %mul3A_506 : i32 to vector<16xi32>
        %add3A_601 = arith.addi %and3A_53, %add3A_600 : vector<16xi32>
        %gather3A_602 = tpu.vector_load_idx %arg9[%add3A_439, %add3A_601] : memref<80x64xi32, #tpu.memory_space<vmem>>[vector<16xi32>, vector<16xi32>], vector<16xi32>,
        %gather3A_603 = tpu.vector_load_idx %arg11[%add3A_439, %add3A_601] : memref<80x64xi32, #tpu.memory_space<vmem>>[vector<16xi32>, vector<16xi32>], vector<16xi32>,
        %bitcast3A_604 = vector.bitcast %gather3A_602 : vector<16xi32> to vector<32xbf16>
        %bitcast3A_605 = vector.bitcast %gather3A_603 : vector<16xi32> to vector<32xbf16>
        %mul3A_606 = arith.mulf %bitcast3A_604, %bitcast3A_605 : vector<32xbf16>
        %bitcast3A_607 = vector.bitcast %mul3A_606 : vector<32xbf16> to vector<16xi32>
        %and3A_608 = arith.andi %bitcast3A_607, %broadcast_in_dim3A_443 : vector<16xi32>
        %bitcast3A_609 = vector.bitcast %and3A_608 : vector<16xi32> to vector<16xf32>
        %shift_left3A_610 = arith.constant 16 : i32
        %shift_left3A_611 = vector.broadcast %shift_left3A_610 : i32 to vector<16xi32>
        %shift_left3A_612 = arith.shli %bitcast3A_607, %shift_left3A_611 : vector<16xi32>
        %bitcast3A_613 = vector.bitcast %shift_left3A_612 : vector<16xi32> to vector<16xf32>
        %add3A_614 = arith.addf %add3A_582, %bitcast3A_609 : vector<16xf32>
        %add3A_615 = arith.addf %add3A_583, %bitcast3A_613 : vector<16xf32>
        %add3A_616 = vector.broadcast %mul3A_506 : i32 to vector<16xi32>
        %add3A_617 = arith.addi %and3A_59, %add3A_616 : vector<16xi32>
        %gather3A_618 = tpu.vector_load_idx %arg9[%add3A_439, %add3A_617] : memref<80x64xi32, #tpu.memory_space<vmem>>[vector<16xi32>, vector<16xi32>], vector<16xi32>,
        %gather3A_619 = tpu.vector_load_idx %arg11[%add3A_439, %add3A_617] : memref<80x64xi32, #tpu.memory_space<vmem>>[vector<16xi32>, vector<16xi32>], vector<16xi32>,
        %bitcast3A_620 = vector.bitcast %gather3A_618 : vector<16xi32> to vector<32xbf16>
        %bitcast3A_621 = vector.bitcast %gather3A_619 : vector<16xi32> to vector<32xbf16>
        %mul3A_622 = arith.mulf %bitcast3A_620, %bitcast3A_621 : vector<32xbf16>
        %bitcast3A_623 = vector.bitcast %mul3A_622 : vector<32xbf16> to vector<16xi32>
        %and3A_624 = arith.andi %bitcast3A_623, %broadcast_in_dim3A_443 : vector<16xi32>
        %bitcast3A_625 = vector.bitcast %and3A_624 : vector<16xi32> to vector<16xf32>
        %shift_left3A_626 = arith.constant 16 : i32
        %shift_left3A_627 = vector.broadcast %shift_left3A_626 : i32 to vector<16xi32>
        %shift_left3A_628 = arith.shli %bitcast3A_623, %shift_left3A_627 : vector<16xi32>
        %bitcast3A_629 = vector.bitcast %shift_left3A_628 : vector<16xi32> to vector<16xf32>
        %add3A_630 = arith.addf %add3A_598, %bitcast3A_625 : vector<16xf32>
        %add3A_631 = arith.addf %add3A_599, %bitcast3A_629 : vector<16xf32>
        %add3A_632 = vector.broadcast %mul3A_506 : i32 to vector<16xi32>
        %add3A_633 = arith.addi %and3A_65, %add3A_632 : vector<16xi32>
        %gather3A_634 = tpu.vector_load_idx %arg9[%add3A_439, %add3A_633] : memref<80x64xi32, #tpu.memory_space<vmem>>[vector<16xi32>, vector<16xi32>], vector<16xi32>,
        %gather3A_635 = tpu.vector_load_idx %arg11[%add3A_439, %add3A_633] : memref<80x64xi32, #tpu.memory_space<vmem>>[vector<16xi32>, vector<16xi32>], vector<16xi32>,
        %bitcast3A_636 = vector.bitcast %gather3A_634 : vector<16xi32> to vector<32xbf16>
        %bitcast3A_637 = vector.bitcast %gather3A_635 : vector<16xi32> to vector<32xbf16>
        %mul3A_638 = arith.mulf %bitcast3A_636, %bitcast3A_637 : vector<32xbf16>
        %bitcast3A_639 = vector.bitcast %mul3A_638 : vector<32xbf16> to vector<16xi32>
        %and3A_640 = arith.andi %bitcast3A_639, %broadcast_in_dim3A_443 : vector<16xi32>
        %bitcast3A_641 = vector.bitcast %and3A_640 : vector<16xi32> to vector<16xf32>
        %shift_left3A_642 = arith.constant 16 : i32
        %shift_left3A_643 = vector.broadcast %shift_left3A_642 : i32 to vector<16xi32>
        %shift_left3A_644 = arith.shli %bitcast3A_639, %shift_left3A_643 : vector<16xi32>
        %bitcast3A_645 = vector.bitcast %shift_left3A_644 : vector<16xi32> to vector<16xf32>
        %add3A_646 = arith.addf %add3A_614, %bitcast3A_641 : vector<16xf32>
        %add3A_647 = arith.addf %add3A_615, %bitcast3A_645 : vector<16xf32>
        %add3A_648 = vector.broadcast %mul3A_506 : i32 to vector<16xi32>
        %add3A_649 = arith.addi %and3A_71, %add3A_648 : vector<16xi32>
        %gather3A_650 = tpu.vector_load_idx %arg9[%add3A_439, %add3A_649] : memref<80x64xi32, #tpu.memory_space<vmem>>[vector<16xi32>, vector<16xi32>], vector<16xi32>,
        %gather3A_651 = tpu.vector_load_idx %arg11[%add3A_439, %add3A_649] : memref<80x64xi32, #tpu.memory_space<vmem>>[vector<16xi32>, vector<16xi32>], vector<16xi32>,
        %bitcast3A_652 = vector.bitcast %gather3A_650 : vector<16xi32> to vector<32xbf16>
        %bitcast3A_653 = vector.bitcast %gather3A_651 : vector<16xi32> to vector<32xbf16>
        %mul3A_654 = arith.mulf %bitcast3A_652, %bitcast3A_653 : vector<32xbf16>
        %bitcast3A_655 = vector.bitcast %mul3A_654 : vector<32xbf16> to vector<16xi32>
        %and3A_656 = arith.andi %bitcast3A_655, %broadcast_in_dim3A_443 : vector<16xi32>
        %bitcast3A_657 = vector.bitcast %and3A_656 : vector<16xi32> to vector<16xf32>
        %shift_left3A_658 = arith.constant 16 : i32
        %shift_left3A_659 = vector.broadcast %shift_left3A_658 : i32 to vector<16xi32>
        %shift_left3A_660 = arith.shli %bitcast3A_655, %shift_left3A_659 : vector<16xi32>
        %bitcast3A_661 = vector.bitcast %shift_left3A_660 : vector<16xi32> to vector<16xf32>
        %add3A_662 = arith.addf %add3A_630, %bitcast3A_657 : vector<16xf32>
        %add3A_663 = arith.addf %add3A_631, %bitcast3A_661 : vector<16xf32>
        %add3A_664 = vector.broadcast %mul3A_506 : i32 to vector<16xi32>
        %add3A_665 = arith.addi %and3A_77, %add3A_664 : vector<16xi32>
        %gather3A_666 = tpu.vector_load_idx %arg9[%add3A_439, %add3A_665] : memref<80x64xi32, #tpu.memory_space<vmem>>[vector<16xi32>, vector<16xi32>], vector<16xi32>,
        %gather3A_667 = tpu.vector_load_idx %arg11[%add3A_439, %add3A_665] : memref<80x64xi32, #tpu.memory_space<vmem>>[vector<16xi32>, vector<16xi32>], vector<16xi32>,
        %bitcast3A_668 = vector.bitcast %gather3A_666 : vector<16xi32> to vector<32xbf16>
        %bitcast3A_669 = vector.bitcast %gather3A_667 : vector<16xi32> to vector<32xbf16>
        %mul3A_670 = arith.mulf %bitcast3A_668, %bitcast3A_669 : vector<32xbf16>
        %bitcast3A_671 = vector.bitcast %mul3A_670 : vector<32xbf16> to vector<16xi32>
        %and3A_672 = arith.andi %bitcast3A_671, %broadcast_in_dim3A_443 : vector<16xi32>
        %bitcast3A_673 = vector.bitcast %and3A_672 : vector<16xi32> to vector<16xf32>
        %shift_left3A_674 = arith.constant 16 : i32
        %shift_left3A_675 = vector.broadcast %shift_left3A_674 : i32 to vector<16xi32>
        %shift_left3A_676 = arith.shli %bitcast3A_671, %shift_left3A_675 : vector<16xi32>
        %bitcast3A_677 = vector.bitcast %shift_left3A_676 : vector<16xi32> to vector<16xf32>
        %add3A_678 = arith.addf %add3A_646, %bitcast3A_673 : vector<16xf32>
        %add3A_679 = arith.addf %add3A_647, %bitcast3A_677 : vector<16xf32>
        %add3A_680 = vector.broadcast %mul3A_506 : i32 to vector<16xi32>
        %add3A_681 = arith.addi %and3A_83, %add3A_680 : vector<16xi32>
        %gather3A_682 = tpu.vector_load_idx %arg9[%add3A_439, %add3A_681] : memref<80x64xi32, #tpu.memory_space<vmem>>[vector<16xi32>, vector<16xi32>], vector<16xi32>,
        %gather3A_683 = tpu.vector_load_idx %arg11[%add3A_439, %add3A_681] : memref<80x64xi32, #tpu.memory_space<vmem>>[vector<16xi32>, vector<16xi32>], vector<16xi32>,
        %bitcast3A_684 = vector.bitcast %gather3A_682 : vector<16xi32> to vector<32xbf16>
        %bitcast3A_685 = vector.bitcast %gather3A_683 : vector<16xi32> to vector<32xbf16>
        %mul3A_686 = arith.mulf %bitcast3A_684, %bitcast3A_685 : vector<32xbf16>
        %bitcast3A_687 = vector.bitcast %mul3A_686 : vector<32xbf16> to vector<16xi32>
        %and3A_688 = arith.andi %bitcast3A_687, %broadcast_in_dim3A_443 : vector<16xi32>
        %bitcast3A_689 = vector.bitcast %and3A_688 : vector<16xi32> to vector<16xf32>
        %shift_left3A_690 = arith.constant 16 : i32
        %shift_left3A_691 = vector.broadcast %shift_left3A_690 : i32 to vector<16xi32>
        %shift_left3A_692 = arith.shli %bitcast3A_687, %shift_left3A_691 : vector<16xi32>
        %bitcast3A_693 = vector.bitcast %shift_left3A_692 : vector<16xi32> to vector<16xf32>
        %add3A_694 = arith.addf %add3A_662, %bitcast3A_689 : vector<16xf32>
        %add3A_695 = arith.addf %add3A_663, %bitcast3A_693 : vector<16xf32>
        %add3A_696 = vector.broadcast %mul3A_506 : i32 to vector<16xi32>
        %add3A_697 = arith.addi %and3A_89, %add3A_696 : vector<16xi32>
        %gather3A_698 = tpu.vector_load_idx %arg9[%add3A_439, %add3A_697] : memref<80x64xi32, #tpu.memory_space<vmem>>[vector<16xi32>, vector<16xi32>], vector<16xi32>,
        %gather3A_699 = tpu.vector_load_idx %arg11[%add3A_439, %add3A_697] : memref<80x64xi32, #tpu.memory_space<vmem>>[vector<16xi32>, vector<16xi32>], vector<16xi32>,
        %bitcast3A_700 = vector.bitcast %gather3A_698 : vector<16xi32> to vector<32xbf16>
        %bitcast3A_701 = vector.bitcast %gather3A_699 : vector<16xi32> to vector<32xbf16>
        %mul3A_702 = arith.mulf %bitcast3A_700, %bitcast3A_701 : vector<32xbf16>
        %bitcast3A_703 = vector.bitcast %mul3A_702 : vector<32xbf16> to vector<16xi32>
        %and3A_704 = arith.andi %bitcast3A_703, %broadcast_in_dim3A_443 : vector<16xi32>
        %bitcast3A_705 = vector.bitcast %and3A_704 : vector<16xi32> to vector<16xf32>
        %shift_left3A_706 = arith.constant 16 : i32
        %shift_left3A_707 = vector.broadcast %shift_left3A_706 : i32 to vector<16xi32>
        %shift_left3A_708 = arith.shli %bitcast3A_703, %shift_left3A_707 : vector<16xi32>
        %bitcast3A_709 = vector.bitcast %shift_left3A_708 : vector<16xi32> to vector<16xf32>
        %add3A_710 = arith.addf %add3A_678, %bitcast3A_705 : vector<16xf32>
        %add3A_711 = arith.addf %add3A_679, %bitcast3A_709 : vector<16xf32>
        %add3A_712 = vector.broadcast %mul3A_506 : i32 to vector<16xi32>
        %add3A_713 = arith.addi %and3A_95, %add3A_712 : vector<16xi32>
        %gather3A_714 = tpu.vector_load_idx %arg9[%add3A_439, %add3A_713] : memref<80x64xi32, #tpu.memory_space<vmem>>[vector<16xi32>, vector<16xi32>], vector<16xi32>,
        %gather3A_715 = tpu.vector_load_idx %arg11[%add3A_439, %add3A_713] : memref<80x64xi32, #tpu.memory_space<vmem>>[vector<16xi32>, vector<16xi32>], vector<16xi32>,
        %bitcast3A_716 = vector.bitcast %gather3A_714 : vector<16xi32> to vector<32xbf16>
        %bitcast3A_717 = vector.bitcast %gather3A_715 : vector<16xi32> to vector<32xbf16>
        %mul3A_718 = arith.mulf %bitcast3A_716, %bitcast3A_717 : vector<32xbf16>
        %bitcast3A_719 = vector.bitcast %mul3A_718 : vector<32xbf16> to vector<16xi32>
        %and3A_720 = arith.andi %bitcast3A_719, %broadcast_in_dim3A_443 : vector<16xi32>
        %bitcast3A_721 = vector.bitcast %and3A_720 : vector<16xi32> to vector<16xf32>
        %shift_left3A_722 = arith.constant 16 : i32
        %shift_left3A_723 = vector.broadcast %shift_left3A_722 : i32 to vector<16xi32>
        %shift_left3A_724 = arith.shli %bitcast3A_719, %shift_left3A_723 : vector<16xi32>
        %bitcast3A_725 = vector.bitcast %shift_left3A_724 : vector<16xi32> to vector<16xf32>
        %add3A_726 = arith.addf %add3A_694, %bitcast3A_721 : vector<16xf32>
        %add3A_727 = arith.addf %add3A_695, %bitcast3A_725 : vector<16xf32>
        %add3A_728 = vector.broadcast %mul3A_506 : i32 to vector<16xi32>
        %add3A_729 = arith.addi %and3A_101, %add3A_728 : vector<16xi32>
        %gather3A_730 = tpu.vector_load_idx %arg9[%add3A_439, %add3A_729] : memref<80x64xi32, #tpu.memory_space<vmem>>[vector<16xi32>, vector<16xi32>], vector<16xi32>,
        %gather3A_731 = tpu.vector_load_idx %arg11[%add3A_439, %add3A_729] : memref<80x64xi32, #tpu.memory_space<vmem>>[vector<16xi32>, vector<16xi32>], vector<16xi32>,
        %bitcast3A_732 = vector.bitcast %gather3A_730 : vector<16xi32> to vector<32xbf16>
        %bitcast3A_733 = vector.bitcast %gather3A_731 : vector<16xi32> to vector<32xbf16>
        %mul3A_734 = arith.mulf %bitcast3A_732, %bitcast3A_733 : vector<32xbf16>
        %bitcast3A_735 = vector.bitcast %mul3A_734 : vector<32xbf16> to vector<16xi32>
        %and3A_736 = arith.andi %bitcast3A_735, %broadcast_in_dim3A_443 : vector<16xi32>
        %bitcast3A_737 = vector.bitcast %and3A_736 : vector<16xi32> to vector<16xf32>
        %shift_left3A_738 = arith.constant 16 : i32
        %shift_left3A_739 = vector.broadcast %shift_left3A_738 : i32 to vector<16xi32>
        %shift_left3A_740 = arith.shli %bitcast3A_735, %shift_left3A_739 : vector<16xi32>
        %bitcast3A_741 = vector.bitcast %shift_left3A_740 : vector<16xi32> to vector<16xf32>
        %add3A_742 = arith.addf %add3A_710, %bitcast3A_737 : vector<16xf32>
        %add3A_743 = arith.addf %add3A_711, %bitcast3A_741 : vector<16xf32>
        %add3A_744 = vector.broadcast %mul3A_506 : i32 to vector<16xi32>
        %add3A_745 = arith.addi %and3A_107, %add3A_744 : vector<16xi32>
        %gather3A_746 = tpu.vector_load_idx %arg9[%add3A_439, %add3A_745] : memref<80x64xi32, #tpu.memory_space<vmem>>[vector<16xi32>, vector<16xi32>], vector<16xi32>,
        %gather3A_747 = tpu.vector_load_idx %arg11[%add3A_439, %add3A_745] : memref<80x64xi32, #tpu.memory_space<vmem>>[vector<16xi32>, vector<16xi32>], vector<16xi32>,
        %bitcast3A_748 = vector.bitcast %gather3A_746 : vector<16xi32> to vector<32xbf16>
        %bitcast3A_749 = vector.bitcast %gather3A_747 : vector<16xi32> to vector<32xbf16>
        %mul3A_750 = arith.mulf %bitcast3A_748, %bitcast3A_749 : vector<32xbf16>
        %bitcast3A_751 = vector.bitcast %mul3A_750 : vector<32xbf16> to vector<16xi32>
        %and3A_752 = arith.andi %bitcast3A_751, %broadcast_in_dim3A_443 : vector<16xi32>
        %bitcast3A_753 = vector.bitcast %and3A_752 : vector<16xi32> to vector<16xf32>
        %shift_left3A_754 = arith.constant 16 : i32
        %shift_left3A_755 = vector.broadcast %shift_left3A_754 : i32 to vector<16xi32>
        %shift_left3A_756 = arith.shli %bitcast3A_751, %shift_left3A_755 : vector<16xi32>
        %bitcast3A_757 = vector.bitcast %shift_left3A_756 : vector<16xi32> to vector<16xf32>
        %add3A_758 = arith.addf %add3A_726, %bitcast3A_753 : vector<16xf32>
        %add3A_759 = arith.addf %add3A_727, %bitcast3A_757 : vector<16xf32>
        scf.yield %add3A_742, %add3A_743, %add3A_758, %add3A_759 : vector<16xf32>, vector<16xf32>, vector<16xf32>, vector<16xf32>
      }
      %scan3A_449 = arith.constant 4 : i32
      %add3A_450 = arith.addf %scan3A_448#0, %scan3A_448#1 : vector<16xf32>
      %add3A_451 = arith.addf %scan3A_448#2, %scan3A_448#3 : vector<16xf32>
      %add3A_452 = arith.addf %add3A_450, %add3A_451 : vector<16xf32>
      %neg3A_453 = arith.constant 0.000000e+00 : f32
      %neg3A_454 = vector.broadcast %neg3A_453 : f32 to vector<16xf32>
      %neg3A_455 = arith.subf %neg3A_454, %add3A_452 : vector<16xf32>
      %exp3A_456 = math.exp %neg3A_455 : vector<16xf32>
      %add3A_457 = arith.constant 1.000000e+00 : f32
      %add3A_458 = vector.broadcast %add3A_457 : f32 to vector<16xf32>
      %add3A_459 = arith.addf %add3A_458, %exp3A_456 : vector<16xf32>
      %div3A_460 = arith.constant 1.000000e+00 : f32
      %div3A_461 = vector.broadcast %div3A_460 : f32 to vector<16xf32>
      %div3A_462 = arith.divf %div3A_461, %add3A_459 : vector<16xf32>
      %swap3A_463 = arith.constant 48 : index
      %swap3A_464 = tpu.vector_load %arg13[%swap3A_463] {strides = array<i32>} : memref<80xf32, #tpu.memory_space<vmem>>, vector<16xf32>,
      tpu.vector_store %arg13[%swap3A_463], %div3A_462 {strides = array<i32>} : memref<80xf32, #tpu.memory_space<vmem>>, vector<16xf32>,
      %add3A_465 = arith.constant 64 : i32
      %add3A_466 = vector.broadcast %add3A_465 : i32 to vector<16xi32>
      %add3A_467 = arith.addi %add3A_466, %iota3A : vector<16xi32>
      %broadcast_in_dim3A_468 = arith.constant 0.000000e+00 : f32
      %broadcast_in_dim3A_469 = vector.broadcast %broadcast_in_dim3A_468 : f32 to vector<16xf32>
      %broadcast_in_dim3A_470 = arith.constant -65536 : i32
      %broadcast_in_dim3A_471 = vector.broadcast %broadcast_in_dim3A_470 : i32 to vector<16xi32>
      %scan3A_472 = arith.constant 0 : i32
      %scan3A_473 = arith.constant 4 : i32
      %scan3A_474 = arith.addi %scan3A_472, %scan3A_473 : i32
      %scan3A_475 = arith.constant 1 : i32
      %scan3A_476:4 = scf.for %scan3A_500 = %scan3A_472 to %scan3A_474 step %scan3A_475 iter_args(%scan3A_501 = %broadcast_in_dim3A_469, %scan3A_502 = %broadcast_in_dim3A_469, %scan3A_503 = %broadcast_in_dim3A_469, %scan3A_504 = %broadcast_in_dim3A_469) -> (vector<16xf32>, vector<16xf32>, vector<16xf32>, vector<16xf32>)  : i32 {
        %mul3A_505 = arith.constant 16 : i32
        %mul3A_506 = arith.muli %scan3A_500, %mul3A_505 : i32
        %add3A_507 = vector.broadcast %mul3A_506 : i32 to vector<16xi32>
        %add3A_508 = arith.addi %and3A_17, %add3A_507 : vector<16xi32>
        %gather3A = tpu.vector_load_idx %arg9[%add3A_467, %add3A_508] : memref<80x64xi32, #tpu.memory_space<vmem>>[vector<16xi32>, vector<16xi32>], vector<16xi32>,
        %gather3A_509 = tpu.vector_load_idx %arg11[%add3A_467, %add3A_508] : memref<80x64xi32, #tpu.memory_space<vmem>>[vector<16xi32>, vector<16xi32>], vector<16xi32>,
        %bitcast3A = vector.bitcast %gather3A : vector<16xi32> to vector<32xbf16>
        %bitcast3A_510 = vector.bitcast %gather3A_509 : vector<16xi32> to vector<32xbf16>
        %mul3A_511 = arith.mulf %bitcast3A, %bitcast3A_510 : vector<32xbf16>
        %bitcast3A_512 = vector.bitcast %mul3A_511 : vector<32xbf16> to vector<16xi32>
        %and3A_513 = arith.andi %bitcast3A_512, %broadcast_in_dim3A_471 : vector<16xi32>
        %bitcast3A_514 = vector.bitcast %and3A_513 : vector<16xi32> to vector<16xf32>
        %shift_left3A = arith.constant 16 : i32
        %shift_left3A_515 = vector.broadcast %shift_left3A : i32 to vector<16xi32>
        %shift_left3A_516 = arith.shli %bitcast3A_512, %shift_left3A_515 : vector<16xi32>
        %bitcast3A_517 = vector.bitcast %shift_left3A_516 : vector<16xi32> to vector<16xf32>
        %add3A_518 = arith.addf %scan3A_501, %bitcast3A_514 : vector<16xf32>
        %add3A_519 = arith.addf %scan3A_502, %bitcast3A_517 : vector<16xf32>
        %add3A_520 = vector.broadcast %mul3A_506 : i32 to vector<16xi32>
        %add3A_521 = arith.addi %and3A_23, %add3A_520 : vector<16xi32>
        %gather3A_522 = tpu.vector_load_idx %arg9[%add3A_467, %add3A_521] : memref<80x64xi32, #tpu.memory_space<vmem>>[vector<16xi32>, vector<16xi32>], vector<16xi32>,
        %gather3A_523 = tpu.vector_load_idx %arg11[%add3A_467, %add3A_521] : memref<80x64xi32, #tpu.memory_space<vmem>>[vector<16xi32>, vector<16xi32>], vector<16xi32>,
        %bitcast3A_524 = vector.bitcast %gather3A_522 : vector<16xi32> to vector<32xbf16>
        %bitcast3A_525 = vector.bitcast %gather3A_523 : vector<16xi32> to vector<32xbf16>
        %mul3A_526 = arith.mulf %bitcast3A_524, %bitcast3A_525 : vector<32xbf16>
        %bitcast3A_527 = vector.bitcast %mul3A_526 : vector<32xbf16> to vector<16xi32>
        %and3A_528 = arith.andi %bitcast3A_527, %broadcast_in_dim3A_471 : vector<16xi32>
        %bitcast3A_529 = vector.bitcast %and3A_528 : vector<16xi32> to vector<16xf32>
        %shift_left3A_530 = arith.constant 16 : i32
        %shift_left3A_531 = vector.broadcast %shift_left3A_530 : i32 to vector<16xi32>
        %shift_left3A_532 = arith.shli %bitcast3A_527, %shift_left3A_531 : vector<16xi32>
        %bitcast3A_533 = vector.bitcast %shift_left3A_532 : vector<16xi32> to vector<16xf32>
        %add3A_534 = arith.addf %scan3A_503, %bitcast3A_529 : vector<16xf32>
        %add3A_535 = arith.addf %scan3A_504, %bitcast3A_533 : vector<16xf32>
        %add3A_536 = vector.broadcast %mul3A_506 : i32 to vector<16xi32>
        %add3A_537 = arith.addi %and3A_29, %add3A_536 : vector<16xi32>
        %gather3A_538 = tpu.vector_load_idx %arg9[%add3A_467, %add3A_537] : memref<80x64xi32, #tpu.memory_space<vmem>>[vector<16xi32>, vector<16xi32>], vector<16xi32>,
        %gather3A_539 = tpu.vector_load_idx %arg11[%add3A_467, %add3A_537] : memref<80x64xi32, #tpu.memory_space<vmem>>[vector<16xi32>, vector<16xi32>], vector<16xi32>,
        %bitcast3A_540 = vector.bitcast %gather3A_538 : vector<16xi32> to vector<32xbf16>
        %bitcast3A_541 = vector.bitcast %gather3A_539 : vector<16xi32> to vector<32xbf16>
        %mul3A_542 = arith.mulf %bitcast3A_540, %bitcast3A_541 : vector<32xbf16>
        %bitcast3A_543 = vector.bitcast %mul3A_542 : vector<32xbf16> to vector<16xi32>
        %and3A_544 = arith.andi %bitcast3A_543, %broadcast_in_dim3A_471 : vector<16xi32>
        %bitcast3A_545 = vector.bitcast %and3A_544 : vector<16xi32> to vector<16xf32>
        %shift_left3A_546 = arith.constant 16 : i32
        %shift_left3A_547 = vector.broadcast %shift_left3A_546 : i32 to vector<16xi32>
        %shift_left3A_548 = arith.shli %bitcast3A_543, %shift_left3A_547 : vector<16xi32>
        %bitcast3A_549 = vector.bitcast %shift_left3A_548 : vector<16xi32> to vector<16xf32>
        %add3A_550 = arith.addf %add3A_518, %bitcast3A_545 : vector<16xf32>
        %add3A_551 = arith.addf %add3A_519, %bitcast3A_549 : vector<16xf32>
        %add3A_552 = vector.broadcast %mul3A_506 : i32 to vector<16xi32>
        %add3A_553 = arith.addi %and3A_35, %add3A_552 : vector<16xi32>
        %gather3A_554 = tpu.vector_load_idx %arg9[%add3A_467, %add3A_553] : memref<80x64xi32, #tpu.memory_space<vmem>>[vector<16xi32>, vector<16xi32>], vector<16xi32>,
        %gather3A_555 = tpu.vector_load_idx %arg11[%add3A_467, %add3A_553] : memref<80x64xi32, #tpu.memory_space<vmem>>[vector<16xi32>, vector<16xi32>], vector<16xi32>,
        %bitcast3A_556 = vector.bitcast %gather3A_554 : vector<16xi32> to vector<32xbf16>
        %bitcast3A_557 = vector.bitcast %gather3A_555 : vector<16xi32> to vector<32xbf16>
        %mul3A_558 = arith.mulf %bitcast3A_556, %bitcast3A_557 : vector<32xbf16>
        %bitcast3A_559 = vector.bitcast %mul3A_558 : vector<32xbf16> to vector<16xi32>
        %and3A_560 = arith.andi %bitcast3A_559, %broadcast_in_dim3A_471 : vector<16xi32>
        %bitcast3A_561 = vector.bitcast %and3A_560 : vector<16xi32> to vector<16xf32>
        %shift_left3A_562 = arith.constant 16 : i32
        %shift_left3A_563 = vector.broadcast %shift_left3A_562 : i32 to vector<16xi32>
        %shift_left3A_564 = arith.shli %bitcast3A_559, %shift_left3A_563 : vector<16xi32>
        %bitcast3A_565 = vector.bitcast %shift_left3A_564 : vector<16xi32> to vector<16xf32>
        %add3A_566 = arith.addf %add3A_534, %bitcast3A_561 : vector<16xf32>
        %add3A_567 = arith.addf %add3A_535, %bitcast3A_565 : vector<16xf32>
        %add3A_568 = vector.broadcast %mul3A_506 : i32 to vector<16xi32>
        %add3A_569 = arith.addi %and3A_41, %add3A_568 : vector<16xi32>
        %gather3A_570 = tpu.vector_load_idx %arg9[%add3A_467, %add3A_569] : memref<80x64xi32, #tpu.memory_space<vmem>>[vector<16xi32>, vector<16xi32>], vector<16xi32>,
        %gather3A_571 = tpu.vector_load_idx %arg11[%add3A_467, %add3A_569] : memref<80x64xi32, #tpu.memory_space<vmem>>[vector<16xi32>, vector<16xi32>], vector<16xi32>,
        %bitcast3A_572 = vector.bitcast %gather3A_570 : vector<16xi32> to vector<32xbf16>
        %bitcast3A_573 = vector.bitcast %gather3A_571 : vector<16xi32> to vector<32xbf16>
        %mul3A_574 = arith.mulf %bitcast3A_572, %bitcast3A_573 : vector<32xbf16>
        %bitcast3A_575 = vector.bitcast %mul3A_574 : vector<32xbf16> to vector<16xi32>
        %and3A_576 = arith.andi %bitcast3A_575, %broadcast_in_dim3A_471 : vector<16xi32>
        %bitcast3A_577 = vector.bitcast %and3A_576 : vector<16xi32> to vector<16xf32>
        %shift_left3A_578 = arith.constant 16 : i32
        %shift_left3A_579 = vector.broadcast %shift_left3A_578 : i32 to vector<16xi32>
        %shift_left3A_580 = arith.shli %bitcast3A_575, %shift_left3A_579 : vector<16xi32>
        %bitcast3A_581 = vector.bitcast %shift_left3A_580 : vector<16xi32> to vector<16xf32>
        %add3A_582 = arith.addf %add3A_550, %bitcast3A_577 : vector<16xf32>
        %add3A_583 = arith.addf %add3A_551, %bitcast3A_581 : vector<16xf32>
        %add3A_584 = vector.broadcast %mul3A_506 : i32 to vector<16xi32>
        %add3A_585 = arith.addi %and3A_47, %add3A_584 : vector<16xi32>
        %gather3A_586 = tpu.vector_load_idx %arg9[%add3A_467, %add3A_585] : memref<80x64xi32, #tpu.memory_space<vmem>>[vector<16xi32>, vector<16xi32>], vector<16xi32>,
        %gather3A_587 = tpu.vector_load_idx %arg11[%add3A_467, %add3A_585] : memref<80x64xi32, #tpu.memory_space<vmem>>[vector<16xi32>, vector<16xi32>], vector<16xi32>,
        %bitcast3A_588 = vector.bitcast %gather3A_586 : vector<16xi32> to vector<32xbf16>
        %bitcast3A_589 = vector.bitcast %gather3A_587 : vector<16xi32> to vector<32xbf16>
        %mul3A_590 = arith.mulf %bitcast3A_588, %bitcast3A_589 : vector<32xbf16>
        %bitcast3A_591 = vector.bitcast %mul3A_590 : vector<32xbf16> to vector<16xi32>
        %and3A_592 = arith.andi %bitcast3A_591, %broadcast_in_dim3A_471 : vector<16xi32>
        %bitcast3A_593 = vector.bitcast %and3A_592 : vector<16xi32> to vector<16xf32>
        %shift_left3A_594 = arith.constant 16 : i32
        %shift_left3A_595 = vector.broadcast %shift_left3A_594 : i32 to vector<16xi32>
        %shift_left3A_596 = arith.shli %bitcast3A_591, %shift_left3A_595 : vector<16xi32>
        %bitcast3A_597 = vector.bitcast %shift_left3A_596 : vector<16xi32> to vector<16xf32>
        %add3A_598 = arith.addf %add3A_566, %bitcast3A_593 : vector<16xf32>
        %add3A_599 = arith.addf %add3A_567, %bitcast3A_597 : vector<16xf32>
        %add3A_600 = vector.broadcast %mul3A_506 : i32 to vector<16xi32>
        %add3A_601 = arith.addi %and3A_53, %add3A_600 : vector<16xi32>
        %gather3A_602 = tpu.vector_load_idx %arg9[%add3A_467, %add3A_601] : memref<80x64xi32, #tpu.memory_space<vmem>>[vector<16xi32>, vector<16xi32>], vector<16xi32>,
        %gather3A_603 = tpu.vector_load_idx %arg11[%add3A_467, %add3A_601] : memref<80x64xi32, #tpu.memory_space<vmem>>[vector<16xi32>, vector<16xi32>], vector<16xi32>,
        %bitcast3A_604 = vector.bitcast %gather3A_602 : vector<16xi32> to vector<32xbf16>
        %bitcast3A_605 = vector.bitcast %gather3A_603 : vector<16xi32> to vector<32xbf16>
        %mul3A_606 = arith.mulf %bitcast3A_604, %bitcast3A_605 : vector<32xbf16>
        %bitcast3A_607 = vector.bitcast %mul3A_606 : vector<32xbf16> to vector<16xi32>
        %and3A_608 = arith.andi %bitcast3A_607, %broadcast_in_dim3A_471 : vector<16xi32>
        %bitcast3A_609 = vector.bitcast %and3A_608 : vector<16xi32> to vector<16xf32>
        %shift_left3A_610 = arith.constant 16 : i32
        %shift_left3A_611 = vector.broadcast %shift_left3A_610 : i32 to vector<16xi32>
        %shift_left3A_612 = arith.shli %bitcast3A_607, %shift_left3A_611 : vector<16xi32>
        %bitcast3A_613 = vector.bitcast %shift_left3A_612 : vector<16xi32> to vector<16xf32>
        %add3A_614 = arith.addf %add3A_582, %bitcast3A_609 : vector<16xf32>
        %add3A_615 = arith.addf %add3A_583, %bitcast3A_613 : vector<16xf32>
        %add3A_616 = vector.broadcast %mul3A_506 : i32 to vector<16xi32>
        %add3A_617 = arith.addi %and3A_59, %add3A_616 : vector<16xi32>
        %gather3A_618 = tpu.vector_load_idx %arg9[%add3A_467, %add3A_617] : memref<80x64xi32, #tpu.memory_space<vmem>>[vector<16xi32>, vector<16xi32>], vector<16xi32>,
        %gather3A_619 = tpu.vector_load_idx %arg11[%add3A_467, %add3A_617] : memref<80x64xi32, #tpu.memory_space<vmem>>[vector<16xi32>, vector<16xi32>], vector<16xi32>,
        %bitcast3A_620 = vector.bitcast %gather3A_618 : vector<16xi32> to vector<32xbf16>
        %bitcast3A_621 = vector.bitcast %gather3A_619 : vector<16xi32> to vector<32xbf16>
        %mul3A_622 = arith.mulf %bitcast3A_620, %bitcast3A_621 : vector<32xbf16>
        %bitcast3A_623 = vector.bitcast %mul3A_622 : vector<32xbf16> to vector<16xi32>
        %and3A_624 = arith.andi %bitcast3A_623, %broadcast_in_dim3A_471 : vector<16xi32>
        %bitcast3A_625 = vector.bitcast %and3A_624 : vector<16xi32> to vector<16xf32>
        %shift_left3A_626 = arith.constant 16 : i32
        %shift_left3A_627 = vector.broadcast %shift_left3A_626 : i32 to vector<16xi32>
        %shift_left3A_628 = arith.shli %bitcast3A_623, %shift_left3A_627 : vector<16xi32>
        %bitcast3A_629 = vector.bitcast %shift_left3A_628 : vector<16xi32> to vector<16xf32>
        %add3A_630 = arith.addf %add3A_598, %bitcast3A_625 : vector<16xf32>
        %add3A_631 = arith.addf %add3A_599, %bitcast3A_629 : vector<16xf32>
        %add3A_632 = vector.broadcast %mul3A_506 : i32 to vector<16xi32>
        %add3A_633 = arith.addi %and3A_65, %add3A_632 : vector<16xi32>
        %gather3A_634 = tpu.vector_load_idx %arg9[%add3A_467, %add3A_633] : memref<80x64xi32, #tpu.memory_space<vmem>>[vector<16xi32>, vector<16xi32>], vector<16xi32>,
        %gather3A_635 = tpu.vector_load_idx %arg11[%add3A_467, %add3A_633] : memref<80x64xi32, #tpu.memory_space<vmem>>[vector<16xi32>, vector<16xi32>], vector<16xi32>,
        %bitcast3A_636 = vector.bitcast %gather3A_634 : vector<16xi32> to vector<32xbf16>
        %bitcast3A_637 = vector.bitcast %gather3A_635 : vector<16xi32> to vector<32xbf16>
        %mul3A_638 = arith.mulf %bitcast3A_636, %bitcast3A_637 : vector<32xbf16>
        %bitcast3A_639 = vector.bitcast %mul3A_638 : vector<32xbf16> to vector<16xi32>
        %and3A_640 = arith.andi %bitcast3A_639, %broadcast_in_dim3A_471 : vector<16xi32>
        %bitcast3A_641 = vector.bitcast %and3A_640 : vector<16xi32> to vector<16xf32>
        %shift_left3A_642 = arith.constant 16 : i32
        %shift_left3A_643 = vector.broadcast %shift_left3A_642 : i32 to vector<16xi32>
        %shift_left3A_644 = arith.shli %bitcast3A_639, %shift_left3A_643 : vector<16xi32>
        %bitcast3A_645 = vector.bitcast %shift_left3A_644 : vector<16xi32> to vector<16xf32>
        %add3A_646 = arith.addf %add3A_614, %bitcast3A_641 : vector<16xf32>
        %add3A_647 = arith.addf %add3A_615, %bitcast3A_645 : vector<16xf32>
        %add3A_648 = vector.broadcast %mul3A_506 : i32 to vector<16xi32>
        %add3A_649 = arith.addi %and3A_71, %add3A_648 : vector<16xi32>
        %gather3A_650 = tpu.vector_load_idx %arg9[%add3A_467, %add3A_649] : memref<80x64xi32, #tpu.memory_space<vmem>>[vector<16xi32>, vector<16xi32>], vector<16xi32>,
        %gather3A_651 = tpu.vector_load_idx %arg11[%add3A_467, %add3A_649] : memref<80x64xi32, #tpu.memory_space<vmem>>[vector<16xi32>, vector<16xi32>], vector<16xi32>,
        %bitcast3A_652 = vector.bitcast %gather3A_650 : vector<16xi32> to vector<32xbf16>
        %bitcast3A_653 = vector.bitcast %gather3A_651 : vector<16xi32> to vector<32xbf16>
        %mul3A_654 = arith.mulf %bitcast3A_652, %bitcast3A_653 : vector<32xbf16>
        %bitcast3A_655 = vector.bitcast %mul3A_654 : vector<32xbf16> to vector<16xi32>
        %and3A_656 = arith.andi %bitcast3A_655, %broadcast_in_dim3A_471 : vector<16xi32>
        %bitcast3A_657 = vector.bitcast %and3A_656 : vector<16xi32> to vector<16xf32>
        %shift_left3A_658 = arith.constant 16 : i32
        %shift_left3A_659 = vector.broadcast %shift_left3A_658 : i32 to vector<16xi32>
        %shift_left3A_660 = arith.shli %bitcast3A_655, %shift_left3A_659 : vector<16xi32>
        %bitcast3A_661 = vector.bitcast %shift_left3A_660 : vector<16xi32> to vector<16xf32>
        %add3A_662 = arith.addf %add3A_630, %bitcast3A_657 : vector<16xf32>
        %add3A_663 = arith.addf %add3A_631, %bitcast3A_661 : vector<16xf32>
        %add3A_664 = vector.broadcast %mul3A_506 : i32 to vector<16xi32>
        %add3A_665 = arith.addi %and3A_77, %add3A_664 : vector<16xi32>
        %gather3A_666 = tpu.vector_load_idx %arg9[%add3A_467, %add3A_665] : memref<80x64xi32, #tpu.memory_space<vmem>>[vector<16xi32>, vector<16xi32>], vector<16xi32>,
        %gather3A_667 = tpu.vector_load_idx %arg11[%add3A_467, %add3A_665] : memref<80x64xi32, #tpu.memory_space<vmem>>[vector<16xi32>, vector<16xi32>], vector<16xi32>,
        %bitcast3A_668 = vector.bitcast %gather3A_666 : vector<16xi32> to vector<32xbf16>
        %bitcast3A_669 = vector.bitcast %gather3A_667 : vector<16xi32> to vector<32xbf16>
        %mul3A_670 = arith.mulf %bitcast3A_668, %bitcast3A_669 : vector<32xbf16>
        %bitcast3A_671 = vector.bitcast %mul3A_670 : vector<32xbf16> to vector<16xi32>
        %and3A_672 = arith.andi %bitcast3A_671, %broadcast_in_dim3A_471 : vector<16xi32>
        %bitcast3A_673 = vector.bitcast %and3A_672 : vector<16xi32> to vector<16xf32>
        %shift_left3A_674 = arith.constant 16 : i32
        %shift_left3A_675 = vector.broadcast %shift_left3A_674 : i32 to vector<16xi32>
        %shift_left3A_676 = arith.shli %bitcast3A_671, %shift_left3A_675 : vector<16xi32>
        %bitcast3A_677 = vector.bitcast %shift_left3A_676 : vector<16xi32> to vector<16xf32>
        %add3A_678 = arith.addf %add3A_646, %bitcast3A_673 : vector<16xf32>
        %add3A_679 = arith.addf %add3A_647, %bitcast3A_677 : vector<16xf32>
        %add3A_680 = vector.broadcast %mul3A_506 : i32 to vector<16xi32>
        %add3A_681 = arith.addi %and3A_83, %add3A_680 : vector<16xi32>
        %gather3A_682 = tpu.vector_load_idx %arg9[%add3A_467, %add3A_681] : memref<80x64xi32, #tpu.memory_space<vmem>>[vector<16xi32>, vector<16xi32>], vector<16xi32>,
        %gather3A_683 = tpu.vector_load_idx %arg11[%add3A_467, %add3A_681] : memref<80x64xi32, #tpu.memory_space<vmem>>[vector<16xi32>, vector<16xi32>], vector<16xi32>,
        %bitcast3A_684 = vector.bitcast %gather3A_682 : vector<16xi32> to vector<32xbf16>
        %bitcast3A_685 = vector.bitcast %gather3A_683 : vector<16xi32> to vector<32xbf16>
        %mul3A_686 = arith.mulf %bitcast3A_684, %bitcast3A_685 : vector<32xbf16>
        %bitcast3A_687 = vector.bitcast %mul3A_686 : vector<32xbf16> to vector<16xi32>
        %and3A_688 = arith.andi %bitcast3A_687, %broadcast_in_dim3A_471 : vector<16xi32>
        %bitcast3A_689 = vector.bitcast %and3A_688 : vector<16xi32> to vector<16xf32>
        %shift_left3A_690 = arith.constant 16 : i32
        %shift_left3A_691 = vector.broadcast %shift_left3A_690 : i32 to vector<16xi32>
        %shift_left3A_692 = arith.shli %bitcast3A_687, %shift_left3A_691 : vector<16xi32>
        %bitcast3A_693 = vector.bitcast %shift_left3A_692 : vector<16xi32> to vector<16xf32>
        %add3A_694 = arith.addf %add3A_662, %bitcast3A_689 : vector<16xf32>
        %add3A_695 = arith.addf %add3A_663, %bitcast3A_693 : vector<16xf32>
        %add3A_696 = vector.broadcast %mul3A_506 : i32 to vector<16xi32>
        %add3A_697 = arith.addi %and3A_89, %add3A_696 : vector<16xi32>
        %gather3A_698 = tpu.vector_load_idx %arg9[%add3A_467, %add3A_697] : memref<80x64xi32, #tpu.memory_space<vmem>>[vector<16xi32>, vector<16xi32>], vector<16xi32>,
        %gather3A_699 = tpu.vector_load_idx %arg11[%add3A_467, %add3A_697] : memref<80x64xi32, #tpu.memory_space<vmem>>[vector<16xi32>, vector<16xi32>], vector<16xi32>,
        %bitcast3A_700 = vector.bitcast %gather3A_698 : vector<16xi32> to vector<32xbf16>
        %bitcast3A_701 = vector.bitcast %gather3A_699 : vector<16xi32> to vector<32xbf16>
        %mul3A_702 = arith.mulf %bitcast3A_700, %bitcast3A_701 : vector<32xbf16>
        %bitcast3A_703 = vector.bitcast %mul3A_702 : vector<32xbf16> to vector<16xi32>
        %and3A_704 = arith.andi %bitcast3A_703, %broadcast_in_dim3A_471 : vector<16xi32>
        %bitcast3A_705 = vector.bitcast %and3A_704 : vector<16xi32> to vector<16xf32>
        %shift_left3A_706 = arith.constant 16 : i32
        %shift_left3A_707 = vector.broadcast %shift_left3A_706 : i32 to vector<16xi32>
        %shift_left3A_708 = arith.shli %bitcast3A_703, %shift_left3A_707 : vector<16xi32>
        %bitcast3A_709 = vector.bitcast %shift_left3A_708 : vector<16xi32> to vector<16xf32>
        %add3A_710 = arith.addf %add3A_678, %bitcast3A_705 : vector<16xf32>
        %add3A_711 = arith.addf %add3A_679, %bitcast3A_709 : vector<16xf32>
        %add3A_712 = vector.broadcast %mul3A_506 : i32 to vector<16xi32>
        %add3A_713 = arith.addi %and3A_95, %add3A_712 : vector<16xi32>
        %gather3A_714 = tpu.vector_load_idx %arg9[%add3A_467, %add3A_713] : memref<80x64xi32, #tpu.memory_space<vmem>>[vector<16xi32>, vector<16xi32>], vector<16xi32>,
        %gather3A_715 = tpu.vector_load_idx %arg11[%add3A_467, %add3A_713] : memref<80x64xi32, #tpu.memory_space<vmem>>[vector<16xi32>, vector<16xi32>], vector<16xi32>,
        %bitcast3A_716 = vector.bitcast %gather3A_714 : vector<16xi32> to vector<32xbf16>
        %bitcast3A_717 = vector.bitcast %gather3A_715 : vector<16xi32> to vector<32xbf16>
        %mul3A_718 = arith.mulf %bitcast3A_716, %bitcast3A_717 : vector<32xbf16>
        %bitcast3A_719 = vector.bitcast %mul3A_718 : vector<32xbf16> to vector<16xi32>
        %and3A_720 = arith.andi %bitcast3A_719, %broadcast_in_dim3A_471 : vector<16xi32>
        %bitcast3A_721 = vector.bitcast %and3A_720 : vector<16xi32> to vector<16xf32>
        %shift_left3A_722 = arith.constant 16 : i32
        %shift_left3A_723 = vector.broadcast %shift_left3A_722 : i32 to vector<16xi32>
        %shift_left3A_724 = arith.shli %bitcast3A_719, %shift_left3A_723 : vector<16xi32>
        %bitcast3A_725 = vector.bitcast %shift_left3A_724 : vector<16xi32> to vector<16xf32>
        %add3A_726 = arith.addf %add3A_694, %bitcast3A_721 : vector<16xf32>
        %add3A_727 = arith.addf %add3A_695, %bitcast3A_725 : vector<16xf32>
        %add3A_728 = vector.broadcast %mul3A_506 : i32 to vector<16xi32>
        %add3A_729 = arith.addi %and3A_101, %add3A_728 : vector<16xi32>
        %gather3A_730 = tpu.vector_load_idx %arg9[%add3A_467, %add3A_729] : memref<80x64xi32, #tpu.memory_space<vmem>>[vector<16xi32>, vector<16xi32>], vector<16xi32>,
        %gather3A_731 = tpu.vector_load_idx %arg11[%add3A_467, %add3A_729] : memref<80x64xi32, #tpu.memory_space<vmem>>[vector<16xi32>, vector<16xi32>], vector<16xi32>,
        %bitcast3A_732 = vector.bitcast %gather3A_730 : vector<16xi32> to vector<32xbf16>
        %bitcast3A_733 = vector.bitcast %gather3A_731 : vector<16xi32> to vector<32xbf16>
        %mul3A_734 = arith.mulf %bitcast3A_732, %bitcast3A_733 : vector<32xbf16>
        %bitcast3A_735 = vector.bitcast %mul3A_734 : vector<32xbf16> to vector<16xi32>
        %and3A_736 = arith.andi %bitcast3A_735, %broadcast_in_dim3A_471 : vector<16xi32>
        %bitcast3A_737 = vector.bitcast %and3A_736 : vector<16xi32> to vector<16xf32>
        %shift_left3A_738 = arith.constant 16 : i32
        %shift_left3A_739 = vector.broadcast %shift_left3A_738 : i32 to vector<16xi32>
        %shift_left3A_740 = arith.shli %bitcast3A_735, %shift_left3A_739 : vector<16xi32>
        %bitcast3A_741 = vector.bitcast %shift_left3A_740 : vector<16xi32> to vector<16xf32>
        %add3A_742 = arith.addf %add3A_710, %bitcast3A_737 : vector<16xf32>
        %add3A_743 = arith.addf %add3A_711, %bitcast3A_741 : vector<16xf32>
        %add3A_744 = vector.broadcast %mul3A_506 : i32 to vector<16xi32>
        %add3A_745 = arith.addi %and3A_107, %add3A_744 : vector<16xi32>
        %gather3A_746 = tpu.vector_load_idx %arg9[%add3A_467, %add3A_745] : memref<80x64xi32, #tpu.memory_space<vmem>>[vector<16xi32>, vector<16xi32>], vector<16xi32>,
        %gather3A_747 = tpu.vector_load_idx %arg11[%add3A_467, %add3A_745] : memref<80x64xi32, #tpu.memory_space<vmem>>[vector<16xi32>, vector<16xi32>], vector<16xi32>,
        %bitcast3A_748 = vector.bitcast %gather3A_746 : vector<16xi32> to vector<32xbf16>
        %bitcast3A_749 = vector.bitcast %gather3A_747 : vector<16xi32> to vector<32xbf16>
        %mul3A_750 = arith.mulf %bitcast3A_748, %bitcast3A_749 : vector<32xbf16>
        %bitcast3A_751 = vector.bitcast %mul3A_750 : vector<32xbf16> to vector<16xi32>
        %and3A_752 = arith.andi %bitcast3A_751, %broadcast_in_dim3A_471 : vector<16xi32>
        %bitcast3A_753 = vector.bitcast %and3A_752 : vector<16xi32> to vector<16xf32>
        %shift_left3A_754 = arith.constant 16 : i32
        %shift_left3A_755 = vector.broadcast %shift_left3A_754 : i32 to vector<16xi32>
        %shift_left3A_756 = arith.shli %bitcast3A_751, %shift_left3A_755 : vector<16xi32>
        %bitcast3A_757 = vector.bitcast %shift_left3A_756 : vector<16xi32> to vector<16xf32>
        %add3A_758 = arith.addf %add3A_726, %bitcast3A_753 : vector<16xf32>
        %add3A_759 = arith.addf %add3A_727, %bitcast3A_757 : vector<16xf32>
        scf.yield %add3A_742, %add3A_743, %add3A_758, %add3A_759 : vector<16xf32>, vector<16xf32>, vector<16xf32>, vector<16xf32>
      }
      %scan3A_477 = arith.constant 4 : i32
      %add3A_478 = arith.addf %scan3A_476#0, %scan3A_476#1 : vector<16xf32>
      %add3A_479 = arith.addf %scan3A_476#2, %scan3A_476#3 : vector<16xf32>
      %add3A_480 = arith.addf %add3A_478, %add3A_479 : vector<16xf32>
      %neg3A_481 = arith.constant 0.000000e+00 : f32
      %neg3A_482 = vector.broadcast %neg3A_481 : f32 to vector<16xf32>
      %neg3A_483 = arith.subf %neg3A_482, %add3A_480 : vector<16xf32>
      %exp3A_484 = math.exp %neg3A_483 : vector<16xf32>
      %add3A_485 = arith.constant 1.000000e+00 : f32
      %add3A_486 = vector.broadcast %add3A_485 : f32 to vector<16xf32>
      %add3A_487 = arith.addf %add3A_486, %exp3A_484 : vector<16xf32>
      %div3A_488 = arith.constant 1.000000e+00 : f32
      %div3A_489 = vector.broadcast %div3A_488 : f32 to vector<16xf32>
      %div3A_490 = arith.divf %div3A_489, %add3A_487 : vector<16xf32>
      %swap3A_491 = arith.constant 64 : index
      %swap3A_492 = tpu.vector_load %arg13[%swap3A_491] {strides = array<i32>} : memref<80xf32, #tpu.memory_space<vmem>>, vector<16xf32>,
      tpu.vector_store %arg13[%swap3A_491], %div3A_490 {strides = array<i32>} : memref<80xf32, #tpu.memory_space<vmem>>, vector<16xf32>,
      %min3A_493 = arith.constant 124 : i32
      %min3A_494 = arith.minsi %add3A_321, %min3A_493 : i32
      %add3A_495 = arith.addi %mul3A_2, %min3A_494 : i32
      %mul3A_496 = arith.constant 80 : i32
      %mul3A_497 = arith.muli %add3A_495, %mul3A_496 : i32
      %dma_start3A_498 = tpu.memref_slice %arg4[%mul3A_497] : memref<320000xf32, #tpu.memory_space<hbm>> -> memref<80xf32, #tpu.memory_space<hbm>>
      %dma_start3A_499 = tpu.memref_slice %arg4[%mul3A_497] : memref<320000xf32, #tpu.memory_space<hbm>> -> memref<80xf32, #tpu.memory_space<hbm>>
      tpu.enqueue_dma source(%arg13 : memref<80xf32, #tpu.memory_space<vmem>>) target(%dma_start3A_499 : memref<80xf32, #tpu.memory_space<hbm>>) target_semaphore(%arg17 : memref<!tpu.dma_semaphore, #tpu.memory_space<semaphore_mem>>)
    }
    %scan3A_137 = arith.constant 63 : i32
    %dma_wait3A_138 = arith.constant 0 : i32
    %dma_wait3A_139 = tpu.memref_slice %arg4[%dma_wait3A_138] : memref<320000xf32, #tpu.memory_space<hbm>> -> memref<80xf32, #tpu.memory_space<hbm>>
    %dma_wait3A_140 = arith.constant 0 : i32
    %dma_wait3A_141 = tpu.memref_slice %arg4[%dma_wait3A_140] : memref<320000xf32, #tpu.memory_space<hbm>> -> memref<80xf32, #tpu.memory_space<hbm>>
    tpu.wait_dma2 semaphore(%arg16 : memref<!tpu.dma_semaphore, #tpu.memory_space<semaphore_mem>>) src(%arg12 : memref<80xf32, #tpu.memory_space<vmem>>) dst(%dma_wait3A_141 : memref<80xf32, #tpu.memory_space<hbm>>)
    %dma_wait3A_142 = arith.constant 0 : i32
    %dma_wait3A_143 = tpu.memref_slice %arg4[%dma_wait3A_142] : memref<320000xf32, #tpu.memory_space<hbm>> -> memref<80xf32, #tpu.memory_space<hbm>>
    %dma_wait3A_144 = arith.constant 0 : i32
    %dma_wait3A_145 = tpu.memref_slice %arg4[%dma_wait3A_144] : memref<320000xf32, #tpu.memory_space<hbm>> -> memref<80xf32, #tpu.memory_space<hbm>>
    tpu.wait_dma2 semaphore(%arg17 : memref<!tpu.dma_semaphore, #tpu.memory_space<semaphore_mem>>) src(%arg13 : memref<80xf32, #tpu.memory_space<vmem>>) dst(%dma_wait3A_145 : memref<80xf32, #tpu.memory_space<hbm>>)
    return
  }
}

</mosaic_0001>

<sc_bundles>
// kernel: _run.3.cloned.1.call-start
scs
__scs_entry_jumppad:
0x0: {  	(pc) =	sbr.rel $0x88, $3  }
0x1: {  	(tag) =	ssettag $0x0;
	lr =	simm.s32 $0x1  }
0x2: {  	[smem:$0x3F9F] =	sst lr;
	_ =	strace $0xD0000000  }
0x3: {  	_ = 	snop  }
0x4: {  	_ = 	snop  }
0x5: {  	_ = 	snop  }
0x6: {  	_ = 	snop  }
0x7: {  	_ = 	snop  }
__scs_overlays_trampoline_lowered:
0x8: {  	[smem:$0x3FAE] =	sst s0  }
0x9: {  	[smem:$0x3FAF] =	sst s1  }
0xa: {  	[smem:$0x3FB0] =	sst s2  }
0xb: {  	[smem:$0x3FB1] =	sst s3  }
0xc: {  	[smem:$0x3FB2] =	sst s4  }
0xd: {  	[smem:$0x3FB3] =	sst s5  }
0xe: {  	[smem:$0x3FB4] =	sst s6  }
0xf: {  	[smem:$0x3FB5] =	sst s7  }
0x10: {  	[smem:$0x3FB6] =	sst s8  }
0x11: {  	[smem:$0x3FB7] =	sst s9;
	s0 =	simm.s32 @!p0 $0x0  }
0x12: {  	s1 =	sld [smem:$0x3F9D];
	s0 =	simm.s32 @p0 $0x1  }
0x13: {  	[smem:$0x3FB8] =	sst s0;
	s0 =	simm.s32 @!p1 $0x0  }
0x14: {  	s2 =	sld [smem:$0x3F9C];
	s0 =	simm.s32 @p1 $0x1  }
0x15: {  	[smem:$0x3FB9] =	sst s0;
	s0 =	simm.s32 @!p2 $0x0  }
0x16: {  	s3 =	sld [smem:$0x3FDB];
	s0 =	simm.s32 @p2 $0x1  }
0x17: {  	s4 =	simm.s32 $0x1BF5;
	[smem:$0x3FBB] =	sst s0  }
0x18: {  	s0 =	sld [smem:$0x3F9E];
	_ =	swait.ge [sflag:s4], $0x0  }
0x19: {  	s7 =	sld [smem:$0x3F9F]  }
0x1a: {  	s8 =	sadd.s32 $0xFFFFE003, lr  }
0x1b: {  	s9 =	sadd.s32 $0xFFFFFEF7, lr;
	s5 =	simm.s32 $0xFFFFFFFF;
	p2 =	slt.u32 s8, $0xFFFFF086  }
0x1c: {  	p1 =	slt.u32 s9, $0xF7A;
	s5 =	simm.s32 @!p2 $0x0  }
0x1d: {  	s5 =	simm.s32 @p1 $0x1;
	p0 =	seq.s32 s7, s2  }
0x1e: {  	s7 =	smul.u32 @!p0 $0xF7A, s2;
	p2 =	seq.s32 @!p0 s5, $0x0  }
0x1f: {  	s9 =	smul.u32 $0xF7A, s1;
	s8 =	simm.s32 @!p0 $0x1BF5;
	p2 =	por !p2, p0  }
0x20: {  	[sflag:s8] =	ssyncset.s32 @!p0 $0xFFFFF086;
	s6 =	sadd.s32 @!p0 s3, s7;
	s7 =	simm.s32 @!p0 $0x108  }
0x21: {  	s3 =	sadd.s32 s3, s9;
	s6 =	sadd.s32 @!p0 $0x88, s6;
	s7 =	simm.s32 @p2 $0x1082  }
0x22: {  	[simem:s7], [sflag:s8] =	dma.local @!p0 [hbm:s6], $0xF7A  }
0x23: {  	s9 =	sor.u32 $0xD0000000, s2;
	s6 =	simm.s32 $0x108;
	_ =	swait.ge @!p0 [sflag:s8], $0x0  }
0x24: {  	s3 =	sadd.s32 $0x88, s3;
	s6 =	simm.s32 @!p1 $0x1082;
	[sflag:s4] =	ssyncset.s32 $0xFFFFF086  }
0x25: {  	[simem:s6], [sflag:s4] =	dma.local [hbm:s3], $0xF7A  }
0x26: {  	[smem:$0x3F9F] =	sst s1;
	(tag) =	ssettag s2;
	_ =	strace s9  }
0x27: {  	s1 =	sld [smem:$0x3FAF]  }
0x28: {  	s2 =	sld [smem:$0x3FB0]  }
0x29: {  	s4 =	sld [smem:$0x3FB2]  }
0x2a: {  	p0 =	seq.s32 s5, $0x0;
	s5 =	sld [smem:$0x3FB3]  }
0x2b: {  	s6 =	sld [smem:$0x3FB4]  }
0x2c: {  	s7 =	sld [smem:$0x3FB5]  }
0x2d: {  	s3 =	simm.s32 $0x108;
	s8 =	sld [smem:$0x3FB6]  }
0x2e: {  	s3 =	simm.s32 @!p0 $0x1082;
	s9 =	sld [smem:$0x3FB7]  }
0x2f: {  	lr =	sadd.s32 s0, s3;
	s0 =	sld [smem:$0x3FAE]  }
0x30: {  	s3 =	sld [smem:$0x3FB1]  }
0x31: {  	[smem:$0x3FBA] =	sst s10  }
0x32: {  	s10 =	sld [smem:$0x3FB8];
	_ =	sdelay $0x3  }
0x33: {  	p0 =	seq.s32 s10, $0x1;
	s10 =	sld [smem:$0x3FBA];
	_ =	sdelay $0x3  }
0x34: {  	[smem:$0x3FBA] =	sst s10  }
0x35: {  	s10 =	sld [smem:$0x3FB9];
	_ =	sdelay $0x3  }
0x36: {  	p1 =	seq.s32 s10, $0x1;
	s10 =	sld [smem:$0x3FBA];
	_ =	sdelay $0x3  }
0x37: {  	[smem:$0x3FBA] =	sst s10  }
0x38: {  	s10 =	sld [smem:$0x3FBB]  }
0x39: {  	_ = 	snop;
	(pc) =	sbr.ind lr, $3  }
0x3a: {  	_ = 	snop  }
0x3b: {  	_ = 	snop  }
0x3c: {  	p2 =	seq.s32 s10, $0x1;
	s10 =	sld [smem:$0x3FBA]  }
0x3d: {  	_ =	shalt  }
0x3e: {  	_ =	shalt  }
0x3f: {  	_ =	shalt  }
0x40: {  	_ =	shalt  }
0x41: {  	_ =	shalt  }
0x42: {  	_ =	shalt  }
0x43: {  	_ =	shalt  }
0x44: {  	_ =	shalt  }
0x45: {  	_ =	shalt  }
0x46: {  	_ =	shalt  }
0x47: {  	_ =	shalt  }
0x48: {  	_ =	shalt  }
0x49: {  	_ =	shalt  }
0x4a: {  	_ =	shalt  }
0x4b: {  	_ =	shalt  }
0x4c: {  	_ =	shalt  }
0x4d: {  	_ =	shalt  }
0x4e: {  	_ =	shalt  }
0x4f: {  	_ =	shalt  }
0x50: {  	_ =	shalt  }
0x51: {  	_ =	shalt  }
0x52: {  	_ =	shalt  }
0x53: {  	_ =	shalt  }
0x54: {  	_ =	shalt  }
0x55: {  	_ =	shalt  }
0x56: {  	_ =	shalt  }
0x57: {  	_ =	shalt  }
0x58: {  	_ =	shalt  }
0x59: {  	_ =	shalt  }
0x5a: {  	_ =	shalt  }
0x5b: {  	_ =	shalt  }
0x5c: {  	_ =	shalt  }
0x5d: {  	_ =	shalt  }
0x5e: {  	_ =	shalt  }
0x5f: {  	_ =	shalt  }
0x60: {  	_ =	shalt  }
0x61: {  	_ =	shalt  }
0x62: {  	_ =	shalt  }
0x63: {  	_ =	shalt  }
0x64: {  	_ =	shalt  }
0x65: {  	_ =	shalt  }
0x66: {  	_ =	shalt  }
0x67: {  	_ =	shalt  }
0x68: {  	_ =	shalt  }
0x69: {  	_ =	shalt  }
0x6a: {  	_ =	shalt  }
0x6b: {  	_ =	shalt  }
0x6c: {  	_ =	shalt  }
0x6d: {  	_ =	shalt  }
0x6e: {  	_ =	shalt  }
0x6f: {  	_ =	shalt  }
0x70: {  	_ =	shalt  }
0x71: {  	_ =	shalt  }
0x72: {  	_ =	shalt  }
0x73: {  	_ =	shalt  }
0x74: {  	_ =	shalt  }
0x75: {  	_ =	shalt  }
0x76: {  	_ =	shalt  }
0x77: {  	_ =	shalt  }
0x78: {  	_ =	shalt  }
0x79: {  	_ =	shalt  }
0x7a: {  	_ =	shalt  }
0x7b: {  	_ =	shalt  }
0x7c: {  	_ =	shalt  }
0x7d: {  	_ =	shalt  }
0x7e: {  	_ =	shalt  }
0x7f: {  	_ =	shalt  }
0x80: {  	_ =	shalt  }
0x81: {  	_ =	shalt  }
0x82: {  	_ =	shalt  }
0x83: {  	_ =	shalt  }
0x84: {  	_ =	shalt  }
0x85: {  	_ =	shalt  }
0x86: {  	_ =	shalt  }
0x87: {  	_ =	shalt  }
.Lfunc_end0:
.L_simem_size_0:
called_computation_lowered:
.L_overlay_start_0:
0x88: {  	s2 =	sld [smem:$0x3FD9]  }
0x89: {  	s3 =	sld [smem:$0x3FFE];
	_ =	sdelay $0x1  }
0x8a: {  	s1 =	srdreg.scid  }
0x8b: {  	s0 =	sand.u32 $0x1, s1  }
0x8c: {  	s17 =	sshll.u32 s0, $0xA;
	s2 =	sadd.s32 s3, s2  }
0x8d: {  	s2 =	sadd.s32 s2, s17  }
0x8e: {  	[smem:$0x3FC6] =	sst s2  }
0x8f: {  	_ = 	snop  }
0x90: {  	s2 =	sld [smem:$0x3FD0];
	(tm) =	ssettm $0x1  }
0x91: {  	s18 =	sld [smem:$0x3FFB];
	_ =	sdelay $0x3  }
0x92: {  	_ =	strace s18  }
0x93: {  	s3 =	sld [smem:$0x3FFC];
	_ =	sdelay $0x3  }
0x94: {  	_ =	strace s3  }
0x95: {  	s3 =	sld [smem:$0x3FFD];
	_ =	sdelay $0x3  }
0x96: {  	_ =	strace s3  }
0x97: {  	_ =	strace $0x8FFFFFFF  }
0x98: {  	s19 =	sld [smem:$0x3FDB];
	_ =	sdelay $0x1  }
0x99: {  	s4 =	simm.s32 $_scs_section_size  }
0x9a: {  	s5 =	simm.s32 $_size__tile_overlayer_lowered;
	s6 =	simm.s32 $_tile_overlayer_lowered  }
0x9b: {  	s22 =	simm.s32 $0x1BFF;
	s21 =	sshll.u32 s6, $0x1;
	s3 =	sadd.s32 s4, s19  }
0x9c: {  	s7 =	simm.s32 $0x0;
	s20 =	sshll.u32 s5, $0x1;
	s5 =	sadd.s32 s21, s3  }
0x9d: {  	[timem:s7], [sflag:s22] =	dma.local [hbm:s5], s20  }
0x9e: {  	_ =	swait.ge [sflag:s22], s20  }
0x9f: {  	s4 =	ssub.s32 $0x0, s20;
	[sflag:s22] =	ssyncset.done $0x0  }
0xa0: {  	[sflag:s22] =	ssyncadd.s32 s4;
	_ =	sdelay $0x1  }
0xa1: {  	s23 =	simm.s32 $0x1B8B  }
0xa2: {  	_ =	swait.ge [sflag:s23], $0x1  }
0xa3: {  	[sflag:s23] =	ssyncset.done $0x0  }
0xa4: {  	s25 =	simm.s32 $0x1B8E;
	s24 =	sld [smem:$0x3FFE];
	[sflag:s23] =	ssyncadd.s32 $0xFFFFFFFF  }
0xa5: {  	s26 =	simm.s32 $execute0_lowered;
	[smem:$0x3FD2] =	sst s25  }
0xa6: {  	s5 =	sshll.u32 s26, $0x1;
	_ =	strace $0x80000046;
	[dreg:$0x1] =	wrdreg $0xFFFFFFFF  }
0xa7: {  	s28 =	simm.s32 $_size_execute0_lowered;
	s3 =	sadd.s32 s3, s5;
	[dreg:$0x0] =	wrdreg $0x0  }
0xa8: {  	s5 =	sshll.u32 s28, $0x1;
	[dreg:$0x2] =	wrdreg s3  }
0xa9: {  	[dreg:$0x3] =	wrdreg s5  }
0xaa: {  	[dreg:$0x4] =	wrdreg $0xC0  }
0xab: {  	_ =	task [dreg:s7], $0x5FFFF  }
0xac: {  	[dreg:$0x1] =	wrdreg $0xFFFFFFFF  }
0xad: {  	[dreg:$0x0] =	wrdreg $0x60  }
0xae: {  	[dreg:$0x2] =	wrdreg s24  }
0xaf: {  	[dreg:$0x3] =	wrdreg s2  }
0xb0: {  	[dreg:$0x4] =	wrdreg $0x0  }
0xb1: {  	[dreg:$0x5] =	wrdreg $0x9  }
0xb2: {  	_ =	task.clear_ibuf [dreg:s7], $0x6FFFF;
	_ =	strace $0x90000046  }
0xb3: {  	s29 =	simm.s32 $0x9;
	_ =	strace $0x80000048  }
0xb4: {  	_ =	swait.ge [sflag:s29], $0x1  }
0xb5: {  	[sflag:s29] =	ssyncadd.s32 $0xFFFFFFFF  }
0xb6: {  	_ =	strace $0x90000048  }
0xb7: {  	_ =	sfence  }
0xb8: {  	s30 =	sld [smem:$0x0];
	_ =	sdelay $0x2  }
0xb9: {  	s31 =	sshll.u32 s1, $0xD;
	s1 =	sshrl.u32 s1, $0x2  }
0xba: {  	s3 =	sand.u32 $0x4000, s31;
	s1 =	sadd.s32 s1, s30  }
0xbb: {  	s0 =	sor.u32 s3, s0;
	s1 =	sshll.u32 s1, $0x11  }
0xbc: {  	s0 =	sor.u32 s1, s0  }
0xbd: {  	s0 =	sadd.s32 $0x8F2B, s0  }
0xbe: {  	[sflag:s0] =	ssyncadd.remote.s32 $0x1  }
0xbf: {  	_ =	sfence.sel $0xFFFF  }
0xc0: {  	[dreg:$0x0] =	wrdreg $0xFFFFFFFF;
	(pc) =	sbr.abs _section_cstart, $3  }
0xc1: {  	[dreg:$0x1] =	wrdreg $0xFFFFFFFF  }
0xc2: {  	_ =	task.clear_ibuf [dreg:s7], $0x2FFFF;
	_ =	strace $0x9FFFFFFF  }
0xc3: {  	(tm) =	ssettm $0x7FFFFFFF  }
tec
execute0_lowered:
.L_overlay_start_1:
0x0: {  	(tag) =	ssettag $0x1  }
0x1: {  	v0 =	vimm.s32 $0xC4834201;
	vm11 =	vcmask $0xF00;
	vm10 =	vcmask $0x1310  }
0x2: {  	vm9 =	vcmask $0x1714;
	vm8 =	vcmask $0x1B18;
	vm7 =	vcmask $0x1F1C  }
0x3: {  	v1 =	vimm.s32 $0xC5844302;
	vm6 =	vcmask $0x2320;
	v2 =	vlaneseq.u32  }
0x4: {  	vm5 =	vcmask $0x2724;
	vm1 =	vcmask $0x2B28;
	v0 =	vunpack.c.0.s8.s32 v0  }
0x5: {  	v3 =	vimm.s32 $0xC6854403;
	vm0 =	vcmask $0x2F2C;
	v1 =	vunpack.c.0.s8.s32 v1  }
0x6: {  	vm2 =	vcmask $0x3330;
	vm3 =	vcmask $0x3734;
	v0 =	vand.u32 $0xFF, v0  }
0x7: {  	vm4 =	vcmask $0x3B38;
	v1 =	vand.u32 $0xFF, v1;
	v0 =	vnsel vm11, $0x3C0, v0  }
0x8: {  	v3 =	vunpack.c.0.s8.s32 v3;
	v1 =	vnsel vm11, $0x3C1, v1;
	v0 =	vsel vm10, $0x105, v0  }
0x9: {  	v48 =	vmul.u32 $0x41, v2;
	v1 =	vsel vm10, $0x106, v1;
	v0 =	vsel vm9, $0x146, v0  }
0xa: {  	v2 =	vand.u32 $0xFF, v3;
	v1 =	vsel vm9, $0x147, v1;
	v0 =	vsel vm8, $0x187, v0  }
0xb: {  	v3 =	vimm.s32 $0xC7864504;
	v1 =	vsel vm8, $0x188, v1;
	v0 =	vsel vm7, $0x1C8, v0  }
0xc: {  	v2 =	vnsel vm11, $0x3C2, v2;
	v1 =	vsel vm7, $0x1C9, v1;
	v0 =	vsel vm6, $0x209, v0  }
0xd: {  	v3 =	vunpack.c.0.s8.s32 v3;
	v1 =	vsel vm6, $0x20A, v1;
	v0 =	vsel vm5, $0x24A, v0  }
0xe: {  	v2 =	vsel vm10, $0x107, v2;
	v1 =	vsel vm5, $0x24B, v1;
	v0 =	vsel vm1, $0x28B, v0  }
0xf: {  	v2 =	vsel vm9, $0x148, v2;
	v1 =	vsel vm1, $0x28C, v1;
	v0 =	vsel vm0, $0x2CC, v0  }
0x10: {  	v2 =	vsel vm8, $0x189, v2;
	v1 =	vsel vm0, $0x2CD, v1;
	v0 =	vsel vm2, $0x30D, v0  }
0x11: {  	v2 =	vsel vm7, $0x1CA, v2;
	v1 =	vsel vm2, $0x30E, v1;
	v0 =	vsel vm3, $0x34E, v0  }
0x12: {  	v2 =	vsel vm6, $0x20B, v2;
	v49 =	vsel vm4, $0x38F, v0;
	v0 =	vsel vm3, $0x34F, v1  }
0x13: {  	v1 =	vsel vm5, $0x24C, v2;
	v2 =	vand.u32 $0xFF, v3;
	v3 =	vimm.s32 $0xC8874605  }
0x14: {  	v1 =	vsel vm1, $0x28D, v1;
	v3 =	vunpack.c.0.s8.s32 v3  }
0x15: {  	v2 =	vnsel vm11, $0x3C3, v2;
	v50 =	vsel vm4, $0x380, v0;
	v1 =	vsel vm0, $0x2CE, v1  }
0x16: {  	v0 =	vsel vm2, $0x30F, v1;
	v1 =	vsel vm10, $0x108, v2;
	v2 =	vand.u32 $0xFF, v3  }
0x17: {  	v3 =	vimm.s32 $0xC9884706;
	v0 =	vsel vm3, $0x340, v0;
	v1 =	vsel vm9, $0x149, v1  }
0x18: {  	v2 =	vnsel vm11, $0x3C4, v2;
	v3 =	vunpack.c.0.s8.s32 v3;
	v1 =	vsel vm8, $0x18A, v1  }
0x19: {  	v2 =	vsel vm10, $0x109, v2;
	v0 =	vsel vm4, $0x381, v0;
	v1 =	vsel vm7, $0x1CB, v1  }
0x1a: {  	[tilespmem:$0x1FB80] =	vst v0;
	v0 =	vsel vm6, $0x20C, v1;
	v1 =	vsel vm9, $0x14A, v2  }
0x1b: {  	v2 =	vand.u32 $0xFF, v3;
	v1 =	vsel vm8, $0x18B, v1  }
0x1c: {  	v3 =	vimm.s32 $0xCA894807;
	v0 =	vsel vm5, $0x24D, v0;
	v1 =	vsel vm7, $0x1CC, v1  }
0x1d: {  	v2 =	vnsel vm11, $0x3C5, v2;
	v3 =	vunpack.c.0.s8.s32 v3;
	v1 =	vsel vm6, $0x20D, v1  }
0x1e: {  	v0 =	vsel vm1, $0x28E, v0;
	v2 =	vsel vm10, $0x10A, v2;
	v1 =	vsel vm5, $0x24E, v1  }
0x1f: {  	v0 =	vsel vm0, $0x2CF, v0;
	v2 =	vsel vm9, $0x14B, v2;
	v1 =	vsel vm1, $0x28F, v1  }
0x20: {  	v0 =	vsel vm2, $0x300, v0;
	v2 =	vsel vm8, $0x18C, v2;
	v1 =	vsel vm0, $0x2C0, v1  }
0x21: {  	v0 =	vsel vm3, $0x341, v0;
	v2 =	vsel vm7, $0x1CD, v2;
	v1 =	vsel vm2, $0x301, v1  }
0x22: {  	v2 =	vsel vm6, $0x20E, v2;
	v62 =	vsel vm4, $0x382, v0;
	v0 =	vsel vm3, $0x342, v1  }
0x23: {  	v1 =	vsel vm5, $0x24F, v2;
	v0 =	vsel vm4, $0x383, v0  }
0x24: {  	[tilespmem:$0x1FB90] =	vst v0;
	v0 =	vsel vm1, $0x280, v1;
	v1 =	vand.u32 $0xFF, v3  }
0x25: {  	v0 =	vsel vm0, $0x2C1, v0;
	v1 =	vnsel vm11, $0x3C6, v1  }
0x26: {  	v2 =	vimm.s32 $0xCB8A4908;
	v0 =	vsel vm2, $0x302, v0;
	v1 =	vsel vm10, $0x10B, v1  }
0x27: {  	v2 =	vunpack.c.0.s8.s32 v2;
	v0 =	vsel vm3, $0x343, v0;
	v1 =	vsel vm9, $0x14C, v1  }
0x28: {  	v3 =	vimm.s32 $0xCC8B4A09;
	v1 =	vsel vm8, $0x18D, v1;
	v0 =	vsel vm4, $0x384, v0  }
0x29: {  	v2 =	vand.u32 $0xFF, v2;
	v3 =	vunpack.c.0.s8.s32 v3;
	[tilespmem:$0x1FBA0] =	vst v0;
	v0 =	vsel vm7, $0x1CE, v1  }
0x2a: {  	v1 =	vnsel vm11, $0x3C7, v2;
	v0 =	vsel vm6, $0x20F, v0  }
0x2b: {  	v2 =	vand.u32 $0xFF, v3;
	v1 =	vsel vm10, $0x10C, v1;
	v0 =	vsel vm5, $0x240, v0  }
0x2c: {  	v2 =	vnsel vm11, $0x3C8, v2;
	v1 =	vsel vm9, $0x14D, v1;
	v0 =	vsel vm1, $0x281, v0  }
0x2d: {  	v2 =	vsel vm10, $0x10D, v2;
	v1 =	vsel vm8, $0x18E, v1;
	v0 =	vsel vm0, $0x2C2, v0  }
0x2e: {  	v2 =	vsel vm9, $0x14E, v2;
	v1 =	vsel vm7, $0x1CF, v1;
	v0 =	vsel vm2, $0x303, v0  }
0x2f: {  	v2 =	vsel vm8, $0x18F, v2;
	v1 =	vsel vm6, $0x200, v1;
	v0 =	vsel vm3, $0x344, v0  }
0x30: {  	v2 =	vsel vm7, $0x1C0, v2;
	v1 =	vsel vm5, $0x241, v1;
	v0 =	vsel vm4, $0x385, v0  }
0x31: {  	v3 =	vimm.s32 $0xCE8D4C0B;
	[tilespmem:$0x1FBB0] =	vst v0;
	v0 =	vsel vm1, $0x282, v1;
	v1 =	vsel vm6, $0x201, v2  }
0x32: {  	v2 =	vimm.s32 $0xCD8C4B0A;
	v0 =	vsel vm0, $0x2C3, v0;
	v1 =	vsel vm5, $0x242, v1  }
0x33: {  	v2 =	vunpack.c.0.s8.s32 v2;
	v0 =	vsel vm2, $0x304, v0;
	v1 =	vsel vm1, $0x283, v1  }
0x34: {  	v3 =	vunpack.c.0.s8.s32 v3;
	v0 =	vsel vm3, $0x345, v0;
	v1 =	vsel vm0, $0x2C4, v1  }
0x35: {  	v2 =	vand.u32 $0xFF, v2;
	v1 =	vsel vm2, $0x305, v1;
	v0 =	vsel vm4, $0x386, v0  }
0x36: {  	[tilespmem:$0x1FBC0] =	vst v0;
	v0 =	vsel vm3, $0x346, v1;
	v1 =	vnsel vm11, $0x3C9, v2  }
0x37: {  	v2 =	vand.u32 $0xFF, v3;
	v1 =	vsel vm10, $0x10E, v1  }
0x38: {  	v3 =	vimm.s32 $0xCF8E4D0C;
	v0 =	vsel vm4, $0x387, v0;
	v1 =	vsel vm9, $0x14F, v1  }
0x39: {  	v2 =	vnsel vm11, $0x3CA, v2;
	v3 =	vunpack.c.0.s8.s32 v3;
	[tilespmem:$0x1FBD0] =	vst v0;
	v0 =	vsel vm8, $0x180, v1  }
0x3a: {  	v1 =	vsel vm10, $0x10F, v2;
	v0 =	vsel vm7, $0x1C1, v0  }
0x3b: {  	v2 =	vand.u32 $0xFF, v3;
	v1 =	vsel vm9, $0x140, v1;
	v0 =	vsel vm6, $0x202, v0  }
0x3c: {  	v2 =	vnsel vm11, $0x3CB, v2;
	v1 =	vsel vm8, $0x181, v1;
	v0 =	vsel vm5, $0x243, v0  }
0x3d: {  	v2 =	vsel vm10, $0x100, v2;
	v1 =	vsel vm7, $0x1C2, v1;
	v0 =	vsel vm1, $0x284, v0  }
0x3e: {  	v2 =	vsel vm9, $0x141, v2;
	v1 =	vsel vm6, $0x203, v1;
	v0 =	vsel vm0, $0x2C5, v0  }
0x3f: {  	v2 =	vsel vm8, $0x182, v2;
	v1 =	vsel vm5, $0x244, v1;
	v0 =	vsel vm2, $0x306, v0  }
0x40: {  	v2 =	vsel vm7, $0x1C3, v2;
	v1 =	vsel vm1, $0x285, v1;
	v0 =	vsel vm3, $0x347, v0  }
0x41: {  	v2 =	vsel vm6, $0x204, v2;
	v1 =	vsel vm0, $0x2C6, v1;
	v0 =	vsel vm4, $0x388, v0  }
0x42: {  	[tilespmem:$0x1FBE0] =	vst v0;
	v0 =	vsel vm2, $0x307, v1;
	v1 =	vsel vm5, $0x245, v2;
	v2 =	vimm.s32 $0xC08F4E0D  }
0x43: {  	v0 =	vsel vm3, $0x348, v0;
	v1 =	vsel vm1, $0x286, v1;
	v2 =	vunpack.c.0.s8.s32 v2  }
0x44: {  	v3 =	vimm.s32 $0xC1804F0E;
	v1 =	vsel vm0, $0x2C7, v1;
	v0 =	vsel vm4, $0x389, v0  }
0x45: {  	[tilespmem:$0x1FBF0] =	vst v0;
	v0 =	vsel vm2, $0x308, v1;
	v1 =	vunpack.c.0.s8.s32 v3;
	v2 =	vand.u32 $0xFF, v2  }
0x46: {  	v3 =	vimm.s32 $0xC281400F;
	v0 =	vsel vm3, $0x349, v0;
	v2 =	vnsel vm11, $0x3CC, v2  }
0x47: {  	v3 =	vunpack.c.0.s8.s32 v3;
	v1 =	vand.u32 $0xFF, v1;
	v0 =	vsel vm4, $0x38A, v0  }
0x48: {  	vm14 =	vcmask $0x300;
	[tilespmem:$0x1FC00] =	vst v0;
	v0 =	vsel vm10, $0x101, v2;
	v1 =	vnsel vm11, $0x3CD, v1  }
0x49: {  	v2 =	vand.u32 $0xFF, v3;
	v0 =	vsel vm9, $0x142, v0;
	v1 =	vsel vm10, $0x102, v1  }
0x4a: {  	v2 =	vnsel vm11, $0x3CE, v2;
	v0 =	vsel vm8, $0x183, v0;
	v1 =	vsel vm9, $0x143, v1  }
0x4b: {  	v2 =	vsel vm10, $0x103, v2;
	v0 =	vsel vm7, $0x1C4, v0;
	v1 =	vsel vm8, $0x184, v1  }
0x4c: {  	v2 =	vsel vm9, $0x144, v2;
	v0 =	vsel vm6, $0x205, v0;
	v1 =	vsel vm7, $0x1C5, v1  }
0x4d: {  	v2 =	vsel vm8, $0x185, v2;
	v0 =	vsel vm5, $0x246, v0;
	v1 =	vsel vm6, $0x206, v1  }
0x4e: {  	v2 =	vsel vm7, $0x1C6, v2;
	v0 =	vsel vm1, $0x287, v0;
	v1 =	vsel vm5, $0x247, v1  }
0x4f: {  	v2 =	vsel vm6, $0x207, v2;
	v0 =	vsel vm0, $0x2C8, v0;
	v1 =	vsel vm1, $0x288, v1  }
0x50: {  	v2 =	vsel vm5, $0x248, v2;
	v0 =	vsel vm2, $0x309, v0;
	v1 =	vsel vm0, $0x2C9, v1  }
0x51: {  	v2 =	vsel vm1, $0x289, v2;
	v0 =	vsel vm3, $0x34A, v0;
	v1 =	vsel vm2, $0x30A, v1  }
0x52: {  	v7 =	vsel vm4, $0x38B, v0;
	v0 =	vsel vm3, $0x34B, v1;
	v1 =	vsel vm0, $0x2CA, v2  }
0x53: {  	vm13 =	vcmask $0x704;
	v2 =	vimm.s32 $0x7C0;
	v1 =	vsel vm2, $0x30B, v1  }
0x54: {  	vm12 =	vcmask $0xF0C;
	v2 =	vsel vm14, $0x401, v2;
	v1 =	vsel vm3, $0x34C, v1  }
0x55: {  	v60 =	vsel vm4, $0x38C, v0;
	v0 =	vsel vm4, $0x38D, v1;
	v1 =	vimm.s32 $0x7C1  }
0x56: {  	vm11 =	vcmask $0xB08;
	[tilespmem:$0x1FC10] =	vst v0;
	v0 =	vsel vm13, $0x442, v2;
	v1 =	vsel vm14, $0x402, v1  }
0x57: {  	v2 =	vimm.s32 $0x7C2;
	v0 =	vsel vm11, $0x483, v0;
	v1 =	vsel vm13, $0x443, v1  }
0x58: {  	v2 =	vsel vm14, $0x403, v2;
	v0 =	vsel vm12, $0x4C4, v0;
	v1 =	vsel vm11, $0x484, v1  }
0x59: {  	v2 =	vsel vm13, $0x444, v2;
	v0 =	vsel vm10, $0x505, v0;
	v1 =	vsel vm12, $0x4C5, v1  }
0x5a: {  	v2 =	vsel vm11, $0x485, v2;
	v0 =	vsel vm9, $0x546, v0;
	v1 =	vsel vm10, $0x506, v1  }
0x5b: {  	v2 =	vsel vm12, $0x4C6, v2;
	v0 =	vsel vm8, $0x587, v0;
	v1 =	vsel vm9, $0x547, v1  }
0x5c: {  	v2 =	vsel vm10, $0x507, v2;
	v0 =	vsel vm7, $0x5C8, v0;
	v1 =	vsel vm8, $0x588, v1  }
0x5d: {  	v2 =	vsel vm9, $0x548, v2;
	v0 =	vsel vm6, $0x609, v0;
	v1 =	vsel vm7, $0x5C9, v1  }
0x5e: {  	v2 =	vsel vm8, $0x589, v2;
	v0 =	vsel vm5, $0x64A, v0;
	v1 =	vsel vm6, $0x60A, v1  }
0x5f: {  	v2 =	vsel vm7, $0x5CA, v2;
	v0 =	vsel vm1, $0x68B, v0;
	v1 =	vsel vm5, $0x64B, v1  }
0x60: {  	v2 =	vsel vm6, $0x60B, v2;
	v0 =	vsel vm0, $0x6CC, v0;
	v1 =	vsel vm1, $0x68C, v1  }
0x61: {  	v2 =	vsel vm5, $0x64C, v2;
	v0 =	vsel vm2, $0x70D, v0;
	v1 =	vsel vm0, $0x6CD, v1  }
0x62: {  	v2 =	vsel vm1, $0x68D, v2;
	v0 =	vsel vm3, $0x74E, v0;
	v1 =	vsel vm2, $0x70E, v1  }
0x63: {  	v2 =	vsel vm0, $0x6CE, v2;
	v9 =	vsel vm4, $0x78F, v0;
	v0 =	vsel vm3, $0x74F, v1  }
0x64: {  	v2 =	vsel vm2, $0x70F, v2;
	v4 =	vsel vm4, $0x780, v0;
	v0 =	vimm.s32 $0x7C3  }
0x65: {  	v1 =	vsel vm3, $0x740, v2;
	v0 =	vsel vm14, $0x404, v0  }
0x66: {  	v5 =	vsel vm4, $0x781, v1;
	v1 =	vimm.s32 $0x7C4;
	v0 =	vsel vm13, $0x445, v0  }
0x67: {  	v2 =	vimm.s32 $0x7C5;
	v1 =	vsel vm14, $0x405, v1;
	v0 =	vsel vm11, $0x486, v0  }
0x68: {  	v2 =	vsel vm14, $0x406, v2;
	v1 =	vsel vm13, $0x446, v1;
	v0 =	vsel vm12, $0x4C7, v0  }
0x69: {  	v2 =	vsel vm13, $0x447, v2;
	v1 =	vsel vm11, $0x487, v1;
	v0 =	vsel vm10, $0x508, v0  }
0x6a: {  	v2 =	vsel vm11, $0x488, v2;
	v1 =	vsel vm12, $0x4C8, v1;
	v0 =	vsel vm9, $0x549, v0  }
0x6b: {  	v2 =	vsel vm12, $0x4C9, v2;
	v1 =	vsel vm10, $0x509, v1;
	v0 =	vsel vm8, $0x58A, v0  }
0x6c: {  	v2 =	vsel vm10, $0x50A, v2;
	v1 =	vsel vm9, $0x54A, v1;
	v0 =	vsel vm7, $0x5CB, v0  }
0x6d: {  	v2 =	vsel vm9, $0x54B, v2;
	v1 =	vsel vm8, $0x58B, v1;
	v0 =	vsel vm6, $0x60C, v0  }
0x6e: {  	v2 =	vsel vm8, $0x58C, v2;
	v1 =	vsel vm7, $0x5CC, v1;
	v0 =	vsel vm5, $0x64D, v0  }
0x6f: {  	v2 =	vsel vm7, $0x5CD, v2;
	v1 =	vsel vm6, $0x60D, v1;
	v0 =	vsel vm1, $0x68E, v0  }
0x70: {  	v2 =	vsel vm6, $0x60E, v2;
	v1 =	vsel vm5, $0x64E, v1;
	v0 =	vsel vm0, $0x6CF, v0  }
0x71: {  	v2 =	vsel vm5, $0x64F, v2;
	v1 =	vsel vm1, $0x68F, v1;
	v0 =	vsel vm2, $0x700, v0  }
0x72: {  	v2 =	vsel vm1, $0x680, v2;
	v1 =	vsel vm0, $0x6C0, v1;
	v0 =	vsel vm3, $0x741, v0  }
0x73: {  	v2 =	vsel vm0, $0x6C1, v2;
	v1 =	vsel vm2, $0x701, v1;
	v0 =	vsel vm4, $0x782, v0  }
0x74: {  	v2 =	vsel vm2, $0x702, v2;
	[tilespmem:$0x1FC20] =	vst v0;
	v0 =	vsel vm3, $0x742, v1  }
0x75: {  	v1 =	vsel vm3, $0x743, v2;
	v0 =	vsel vm4, $0x783, v0  }
0x76: {  	[tilespmem:$0x1FC30] =	vst v0;
	v0 =	vsel vm4, $0x784, v1  }
0x77: {  	[tilespmem:$0x1FC40] =	vst v0;
	v0 =	vimm.s32 $0x7C6  }
0x78: {  	v0 =	vsel vm14, $0x407, v0  }
0x79: {  	v1 =	vimm.s32 $0x7C7;
	v0 =	vsel vm13, $0x448, v0  }
0x7a: {  	v2 =	vimm.s32 $0x7C8;
	v1 =	vsel vm14, $0x408, v1;
	v0 =	vsel vm11, $0x489, v0  }
0x7b: {  	v2 =	vsel vm14, $0x409, v2;
	v1 =	vsel vm13, $0x449, v1;
	v0 =	vsel vm12, $0x4CA, v0  }
0x7c: {  	v2 =	vsel vm13, $0x44A, v2;
	v1 =	vsel vm11, $0x48A, v1;
	v0 =	vsel vm10, $0x50B, v0  }
0x7d: {  	v2 =	vsel vm11, $0x48B, v2;
	v1 =	vsel vm12, $0x4CB, v1;
	v0 =	vsel vm9, $0x54C, v0  }
0x7e: {  	v2 =	vsel vm12, $0x4CC, v2;
	v1 =	vsel vm10, $0x50C, v1;
	v0 =	vsel vm8, $0x58D, v0  }
0x7f: {  	v2 =	vsel vm10, $0x50D, v2;
	v1 =	vsel vm9, $0x54D, v1;
	v0 =	vsel vm7, $0x5CE, v0  }
0x80: {  	v2 =	vsel vm9, $0x54E, v2;
	v1 =	vsel vm8, $0x58E, v1;
	v0 =	vsel vm6, $0x60F, v0  }
0x81: {  	v2 =	vsel vm8, $0x58F, v2;
	v1 =	vsel vm7, $0x5CF, v1;
	v0 =	vsel vm5, $0x640, v0  }
0x82: {  	v2 =	vsel vm7, $0x5C0, v2;
	v1 =	vsel vm6, $0x600, v1;
	v0 =	vsel vm1, $0x681, v0  }
0x83: {  	v2 =	vsel vm6, $0x601, v2;
	v1 =	vsel vm5, $0x641, v1;
	v0 =	vsel vm0, $0x6C2, v0  }
0x84: {  	v2 =	vsel vm5, $0x642, v2;
	v1 =	vsel vm1, $0x682, v1;
	v0 =	vsel vm2, $0x703, v0  }
0x85: {  	v2 =	vsel vm1, $0x683, v2;
	v1 =	vsel vm0, $0x6C3, v1;
	v0 =	vsel vm3, $0x744, v0  }
0x86: {  	v2 =	vsel vm0, $0x6C4, v2;
	v1 =	vsel vm2, $0x704, v1;
	v0 =	vsel vm4, $0x785, v0  }
0x87: {  	v2 =	vsel vm2, $0x705, v2;
	[tilespmem:$0x1FC50] =	vst v0;
	v0 =	vsel vm3, $0x745, v1  }
0x88: {  	v1 =	vsel vm3, $0x746, v2;
	v0 =	vsel vm4, $0x786, v0  }
0x89: {  	[tilespmem:$0x1FC60] =	vst v0;
	v0 =	vsel vm4, $0x787, v1  }
0x8a: {  	[tilespmem:$0x1FC70] =	vst v0;
	v0 =	vimm.s32 $0x7C9  }
0x8b: {  	v0 =	vsel vm14, $0x40A, v0  }
0x8c: {  	v1 =	vimm.s32 $0x7CA;
	v0 =	vsel vm13, $0x44B, v0  }
0x8d: {  	v2 =	vimm.s32 $0x7CB;
	v1 =	vsel vm14, $0x40B, v1;
	v0 =	vsel vm11, $0x48C, v0  }
0x8e: {  	v2 =	vsel vm14, $0x40C, v2;
	v1 =	vsel vm13, $0x44C, v1;
	v0 =	vsel vm12, $0x4CD, v0  }
0x8f: {  	v2 =	vsel vm13, $0x44D, v2;
	v1 =	vsel vm11, $0x48D, v1;
	v0 =	vsel vm10, $0x50E, v0  }
0x90: {  	v2 =	vsel vm11, $0x48E, v2;
	v1 =	vsel vm12, $0x4CE, v1;
	v0 =	vsel vm9, $0x54F, v0  }
0x91: {  	v2 =	vsel vm12, $0x4CF, v2;
	v1 =	vsel vm10, $0x50F, v1;
	v0 =	vsel vm8, $0x580, v0  }
0x92: {  	v2 =	vsel vm10, $0x500, v2;
	v1 =	vsel vm9, $0x540, v1;
	v0 =	vsel vm7, $0x5C1, v0  }
0x93: {  	v2 =	vsel vm9, $0x541, v2;
	v1 =	vsel vm8, $0x581, v1;
	v0 =	vsel vm6, $0x602, v0  }
0x94: {  	v2 =	vsel vm8, $0x582, v2;
	v1 =	vsel vm7, $0x5C2, v1;
	v0 =	vsel vm5, $0x643, v0  }
0x95: {  	v2 =	vsel vm7, $0x5C3, v2;
	v1 =	vsel vm6, $0x603, v1;
	v0 =	vsel vm1, $0x684, v0  }
0x96: {  	v2 =	vsel vm6, $0x604, v2;
	v1 =	vsel vm5, $0x644, v1;
	v0 =	vsel vm0, $0x6C5, v0  }
0x97: {  	v2 =	vsel vm5, $0x645, v2;
	v1 =	vsel vm1, $0x685, v1;
	v0 =	vsel vm2, $0x706, v0  }
0x98: {  	v2 =	vsel vm1, $0x686, v2;
	v1 =	vsel vm0, $0x6C6, v1;
	v0 =	vsel vm3, $0x747, v0  }
0x99: {  	v2 =	vsel vm0, $0x6C7, v2;
	v1 =	vsel vm2, $0x707, v1;
	v0 =	vsel vm4, $0x788, v0  }
0x9a: {  	v2 =	vsel vm2, $0x708, v2;
	[tilespmem:$0x1FC80] =	vst v0;
	v0 =	vsel vm3, $0x748, v1  }
0x9b: {  	v1 =	vsel vm3, $0x749, v2;
	v0 =	vsel vm4, $0x789, v0  }
0x9c: {  	[tilespmem:$0x1FC90] =	vst v0;
	v0 =	vsel vm4, $0x78A, v1  }
0x9d: {  	[tilespmem:$0x1FCA0] =	vst v0;
	v0 =	vimm.s32 $0x7CC  }
0x9e: {  	v0 =	vsel vm14, $0x40D, v0  }
0x9f: {  	v1 =	vimm.s32 $0x7CD;
	v0 =	vsel vm13, $0x44E, v0  }
0xa0: {  	v2 =	vimm.s32 $0x7CE;
	v1 =	vsel vm14, $0x40E, v1;
	v0 =	vsel vm11, $0x48F, v0  }
0xa1: {  	v2 =	vsel vm14, $0x40F, v2;
	v1 =	vsel vm13, $0x44F, v1;
	v0 =	vsel vm12, $0x4C0, v0  }
0xa2: {  	v2 =	vsel vm13, $0x440, v2;
	v1 =	vsel vm11, $0x480, v1;
	v0 =	vsel vm10, $0x501, v0  }
0xa3: {  	v2 =	vsel vm11, $0x481, v2;
	v1 =	vsel vm12, $0x4C1, v1;
	v0 =	vsel vm9, $0x542, v0  }
0xa4: {  	v2 =	vsel vm12, $0x4C2, v2;
	v1 =	vsel vm10, $0x502, v1;
	v0 =	vsel vm8, $0x583, v0  }
0xa5: {  	v2 =	vsel vm10, $0x503, v2;
	v1 =	vsel vm9, $0x543, v1;
	v0 =	vsel vm7, $0x5C4, v0  }
0xa6: {  	v2 =	vsel vm9, $0x544, v2;
	v1 =	vsel vm8, $0x584, v1;
	v0 =	vsel vm6, $0x605, v0  }
0xa7: {  	v2 =	vsel vm8, $0x585, v2;
	v1 =	vsel vm7, $0x5C5, v1;
	v0 =	vsel vm5, $0x646, v0  }
0xa8: {  	v2 =	vsel vm7, $0x5C6, v2;
	v1 =	vsel vm6, $0x606, v1;
	v0 =	vsel vm1, $0x687, v0  }
0xa9: {  	v2 =	vsel vm6, $0x607, v2;
	v1 =	vsel vm5, $0x647, v1;
	v0 =	vsel vm0, $0x6C8, v0  }
0xaa: {  	v2 =	vsel vm5, $0x648, v2;
	v1 =	vsel vm1, $0x688, v1;
	v0 =	vsel vm2, $0x709, v0  }
0xab: {  	v2 =	vsel vm1, $0x689, v2;
	v1 =	vsel vm0, $0x6C9, v1;
	v0 =	vsel vm3, $0x74A, v0  }
0xac: {  	v2 =	vsel vm0, $0x6CA, v2;
	v1 =	vsel vm2, $0x70A, v1;
	v0 =	vsel vm4, $0x78B, v0  }
0xad: {  	v2 =	vsel vm2, $0x70B, v2;
	[tilespmem:$0x1FCB0] =	vst v0;
	v0 =	vsel vm3, $0x74B, v1  }
0xae: {  	v1 =	vsel vm3, $0x74C, v2;
	v0 =	vsel vm4, $0x78C, v0  }
0xaf: {  	[tilespmem:$0x1FCC0] =	vst v0;
	v0 =	vsel vm4, $0x78D, v1  }
0xb0: {  	[tilespmem:$0x1FCD0] =	vst v0;
	v0 =	vimm.s32 $0xBC0  }
0xb1: {  	v1 =	vimm.s32 $0xBC1;
	v0 =	vsel vm14, $0x801, v0  }
0xb2: {  	v2 =	vimm.s32 $0xBC2;
	v1 =	vsel vm14, $0x802, v1;
	v0 =	vsel vm13, $0x842, v0  }
0xb3: {  	v2 =	vsel vm14, $0x803, v2;
	v1 =	vsel vm13, $0x843, v1;
	v0 =	vsel vm11, $0x883, v0  }
0xb4: {  	v2 =	vsel vm13, $0x844, v2;
	v1 =	vsel vm11, $0x884, v1;
	v0 =	vsel vm12, $0x8C4, v0  }
0xb5: {  	v2 =	vsel vm11, $0x885, v2;
	v1 =	vsel vm12, $0x8C5, v1;
	v0 =	vsel vm10, $0x905, v0  }
0xb6: {  	v2 =	vsel vm12, $0x8C6, v2;
	v1 =	vsel vm10, $0x906, v1;
	v0 =	vsel vm9, $0x946, v0  }
0xb7: {  	v2 =	vsel vm10, $0x907, v2;
	v1 =	vsel vm9, $0x947, v1;
	v0 =	vsel vm8, $0x987, v0  }
0xb8: {  	v2 =	vsel vm9, $0x948, v2;
	v1 =	vsel vm8, $0x988, v1;
	v0 =	vsel vm7, $0x9C8, v0  }
0xb9: {  	v2 =	vsel vm8, $0x989, v2;
	v1 =	vsel vm7, $0x9C9, v1;
	v0 =	vsel vm6, $0xA09, v0  }
0xba: {  	v2 =	vsel vm7, $0x9CA, v2;
	v1 =	vsel vm6, $0xA0A, v1;
	v0 =	vsel vm5, $0xA4A, v0  }
0xbb: {  	v2 =	vsel vm6, $0xA0B, v2;
	v1 =	vsel vm5, $0xA4B, v1;
	v0 =	vsel vm1, $0xA8B, v0  }
0xbc: {  	v2 =	vsel vm5, $0xA4C, v2;
	v1 =	vsel vm1, $0xA8C, v1;
	v0 =	vsel vm0, $0xACC, v0  }
0xbd: {  	v2 =	vsel vm1, $0xA8D, v2;
	v1 =	vsel vm0, $0xACD, v1;
	v0 =	vsel vm2, $0xB0D, v0  }
0xbe: {  	v2 =	vsel vm0, $0xACE, v2;
	v1 =	vsel vm2, $0xB0E, v1;
	v0 =	vsel vm3, $0xB4E, v0  }
0xbf: {  	v2 =	vsel vm2, $0xB0F, v2;
	v13 =	vsel vm4, $0xB8F, v0;
	v0 =	vsel vm3, $0xB4F, v1  }
0xc0: {  	v1 =	vsel vm3, $0xB40, v2;
	v14 =	vsel vm4, $0xB80, v0;
	v0 =	vimm.s32 $0xBC3  }
0xc1: {  	v15 =	vsel vm4, $0xB81, v1;
	v1 =	vimm.s32 $0xBC4;
	v0 =	vsel vm14, $0x804, v0  }
0xc2: {  	v2 =	vimm.s32 $0xBC5;
	v1 =	vsel vm14, $0x805, v1;
	v0 =	vsel vm13, $0x845, v0  }
0xc3: {  	v2 =	vsel vm14, $0x806, v2;
	v1 =	vsel vm13, $0x846, v1;
	v0 =	vsel vm11, $0x886, v0  }
0xc4: {  	v2 =	vsel vm13, $0x847, v2;
	v1 =	vsel vm11, $0x887, v1;
	v0 =	vsel vm12, $0x8C7, v0  }
0xc5: {  	v2 =	vsel vm11, $0x888, v2;
	v1 =	vsel vm12, $0x8C8, v1;
	v0 =	vsel vm10, $0x908, v0  }
0xc6: {  	v2 =	vsel vm12, $0x8C9, v2;
	v1 =	vsel vm10, $0x909, v1;
	v0 =	vsel vm9, $0x949, v0  }
0xc7: {  	v2 =	vsel vm10, $0x90A, v2;
	v1 =	vsel vm9, $0x94A, v1;
	v0 =	vsel vm8, $0x98A, v0  }
0xc8: {  	v2 =	vsel vm9, $0x94B, v2;
	v1 =	vsel vm8, $0x98B, v1;
	v0 =	vsel vm7, $0x9CB, v0  }
0xc9: {  	v2 =	vsel vm8, $0x98C, v2;
	v1 =	vsel vm7, $0x9CC, v1;
	v0 =	vsel vm6, $0xA0C, v0  }
0xca: {  	v2 =	vsel vm7, $0x9CD, v2;
	v1 =	vsel vm6, $0xA0D, v1;
	v0 =	vsel vm5, $0xA4D, v0  }
0xcb: {  	v2 =	vsel vm6, $0xA0E, v2;
	v1 =	vsel vm5, $0xA4E, v1;
	v0 =	vsel vm1, $0xA8E, v0  }
0xcc: {  	v2 =	vsel vm5, $0xA4F, v2;
	v1 =	vsel vm1, $0xA8F, v1;
	v0 =	vsel vm0, $0xACF, v0  }
0xcd: {  	v2 =	vsel vm1, $0xA80, v2;
	v1 =	vsel vm0, $0xAC0, v1;
	v0 =	vsel vm2, $0xB00, v0  }
0xce: {  	v2 =	vsel vm0, $0xAC1, v2;
	v1 =	vsel vm2, $0xB01, v1;
	v0 =	vsel vm3, $0xB41, v0  }
0xcf: {  	v2 =	vsel vm2, $0xB02, v2;
	v17 =	vsel vm4, $0xB82, v0;
	v0 =	vsel vm3, $0xB42, v1  }
0xd0: {  	v1 =	vsel vm3, $0xB43, v2;
	v16 =	vsel vm4, $0xB83, v0;
	v0 =	vimm.s32 $0xBC6  }
0xd1: {  	v56 =	vsel vm4, $0xB84, v1;
	v1 =	vimm.s32 $0xBC7;
	v0 =	vsel vm14, $0x807, v0  }
0xd2: {  	v2 =	vimm.s32 $0xBC8;
	v1 =	vsel vm14, $0x808, v1;
	v0 =	vsel vm13, $0x848, v0  }
0xd3: {  	v2 =	vsel vm14, $0x809, v2;
	v1 =	vsel vm13, $0x849, v1;
	v0 =	vsel vm11, $0x889, v0  }
0xd4: {  	v2 =	vsel vm13, $0x84A, v2;
	v1 =	vsel vm11, $0x88A, v1;
	v0 =	vsel vm12, $0x8CA, v0  }
0xd5: {  	v2 =	vsel vm11, $0x88B, v2;
	v1 =	vsel vm12, $0x8CB, v1;
	v0 =	vsel vm10, $0x90B, v0  }
0xd6: {  	v2 =	vsel vm12, $0x8CC, v2;
	v1 =	vsel vm10, $0x90C, v1;
	v0 =	vsel vm9, $0x94C, v0  }
0xd7: {  	v2 =	vsel vm10, $0x90D, v2;
	v1 =	vsel vm9, $0x94D, v1;
	v0 =	vsel vm8, $0x98D, v0  }
0xd8: {  	v2 =	vsel vm9, $0x94E, v2;
	v1 =	vsel vm8, $0x98E, v1;
	v0 =	vsel vm7, $0x9CE, v0  }
0xd9: {  	v2 =	vsel vm8, $0x98F, v2;
	v1 =	vsel vm7, $0x9CF, v1;
	v0 =	vsel vm6, $0xA0F, v0  }
0xda: {  	v2 =	vsel vm7, $0x9C0, v2;
	v1 =	vsel vm6, $0xA00, v1;
	v0 =	vsel vm5, $0xA40, v0  }
0xdb: {  	v2 =	vsel vm6, $0xA01, v2;
	v1 =	vsel vm5, $0xA41, v1;
	v0 =	vsel vm1, $0xA81, v0  }
0xdc: {  	v2 =	vsel vm5, $0xA42, v2;
	v1 =	vsel vm1, $0xA82, v1;
	v0 =	vsel vm0, $0xAC2, v0  }
0xdd: {  	v2 =	vsel vm1, $0xA83, v2;
	v1 =	vsel vm0, $0xAC3, v1;
	v0 =	vsel vm2, $0xB03, v0  }
0xde: {  	v2 =	vsel vm0, $0xAC4, v2;
	v1 =	vsel vm2, $0xB04, v1;
	v0 =	vsel vm3, $0xB44, v0  }
0xdf: {  	v2 =	vsel vm2, $0xB05, v2;
	v57 =	vsel vm4, $0xB85, v0;
	v0 =	vsel vm3, $0xB45, v1  }
0xe0: {  	v1 =	vsel vm3, $0xB46, v2;
	v58 =	vsel vm4, $0xB86, v0;
	v0 =	vimm.s32 $0xBC9  }
0xe1: {  	v59 =	vsel vm4, $0xB87, v1;
	v1 =	vimm.s32 $0xBCA;
	v0 =	vsel vm14, $0x80A, v0  }
0xe2: {  	v2 =	vimm.s32 $0xBCB;
	v1 =	vsel vm14, $0x80B, v1;
	v0 =	vsel vm13, $0x84B, v0  }
0xe3: {  	v2 =	vsel vm14, $0x80C, v2;
	v1 =	vsel vm13, $0x84C, v1;
	v0 =	vsel vm11, $0x88C, v0  }
0xe4: {  	v2 =	vsel vm13, $0x84D, v2;
	v1 =	vsel vm11, $0x88D, v1;
	v0 =	vsel vm12, $0x8CD, v0  }
0xe5: {  	v2 =	vsel vm11, $0x88E, v2;
	v1 =	vsel vm12, $0x8CE, v1;
	v0 =	vsel vm10, $0x90E, v0  }
0xe6: {  	v2 =	vsel vm12, $0x8CF, v2;
	v1 =	vsel vm10, $0x90F, v1;
	v0 =	vsel vm9, $0x94F, v0  }
0xe7: {  	v2 =	vsel vm10, $0x900, v2;
	v1 =	vsel vm9, $0x940, v1;
	v0 =	vsel vm8, $0x980, v0  }
0xe8: {  	v2 =	vsel vm9, $0x941, v2;
	v1 =	vsel vm8, $0x981, v1;
	v0 =	vsel vm7, $0x9C1, v0  }
0xe9: {  	v2 =	vsel vm8, $0x982, v2;
	v1 =	vsel vm7, $0x9C2, v1;
	v0 =	vsel vm6, $0xA02, v0  }
0xea: {  	v2 =	vsel vm7, $0x9C3, v2;
	v1 =	vsel vm6, $0xA03, v1;
	v0 =	vsel vm5, $0xA43, v0  }
0xeb: {  	v2 =	vsel vm6, $0xA04, v2;
	v1 =	vsel vm5, $0xA44, v1;
	v0 =	vsel vm1, $0xA84, v0  }
0xec: {  	v2 =	vsel vm5, $0xA45, v2;
	v1 =	vsel vm1, $0xA85, v1;
	v0 =	vsel vm0, $0xAC5, v0  }
0xed: {  	v2 =	vsel vm1, $0xA86, v2;
	v1 =	vsel vm0, $0xAC6, v1;
	v0 =	vsel vm2, $0xB06, v0  }
0xee: {  	v2 =	vsel vm0, $0xAC7, v2;
	v1 =	vsel vm2, $0xB07, v1;
	v0 =	vsel vm3, $0xB47, v0  }
0xef: {  	v2 =	vsel vm2, $0xB08, v2;
	v61 =	vsel vm4, $0xB88, v0;
	v0 =	vsel vm3, $0xB48, v1  }
0xf0: {  	v1 =	vsel vm3, $0xB49, v2;
	v0 =	vsel vm4, $0xB89, v0  }
0xf1: {  	[tilespmem:$0x1FCE0] =	vst v0;
	v0 =	vsel vm4, $0xB8A, v1  }
0xf2: {  	[tilespmem:$0x1FCF0] =	vst v0;
	v0 =	vimm.s32 $0xBCC  }
0xf3: {  	v0 =	vsel vm14, $0x80D, v0  }
0xf4: {  	v1 =	vimm.s32 $0xBCD;
	v0 =	vsel vm13, $0x84E, v0  }
0xf5: {  	v2 =	vimm.s32 $0xBCE;
	v1 =	vsel vm14, $0x80E, v1;
	v0 =	vsel vm11, $0x88F, v0  }
0xf6: {  	v2 =	vsel vm14, $0x80F, v2;
	v1 =	vsel vm13, $0x84F, v1;
	v0 =	vsel vm12, $0x8C0, v0  }
0xf7: {  	v2 =	vsel vm13, $0x840, v2;
	v1 =	vsel vm11, $0x880, v1;
	v0 =	vsel vm10, $0x901, v0  }
0xf8: {  	v2 =	vsel vm11, $0x881, v2;
	v1 =	vsel vm12, $0x8C1, v1;
	v0 =	vsel vm9, $0x942, v0  }
0xf9: {  	v2 =	vsel vm12, $0x8C2, v2;
	v1 =	vsel vm10, $0x902, v1;
	v0 =	vsel vm8, $0x983, v0  }
0xfa: {  	v2 =	vsel vm10, $0x903, v2;
	v1 =	vsel vm9, $0x943, v1;
	v0 =	vsel vm7, $0x9C4, v0  }
0xfb: {  	v2 =	vsel vm9, $0x944, v2;
	v1 =	vsel vm8, $0x984, v1;
	v0 =	vsel vm6, $0xA05, v0  }
0xfc: {  	v2 =	vsel vm8, $0x985, v2;
	v1 =	vsel vm7, $0x9C5, v1;
	v0 =	vsel vm5, $0xA46, v0  }
0xfd: {  	v2 =	vsel vm7, $0x9C6, v2;
	v1 =	vsel vm6, $0xA06, v1;
	v0 =	vsel vm1, $0xA87, v0  }
0xfe: {  	v2 =	vsel vm6, $0xA07, v2;
	v1 =	vsel vm5, $0xA47, v1;
	v0 =	vsel vm0, $0xAC8, v0  }
0xff: {  	v2 =	vsel vm5, $0xA48, v2;
	v1 =	vsel vm1, $0xA88, v1;
	v0 =	vsel vm2, $0xB09, v0  }
0x100: {  	v2 =	vsel vm1, $0xA89, v2;
	v1 =	vsel vm0, $0xAC9, v1;
	v0 =	vsel vm3, $0xB4A, v0  }
0x101: {  	v2 =	vsel vm0, $0xACA, v2;
	v1 =	vsel vm2, $0xB0A, v1;
	v0 =	vsel vm4, $0xB8B, v0  }
0x102: {  	v2 =	vsel vm2, $0xB0B, v2;
	[tilespmem:$0x1FD00] =	vst v0;
	v0 =	vsel vm3, $0xB4B, v1  }
0x103: {  	v1 =	vsel vm3, $0xB4C, v2;
	v0 =	vsel vm4, $0xB8C, v0  }
0x104: {  	[tilespmem:$0x1FD10] =	vst v0;
	v0 =	vsel vm4, $0xB8D, v1  }
0x105: {  	[tilespmem:$0x1FD20] =	vst v0;
	v0 =	vimm.s32 $0xFC0  }
0x106: {  	v0 =	vsel vm14, $0xC01, v0  }
0x107: {  	v1 =	vimm.s32 $0xFC1;
	v0 =	vsel vm13, $0xC42, v0  }
0x108: {  	v2 =	vimm.s32 $0xFC2;
	v1 =	vsel vm14, $0xC02, v1;
	v0 =	vsel vm11, $0xC83, v0  }
0x109: {  	v2 =	vsel vm14, $0xC03, v2;
	v1 =	vsel vm13, $0xC43, v1;
	v0 =	vsel vm12, $0xCC4, v0  }
0x10a: {  	v2 =	vsel vm13, $0xC44, v2;
	v1 =	vsel vm11, $0xC84, v1;
	v0 =	vsel vm10, $0xD05, v0  }
0x10b: {  	v2 =	vsel vm11, $0xC85, v2;
	v1 =	vsel vm12, $0xCC5, v1;
	v0 =	vsel vm9, $0xD46, v0  }
0x10c: {  	v2 =	vsel vm12, $0xCC6, v2;
	v1 =	vsel vm10, $0xD06, v1;
	v0 =	vsel vm8, $0xD87, v0  }
0x10d: {  	v2 =	vsel vm10, $0xD07, v2;
	v1 =	vsel vm9, $0xD47, v1;
	v0 =	vsel vm7, $0xDC8, v0  }
0x10e: {  	v2 =	vsel vm9, $0xD48, v2;
	v1 =	vsel vm8, $0xD88, v1;
	v0 =	vsel vm6, $0xE09, v0  }
0x10f: {  	v2 =	vsel vm8, $0xD89, v2;
	v1 =	vsel vm7, $0xDC9, v1;
	v0 =	vsel vm5, $0xE4A, v0  }
0x110: {  	v2 =	vsel vm7, $0xDCA, v2;
	v1 =	vsel vm6, $0xE0A, v1;
	v0 =	vsel vm1, $0xE8B, v0  }
0x111: {  	v2 =	vsel vm6, $0xE0B, v2;
	v1 =	vsel vm5, $0xE4B, v1;
	v0 =	vsel vm0, $0xECC, v0  }
0x112: {  	v2 =	vsel vm5, $0xE4C, v2;
	v1 =	vsel vm1, $0xE8C, v1;
	v0 =	vsel vm2, $0xF0D, v0  }
0x113: {  	v2 =	vsel vm1, $0xE8D, v2;
	v1 =	vsel vm0, $0xECD, v1;
	v0 =	vsel vm3, $0xF4E, v0  }
0x114: {  	v2 =	vsel vm0, $0xECE, v2;
	v1 =	vsel vm2, $0xF0E, v1;
	v0 =	vsel vm4, $0xF8F, v0  }
0x115: {  	v2 =	vsel vm2, $0xF0F, v2;
	[tilespmem:$0x1FD30] =	vst v0;
	v0 =	vsel vm3, $0xF4F, v1  }
0x116: {  	v1 =	vsel vm3, $0xF40, v2;
	v0 =	vsel vm4, $0xF80, v0  }
0x117: {  	[tilespmem:$0x1FD40] =	vst v0;
	v0 =	vsel vm4, $0xF81, v1  }
0x118: {  	[tilespmem:$0x1FD50] =	vst v0;
	v0 =	vimm.s32 $0xFC3  }
0x119: {  	v0 =	vsel vm14, $0xC04, v0  }
0x11a: {  	v1 =	vimm.s32 $0xFC4;
	v0 =	vsel vm13, $0xC45, v0  }
0x11b: {  	v2 =	vimm.s32 $0xFC5;
	v1 =	vsel vm14, $0xC05, v1;
	v0 =	vsel vm11, $0xC86, v0  }
0x11c: {  	v2 =	vsel vm14, $0xC06, v2;
	v1 =	vsel vm13, $0xC46, v1;
	v0 =	vsel vm12, $0xCC7, v0  }
0x11d: {  	v2 =	vsel vm13, $0xC47, v2;
	v1 =	vsel vm11, $0xC87, v1;
	v0 =	vsel vm10, $0xD08, v0  }
0x11e: {  	v2 =	vsel vm11, $0xC88, v2;
	v1 =	vsel vm12, $0xCC8, v1;
	v0 =	vsel vm9, $0xD49, v0  }
0x11f: {  	v2 =	vsel vm12, $0xCC9, v2;
	v1 =	vsel vm10, $0xD09, v1;
	v0 =	vsel vm8, $0xD8A, v0  }
0x120: {  	v2 =	vsel vm10, $0xD0A, v2;
	v1 =	vsel vm9, $0xD4A, v1;
	v0 =	vsel vm7, $0xDCB, v0  }
0x121: {  	v2 =	vsel vm9, $0xD4B, v2;
	v1 =	vsel vm8, $0xD8B, v1;
	v0 =	vsel vm6, $0xE0C, v0  }
0x122: {  	v2 =	vsel vm8, $0xD8C, v2;
	v1 =	vsel vm7, $0xDCC, v1;
	v0 =	vsel vm5, $0xE4D, v0  }
0x123: {  	v2 =	vsel vm7, $0xDCD, v2;
	v1 =	vsel vm6, $0xE0D, v1;
	v0 =	vsel vm1, $0xE8E, v0  }
0x124: {  	v2 =	vsel vm6, $0xE0E, v2;
	v1 =	vsel vm5, $0xE4E, v1;
	v0 =	vsel vm0, $0xECF, v0  }
0x125: {  	v2 =	vsel vm5, $0xE4F, v2;
	v1 =	vsel vm1, $0xE8F, v1;
	v0 =	vsel vm2, $0xF00, v0  }
0x126: {  	v2 =	vsel vm1, $0xE80, v2;
	v1 =	vsel vm0, $0xEC0, v1;
	v0 =	vsel vm3, $0xF41, v0  }
0x127: {  	v2 =	vsel vm0, $0xEC1, v2;
	v1 =	vsel vm2, $0xF01, v1;
	v0 =	vsel vm4, $0xF82, v0  }
0x128: {  	v2 =	vsel vm2, $0xF02, v2;
	[tilespmem:$0x1FD60] =	vst v0;
	v0 =	vsel vm3, $0xF42, v1  }
0x129: {  	v1 =	vsel vm3, $0xF43, v2;
	v0 =	vsel vm4, $0xF83, v0  }
0x12a: {  	[tilespmem:$0x1FD70] =	vst v0;
	v0 =	vsel vm4, $0xF84, v1  }
0x12b: {  	[tilespmem:$0x1FD80] =	vst v0;
	v0 =	vimm.s32 $0xFC6  }
0x12c: {  	v0 =	vsel vm14, $0xC07, v0  }
0x12d: {  	v1 =	vimm.s32 $0xFC7;
	v0 =	vsel vm13, $0xC48, v0  }
0x12e: {  	v2 =	vimm.s32 $0xFC8;
	v1 =	vsel vm14, $0xC08, v1;
	v0 =	vsel vm11, $0xC89, v0  }
0x12f: {  	v2 =	vsel vm14, $0xC09, v2;
	v1 =	vsel vm13, $0xC49, v1;
	v0 =	vsel vm12, $0xCCA, v0  }
0x130: {  	v2 =	vsel vm13, $0xC4A, v2;
	v1 =	vsel vm11, $0xC8A, v1;
	v0 =	vsel vm10, $0xD0B, v0  }
0x131: {  	v2 =	vsel vm11, $0xC8B, v2;
	v1 =	vsel vm12, $0xCCB, v1;
	v0 =	vsel vm9, $0xD4C, v0  }
0x132: {  	v2 =	vsel vm12, $0xCCC, v2;
	v1 =	vsel vm10, $0xD0C, v1;
	v0 =	vsel vm8, $0xD8D, v0  }
0x133: {  	v2 =	vsel vm10, $0xD0D, v2;
	v1 =	vsel vm9, $0xD4D, v1;
	v0 =	vsel vm7, $0xDCE, v0  }
0x134: {  	v2 =	vsel vm9, $0xD4E, v2;
	v1 =	vsel vm8, $0xD8E, v1;
	v0 =	vsel vm6, $0xE0F, v0  }
0x135: {  	v2 =	vsel vm8, $0xD8F, v2;
	v1 =	vsel vm7, $0xDCF, v1;
	v0 =	vsel vm5, $0xE40, v0  }
0x136: {  	v2 =	vsel vm7, $0xDC0, v2;
	v1 =	vsel vm6, $0xE00, v1;
	v0 =	vsel vm1, $0xE81, v0  }
0x137: {  	v2 =	vsel vm6, $0xE01, v2;
	v1 =	vsel vm5, $0xE41, v1;
	v0 =	vsel vm0, $0xEC2, v0  }
0x138: {  	v2 =	vsel vm5, $0xE42, v2;
	v1 =	vsel vm1, $0xE82, v1;
	v0 =	vsel vm2, $0xF03, v0  }
0x139: {  	v2 =	vsel vm1, $0xE83, v2;
	v1 =	vsel vm0, $0xEC3, v1;
	v0 =	vsel vm3, $0xF44, v0  }
0x13a: {  	v2 =	vsel vm0, $0xEC4, v2;
	v1 =	vsel vm2, $0xF04, v1;
	v0 =	vsel vm4, $0xF85, v0  }
0x13b: {  	v2 =	vsel vm2, $0xF05, v2;
	[tilespmem:$0x1FD90] =	vst v0;
	v0 =	vsel vm3, $0xF45, v1  }
0x13c: {  	v6 =	vimm.s32 $0x13C9;
	v1 =	vsel vm3, $0xF46, v2;
	v0 =	vsel vm4, $0xF86, v0  }
0x13d: {  	v10 =	vimm.s32 $0x13CD;
	v3 =	vimm.s32 $0x13C6;
	[tilespmem:$0x1FDA0] =	vst v0;
	v0 =	vsel vm4, $0xF87, v1  }
0x13e: {  	v6 =	vsel vm14, $0x100A, v6;
	v3 =	vsel vm14, $0x1007, v3;
	[tilespmem:$0x1FDB0] =	vst v0;
	v0 =	vimm.s32 $0xFC9  }
0x13f: {  	v6 =	vsel vm13, $0x104B, v6;
	v3 =	vsel vm13, $0x1048, v3;
	v0 =	vsel vm14, $0xC0A, v0  }
0x140: {  	v6 =	vsel vm11, $0x108C, v6;
	v1 =	vimm.s32 $0xFCA;
	v0 =	vsel vm13, $0xC4B, v0  }
0x141: {  	v3 =	vsel vm11, $0x1089, v3;
	v1 =	vsel vm14, $0xC0B, v1;
	v0 =	vsel vm11, $0xC8C, v0  }
0x142: {  	v2 =	vimm.s32 $0xFCB;
	v1 =	vsel vm13, $0xC4C, v1;
	v0 =	vsel vm12, $0xCCD, v0  }
0x143: {  	v2 =	vsel vm14, $0xC0C, v2;
	v1 =	vsel vm11, $0xC8D, v1;
	v0 =	vsel vm10, $0xD0E, v0  }
0x144: {  	v2 =	vsel vm13, $0xC4D, v2;
	v1 =	vsel vm12, $0xCCE, v1;
	v0 =	vsel vm9, $0xD4F, v0  }
0x145: {  	v2 =	vsel vm11, $0xC8E, v2;
	v1 =	vsel vm10, $0xD0F, v1;
	v0 =	vsel vm8, $0xD80, v0  }
0x146: {  	v2 =	vsel vm12, $0xCCF, v2;
	v1 =	vsel vm9, $0xD40, v1;
	v0 =	vsel vm7, $0xDC1, v0  }
0x147: {  	v2 =	vsel vm10, $0xD00, v2;
	v1 =	vsel vm8, $0xD81, v1;
	v0 =	vsel vm6, $0xE02, v0  }
0x148: {  	v2 =	vsel vm9, $0xD41, v2;
	v1 =	vsel vm7, $0xDC2, v1;
	v0 =	vsel vm5, $0xE43, v0  }
0x149: {  	v2 =	vsel vm8, $0xD82, v2;
	v1 =	vsel vm6, $0xE03, v1;
	v0 =	vsel vm1, $0xE84, v0  }
0x14a: {  	v2 =	vsel vm7, $0xDC3, v2;
	v1 =	vsel vm5, $0xE44, v1;
	v0 =	vsel vm0, $0xEC5, v0  }
0x14b: {  	v2 =	vsel vm6, $0xE04, v2;
	v1 =	vsel vm1, $0xE85, v1;
	v0 =	vsel vm2, $0xF06, v0  }
0x14c: {  	v2 =	vsel vm5, $0xE45, v2;
	v1 =	vsel vm0, $0xEC6, v1;
	v0 =	vsel vm3, $0xF47, v0  }
0x14d: {  	v2 =	vsel vm1, $0xE86, v2;
	v1 =	vsel vm2, $0xF07, v1;
	v0 =	vsel vm4, $0xF88, v0  }
0x14e: {  	v6 =	vsel vm12, $0x10CD, v6;
	v2 =	vsel vm0, $0xEC7, v2;
	[tilespmem:$0x1FDC0] =	vst v0;
	v0 =	vsel vm3, $0xF48, v1  }
0x14f: {  	v2 =	vsel vm2, $0xF08, v2;
	v63 =	vsel vm4, $0xF89, v0;
	v0 =	vimm.s32 $0xFCC  }
0x150: {  	v3 =	vsel vm12, $0x10CA, v3;
	v1 =	vsel vm3, $0xF49, v2;
	v0 =	vsel vm14, $0xC0D, v0  }
0x151: {  	v8 =	vsel vm4, $0xF8A, v1;
	v1 =	vimm.s32 $0xFCD;
	v0 =	vsel vm13, $0xC4E, v0  }
0x152: {  	v2 =	vimm.s32 $0xFCE;
	v1 =	vsel vm14, $0xC0E, v1;
	v0 =	vsel vm11, $0xC8F, v0  }
0x153: {  	v2 =	vsel vm14, $0xC0F, v2;
	v1 =	vsel vm13, $0xC4F, v1;
	v0 =	vsel vm12, $0xCC0, v0  }
0x154: {  	v2 =	vsel vm13, $0xC40, v2;
	v1 =	vsel vm11, $0xC80, v1;
	v0 =	vsel vm10, $0xD01, v0  }
0x155: {  	v2 =	vsel vm11, $0xC81, v2;
	v1 =	vsel vm12, $0xCC1, v1;
	v0 =	vsel vm9, $0xD42, v0  }
0x156: {  	v2 =	vsel vm12, $0xCC2, v2;
	v1 =	vsel vm10, $0xD02, v1;
	v0 =	vsel vm8, $0xD83, v0  }
0x157: {  	v2 =	vsel vm10, $0xD03, v2;
	v1 =	vsel vm9, $0xD43, v1;
	v0 =	vsel vm7, $0xDC4, v0  }
0x158: {  	v2 =	vsel vm9, $0xD44, v2;
	v1 =	vsel vm8, $0xD84, v1;
	v0 =	vsel vm6, $0xE05, v0  }
0x159: {  	v2 =	vsel vm8, $0xD85, v2;
	v1 =	vsel vm7, $0xDC5, v1;
	v0 =	vsel vm5, $0xE46, v0  }
0x15a: {  	v2 =	vsel vm7, $0xDC6, v2;
	v1 =	vsel vm6, $0xE06, v1;
	v0 =	vsel vm1, $0xE87, v0  }
0x15b: {  	v2 =	vsel vm6, $0xE07, v2;
	v1 =	vsel vm5, $0xE47, v1;
	v0 =	vsel vm0, $0xEC8, v0  }
0x15c: {  	v2 =	vsel vm5, $0xE48, v2;
	v1 =	vsel vm1, $0xE88, v1;
	v0 =	vsel vm2, $0xF09, v0  }
0x15d: {  	v2 =	vsel vm1, $0xE89, v2;
	v1 =	vsel vm0, $0xEC9, v1;
	v0 =	vsel vm3, $0xF4A, v0  }
0x15e: {  	v2 =	vsel vm0, $0xECA, v2;
	v1 =	vsel vm2, $0xF0A, v1;
	v0 =	vsel vm4, $0xF8B, v0  }
0x15f: {  	v6 =	vsel vm10, $0x110E, v6;
	v2 =	vsel vm2, $0xF0B, v2;
	[tilespmem:$0x1FDD0] =	vst v0;
	v0 =	vsel vm3, $0xF4B, v1  }
0x160: {  	v3 =	vsel vm10, $0x110B, v3;
	v1 =	vsel vm3, $0xF4C, v2;
	v0 =	vsel vm4, $0xF8C, v0  }
0x161: {  	v6 =	vsel vm9, $0x114F, v6;
	v3 =	vsel vm9, $0x114C, v3;
	[tilespmem:$0x1FDE0] =	vst v0;
	v0 =	vsel vm4, $0xF8D, v1  }
0x162: {  	v6 =	vsel vm8, $0x1180, v6;
	v3 =	vsel vm8, $0x118D, v3;
	[tilespmem:$0x1FDF0] =	vst v0;
	v0 =	vimm.s32 $0x13C0  }
0x163: {  	v6 =	vsel vm7, $0x11C1, v6;
	v3 =	vsel vm7, $0x11CE, v3;
	v0 =	vsel vm14, $0x1001, v0  }
0x164: {  	v6 =	vsel vm6, $0x1202, v6;
	v1 =	vimm.s32 $0x13C1;
	v0 =	vsel vm13, $0x1042, v0  }
0x165: {  	v2 =	vimm.s32 $0x13C2;
	v1 =	vsel vm14, $0x1002, v1;
	v0 =	vsel vm11, $0x1083, v0  }
0x166: {  	v2 =	vsel vm14, $0x1003, v2;
	v1 =	vsel vm13, $0x1043, v1;
	v0 =	vsel vm12, $0x10C4, v0  }
0x167: {  	v2 =	vsel vm13, $0x1044, v2;
	v1 =	vsel vm11, $0x1084, v1;
	v0 =	vsel vm10, $0x1105, v0  }
0x168: {  	v2 =	vsel vm11, $0x1085, v2;
	v1 =	vsel vm12, $0x10C5, v1;
	v0 =	vsel vm9, $0x1146, v0  }
0x169: {  	v2 =	vsel vm12, $0x10C6, v2;
	v1 =	vsel vm10, $0x1106, v1;
	v0 =	vsel vm8, $0x1187, v0  }
0x16a: {  	v2 =	vsel vm10, $0x1107, v2;
	v1 =	vsel vm9, $0x1147, v1;
	v0 =	vsel vm7, $0x11C8, v0  }
0x16b: {  	v2 =	vsel vm9, $0x1148, v2;
	v1 =	vsel vm8, $0x1188, v1;
	v0 =	vsel vm6, $0x1209, v0  }
0x16c: {  	v2 =	vsel vm8, $0x1189, v2;
	v1 =	vsel vm7, $0x11C9, v1;
	v0 =	vsel vm5, $0x124A, v0  }
0x16d: {  	v2 =	vsel vm7, $0x11CA, v2;
	v1 =	vsel vm6, $0x120A, v1;
	v0 =	vsel vm1, $0x128B, v0  }
0x16e: {  	v2 =	vsel vm6, $0x120B, v2;
	v1 =	vsel vm5, $0x124B, v1;
	v0 =	vsel vm0, $0x12CC, v0  }
0x16f: {  	v2 =	vsel vm5, $0x124C, v2;
	v1 =	vsel vm1, $0x128C, v1;
	v0 =	vsel vm2, $0x130D, v0  }
0x170: {  	v2 =	vsel vm1, $0x128D, v2;
	v1 =	vsel vm0, $0x12CD, v1;
	v0 =	vsel vm3, $0x134E, v0  }
0x171: {  	v2 =	vsel vm0, $0x12CE, v2;
	v1 =	vsel vm2, $0x130E, v1;
	v0 =	vsel vm4, $0x138F, v0  }
0x172: {  	v3 =	vsel vm6, $0x120F, v3;
	v2 =	vsel vm2, $0x130F, v2;
	[tilespmem:$0x1FE00] =	vst v0;
	v0 =	vsel vm3, $0x134F, v1  }
0x173: {  	v6 =	vsel vm5, $0x1243, v6;
	v1 =	vsel vm3, $0x1340, v2;
	v0 =	vsel vm4, $0x1380, v0  }
0x174: {  	v3 =	vsel vm5, $0x1240, v3;
	[tilespmem:$0x1FE10] =	vst v0;
	v0 =	vsel vm4, $0x1381, v1;
	v1 =	vimm.s32 $0x13C4  }
0x175: {  	v6 =	vsel vm1, $0x1284, v6;
	v2 =	vimm.s32 $0x13C5;
	v1 =	vsel vm14, $0x1005, v1  }
0x176: {  	v3 =	vsel vm1, $0x1281, v3;
	v2 =	vsel vm14, $0x1006, v2;
	v1 =	vsel vm13, $0x1046, v1  }
0x177: {  	v2 =	vsel vm13, $0x1047, v2;
	[tilespmem:$0x1FE20] =	vst v0;
	v0 =	vimm.s32 $0x13C3;
	v1 =	vsel vm11, $0x1087, v1  }
0x178: {  	v2 =	vsel vm11, $0x1088, v2;
	v0 =	vsel vm14, $0x1004, v0;
	v1 =	vsel vm12, $0x10C8, v1  }
0x179: {  	v2 =	vsel vm12, $0x10C9, v2;
	v0 =	vsel vm13, $0x1045, v0;
	v1 =	vsel vm10, $0x1109, v1  }
0x17a: {  	v2 =	vsel vm10, $0x110A, v2;
	v0 =	vsel vm11, $0x1086, v0;
	v1 =	vsel vm9, $0x114A, v1  }
0x17b: {  	v2 =	vsel vm9, $0x114B, v2;
	v0 =	vsel vm12, $0x10C7, v0;
	v1 =	vsel vm8, $0x118B, v1  }
0x17c: {  	v2 =	vsel vm8, $0x118C, v2;
	v0 =	vsel vm10, $0x1108, v0;
	v1 =	vsel vm7, $0x11CC, v1  }
0x17d: {  	v2 =	vsel vm7, $0x11CD, v2;
	v0 =	vsel vm9, $0x1149, v0;
	v1 =	vsel vm6, $0x120D, v1  }
0x17e: {  	v2 =	vsel vm6, $0x120E, v2;
	v0 =	vsel vm8, $0x118A, v0;
	v1 =	vsel vm5, $0x124E, v1  }
0x17f: {  	v2 =	vsel vm5, $0x124F, v2;
	v0 =	vsel vm7, $0x11CB, v0;
	v1 =	vsel vm1, $0x128F, v1  }
0x180: {  	v2 =	vsel vm1, $0x1280, v2;
	v0 =	vsel vm6, $0x120C, v0;
	v1 =	vsel vm0, $0x12C0, v1  }
0x181: {  	v2 =	vsel vm0, $0x12C1, v2;
	v0 =	vsel vm5, $0x124D, v0;
	v1 =	vsel vm2, $0x1301, v1  }
0x182: {  	v2 =	vsel vm2, $0x1302, v2;
	v0 =	vsel vm1, $0x128E, v0;
	v1 =	vsel vm3, $0x1342, v1  }
0x183: {  	v2 =	vsel vm3, $0x1343, v2;
	v0 =	vsel vm0, $0x12CF, v0;
	v1 =	vsel vm4, $0x1383, v1  }
0x184: {  	v6 =	vsel vm0, $0x12C5, v6;
	v2 =	vsel vm4, $0x1384, v2;
	v0 =	vsel vm2, $0x1300, v0  }
0x185: {  	v3 =	vsel vm0, $0x12C2, v3;
	v6 =	vsel vm2, $0x1306, v6;
	v0 =	vsel vm3, $0x1341, v0  }
0x186: {  	v3 =	vsel vm2, $0x1303, v3;
	v0 =	vsel vm4, $0x1382, v0;
	[tilespmem:$0x1FE40] =	vst v1;
	v1 =	vmovc v4;
	v4 =	vimm.s32 $0x13C7  }
0x187: {  	v3 =	vsel vm3, $0x1344, v3;
	[tilespmem:$0x1FE50] =	vst v2;
	v2 =	vmovc v5;
	v5 =	vimm.s32 $0x13C8;
	v4 =	vsel vm14, $0x1008, v4  }
0x188: {  	v3 =	vsel vm4, $0x1385, v3;
	v5 =	vsel vm14, $0x1009, v5;
	v4 =	vsel vm13, $0x1049, v4  }
0x189: {  	[tilespmem:$0x1FE30] =	vst v0;
	v5 =	vsel vm13, $0x104A, v5;
	v0 =	vmovc v7;
	v7 =	vimm.s32 $0x13CA;
	v4 =	vsel vm11, $0x108A, v4  }
0x18a: {  	v5 =	vsel vm11, $0x108B, v5;
	v7 =	vsel vm14, $0x100B, v7;
	v4 =	vsel vm12, $0x10CB, v4  }
0x18b: {  	v5 =	vsel vm12, $0x10CC, v5;
	v7 =	vsel vm13, $0x104C, v7;
	v4 =	vsel vm10, $0x110C, v4  }
0x18c: {  	v5 =	vsel vm10, $0x110D, v5;
	v7 =	vsel vm11, $0x108D, v7;
	v4 =	vsel vm9, $0x114D, v4  }
0x18d: {  	v5 =	vsel vm9, $0x114E, v5;
	v7 =	vsel vm12, $0x10CE, v7;
	v4 =	vsel vm8, $0x118E, v4  }
0x18e: {  	v5 =	vsel vm8, $0x118F, v5;
	v7 =	vsel vm10, $0x110F, v7;
	v4 =	vsel vm7, $0x11CF, v4  }
0x18f: {  	v5 =	vsel vm7, $0x11C0, v5;
	v7 =	vsel vm9, $0x1140, v7;
	v4 =	vsel vm6, $0x1200, v4  }
0x190: {  	v5 =	vsel vm6, $0x1201, v5;
	v7 =	vsel vm8, $0x1181, v7;
	v4 =	vsel vm5, $0x1241, v4  }
0x191: {  	v5 =	vsel vm5, $0x1242, v5;
	v7 =	vsel vm7, $0x11C2, v7;
	v4 =	vsel vm1, $0x1282, v4  }
0x192: {  	v5 =	vsel vm1, $0x1283, v5;
	v7 =	vsel vm6, $0x1203, v7;
	v4 =	vsel vm0, $0x12C3, v4  }
0x193: {  	v5 =	vsel vm0, $0x12C4, v5;
	v7 =	vsel vm5, $0x1244, v7;
	v4 =	vsel vm2, $0x1304, v4  }
0x194: {  	v5 =	vsel vm2, $0x1305, v5;
	v7 =	vsel vm1, $0x1285, v7;
	v4 =	vsel vm3, $0x1345, v4  }
0x195: {  	[tilespmem:$0x1FE60] =	vst v3;
	v5 =	vsel vm3, $0x1346, v5;
	v7 =	vsel vm0, $0x12C6, v7;
	v4 =	vsel vm4, $0x1386, v4  }
0x196: {  	v6 =	vsel vm3, $0x1347, v6;
	v7 =	vsel vm2, $0x1307, v7;
	[tilespmem:$0x1FE70] =	vst v4;
	v4 =	vsel vm4, $0x1387, v5  }
0x197: {  	s1 =	rddreg [dreg:$0x0];
	v11 =	vimm.s32 $0x13CE;
	v7 =	vsel vm3, $0x1348, v7;
	[tilespmem:$0x1FE80] =	vst v4;
	v4 =	vsel vm4, $0x1388, v6  }
0x198: {  	s0 =	rddreg [dreg:$0x1];
	s4 =	simm.s32 $0x0;
	v10 =	vsel vm14, $0x100E, v10;
	v11 =	vsel vm14, $0x100F, v11;
	[tilespmem:$0x1FE90] =	vst v4;
	v4 =	vsel vm4, $0x1389, v7  }
0x199: {  	[smem:$0x7FF] =	sst s4;
	v10 =	vsel vm13, $0x104F, v10;
	v11 =	vsel vm13, $0x1040, v11;
	[tilespmem:$0x1FEA0] =	vst v4  }
0x19a: {  	s2 =	rddreg [dreg:$0x2];
	v10 =	vsel vm11, $0x1080, v10;
	v11 =	vsel vm11, $0x1081, v11;
	_ =	strace $0x80000047;
	[tilespmem:$0x1FEB0] =	vst v48  }
0x19b: {  	v10 =	vsel vm12, $0x10C1, v10;
	v11 =	vsel vm12, $0x10C2, v11;
	[tilespmem:$0x1FEC0] =	vst v49  }
0x19c: {  	v10 =	vsel vm10, $0x1102, v10;
	v11 =	vsel vm10, $0x1103, v11;
	[tilespmem:$0x1FED0] =	vst v50  }
0x19d: {  	v10 =	vsel vm9, $0x1143, v10;
	v11 =	vsel vm9, $0x1144, v11;
	[tilespmem:$0x1FEE0] =	vst v62  }
0x19e: {  	v12 =	vor.u32 $0x400, v48;
	v10 =	vsel vm8, $0x1184, v10;
	v11 =	vsel vm8, $0x1185, v11;
	v3 =	vmovc v9;
	[tilespmem:$0x1FEF0] =	vst v0  }
0x19f: {  	s11 =	stileid.u32;
	s5 =	srdreg.scid;
	v10 =	vsel vm7, $0x11C5, v10;
	v9 =	vimm.s32 $0x13CC;
	v5 =	vmovc v8;
	v8 =	vimm.s32 $0x13CB;
	[tilespmem:$0x1FF00] =	vst v3  }
0x1a0: {  	s15 =	simm.s32 $0x5;
	s16 =	simm.s32 $0x50;
	s20 =	simm.s32 $0x9D80;
	v11 =	vsel vm7, $0x11C6, v11;
	v9 =	vsel vm14, $0x100D, v9;
	v8 =	vsel vm14, $0x100C, v8;
	[tilespmem:$0x1FF10] =	vst v1  }
0x1a1: {  	s19 =	simm.s32 $0x6;
	s28 =	simm.s32 $0x9D30;
	s29 =	simm.s32 $0xD980;
	v10 =	vsel vm6, $0x1206, v10;
	v9 =	vsel vm13, $0x104E, v9;
	v8 =	vsel vm13, $0x104D, v8;
	[tilespmem:$0x1FF20] =	vst v2  }
0x1a2: {  	s30 =	simm.s32 $0xED80;
	s31 =	simm.s32 $0xEDD0;
	s21 =	simm.s32 $0x0;
	v11 =	vsel vm6, $0x1207, v11;
	v9 =	vsel vm11, $0x108F, v9;
	v8 =	vsel vm11, $0x108E, v8;
	[tilespmem:$0x1FF30] =	vst v13  }
0x1a3: {  	s3 =	smul.u32 $0x9C40, s11;
	s5 =	sand.u32 $0x1, s5;
	s6 =	sshll.u32 s11, $0x1;
	v10 =	vsel vm5, $0x1247, v10;
	v9 =	vsel vm12, $0x10C0, v9;
	v8 =	vsel vm12, $0x10CF, v8;
	[tilespmem:$0x1FF40] =	vst v14  }
0x1a4: {  	s23 =	sshll.u32 s11, $0x6;
	s8 =	sor.u32 s5, s6;
	s9 =	ssub.s32 $0x2, s5;
	v11 =	vsel vm5, $0x1248, v11;
	v9 =	vsel vm10, $0x1101, v9;
	[tilespmem:$0x1FF50] =	vst v15;
	v8 =	vsel vm10, $0x1100, v8  }
0x1a5: {  	s6 =	sadd.s32 $0x14000, s1;
	s7 =	sshrl.u32 s3, $0x3;
	s5 =	smul.u32 $0x7D, s8;
	v10 =	vsel vm1, $0x1288, v10;
	v9 =	vsel vm9, $0x1142, v9;
	[tilespmem:$0x1FF60] =	vst v17;
	v8 =	vsel vm9, $0x1141, v8  }
0x1a6: {  	s22 =	sshrl.u32 s9, $0x1;
	s10 =	smul.u32 $0x2710, s8;
	s3 =	sadd.s32 s3, s2;
	v11 =	vsel vm1, $0x1289, v11;
	v9 =	vsel vm8, $0x1183, v9;
	[tilespmem:$0x1FF70] =	vst v16;
	v8 =	vsel vm8, $0x1182, v8  }
0x1a7: {  	s8 =	smul.u32 $0x4E2, s8;
	s7 =	sadd.s32 s7, s1;
	s1 =	ssub.s32 s9, s22;
	v10 =	vsel vm0, $0x12C9, v10;
	v9 =	vsel vm7, $0x11C4, v9;
	[tilespmem:$0x1FF80] =	vst v56;
	v8 =	vsel vm7, $0x11C3, v8  }
0x1a8: {  	s14 =	sshrl.u32 s3, $0x3;
	s22 =	simm.s32 $0xC580;
	s3 =	simm.s32 $0x4;
	v11 =	vsel vm0, $0x12CA, v11;
	v9 =	vsel vm6, $0x1205, v9;
	[tilespmem:$0x1FF90] =	vst v57;
	v8 =	vsel vm6, $0x1204, v8  }
0x1a9: {  	s7 =	sadd.s32 $0x600, s7;
	s24 =	sshrl.u32 s10, $0x3;
	s25 =	sadd.s32 s6, s8;
	v10 =	vsel vm2, $0x130A, v10;
	v9 =	vsel vm5, $0x1246, v9;
	[tilespmem:$0x1FFA0] =	vst v58;
	v8 =	vsel vm5, $0x1245, v8  }
0x1aa: {  	s11 =	sadd.s32 $0x2, s5;
	s12 =	sadd.s32 $0x3, s5;
	s13 =	smax.u32 s1, $0x1;
	v11 =	vsel vm2, $0x130B, v11;
	v9 =	vsel vm1, $0x1287, v9;
	[tilespmem:$0x1FFB0] =	vst v59;
	v8 =	vsel vm1, $0x1286, v8  }
0x1ab: {  	s1 =	simm.s32 $0x3;
	s26 =	sadd.s32 s6, s24;
	v10 =	vsel vm3, $0x134B, v10;
	v9 =	vsel vm0, $0x12C8, v9;
	[dreg:$0x4] =	wrdreg s7;
	[tilespmem:$0x1FFC0] =	vst v61;
	v8 =	vsel vm0, $0x12C7, v8  }
0x1ac: {  	s24 =	simm.s32 $0x1;
	v11 =	vsel vm3, $0x134C, v11;
	v9 =	vsel vm2, $0x1309, v9;
	s7 =	sor.u32 $0x1C05, s23;
	[dreg:$0x6] =	wrdreg s25;
	[tilespmem:$0x1FFD0] =	vst v60;
	v8 =	vsel vm2, $0x1308, v8  }
0x1ad: {  	v10 =	vsel vm4, $0x138C, v10;
	v9 =	vsel vm3, $0x134A, v9;
	s23 =	simm.s32 $0x9CE0;
	[tilespmem:$0x1FFE0] =	vst v63;
	[dreg:$0x5] =	wrdreg s7;
	s7 =	sadd.s32 $0xA, s26;
	v8 =	vsel vm3, $0x1349, v8  }
0x1ae: {  	v11 =	vsel vm4, $0x138D, v11;
	v9 =	vsel vm4, $0x138B, v9;
	s25 =	simm.s32 $0x2;
	[tilespmem:$0x1FFF0] =	vst v5;
	s26 =	simm.s32 $0xB180;
	[dreg:$0x7] =	wrdreg s7;
	v8 =	vsel vm4, $0x138A, v8  }
.LBB2_1:
0x1af: {  	s7 =	rddreg [dreg:$0x4]  }
0x1b0: {  	s8 =	rddreg [dreg:$0x5]  }
0x1b1: {  	[spmem:s14], [sflag:s8] =	dma.local [hbm:s7], $0x1388  }
0x1b2: {  	_ =	swait.ge [sflag:s15], $0x1388  }
0x1b3: {  	[sflag:s15] =	ssyncset.done $0x0  }
0x1b4: {  	[sflag:s15] =	ssyncadd.s32 $0xFFFFEC78  }
0x1b5: {  	[bflag:$0x0] =	sbarrier.arrive $0xFFFF  }
0x1b6: {  	s10 =	simm.s32 $0x4E200;
	s9 =	simm.s32 $0x9C40;
	s8 =	rddreg [dreg:$0x6]  }
0x1b7: {  	[tilespmem:s9], [sflag:$0x6] =	stream.strided.gather [hbm4b:s8+s16], $0xA0, s10, s16, $0x38;
	[tilespmem:$0xEE20] =	vst v63  }
0x1b8: {  	_ =	swait.ge [sflag:s19], $0xA0  }
0x1b9: {  	[sflag:s19] =	ssyncset.done $0x0  }
0x1ba: {  	[sflag:s19] =	ssyncadd.s32 $0xFFFFFF60  }
0x1bb: {  	[tilespmem:s20], [sflag:$0x1] =	stream.indirect.gather [spmem:s2], $0x40, s9, s16, $0xb8;
	[tilespmem:$0xEE20] =	vst v63  }
0x1bc: {  	s17 =	simm.s32 $0x9C90  }
0x1bd: {  	[tilespmem:s22], [sflag:$0x1] =	stream.indirect.gather [spmem:s2], $0x40, s17, s16, $0xb8;
	[tilespmem:$0xEE20] =	vst v63  }
0x1be: {  	s18 =	rddreg [dreg:$0x7];
	s17 =	simm.s32 $0x0  }
0x1bf: {  	[tilespmem:s23], [sflag:$0x2] =	stream.strided.gather [hbm4b:s18+s16], $0xA0, s10, s16, $0x38;
	[tilespmem:$0xEE20] =	vst v63  }
.LBB2_2:
0x1c0: {  	_ =	swait.ge [sflag:s24], $0x1400  }
0x1c1: {  	[sflag:s24] =	ssyncset.done $0x0  }
0x1c2: {  	[sflag:s24] =	ssyncadd.s32 $0xFFFFEC00  }
0x1c3: {  	_ =	swait.ge [sflag:s24], $0x1400  }
0x1c4: {  	[sflag:s24] =	ssyncset.done $0x0  }
0x1c5: {  	[sflag:s24] =	ssyncadd.s32 $0xFFFFEC00  }
0x1c6: {  	p0 =	seq.s32 s17, $0x3E;
	_ =	swait.ge [sflag:s25], $0xA0  }
0x1c7: {  	s7 =	sshll.u32 s17, $0x1;
	p1 =	seq.s32 @!p0 s17, $0x0;
	[sflag:s25] =	ssyncset.done $0x0  }
0x1c8: {  	s8 =	smin.u32 @!p0 s7, $0x7A;
	p1 =	por p0, !p1;
	[sflag:s25] =	ssyncadd.s32 $0xFFFFFF60  }
0x1c9: {  	[tilespmem:s26], [sflag:$0x1] =	stream.indirect.gather [spmem:s2], $0x40, s23, s16, $0xb8;
	[tilespmem:$0xEE20] =	vst v63  }
.Ltmp0:
0x1ca: {  	s8 =	sadd.s32 @!p0 s8, s11;
	(pc) =	sbr.rel @!p1 .LBB2_3-.Ltmp0, $4  }
0x1cb: {  	s9 =	simm.s32 @!p0 $0x50;
	s8 =	smul.u32 @!p0 $0xA, s8  }
0x1cc: {  	[tilespmem:s29], [sflag:$0x1] =	stream.indirect.gather [spmem:s2], $0x40, s28, s16, $0xb8;
	[tilespmem:$0xEE20] =	vst v63  }
0x1cd: {  	s18 =	simm.s32 @!p0 $0x4E200;
	s10 =	simm.s32 @!p0 $0x9C40;
	s8 =	sadd.s32 @!p0 s6, s8  }
0x1ce: {  	[tilespmem:s10], [sflag:$0x2] =	stream.strided.gather @!p0 [hbm4b:s8+s9], $0xA0, s18, s9, $0x38;
	[tilespmem:$0xEE20] =	vst v63  }
.Ltmp1:
0x1cf: {  	(pc) =	sbr.rel .LBB2_5-.Ltmp1, $4  }
0x1d0: {  	_ = 	snop  }
0x1d1: {  	_ =	swait.ge [sflag:s1], $0x50  }
0x1d2: {  	[sflag:s1] =	ssyncset.done $0x0  }
0x1d3: {  	p1 =	por $0x0, $0x0;
	[sflag:s1] =	ssyncadd.s32 $0xFFFFFFB0  }
.LBB2_3:
0x1d4: {  	p1 =	por @!p0 $0x1, $0x1  }
.LBB2_5:
0x1d5: {  	v53 =	vld [tilespmem:$0x1FB90]  }
0x1d6: {  	v52 =	vld [tilespmem:$0x1FB80]  }
0x1d7: {  	v56 =	vld [tilespmem:$0x1FBC0]  }
0x1d8: {  	v59 =	vld [tilespmem:$0x1FBF0]  }
0x1d9: {  	s8 =	simm.s32 $0x0;
	v55 =	vld [tilespmem:$0x1FBB0]  }
0x1da: {  	v54 =	vld [tilespmem:$0x1FBA0];
	v13 =	vor.u32 s8, v48  }
0x1db: {  	v57 =	vld [tilespmem:$0x1FBD0];
	v14 =	vor.u32 s8, v50  }
0x1dc: {  	v58 =	vld [tilespmem:$0x1FBE0];
	v15 =	vor.u32 s8, v49  }
0x1dd: {  	v51 =	vld [tilespmem:$0x1FC00]  }
0x1de: {  	v4 =	vld [tilespmem:$0x1FC10]  }
0x1df: {  	v19 =	vld.idx.msk [tilespmem:v13+s22+$0x0], $0xffff  }
0x1e0: {  	v16 =	vor.u32 s8, v53;
	v21 =	vld.idx.msk [tilespmem:v14+s22+$0x0], $0xffff  }
0x1e1: {  	v18 =	vld.idx.msk [tilespmem:v15+s22+$0x0], $0xffff  }
0x1e2: {  	v17 =	vor.u32 s8, v52;
	v20 =	vld.idx.msk [tilespmem:v15+s20+$0x0], $0xffff  }
0x1e3: {  	v14 =	vld.idx.msk [tilespmem:v14+s20+$0x0], $0xffff  }
0x1e4: {  	v25 =	vor.u32 s8, v59;
	v27 =	vld.idx.msk [tilespmem:v13+s20+$0x0], $0xffff  }
0x1e5: {  	v26 =	vor.u32 s8, v62;
	v22 =	vld.idx.msk [tilespmem:v16+s20+$0x0], $0xffff  }
0x1e6: {  	v15 =	vor.u32 s8, v56;
	v23 =	vld.idx.msk [tilespmem:v16+s22+$0x0], $0xffff  }
0x1e7: {  	v24 =	vld.idx.msk [tilespmem:v17+s20+$0x0], $0xffff  }
0x1e8: {  	v28 =	vor.u32 s8, v55;
	v32 =	vld.idx.msk [tilespmem:v17+s22+$0x0], $0xffff  }
0x1e9: {  	v16 =	vld.idx.msk [tilespmem:v25+s20+$0x0], $0xffff  }
0x1ea: {  	v17 =	vld.idx.msk [tilespmem:v26+s22+$0x0], $0xffff  }
0x1eb: {  	v13 =	vld.idx.msk [tilespmem:v15+s20+$0x0], $0xffff  }
0x1ec: {  	v33 =	vimm.f32 $0.0e+00;
	v15 =	vld.idx.msk [tilespmem:v15+s22+$0x0], $0xffff;
	v29 =	vmul.bf16 v18, v20;
	v20 =	vor.u32 s8, v54  }
0x1ed: {  	v18 =	vor.u32 s8, v57;
	v31 =	vmul.bf16 v19, v27;
	v34 =	vmul.bf16 v23, v22;
	v23 =	vld.idx.msk [tilespmem:v28+s22+$0x0], $0xffff  }
0x1ee: {  	v30 =	vand.u32 $0xFFFF0000, v29;
	v22 =	vshll.u32 v29, $0x10;
	v29 =	vmul.bf16 v21, v14;
	v21 =	vld.idx.msk [tilespmem:v26+s20+$0x0], $0xffff  }
0x1ef: {  	v35 =	vimm.f32 $0.0e+00;
	v19 =	vor.u32 s8, v0;
	v36 =	vand.u32 $0xFFFF0000, v31;
	v28 =	vld.idx.msk [tilespmem:v28+s20+$0x0], $0xffff  }
0x1f0: {  	v32 =	vmul.bf16 v32, v24;
	v24 =	vor.u32 s8, v58;
	v27 =	vadd.f32 v22, v33;
	v22 =	vld.idx.msk [tilespmem:v25+s22+$0x0], $0xffff  }
0x1f1: {  	s18 =	sshllo.u32 s17, $0x1;
	s9 =	simm.s32 $0x10;
	v25 =	vld.idx.msk [tilespmem:v20+s20+$0x0], $0xffff;
	v14 =	vand.u32 $0xFFFF0000, v34;
	v26 =	vshll.u32 v34, $0x10;
	v34 =	vimm.f32 $0.0e+00  }
.LBB2_6:
0x1f2: {  	p2 =	sne.s32 s9, $0x30;
	v31 =	vshll.u32 v31, $0x10;
	v33 =	vadd.f32 v36, v33;
	v30 =	vadd.f32 v30, v35;
	v35 =	vld.idx.msk [tilespmem:v18+s22+$0x0], $0xffff;
	s10 =	smov.u32 s9;
	s9 =	sadd.s32 $0x10, s9  }
0x1f3: {  	v36 =	vshll.u32 v29, $0x10;
	v37 =	vand.u32 $0xFFFF0000, v32;
	v38 =	vor.u32 s8, v60;
	v20 =	vld.idx.msk [tilespmem:v20+s22+$0x0], $0xffff  }
0x1f4: {  	v29 =	vand.u32 $0xFFFF0000, v29;
	v32 =	vshll.u32 v32, $0x10;
	v39 =	vor.u32 s8, v51;
	v18 =	vld.idx.msk [tilespmem:v18+s20+$0x0], $0xffff  }
0x1f5: {  	v31 =	vadd.f32 v31, v34;
	v34 =	vor.u32 s8, v4;
	s8 =	smov.u32 s10;
	v23 =	vmul.bf16 v23, v28;
	v28 =	vld.idx.msk [tilespmem:v24+s22+$0x0], $0xffff  }
0x1f6: {  	v27 =	vadd.f32 v32, v27;
	v40 =	vor.u32 s8, v48;
	v41 =	vor.u32 s8, v49;
	v32 =	vld.idx.msk [tilespmem:v19+s22+$0x0], $0xffff  }
0x1f7: {  	v17 =	vmul.bf16 v17, v21;
	v30 =	vadd.f32 v37, v30;
	v31 =	vadd.f32 v36, v31;
	v21 =	vld.idx.msk [tilespmem:v24+s20+$0x0], $0xffff  }
0x1f8: {  	v26 =	vadd.f32 v26, v27;
	v16 =	vmul.bf16 v22, v16;
	v24 =	vor.u32 s8, v50;
	v22 =	vld.idx.msk [tilespmem:v38+s22+$0x0], $0xffff  }
0x1f9: {  	v13 =	vmul.bf16 v15, v13;
	v20 =	vmul.bf16 v20, v25;
	v25 =	vand.u32 $0xFFFF0000, v23;
	v15 =	vld.idx.msk [tilespmem:v19+s20+$0x0], $0xffff  }
0x1fa: {  	v27 =	vor.u32 s8, v53;
	v19 =	vor.u32 s8, v52;
	v18 =	vmul.bf16 v35, v18;
	v35 =	vld.idx.msk [tilespmem:v38+s20+$0x0], $0xffff  }
0x1fb: {  	v37 =	vand.u32 $0xFFFF0000, v13;
	v36 =	vand.u32 $0xFFFF0000, v20;
	v38 =	vshll.u32 v13, $0x10;
	v13 =	vld.idx.msk [tilespmem:v39+s20+$0x0], $0xffff  }
0x1fc: {  	v43 =	vshll.u32 v16, $0x10;
	v23 =	vshll.u32 v23, $0x10;
	v42 =	vand.u32 $0xFFFF0000, v18;
	v44 =	vld.idx.msk [tilespmem:v34+s22+$0x0], $0xffff  }
0x1fd: {  	v29 =	vadd.f32 v29, v33;
	v20 =	vshll.u32 v20, $0x10;
	v21 =	vmul.bf16 v28, v21;
	v28 =	vld.idx.msk [tilespmem:v39+s22+$0x0], $0xffff  }
0x1fe: {  	v33 =	vand.u32 $0xFFFF0000, v17;
	v16 =	vand.u32 $0xFFFF0000, v16;
	v18 =	vshll.u32 v18, $0x10;
	v34 =	vld.idx.msk [tilespmem:v34+s20+$0x0], $0xffff  }
0x1ff: {  	v14 =	vadd.f32 v14, v30;
	v30 =	vand.u32 $0xFFFF0000, v21;
	v21 =	vshll.u32 v21, $0x10;
	v39 =	vld.idx.msk [tilespmem:v40+s22+$0x0], $0xffff  }
0x200: {  	v17 =	vshll.u32 v17, $0x10;
	v29 =	vadd.f32 v33, v29;
	v32 =	vmul.bf16 v32, v15;
	v45 =	vld.idx.msk [tilespmem:v24+s22+$0x0], $0xffff  }
0x201: {  	v14 =	vadd.f32 v25, v14;
	v23 =	vadd.f32 v23, v26;
	v22 =	vmul.bf16 v22, v35;
	v15 =	vld.idx.msk [tilespmem:v41+s22+$0x0], $0xffff  }
0x202: {  	v17 =	vadd.f32 v17, v31;
	v25 =	vor.u32 s8, v62;
	v31 =	vand.u32 $0xFFFF0000, v32;
	v26 =	vld.idx.msk [tilespmem:v27+s20+$0x0], $0xffff  }
0x203: {  	v14 =	vadd.f32 v42, v14;
	v35 =	vor.u32 s8, v56;
	v33 =	vld.idx.msk [tilespmem:v41+s20+$0x0], $0xffff;
	v41 =	vor.u32 s8, v55  }
0x204: {  	v42 =	vshll.u32 v22, $0x10;
	v28 =	vmul.bf16 v28, v13;
	v13 =	vmul.bf16 v44, v34;
	v27 =	vld.idx.msk [tilespmem:v27+s22+$0x0], $0xffff  }
0x205: {  	v23 =	vadd.f32 v18, v23;
	v22 =	vand.u32 $0xFFFF0000, v22;
	v34 =	vor.u32 s8, v59;
	v24 =	vld.idx.msk [tilespmem:v24+s20+$0x0], $0xffff  }
0x206: {  	v17 =	vadd.f32 v20, v17;
	v46 =	vand.u32 $0xFFFF0000, v13;
	v47 =	vshll.u32 v13, $0x10;
	v44 =	vld.idx.msk [tilespmem:v19+s20+$0x0], $0xffff  }
0x207: {  	v20 =	vor.u32 s8, v54;
	v29 =	vadd.f32 v36, v29;
	v36 =	vand.u32 $0xFFFF0000, v28;
	v40 =	vld.idx.msk [tilespmem:v40+s20+$0x0], $0xffff  }
0x208: {  	v18 =	vor.u32 s8, v57;
	v14 =	vadd.f32 v16, v14;
	v23 =	vadd.f32 v43, v23;
	v13 =	vld.idx.msk [tilespmem:v35+s20+$0x0], $0xffff  }
0x209: {  	v29 =	vadd.f32 v37, v29;
	v33 =	vmul.bf16 v15, v33;
	v15 =	vld.idx.msk [tilespmem:v35+s22+$0x0], $0xffff;
	v35 =	vadd.f32 v38, v17  }
0x20a: {  	v14 =	vadd.f32 v31, v14;
	v26 =	vmul.bf16 v27, v26;
	v37 =	vld.idx.msk [tilespmem:v19+s22+$0x0], $0xffff;
	v19 =	vshll.u32 v32, $0x10  }
0x20b: {  	v29 =	vadd.f32 v30, v29;
	v28 =	vshll.u32 v28, $0x10;
	v27 =	vshll.u32 v33, $0x10;
	v16 =	vld.idx.msk [tilespmem:v34+s20+$0x0], $0xffff  }
0x20c: {  	v30 =	vand.u32 $0xFFFF0000, v33;
	v32 =	vadd.f32 v21, v35;
	v19 =	vadd.f32 v19, v23;
	v17 =	vld.idx.msk [tilespmem:v25+s22+$0x0], $0xffff  }
.Ltmp2:
0x20d: {  	v33 =	vadd.f32 v36, v29;
	v35 =	vadd.f32 v46, v14;
	v31 =	vmul.bf16 v39, v40;
	v23 =	vld.idx.msk [tilespmem:v41+s22+$0x0], $0xffff;
	(pc) =	sbr.rel @p2 .LBB2_6-.Ltmp2, $4  }
0x20e: {  	v29 =	vmul.bf16 v45, v24;
	v38 =	vadd.f32 v28, v32;
	v24 =	vadd.f32 v47, v19;
	v21 =	vld.idx.msk [tilespmem:v25+s20+$0x0], $0xffff  }
0x20f: {  	v14 =	vand.u32 $0xFFFF0000, v26;
	v33 =	vadd.f32 v22, v33;
	v19 =	vor.u32 s8, v0;
	v28 =	vld.idx.msk [tilespmem:v41+s20+$0x0], $0xffff  }
0x210: {  	v27 =	vadd.f32 v27, v24;
	v32 =	vmul.bf16 v37, v44;
	v24 =	vor.u32 s8, v58;
	v22 =	vld.idx.msk [tilespmem:v34+s22+$0x0], $0xffff  }
0x211: {  	v26 =	vshll.u32 v26, $0x10;
	v36 =	vand.u32 $0xFFFF0000, v31;
	v34 =	vadd.f32 v42, v38;
	v25 =	vld.idx.msk [tilespmem:v20+s20+$0x0], $0xffff  }
0x212: {  	_ =	sdelay $0x3  }
0x213: {  	v31 =	vshll.u32 v31, $0x10;
	v37 =	vld.idx.msk [tilespmem:v18+s22+$0x0], $0xffff  }
0x214: {  	v33 =	vadd.f32 v36, v33;
	v30 =	vadd.f32 v30, v35;
	v20 =	vld.idx.msk [tilespmem:v20+s22+$0x0], $0xffff;
	v60 =	vor.u32 s8, v60  }
0x215: {  	v61 =	vshll.u32 v29, $0x10;
	v38 =	vand.u32 $0xFFFF0000, v32;
	v29 =	vand.u32 $0xFFFF0000, v29;
	v18 =	vld.idx.msk [tilespmem:v18+s20+$0x0], $0xffff  }
0x216: {  	v62 =	vshll.u32 v32, $0x10;
	v39 =	vor.u32 s8, v51;
	v40 =	vld.idx.msk [tilespmem:v24+s22+$0x0], $0xffff;
	v13 =	vmul.bf16 v15, v13  }
0x217: {  	v41 =	vld.idx.msk [tilespmem:v19+s22+$0x0], $0xffff;
	v31 =	vadd.f32 v31, v34;
	v27 =	vadd.f32 v62, v27;
	v17 =	vmul.bf16 v17, v21  }
0x218: {  	v19 =	vld.idx.msk [tilespmem:v19+s20+$0x0], $0xffff;
	v23 =	vmul.bf16 v23, v28;
	v30 =	vadd.f32 v38, v30;
	v29 =	vadd.f32 v29, v33  }
0x219: {  	v21 =	vld.idx.msk [tilespmem:v24+s20+$0x0], $0xffff;
	v28 =	vor.u32 s8, v4;
	v31 =	vadd.f32 v61, v31;
	v24 =	vadd.f32 v26, v27  }
0x21a: {  	v15 =	vmul.bf16 v22, v16;
	v27 =	vand.u32 $0xFFFF0000, v13;
	v13 =	vshll.u32 v13, $0x10  }
0x21b: {  	v46 =	vand.u32 $0xFFFF0000, v17;
	v17 =	vshll.u32 v17, $0x10;
	v16 =	vand.u32 $0xFFFF0000, v23;
	v26 =	vld.idx.msk [tilespmem:v60+s22+$0x0], $0xffff  }
0x21c: {  	v23 =	vshll.u32 v23, $0x10;
	v14 =	vadd.f32 v14, v30;
	v29 =	vadd.f32 v46, v29;
	v22 =	vld.idx.msk [tilespmem:v60+s20+$0x0], $0xffff  }
0x21d: {  	v20 =	vmul.bf16 v20, v25;
	v18 =	vmul.bf16 v37, v18;
	v42 =	vld.idx.msk [tilespmem:v39+s20+$0x0], $0xffff;
	v44 =	vshll.u32 v15, $0x10  }
0x21e: {  	v30 =	vld.idx.msk [tilespmem:v39+s22+$0x0], $0xffff;
	v15 =	vand.u32 $0xFFFF0000, v15;
	v19 =	vmul.bf16 v41, v19;
	v17 =	vadd.f32 v17, v31  }
0x21f: {  	v21 =	vmul.bf16 v40, v21;
	v14 =	vadd.f32 v16, v14;
	v25 =	vand.u32 $0xFFFF0000, v20;
	v45 =	vld.idx.msk [tilespmem:v28+s22+$0x0], $0xffff  }
0x220: {  	v43 =	vand.u32 $0xFFFF0000, v18;
	v20 =	vshll.u32 v20, $0x10;
	v18 =	vshll.u32 v18, $0x10;
	v28 =	vld.idx.msk [tilespmem:v28+s20+$0x0], $0xffff  }
0x221: {  	v34 =	vand.u32 $0xFFFF0000, v21;
	v16 =	vshll.u32 v21, $0x10;
	v21 =	vadd.f32 v23, v24  }
0x222: {  	v23 =	vand.u32 $0xFFFF0000, v19;
	v17 =	vadd.f32 v20, v17;
	v20 =	vadd.f32 v25, v29  }
0x223: {  	v14 =	vadd.f32 v43, v14;
	v22 =	vmul.bf16 v26, v22;
	v18 =	vadd.f32 v18, v21  }
0x224: {  	v25 =	vmul.bf16 v30, v42;
	v20 =	vadd.f32 v27, v20;
	v13 =	vadd.f32 v13, v17  }
0x225: {  	v14 =	vadd.f32 v15, v14;
	v24 =	vmul.bf16 v45, v28;
	v26 =	vshll.u32 v22, $0x10  }
0x226: {  	v15 =	vadd.f32 v44, v18;
	v18 =	vshll.u32 v19, $0x10;
	v19 =	vadd.f32 v34, v20  }
0x227: {  	v17 =	vand.u32 $0xFFFF0000, v25;
	v13 =	vadd.f32 v16, v13;
	v14 =	vadd.f32 v23, v14  }
0x228: {  	v16 =	vshll.u32 v25, $0x10;
	v21 =	vand.u32 $0xFFFF0000, v24;
	v15 =	vadd.f32 v18, v15  }
0x229: {  	v18 =	vshll.u32 v24, $0x10;
	v17 =	vadd.f32 v17, v19;
	v13 =	vadd.f32 v16, v13  }
0x22a: {  	v16 =	vand.u32 $0xFFFF0000, v22;
	v14 =	vadd.f32 v21, v14;
	v15 =	vadd.f32 v18, v15  }
0x22b: {  	v16 =	vadd.f32 v16, v17;
	v13 =	vadd.f32 v26, v13;
	_ =	sdelay $0x1  }
0x22c: {  	v13 =	vadd.f32 v13, v16;
	v14 =	vadd.f32 v15, v14;
	_ =	sdelay $0x1  }
0x22d: {  	v13 =	vadd.f32 v14, v13;
	_ =	sdelay $0x1  }
0x22e: {  	v13 =	vsub.f32 $0.0e+00, v13;
	_ =	sdelay $0x1  }
0x22f: {  	v13 =	vmul.f32 $1.442695020e+00, v13;
	_ =	sdelay $0x1  }
0x230: {  	(erf) = vpow2.f32 v13;
	_ =	sdelay $0x8  }
0x231: {  	v13 =	vpop (erf)  }
0x232: {  	v13 =	vadd.f32 $1.000000000e+00, v13;
	_ =	sdelay $0x1  }
0x233: {  	v51 =	vld [tilespmem:$0x1FC30];
	(erf) = vrcp.f32 v13  }
0x234: {  	v53 =	vld [tilespmem:$0x1FC60]  }
0x235: {  	v56 =	vld [tilespmem:$0x1FC90]  }
0x236: {  	v52 =	vld [tilespmem:$0x1FC50]  }
0x237: {  	v54 =	vld [tilespmem:$0x1FC70]  }
0x238: {  	v58 =	vld [tilespmem:$0x1FCB0];
	s8 =	simm.s32 $0x0  }
0x239: {  	v55 =	vld [tilespmem:$0x1FC80];
	v13 =	vor.u32 s8, v12  }
0x23a: {  	v57 =	vld [tilespmem:$0x1FCA0];
	v14 =	vor.u32 s8, v1  }
0x23b: {  	v59 =	vld [tilespmem:$0x1FCC0];
	v15 =	vor.u32 s8, v3  }
0x23c: {  	v60 =	vld [tilespmem:$0x1FC20];
	v17 =	vor.u32 s8, v51;
	v16 =	vpop (erf)  }
0x23d: {  	v62 =	vld [tilespmem:$0x1FC40];
	[tilespmem:$0xED80] =	vst v16  }
0x23e: {  	v19 =	vld.idx.msk [tilespmem:v13+s22+$0x0], $0xffff  }
0x23f: {  	v21 =	vld.idx.msk [tilespmem:v14+s22+$0x0], $0xffff  }
0x240: {  	v18 =	vld.idx.msk [tilespmem:v15+s22+$0x0], $0xffff  }
0x241: {  	v26 =	vor.u32 s8, v60;
	v22 =	vld.idx.msk [tilespmem:v17+s20+$0x0], $0xffff  }
0x242: {  	v16 =	vor.u32 s8, v2;
	v20 =	vld.idx.msk [tilespmem:v15+s20+$0x0], $0xffff  }
0x243: {  	v23 =	vld.idx.msk [tilespmem:v17+s22+$0x0], $0xffff  }
0x244: {  	v25 =	vor.u32 s8, v56;
	v14 =	vld.idx.msk [tilespmem:v14+s20+$0x0], $0xffff  }
0x245: {  	v15 =	vor.u32 s8, v53;
	v27 =	vld.idx.msk [tilespmem:v13+s20+$0x0], $0xffff  }
0x246: {  	v17 =	vld.idx.msk [tilespmem:v26+s22+$0x0], $0xffff  }
0x247: {  	v28 =	vor.u32 s8, v52;
	v24 =	vld.idx.msk [tilespmem:v16+s20+$0x0], $0xffff  }
0x248: {  	v47 =	vld.idx.msk [tilespmem:v16+s22+$0x0], $0xffff  }
0x249: {  	v16 =	vld.idx.msk [tilespmem:v25+s20+$0x0], $0xffff  }
0x24a: {  	v13 =	vld.idx.msk [tilespmem:v15+s20+$0x0], $0xffff  }
0x24b: {  	v15 =	vld.idx.msk [tilespmem:v15+s22+$0x0], $0xffff  }
0x24c: {  	v29 =	vmul.bf16 v18, v20;
	v20 =	vor.u32 s8, v62;
	v61 =	vmul.bf16 v23, v22;
	v23 =	vld.idx.msk [tilespmem:v28+s22+$0x0], $0xffff  }
0x24d: {  	v35 =	vimm.f32 $0.0e+00;
	v33 =	vimm.f32 $0.0e+00;
	v18 =	vor.u32 s8, v54;
	v28 =	vld.idx.msk [tilespmem:v28+s20+$0x0], $0xffff  }
0x24e: {  	v22 =	vshll.u32 v29, $0x10;
	v30 =	vand.u32 $0xFFFF0000, v29;
	v29 =	vmul.bf16 v21, v14;
	v21 =	vld.idx.msk [tilespmem:v26+s20+$0x0], $0xffff  }
0x24f: {  	v31 =	vmul.bf16 v19, v27;
	v14 =	vand.u32 $0xFFFF0000, v61;
	v26 =	vshll.u32 v61, $0x10;
	v61 =	vld [tilespmem:$0x1FCD0]  }
0x250: {  	v27 =	vadd.f32 v22, v33;
	v22 =	vld.idx.msk [tilespmem:v25+s22+$0x0], $0xffff;
	v32 =	vmul.bf16 v47, v24;
	v24 =	vor.u32 s8, v55  }
0x251: {  	s9 =	simm.s32 $0x10;
	v34 =	vimm.f32 $0.0e+00;
	v19 =	vor.u32 s8, v58;
	v36 =	vand.u32 $0xFFFF0000, v31;
	v25 =	vld.idx.msk [tilespmem:v20+s20+$0x0], $0xffff  }
.LBB2_8:
0x252: {  	p2 =	sne.s32 s9, $0x30;
	v31 =	vshll.u32 v31, $0x10;
	v33 =	vadd.f32 v36, v33;
	v30 =	vadd.f32 v30, v35;
	v35 =	vld.idx.msk [tilespmem:v18+s22+$0x0], $0xffff;
	s10 =	smov.u32 s9;
	s9 =	sadd.s32 $0x10, s9  }
0x253: {  	v36 =	vshll.u32 v29, $0x10;
	v37 =	vand.u32 $0xFFFF0000, v32;
	v38 =	vor.u32 s8, v59;
	v20 =	vld.idx.msk [tilespmem:v20+s22+$0x0], $0xffff  }
0x254: {  	v29 =	vand.u32 $0xFFFF0000, v29;
	v32 =	vshll.u32 v32, $0x10;
	v39 =	vor.u32 s8, v57;
	v18 =	vld.idx.msk [tilespmem:v18+s20+$0x0], $0xffff  }
0x255: {  	v31 =	vadd.f32 v31, v34;
	v34 =	vor.u32 s8, v61;
	s8 =	smov.u32 s10;
	v23 =	vmul.bf16 v23, v28;
	v28 =	vld.idx.msk [tilespmem:v24+s22+$0x0], $0xffff  }
0x256: {  	v27 =	vadd.f32 v32, v27;
	v40 =	vor.u32 s8, v12;
	v41 =	vor.u32 s8, v3;
	v32 =	vld.idx.msk [tilespmem:v19+s22+$0x0], $0xffff  }
0x257: {  	v17 =	vmul.bf16 v17, v21;
	v30 =	vadd.f32 v37, v30;
	v31 =	vadd.f32 v36, v31;
	v21 =	vld.idx.msk [tilespmem:v24+s20+$0x0], $0xffff  }
0x258: {  	v26 =	vadd.f32 v26, v27;
	v16 =	vmul.bf16 v22, v16;
	v24 =	vor.u32 s8, v1;
	v22 =	vld.idx.msk [tilespmem:v38+s22+$0x0], $0xffff  }
0x259: {  	v13 =	vmul.bf16 v15, v13;
	v20 =	vmul.bf16 v20, v25;
	v25 =	vand.u32 $0xFFFF0000, v23;
	v15 =	vld.idx.msk [tilespmem:v19+s20+$0x0], $0xffff  }
0x25a: {  	v27 =	vor.u32 s8, v51;
	v19 =	vor.u32 s8, v2;
	v18 =	vmul.bf16 v35, v18;
	v35 =	vld.idx.msk [tilespmem:v38+s20+$0x0], $0xffff  }
0x25b: {  	v37 =	vand.u32 $0xFFFF0000, v13;
	v36 =	vand.u32 $0xFFFF0000, v20;
	v38 =	vshll.u32 v13, $0x10;
	v13 =	vld.idx.msk [tilespmem:v39+s20+$0x0], $0xffff  }
0x25c: {  	v43 =	vshll.u32 v16, $0x10;
	v23 =	vshll.u32 v23, $0x10;
	v42 =	vand.u32 $0xFFFF0000, v18;
	v44 =	vld.idx.msk [tilespmem:v34+s22+$0x0], $0xffff  }
0x25d: {  	v29 =	vadd.f32 v29, v33;
	v20 =	vshll.u32 v20, $0x10;
	v21 =	vmul.bf16 v28, v21;
	v28 =	vld.idx.msk [tilespmem:v39+s22+$0x0], $0xffff  }
0x25e: {  	v33 =	vand.u32 $0xFFFF0000, v17;
	v16 =	vand.u32 $0xFFFF0000, v16;
	v18 =	vshll.u32 v18, $0x10;
	v34 =	vld.idx.msk [tilespmem:v34+s20+$0x0], $0xffff  }
0x25f: {  	v14 =	vadd.f32 v14, v30;
	v30 =	vand.u32 $0xFFFF0000, v21;
	v21 =	vshll.u32 v21, $0x10;
	v39 =	vld.idx.msk [tilespmem:v40+s22+$0x0], $0xffff  }
0x260: {  	v17 =	vshll.u32 v17, $0x10;
	v29 =	vadd.f32 v33, v29;
	v32 =	vmul.bf16 v32, v15;
	v45 =	vld.idx.msk [tilespmem:v24+s22+$0x0], $0xffff  }
0x261: {  	v14 =	vadd.f32 v25, v14;
	v23 =	vadd.f32 v23, v26;
	v22 =	vmul.bf16 v22, v35;
	v15 =	vld.idx.msk [tilespmem:v41+s22+$0x0], $0xffff  }
0x262: {  	v17 =	vadd.f32 v17, v31;
	v25 =	vor.u32 s8, v60;
	v31 =	vand.u32 $0xFFFF0000, v32;
	v26 =	vld.idx.msk [tilespmem:v27+s20+$0x0], $0xffff  }
0x263: {  	v14 =	vadd.f32 v42, v14;
	v35 =	vor.u32 s8, v53;
	v33 =	vld.idx.msk [tilespmem:v41+s20+$0x0], $0xffff;
	v41 =	vor.u32 s8, v52  }
0x264: {  	v42 =	vshll.u32 v22, $0x10;
	v28 =	vmul.bf16 v28, v13;
	v13 =	vmul.bf16 v44, v34;
	v27 =	vld.idx.msk [tilespmem:v27+s22+$0x0], $0xffff  }
0x265: {  	v23 =	vadd.f32 v18, v23;
	v22 =	vand.u32 $0xFFFF0000, v22;
	v34 =	vor.u32 s8, v56;
	v24 =	vld.idx.msk [tilespmem:v24+s20+$0x0], $0xffff  }
0x266: {  	v17 =	vadd.f32 v20, v17;
	v46 =	vand.u32 $0xFFFF0000, v13;
	v47 =	vshll.u32 v13, $0x10;
	v44 =	vld.idx.msk [tilespmem:v19+s20+$0x0], $0xffff  }
0x267: {  	v20 =	vor.u32 s8, v62;
	v29 =	vadd.f32 v36, v29;
	v36 =	vand.u32 $0xFFFF0000, v28;
	v40 =	vld.idx.msk [tilespmem:v40+s20+$0x0], $0xffff  }
0x268: {  	v18 =	vor.u32 s8, v54;
	v14 =	vadd.f32 v16, v14;
	v23 =	vadd.f32 v43, v23;
	v13 =	vld.idx.msk [tilespmem:v35+s20+$0x0], $0xffff  }
0x269: {  	v29 =	vadd.f32 v37, v29;
	v33 =	vmul.bf16 v15, v33;
	v15 =	vld.idx.msk [tilespmem:v35+s22+$0x0], $0xffff;
	v35 =	vadd.f32 v38, v17  }
0x26a: {  	v14 =	vadd.f32 v31, v14;
	v26 =	vmul.bf16 v27, v26;
	v37 =	vld.idx.msk [tilespmem:v19+s22+$0x0], $0xffff;
	v19 =	vshll.u32 v32, $0x10  }
0x26b: {  	v29 =	vadd.f32 v30, v29;
	v28 =	vshll.u32 v28, $0x10;
	v27 =	vshll.u32 v33, $0x10;
	v16 =	vld.idx.msk [tilespmem:v34+s20+$0x0], $0xffff  }
0x26c: {  	v30 =	vand.u32 $0xFFFF0000, v33;
	v32 =	vadd.f32 v21, v35;
	v19 =	vadd.f32 v19, v23;
	v17 =	vld.idx.msk [tilespmem:v25+s22+$0x0], $0xffff  }
.Ltmp3:
0x26d: {  	v33 =	vadd.f32 v36, v29;
	v35 =	vadd.f32 v46, v14;
	v31 =	vmul.bf16 v39, v40;
	v23 =	vld.idx.msk [tilespmem:v41+s22+$0x0], $0xffff;
	(pc) =	sbr.rel @p2 .LBB2_8-.Ltmp3, $4  }
0x26e: {  	v29 =	vmul.bf16 v45, v24;
	v38 =	vadd.f32 v28, v32;
	v24 =	vadd.f32 v47, v19;
	v21 =	vld.idx.msk [tilespmem:v25+s20+$0x0], $0xffff  }
0x26f: {  	v14 =	vand.u32 $0xFFFF0000, v26;
	v33 =	vadd.f32 v22, v33;
	v19 =	vor.u32 s8, v58;
	v28 =	vld.idx.msk [tilespmem:v41+s20+$0x0], $0xffff  }
0x270: {  	v27 =	vadd.f32 v27, v24;
	v32 =	vmul.bf16 v37, v44;
	v24 =	vor.u32 s8, v55;
	v22 =	vld.idx.msk [tilespmem:v34+s22+$0x0], $0xffff  }
0x271: {  	v26 =	vshll.u32 v26, $0x10;
	v36 =	vand.u32 $0xFFFF0000, v31;
	v34 =	vadd.f32 v42, v38;
	v25 =	vld.idx.msk [tilespmem:v20+s20+$0x0], $0xffff  }
0x272: {  	_ =	sdelay $0x3  }
0x273: {  	v31 =	vshll.u32 v31, $0x10;
	v37 =	vld.idx.msk [tilespmem:v18+s22+$0x0], $0xffff  }
0x274: {  	v33 =	vadd.f32 v36, v33;
	v30 =	vadd.f32 v30, v35;
	v20 =	vld.idx.msk [tilespmem:v20+s22+$0x0], $0xffff;
	v53 =	vor.u32 s8, v59  }
0x275: {  	v54 =	vshll.u32 v29, $0x10;
	v38 =	vand.u32 $0xFFFF0000, v32;
	v29 =	vand.u32 $0xFFFF0000, v29;
	v18 =	vld.idx.msk [tilespmem:v18+s20+$0x0], $0xffff  }
0x276: {  	v55 =	vshll.u32 v32, $0x10;
	v39 =	vor.u32 s8, v57;
	v56 =	vld.idx.msk [tilespmem:v24+s22+$0x0], $0xffff;
	v13 =	vmul.bf16 v15, v13  }
0x277: {  	v57 =	vld.idx.msk [tilespmem:v19+s22+$0x0], $0xffff;
	v31 =	vadd.f32 v31, v34;
	v27 =	vadd.f32 v55, v27;
	v17 =	vmul.bf16 v17, v21  }
0x278: {  	v19 =	vld.idx.msk [tilespmem:v19+s20+$0x0], $0xffff;
	v23 =	vmul.bf16 v23, v28;
	v30 =	vadd.f32 v38, v30;
	v29 =	vadd.f32 v29, v33  }
0x279: {  	v21 =	vld.idx.msk [tilespmem:v24+s20+$0x0], $0xffff;
	v28 =	vor.u32 s8, v61;
	v31 =	vadd.f32 v54, v31;
	v24 =	vadd.f32 v26, v27  }
0x27a: {  	v15 =	vmul.bf16 v22, v16;
	v27 =	vand.u32 $0xFFFF0000, v13;
	v13 =	vshll.u32 v13, $0x10  }
0x27b: {  	v62 =	vand.u32 $0xFFFF0000, v17;
	v17 =	vshll.u32 v17, $0x10;
	v16 =	vand.u32 $0xFFFF0000, v23;
	v26 =	vld.idx.msk [tilespmem:v53+s22+$0x0], $0xffff  }
0x27c: {  	v23 =	vshll.u32 v23, $0x10;
	v14 =	vadd.f32 v14, v30;
	v29 =	vadd.f32 v62, v29;
	v22 =	vld.idx.msk [tilespmem:v53+s20+$0x0], $0xffff  }
0x27d: {  	v20 =	vmul.bf16 v20, v25;
	v18 =	vmul.bf16 v37, v18;
	v58 =	vld.idx.msk [tilespmem:v39+s20+$0x0], $0xffff;
	v60 =	vshll.u32 v15, $0x10  }
0x27e: {  	v30 =	vld.idx.msk [tilespmem:v39+s22+$0x0], $0xffff;
	v15 =	vand.u32 $0xFFFF0000, v15;
	v19 =	vmul.bf16 v57, v19;
	v17 =	vadd.f32 v17, v31  }
0x27f: {  	v21 =	vmul.bf16 v56, v21;
	v14 =	vadd.f32 v16, v14;
	v25 =	vand.u32 $0xFFFF0000, v20;
	v61 =	vld.idx.msk [tilespmem:v28+s22+$0x0], $0xffff  }
0x280: {  	v59 =	vand.u32 $0xFFFF0000, v18;
	v20 =	vshll.u32 v20, $0x10;
	v18 =	vshll.u32 v18, $0x10;
	v28 =	vld.idx.msk [tilespmem:v28+s20+$0x0], $0xffff  }
0x281: {  	v34 =	vand.u32 $0xFFFF0000, v21;
	v16 =	vshll.u32 v21, $0x10;
	v21 =	vadd.f32 v23, v24  }
0x282: {  	v23 =	vand.u32 $0xFFFF0000, v19;
	v17 =	vadd.f32 v20, v17;
	v20 =	vadd.f32 v25, v29  }
0x283: {  	v14 =	vadd.f32 v59, v14;
	v22 =	vmul.bf16 v26, v22;
	v18 =	vadd.f32 v18, v21  }
0x284: {  	v25 =	vmul.bf16 v30, v58;
	v20 =	vadd.f32 v27, v20;
	v13 =	vadd.f32 v13, v17  }
0x285: {  	v14 =	vadd.f32 v15, v14;
	v24 =	vmul.bf16 v61, v28;
	v26 =	vshll.u32 v22, $0x10  }
0x286: {  	v15 =	vadd.f32 v60, v18;
	v18 =	vshll.u32 v19, $0x10;
	v19 =	vadd.f32 v34, v20  }
0x287: {  	v17 =	vand.u32 $0xFFFF0000, v25;
	v13 =	vadd.f32 v16, v13;
	v14 =	vadd.f32 v23, v14  }
0x288: {  	v16 =	vshll.u32 v25, $0x10;
	v21 =	vand.u32 $0xFFFF0000, v24;
	v15 =	vadd.f32 v18, v15  }
0x289: {  	v18 =	vshll.u32 v24, $0x10;
	v17 =	vadd.f32 v17, v19;
	v13 =	vadd.f32 v16, v13  }
0x28a: {  	v16 =	vand.u32 $0xFFFF0000, v22;
	v14 =	vadd.f32 v21, v14;
	v15 =	vadd.f32 v18, v15  }
0x28b: {  	v16 =	vadd.f32 v16, v17;
	v13 =	vadd.f32 v26, v13;
	_ =	sdelay $0x1  }
0x28c: {  	v13 =	vadd.f32 v13, v16;
	v14 =	vadd.f32 v15, v14;
	_ =	sdelay $0x1  }
0x28d: {  	v13 =	vadd.f32 v14, v13;
	_ =	sdelay $0x1  }
0x28e: {  	v13 =	vsub.f32 $0.0e+00, v13;
	_ =	sdelay $0x1  }
0x28f: {  	v13 =	vmul.f32 $1.442695020e+00, v13;
	_ =	sdelay $0x1  }
0x290: {  	(erf) = vpow2.f32 v13;
	_ =	sdelay $0x8  }
0x291: {  	v13 =	vpop (erf)  }
0x292: {  	v41 =	vld [tilespmem:$0x1FF50];
	v13 =	vadd.f32 $1.000000000e+00, v13  }
0x293: {  	v40 =	vld [tilespmem:$0x1FF40]  }
0x294: {  	v43 =	vld [tilespmem:$0x1FF70];
	(erf) = vrcp.f32 v13  }
0x295: {  	v39 =	vld [tilespmem:$0x1FF30]  }
0x296: {  	v42 =	vld [tilespmem:$0x1FF60]  }
0x297: {  	v45 =	vld [tilespmem:$0x1FF90]  }
0x298: {  	v44 =	vld [tilespmem:$0x1FF80]  }
0x299: {  	v52 =	vld [tilespmem:$0x1FCE0];
	s8 =	simm.s32 $0x0  }
0x29a: {  	v47 =	vld [tilespmem:$0x1FFB0];
	v14 =	vor.u32 s8, v39  }
0x29b: {  	v46 =	vld [tilespmem:$0x1FFA0]  }
0x29c: {  	v51 =	vld [tilespmem:$0x1FFC0];
	v15 =	vor.u32 s8, v41  }
0x29d: {  	v55 =	vld [tilespmem:$0x1FD20];
	v16 =	vpop (erf)  }
0x29e: {  	v54 =	vld [tilespmem:$0x1FD10];
	v18 =	vor.u32 s8, v40;
	[tilespmem:$0xED90] =	vst v16  }
0x29f: {  	v17 =	vld.idx.msk [tilespmem:v14+s22+$0x0], $0xffff  }
0x2a0: {  	v20 =	vor.u32 s8, v43;
	v14 =	vld.idx.msk [tilespmem:v14+s20+$0x0], $0xffff  }
0x2a1: {  	v19 =	vld.idx.msk [tilespmem:v15+s22+$0x0], $0xffff  }
0x2a2: {  	v24 =	vor.u32 s8, v45;
	v15 =	vld.idx.msk [tilespmem:v15+s20+$0x0], $0xffff  }
0x2a3: {  	v13 =	vor.u32 $0x800, v48;
	v23 =	vld.idx.msk [tilespmem:v18+s20+$0x0], $0xffff  }
0x2a4: {  	v16 =	vor.u32 s8, v13;
	v18 =	vld.idx.msk [tilespmem:v18+s22+$0x0], $0xffff  }
0x2a5: {  	v26 =	vld.idx.msk [tilespmem:v20+s20+$0x0], $0xffff  }
0x2a6: {  	v21 =	vor.u32 s8, v42;
	v20 =	vld.idx.msk [tilespmem:v20+s22+$0x0], $0xffff  }
0x2a7: {  	v56 =	vld.idx.msk [tilespmem:v24+s20+$0x0], $0xffff  }
0x2a8: {  	v24 =	vld.idx.msk [tilespmem:v24+s22+$0x0], $0xffff  }
0x2a9: {  	v22 =	vld.idx.msk [tilespmem:v16+s20+$0x0], $0xffff  }
0x2aa: {  	v25 =	vor.u32 s8, v44;
	v16 =	vld.idx.msk [tilespmem:v16+s22+$0x0], $0xffff  }
0x2ab: {  	v38 =	vor.u32 s8, v47;
	v57 =	vor.u32 s8, v46;
	v27 =	vld.idx.msk [tilespmem:v21+s22+$0x0], $0xffff;
	v14 =	vmul.bf16 v17, v14  }
0x2ac: {  	v28 =	vor.u32 s8, v52;
	v17 =	vld.idx.msk [tilespmem:v21+s20+$0x0], $0xffff;
	v15 =	vmul.bf16 v19, v15;
	v18 =	vmul.bf16 v18, v23  }
0x2ad: {  	v62 =	vld [tilespmem:$0x1FCF0];
	v21 =	vimm.f32 $0.0e+00;
	v20 =	vmul.bf16 v20, v26;
	v33 =	vmul.bf16 v24, v56  }
0x2ae: {  	v53 =	vld [tilespmem:$0x1FD00];
	v30 =	vand.u32 $0xFFFF0000, v15;
	v58 =	vshll.u32 v15, $0x10;
	v31 =	vshll.u32 v18, $0x10  }
0x2af: {  	v26 =	vld.idx.msk [tilespmem:v25+s20+$0x0], $0xffff;
	v19 =	vmul.bf16 v16, v22;
	v16 =	vand.u32 $0xFFFF0000, v14;
	v14 =	vshll.u32 v14, $0x10  }
0x2b0: {  	v24 =	vld.idx.msk [tilespmem:v38+s22+$0x0], $0xffff;
	v59 =	vshll.u32 v20, $0x10;
	v29 =	vadd.f32 v16, v21;
	v14 =	vadd.f32 v14, v21  }
0x2b1: {  	v15 =	vld.idx.msk [tilespmem:v28+s20+$0x0], $0xffff;
	v23 =	vmul.bf16 v27, v17;
	v22 =	vshll.u32 v19, $0x10;
	v19 =	vand.u32 $0xFFFF0000, v19  }
0x2b2: {  	v16 =	vld.idx.msk [tilespmem:v25+s22+$0x0], $0xffff;
	v22 =	vadd.f32 v22, v21;
	v19 =	vadd.f32 v19, v21;
	v21 =	vor.u32 s8, v51  }
0x2b3: {  	v17 =	vld.idx.msk [tilespmem:v28+s22+$0x0], $0xffff;
	v27 =	vand.u32 $0xFFFF0000, v18;
	v29 =	vadd.f32 v30, v29;
	v30 =	vand.u32 $0xFFFF0000, v23  }
0x2b4: {  	v18 =	vld.idx.msk [tilespmem:v57+s22+$0x0], $0xffff;
	v14 =	vadd.f32 v58, v14;
	v28 =	vadd.f32 v27, v19;
	v19 =	vand.u32 $0xFFFF0000, v20  }
0x2b5: {  	v27 =	vshll.u32 v23, $0x10;
	v23 =	vld.idx.msk [tilespmem:v57+s20+$0x0], $0xffff;
	v25 =	vadd.f32 v19, v29;
	v29 =	vor.u32 s8, v53  }
0x2b6: {  	s9 =	simm.s32 $0x10;
	v20 =	vld.idx.msk [tilespmem:v38+s20+$0x0], $0xffff;
	v32 =	vadd.f32 v59, v14;
	v19 =	vor.u32 s8, v62  }
.LBB2_10:
0x2b7: {  	v14 =	vor.u32 s9, v52;
	p2 =	sne.s32 s9, $0x30;
	v22 =	vadd.f32 v31, v22;
	v31 =	vld.idx.msk [tilespmem:v21+s22+$0x0], $0xffff;
	v34 =	vor.u32 s8, v54;
	s10 =	smov.u32 s9;
	s9 =	sadd.s32 $0x10, s9  }
0x2b8: {  	v28 =	vadd.f32 v30, v28;
	v16 =	vmul.bf16 v16, v26;
	v26 =	vand.u32 $0xFFFF0000, v33;
	v21 =	vld.idx.msk [tilespmem:v21+s20+$0x0], $0xffff  }
0x2b9: {  	v30 =	vor.u32 s8, v55;
	s8 =	smov.u32 s10;
	v22 =	vadd.f32 v27, v22;
	v27 =	vshll.u32 v33, $0x10  }
0x2ba: {  	v15 =	vmul.bf16 v17, v15;
	v33 =	vand.u32 $0xFFFF0000, v16;
	v27 =	vadd.f32 v27, v32;
	v17 =	vld.idx.msk [tilespmem:v29+s20+$0x0], $0xffff  }
0x2bb: {  	v25 =	vadd.f32 v26, v25;
	v18 =	vmul.bf16 v18, v23;
	v23 =	vld.idx.msk [tilespmem:v29+s22+$0x0], $0xffff  }
0x2bc: {  	v26 =	vor.u32 s8, v13;
	v32 =	vshll.u32 v15, $0x10;
	v29 =	vor.u32 s8, v39;
	v35 =	vld.idx.msk [tilespmem:v19+s22+$0x0], $0xffff  }
0x2bd: {  	v16 =	vshll.u32 v16, $0x10;
	v36 =	vand.u32 $0xFFFF0000, v18;
	v20 =	vmul.bf16 v24, v20;
	v19 =	vld.idx.msk [tilespmem:v19+s20+$0x0], $0xffff  }
0x2be: {  	v28 =	vadd.f32 v33, v28;
	v24 =	vor.u32 s8, v41;
	v21 =	vmul.bf16 v31, v21;
	v31 =	vld.idx.msk [tilespmem:v30+s20+$0x0], $0xffff  }
0x2bf: {  	v18 =	vshll.u32 v18, $0x10;
	v33 =	vand.u32 $0xFFFF0000, v20;
	v20 =	vshll.u32 v20, $0x10;
	v30 =	vld.idx.msk [tilespmem:v30+s22+$0x0], $0xffff  }
0x2c0: {  	v16 =	vadd.f32 v16, v22;
	v20 =	vadd.f32 v20, v27;
	v22 =	vshll.u32 v21, $0x10;
	v27 =	vld.idx.msk [tilespmem:v34+s20+$0x0], $0xffff  }
0x2c1: {  	v15 =	vand.u32 $0xFFFF0000, v15;
	v25 =	vadd.f32 v33, v25;
	v17 =	vmul.bf16 v23, v17;
	v23 =	vld.idx.msk [tilespmem:v34+s22+$0x0], $0xffff  }
0x2c2: {  	v16 =	vadd.f32 v18, v16;
	v18 =	vand.u32 $0xFFFF0000, v21;
	v34 =	vor.u32 s8, v40;
	v33 =	vld.idx.msk [tilespmem:v29+s22+$0x0], $0xffff  }
0x2c3: {  	v15 =	vadd.f32 v15, v25;
	v20 =	vadd.f32 v32, v20;
	v19 =	vmul.bf16 v35, v19;
	v21 =	vld.idx.msk [tilespmem:v29+s20+$0x0], $0xffff  }
0x2c4: {  	v28 =	vadd.f32 v36, v28;
	v32 =	vand.u32 $0xFFFF0000, v17;
	v29 =	vor.u32 s8, v43;
	v25 =	vld.idx.msk [tilespmem:v24+s22+$0x0], $0xffff  }
0x2c5: {  	v16 =	vadd.f32 v22, v16;
	v35 =	vor.u32 s8, v42;
	v17 =	vshll.u32 v17, $0x10;
	v24 =	vld.idx.msk [tilespmem:v24+s20+$0x0], $0xffff  }
0x2c6: {  	v15 =	vadd.f32 v32, v15;
	v36 =	vand.u32 $0xFFFF0000, v19;
	v19 =	vshll.u32 v19, $0x10;
	v22 =	vld.idx.msk [tilespmem:v26+s20+$0x0], $0xffff  }
0x2c7: {  	v18 =	vadd.f32 v18, v28;
	v23 =	vmul.bf16 v23, v27;
	v27 =	vmul.bf16 v30, v31;
	v26 =	vld.idx.msk [tilespmem:v26+s22+$0x0], $0xffff  }
0x2c8: {  	v17 =	vadd.f32 v17, v20;
	v16 =	vadd.f32 v19, v16;
	v30 =	vor.u32 s8, v45;
	v28 =	vld.idx.msk [tilespmem:v34+s20+$0x0], $0xffff  }
0x2c9: {  	v20 =	vor.u32 s8, v44;
	v31 =	vand.u32 $0xFFFF0000, v23;
	v23 =	vshll.u32 v23, $0x10;
	v19 =	vld.idx.msk [tilespmem:v34+s22+$0x0], $0xffff  }
0x2ca: {  	v18 =	vadd.f32 v36, v18;
	v34 =	vand.u32 $0xFFFF0000, v27;
	v27 =	vshll.u32 v27, $0x10;
	v32 =	vld.idx.msk [tilespmem:v29+s20+$0x0], $0xffff  }
0x2cb: {  	v21 =	vmul.bf16 v33, v21;
	v23 =	vadd.f32 v23, v16;
	v15 =	vadd.f32 v34, v15;
	v33 =	vld.idx.msk [tilespmem:v35+s22+$0x0], $0xffff  }
0x2cc: {  	v16 =	vmul.bf16 v25, v24;
	v34 =	vor.u32 s8, v47;
	v17 =	vadd.f32 v27, v17;
	v24 =	vld.idx.msk [tilespmem:v35+s20+$0x0], $0xffff  }
0x2cd: {  	v18 =	vadd.f32 v31, v18;
	v25 =	vand.u32 $0xFFFF0000, v21;
	v22 =	vmul.bf16 v26, v22;
	v26 =	vld.idx.msk [tilespmem:v29+s22+$0x0], $0xffff  }
0x2ce: {  	v21 =	vshll.u32 v21, $0x10;
	v15 =	vadd.f32 v25, v15;
	v25 =	vor.u32 s8, v46;
	v35 =	vld.idx.msk [tilespmem:v30+s20+$0x0], $0xffff  }
0x2cf: {  	v36 =	vshll.u32 v16, $0x10;
	v29 =	vand.u32 $0xFFFF0000, v16;
	v27 =	vshll.u32 v22, $0x10;
	v16 =	vld.idx.msk [tilespmem:v20+s22+$0x0], $0xffff  }
0x2d0: {  	v37 =	vadd.f32 v21, v17;
	v31 =	vand.u32 $0xFFFF0000, v22;
	v19 =	vmul.bf16 v19, v28;
	v38 =	vld.idx.msk [tilespmem:v30+s22+$0x0], $0xffff  }
0x2d1: {  	v29 =	vadd.f32 v29, v15;
	v22 =	vadd.f32 v27, v23;
	v15 =	vld.idx.msk [tilespmem:v14+s20+$0x0], $0xffff  }
0x2d2: {  	v21 =	vor.u32 s8, v51;
	v18 =	vadd.f32 v31, v18;
	v23 =	vmul.bf16 v33, v24;
	v17 =	vld.idx.msk [tilespmem:v14+s22+$0x0], $0xffff  }
.Ltmp4:
0x2d3: {  	v31 =	vshll.u32 v19, $0x10;
	v14 =	vand.u32 $0xFFFF0000, v19;
	v19 =	vmul.bf16 v26, v32;
	v26 =	vld.idx.msk [tilespmem:v20+s20+$0x0], $0xffff;
	(pc) =	sbr.rel @p2 .LBB2_10-.Ltmp4, $4  }
0x2d4: {  	v28 =	vadd.f32 v14, v18;
	v30 =	vand.u32 $0xFFFF0000, v23;
	v27 =	vshll.u32 v23, $0x10;
	v18 =	vld.idx.msk [tilespmem:v25+s22+$0x0], $0xffff  }
0x2d5: {  	v14 =	vadd.f32 v36, v37;
	v20 =	vand.u32 $0xFFFF0000, v19;
	v24 =	vshll.u32 v19, $0x10;
	v23 =	vld.idx.msk [tilespmem:v25+s20+$0x0], $0xffff  }
0x2d6: {  	v19 =	vor.u32 s8, v62;
	v25 =	vadd.f32 v20, v29;
	v29 =	vor.u32 s8, v53;
	v20 =	vld.idx.msk [tilespmem:v34+s20+$0x0], $0xffff  }
0x2d7: {  	v32 =	vadd.f32 v24, v14;
	v33 =	vmul.bf16 v38, v35;
	v24 =	vld.idx.msk [tilespmem:v34+s22+$0x0], $0xffff  }
0x2d8: {  	_ =	sdelay $0x3  }
0x2d9: {  	v14 =	vadd.f32 v31, v22;
	v22 =	vld.idx.msk [tilespmem:v21+s22+$0x0], $0xffff;
	v31 =	vor.u32 s8, v54;
	v16 =	vmul.bf16 v16, v26  }
0x2da: {  	v21 =	vld.idx.msk [tilespmem:v21+s20+$0x0], $0xffff;
	v26 =	vor.u32 s8, v55;
	v28 =	vadd.f32 v30, v28;
	v15 =	vmul.bf16 v17, v15  }
0x2db: {  	v17 =	vld.idx.msk [tilespmem:v29+s22+$0x0], $0xffff;
	v30 =	vand.u32 $0xFFFF0000, v33;
	v58 =	vshll.u32 v33, $0x10;
	v14 =	vadd.f32 v27, v14  }
0x2dc: {  	v27 =	vld.idx.msk [tilespmem:v29+s20+$0x0], $0xffff;
	v34 =	vand.u32 $0xFFFF0000, v16;
	v29 =	vadd.f32 v58, v32;
	v25 =	vadd.f32 v30, v25  }
0x2dd: {  	v18 =	vmul.bf16 v18, v23;
	v23 =	vld.idx.msk [tilespmem:v19+s22+$0x0], $0xffff;
	v30 =	vshll.u32 v15, $0x10;
	v16 =	vshll.u32 v16, $0x10  }
0x2de: {  	v19 =	vld.idx.msk [tilespmem:v19+s20+$0x0], $0xffff;
	v28 =	vadd.f32 v34, v28;
	v20 =	vmul.bf16 v24, v20;
	v14 =	vadd.f32 v16, v14  }
0x2df: {  	v24 =	vand.u32 $0xFFFF0000, v18;
	v18 =	vshll.u32 v18, $0x10;
	v21 =	vmul.bf16 v22, v21;
	v22 =	vld.idx.msk [tilespmem:v26+s20+$0x0], $0xffff  }
0x2e0: {  	v16 =	vld.idx.msk [tilespmem:v31+s20+$0x0], $0xffff;
	v59 =	vand.u32 $0xFFFF0000, v20;
	v20 =	vshll.u32 v20, $0x10;
	v14 =	vadd.f32 v18, v14  }
0x2e1: {  	v15 =	vand.u32 $0xFFFF0000, v15;
	v26 =	vld.idx.msk [tilespmem:v26+s22+$0x0], $0xffff;
	v20 =	vadd.f32 v20, v29;
	v25 =	vadd.f32 v59, v25  }
0x2e2: {  	v29 =	vld.idx.msk [tilespmem:v31+s22+$0x0], $0xffff;
	v31 =	vshll.u32 v21, $0x10;
	v17 =	vmul.bf16 v17, v27;
	v18 =	vand.u32 $0xFFFF0000, v21  }
0x2e3: {  	v19 =	vmul.bf16 v23, v19;
	v21 =	vadd.f32 v24, v28;
	v14 =	vadd.f32 v31, v14  }
0x2e4: {  	v15 =	vadd.f32 v15, v25;
	v20 =	vadd.f32 v30, v20  }
0x2e5: {  	v23 =	vand.u32 $0xFFFF0000, v17;
	v17 =	vshll.u32 v17, $0x10;
	v24 =	vand.u32 $0xFFFF0000, v19  }
0x2e6: {  	v19 =	vshll.u32 v19, $0x10;
	v18 =	vadd.f32 v18, v21;
	v21 =	vmul.bf16 v26, v22  }
0x2e7: {  	v14 =	vadd.f32 v19, v14;
	v15 =	vadd.f32 v23, v15;
	v16 =	vmul.bf16 v29, v16  }
0x2e8: {  	v17 =	vadd.f32 v17, v20;
	v18 =	vadd.f32 v24, v18  }
0x2e9: {  	v20 =	vand.u32 $0xFFFF0000, v21;
	v19 =	vand.u32 $0xFFFF0000, v16;
	v16 =	vshll.u32 v16, $0x10  }
0x2ea: {  	v21 =	vshll.u32 v21, $0x10;
	v15 =	vadd.f32 v20, v15;
	v14 =	vadd.f32 v16, v14  }
0x2eb: {  	v16 =	vadd.f32 v21, v17;
	v17 =	vadd.f32 v19, v18;
	_ =	sdelay $0x1  }
0x2ec: {  	v14 =	vadd.f32 v14, v17;
	v15 =	vadd.f32 v16, v15;
	_ =	sdelay $0x1  }
0x2ed: {  	v14 =	vadd.f32 v15, v14;
	_ =	sdelay $0x1  }
0x2ee: {  	v14 =	vsub.f32 $0.0e+00, v14;
	_ =	sdelay $0x1  }
0x2ef: {  	v14 =	vmul.f32 $1.442695020e+00, v14;
	_ =	sdelay $0x1  }
0x2f0: {  	(erf) = vpow2.f32 v14;
	_ =	sdelay $0x4  }
0x2f1: {  	v40 =	vld [tilespmem:$0x1FD30]  }
0x2f2: {  	v44 =	vld [tilespmem:$0x1FD50]  }
0x2f3: {  	v43 =	vld [tilespmem:$0x1FD40]  }
0x2f4: {  	v46 =	vld [tilespmem:$0x1FD70]  }
0x2f5: {  	v45 =	vld [tilespmem:$0x1FD60];
	v14 =	vpop (erf)  }
0x2f6: {  	v51 =	vld [tilespmem:$0x1FD90];
	v14 =	vadd.f32 $1.000000000e+00, v14  }
0x2f7: {  	v47 =	vld [tilespmem:$0x1FD80]  }
0x2f8: {  	v3 =	vld [tilespmem:$0x1FDB0];
	(erf) = vrcp.f32 v14  }
0x2f9: {  	v52 =	vld [tilespmem:$0x1FDA0]  }
0x2fa: {  	v4 =	vld [tilespmem:$0x1FDC0]  }
0x2fb: {  	v6 =	vld [tilespmem:$0x1FDD0]  }
0x2fc: {  	v54 =	vld [tilespmem:$0x1FB80]  }
0x2fd: {  	s8 =	simm.s32 $0x0;
	v41 =	vld [tilespmem:$0x1FFD0]  }
0x2fe: {  	v42 =	vld [tilespmem:$0x1FEE0];
	v15 =	vor.u32 s8, v40  }
0x2ff: {  	v57 =	vld [tilespmem:$0x1FBA0]  }
0x300: {  	v56 =	vld [tilespmem:$0x1FBC0];
	v16 =	vor.u32 s8, v44  }
0x301: {  	v53 =	vld [tilespmem:$0x1FDE0];
	v17 =	vpop (erf)  }
0x302: {  	v7 =	vld [tilespmem:$0x1FDF0];
	v19 =	vor.u32 s8, v43;
	[tilespmem:$0xEDA0] =	vst v17  }
0x303: {  	v18 =	vld.idx.msk [tilespmem:v15+s22+$0x0], $0xffff  }
0x304: {  	v21 =	vor.u32 s8, v46;
	v15 =	vld.idx.msk [tilespmem:v15+s20+$0x0], $0xffff  }
0x305: {  	v22 =	vor.u32 s8, v45;
	v20 =	vld.idx.msk [tilespmem:v16+s22+$0x0], $0xffff  }
0x306: {  	v16 =	vld.idx.msk [tilespmem:v16+s20+$0x0], $0xffff  }
0x307: {  	v25 =	vor.u32 s8, v51;
	v24 =	vld.idx.msk [tilespmem:v19+s20+$0x0], $0xffff  }
0x308: {  	v14 =	vor.u32 $0xC00, v48;
	v19 =	vld.idx.msk [tilespmem:v19+s22+$0x0], $0xffff  }
0x309: {  	v17 =	vor.u32 s8, v14;
	v27 =	vld.idx.msk [tilespmem:v21+s20+$0x0], $0xffff  }
0x30a: {  	v28 =	vld.idx.msk [tilespmem:v22+s22+$0x0], $0xffff  }
0x30b: {  	v21 =	vld.idx.msk [tilespmem:v21+s22+$0x0], $0xffff  }
0x30c: {  	v60 =	vld.idx.msk [tilespmem:v25+s20+$0x0], $0xffff  }
0x30d: {  	v25 =	vld.idx.msk [tilespmem:v25+s22+$0x0], $0xffff  }
0x30e: {  	v26 =	vor.u32 s8, v47;
	v23 =	vld.idx.msk [tilespmem:v17+s20+$0x0], $0xffff  }
0x30f: {  	v35 =	vor.u32 s8, v3;
	v17 =	vld.idx.msk [tilespmem:v17+s22+$0x0], $0xffff  }
0x310: {  	v29 =	vor.u32 s8, v63;
	v15 =	vmul.bf16 v18, v15;
	v18 =	vld.idx.msk [tilespmem:v22+s20+$0x0], $0xffff  }
0x311: {  	v58 =	vld [tilespmem:$0x1FBE0];
	v61 =	vor.u32 s8, v52;
	v16 =	vmul.bf16 v20, v16;
	v19 =	vmul.bf16 v19, v24  }
0x312: {  	v59 =	vld [tilespmem:$0x1FBF0];
	v22 =	vimm.f32 $0.0e+00;
	v21 =	vmul.bf16 v21, v27;
	v34 =	vmul.bf16 v25, v60  }
0x313: {  	v27 =	vld.idx.msk [tilespmem:v26+s20+$0x0], $0xffff;
	v31 =	vand.u32 $0xFFFF0000, v16;
	v36 =	vshll.u32 v16, $0x10;
	v32 =	vshll.u32 v19, $0x10  }
0x314: {  	v25 =	vld.idx.msk [tilespmem:v35+s22+$0x0], $0xffff;
	v20 =	vmul.bf16 v17, v23;
	v17 =	vand.u32 $0xFFFF0000, v15;
	v15 =	vshll.u32 v15, $0x10  }
0x315: {  	v16 =	vld.idx.msk [tilespmem:v29+s20+$0x0], $0xffff;
	v30 =	vadd.f32 v17, v22;
	v15 =	vadd.f32 v15, v22;
	v24 =	vmul.bf16 v28, v18  }
0x316: {  	v17 =	vld.idx.msk [tilespmem:v26+s22+$0x0], $0xffff;
	v28 =	vand.u32 $0xFFFF0000, v19;
	v23 =	vshll.u32 v20, $0x10;
	v20 =	vand.u32 $0xFFFF0000, v20  }
0x317: {  	v18 =	vld.idx.msk [tilespmem:v29+s22+$0x0], $0xffff;
	v23 =	vadd.f32 v23, v22;
	v20 =	vadd.f32 v20, v22;
	v22 =	vor.u32 s8, v4  }
0x318: {  	v19 =	vld.idx.msk [tilespmem:v61+s22+$0x0], $0xffff;
	v30 =	vadd.f32 v31, v30;
	v31 =	vand.u32 $0xFFFF0000, v24;
	v15 =	vadd.f32 v36, v15  }
0x319: {  	v29 =	vadd.f32 v28, v20;
	v28 =	vshll.u32 v24, $0x10;
	v20 =	vand.u32 $0xFFFF0000, v21;
	v24 =	vld.idx.msk [tilespmem:v61+s20+$0x0], $0xffff  }
0x31a: {  	v62 =	vshll.u32 v21, $0x10;
	v21 =	vld.idx.msk [tilespmem:v35+s20+$0x0], $0xffff;
	v26 =	vadd.f32 v20, v30;
	v30 =	vor.u32 s8, v6  }
0x31b: {  	s9 =	simm.s32 $0x10;
	v33 =	vadd.f32 v62, v15;
	v61 =	vld [tilespmem:$0x1FC10];
	v20 =	vor.u32 s8, v5  }
.LBB2_12:
0x31c: {  	v15 =	vor.u32 s9, v63;
	p2 =	sne.s32 s9, $0x30;
	v23 =	vadd.f32 v32, v23;
	v32 =	vld.idx.msk [tilespmem:v22+s22+$0x0], $0xffff;
	v35 =	vor.u32 s8, v53;
	s10 =	smov.u32 s9;
	s9 =	sadd.s32 $0x10, s9  }
0x31d: {  	v29 =	vadd.f32 v31, v29;
	v17 =	vmul.bf16 v17, v27;
	v27 =	vand.u32 $0xFFFF0000, v34;
	v22 =	vld.idx.msk [tilespmem:v22+s20+$0x0], $0xffff  }
0x31e: {  	v31 =	vor.u32 s8, v7;
	s8 =	smov.u32 s10;
	v23 =	vadd.f32 v28, v23;
	v28 =	vshll.u32 v34, $0x10  }
0x31f: {  	v16 =	vmul.bf16 v18, v16;
	v34 =	vand.u32 $0xFFFF0000, v17;
	v28 =	vadd.f32 v28, v33;
	v18 =	vld.idx.msk [tilespmem:v30+s20+$0x0], $0xffff  }
0x320: {  	v26 =	vadd.f32 v27, v26;
	v19 =	vmul.bf16 v19, v24;
	v24 =	vld.idx.msk [tilespmem:v30+s22+$0x0], $0xffff  }
0x321: {  	v27 =	vor.u32 s8, v14;
	v33 =	vshll.u32 v16, $0x10;
	v30 =	vor.u32 s8, v40;
	v36 =	vld.idx.msk [tilespmem:v20+s22+$0x0], $0xffff  }
0x322: {  	v17 =	vshll.u32 v17, $0x10;
	v37 =	vand.u32 $0xFFFF0000, v19;
	v21 =	vmul.bf16 v25, v21;
	v20 =	vld.idx.msk [tilespmem:v20+s20+$0x0], $0xffff  }
0x323: {  	v29 =	vadd.f32 v34, v29;
	v25 =	vor.u32 s8, v44;
	v22 =	vmul.bf16 v32, v22;
	v32 =	vld.idx.msk [tilespmem:v31+s20+$0x0], $0xffff  }
0x324: {  	v19 =	vshll.u32 v19, $0x10;
	v34 =	vand.u32 $0xFFFF0000, v21;
	v21 =	vshll.u32 v21, $0x10;
	v31 =	vld.idx.msk [tilespmem:v31+s22+$0x0], $0xffff  }
0x325: {  	v17 =	vadd.f32 v17, v23;
	v21 =	vadd.f32 v21, v28;
	v23 =	vshll.u32 v22, $0x10;
	v28 =	vld.idx.msk [tilespmem:v35+s20+$0x0], $0xffff  }
0x326: {  	v16 =	vand.u32 $0xFFFF0000, v16;
	v26 =	vadd.f32 v34, v26;
	v18 =	vmul.bf16 v24, v18;
	v24 =	vld.idx.msk [tilespmem:v35+s22+$0x0], $0xffff  }
0x327: {  	v17 =	vadd.f32 v19, v17;
	v19 =	vand.u32 $0xFFFF0000, v22;
	v35 =	vor.u32 s8, v43;
	v34 =	vld.idx.msk [tilespmem:v30+s22+$0x0], $0xffff  }
0x328: {  	v16 =	vadd.f32 v16, v26;
	v21 =	vadd.f32 v33, v21;
	v20 =	vmul.bf16 v36, v20;
	v22 =	vld.idx.msk [tilespmem:v30+s20+$0x0], $0xffff  }
0x329: {  	v29 =	vadd.f32 v37, v29;
	v33 =	vand.u32 $0xFFFF0000, v18;
	v30 =	vor.u32 s8, v46;
	v26 =	vld.idx.msk [tilespmem:v25+s22+$0x0], $0xffff  }
0x32a: {  	v17 =	vadd.f32 v23, v17;
	v36 =	vor.u32 s8, v45;
	v18 =	vshll.u32 v18, $0x10;
	v25 =	vld.idx.msk [tilespmem:v25+s20+$0x0], $0xffff  }
0x32b: {  	v16 =	vadd.f32 v33, v16;
	v37 =	vand.u32 $0xFFFF0000, v20;
	v20 =	vshll.u32 v20, $0x10;
	v23 =	vld.idx.msk [tilespmem:v27+s20+$0x0], $0xffff  }
0x32c: {  	v19 =	vadd.f32 v19, v29;
	v24 =	vmul.bf16 v24, v28;
	v28 =	vmul.bf16 v31, v32;
	v27 =	vld.idx.msk [tilespmem:v27+s22+$0x0], $0xffff  }
0x32d: {  	v18 =	vadd.f32 v18, v21;
	v17 =	vadd.f32 v20, v17;
	v31 =	vor.u32 s8, v51;
	v29 =	vld.idx.msk [tilespmem:v35+s20+$0x0], $0xffff  }
0x32e: {  	v21 =	vor.u32 s8, v47;
	v32 =	vand.u32 $0xFFFF0000, v24;
	v24 =	vshll.u32 v24, $0x10;
	v20 =	vld.idx.msk [tilespmem:v35+s22+$0x0], $0xffff  }
0x32f: {  	v19 =	vadd.f32 v37, v19;
	v35 =	vand.u32 $0xFFFF0000, v28;
	v28 =	vshll.u32 v28, $0x10;
	v33 =	vld.idx.msk [tilespmem:v30+s20+$0x0], $0xffff  }
0x330: {  	v22 =	vmul.bf16 v34, v22;
	v24 =	vadd.f32 v24, v17;
	v16 =	vadd.f32 v35, v16;
	v34 =	vld.idx.msk [tilespmem:v36+s22+$0x0], $0xffff  }
0x331: {  	v17 =	vmul.bf16 v26, v25;
	v35 =	vor.u32 s8, v3;
	v18 =	vadd.f32 v28, v18;
	v25 =	vld.idx.msk [tilespmem:v36+s20+$0x0], $0xffff  }
0x332: {  	v19 =	vadd.f32 v32, v19;
	v26 =	vand.u32 $0xFFFF0000, v22;
	v23 =	vmul.bf16 v27, v23;
	v27 =	vld.idx.msk [tilespmem:v30+s22+$0x0], $0xffff  }
0x333: {  	v22 =	vshll.u32 v22, $0x10;
	v16 =	vadd.f32 v26, v16;
	v26 =	vor.u32 s8, v52;
	v36 =	vld.idx.msk [tilespmem:v31+s20+$0x0], $0xffff  }
0x334: {  	v37 =	vshll.u32 v17, $0x10;
	v30 =	vand.u32 $0xFFFF0000, v17;
	v28 =	vshll.u32 v23, $0x10;
	v17 =	vld.idx.msk [tilespmem:v21+s22+$0x0], $0xffff  }
0x335: {  	v38 =	vadd.f32 v22, v18;
	v32 =	vand.u32 $0xFFFF0000, v23;
	v20 =	vmul.bf16 v20, v29;
	v39 =	vld.idx.msk [tilespmem:v31+s22+$0x0], $0xffff  }
0x336: {  	v30 =	vadd.f32 v30, v16;
	v23 =	vadd.f32 v28, v24;
	v16 =	vld.idx.msk [tilespmem:v15+s20+$0x0], $0xffff  }
0x337: {  	v22 =	vor.u32 s8, v4;
	v19 =	vadd.f32 v32, v19;
	v24 =	vmul.bf16 v34, v25;
	v18 =	vld.idx.msk [tilespmem:v15+s22+$0x0], $0xffff  }
.Ltmp5:
0x338: {  	v32 =	vshll.u32 v20, $0x10;
	v15 =	vand.u32 $0xFFFF0000, v20;
	v20 =	vmul.bf16 v27, v33;
	v27 =	vld.idx.msk [tilespmem:v21+s20+$0x0], $0xffff;
	(pc) =	sbr.rel @p2 .LBB2_12-.Ltmp5, $4  }
0x339: {  	v29 =	vadd.f32 v15, v19;
	v31 =	vand.u32 $0xFFFF0000, v24;
	v28 =	vshll.u32 v24, $0x10;
	v19 =	vld.idx.msk [tilespmem:v26+s22+$0x0], $0xffff  }
0x33a: {  	v15 =	vadd.f32 v37, v38;
	v21 =	vand.u32 $0xFFFF0000, v20;
	v25 =	vshll.u32 v20, $0x10;
	v24 =	vld.idx.msk [tilespmem:v26+s20+$0x0], $0xffff  }
0x33b: {  	v20 =	vor.u32 s8, v5;
	v26 =	vadd.f32 v21, v30;
	v30 =	vor.u32 s8, v6;
	v21 =	vld.idx.msk [tilespmem:v35+s20+$0x0], $0xffff  }
0x33c: {  	v33 =	vadd.f32 v25, v15;
	v34 =	vmul.bf16 v39, v36;
	v25 =	vld.idx.msk [tilespmem:v35+s22+$0x0], $0xffff  }
0x33d: {  	_ =	sdelay $0x3  }
0x33e: {  	v15 =	vadd.f32 v32, v23;
	v23 =	vld.idx.msk [tilespmem:v22+s22+$0x0], $0xffff;
	v47 =	vor.u32 s8, v53;
	v17 =	vmul.bf16 v17, v27  }
0x33f: {  	v22 =	vld.idx.msk [tilespmem:v22+s20+$0x0], $0xffff;
	v27 =	vor.u32 s8, v7;
	v29 =	vadd.f32 v31, v29;
	v16 =	vmul.bf16 v18, v16  }
0x340: {  	v18 =	vld.idx.msk [tilespmem:v30+s22+$0x0], $0xffff;
	v31 =	vand.u32 $0xFFFF0000, v34;
	v51 =	vshll.u32 v34, $0x10;
	v15 =	vadd.f32 v28, v15  }
0x341: {  	v28 =	vld.idx.msk [tilespmem:v30+s20+$0x0], $0xffff;
	v35 =	vand.u32 $0xFFFF0000, v17;
	v30 =	vadd.f32 v51, v33;
	v26 =	vadd.f32 v31, v26  }
0x342: {  	v19 =	vmul.bf16 v19, v24;
	v24 =	vld.idx.msk [tilespmem:v20+s22+$0x0], $0xffff;
	v31 =	vshll.u32 v16, $0x10;
	v17 =	vshll.u32 v17, $0x10  }
0x343: {  	v20 =	vld.idx.msk [tilespmem:v20+s20+$0x0], $0xffff;
	v29 =	vadd.f32 v35, v29;
	v21 =	vmul.bf16 v25, v21;
	v15 =	vadd.f32 v17, v15  }
0x344: {  	v25 =	vand.u32 $0xFFFF0000, v19;
	v19 =	vshll.u32 v19, $0x10;
	v22 =	vmul.bf16 v23, v22;
	v23 =	vld.idx.msk [tilespmem:v27+s20+$0x0], $0xffff  }
0x345: {  	v17 =	vld.idx.msk [tilespmem:v47+s20+$0x0], $0xffff;
	v52 =	vand.u32 $0xFFFF0000, v21;
	v21 =	vshll.u32 v21, $0x10;
	v15 =	vadd.f32 v19, v15  }
0x346: {  	v16 =	vand.u32 $0xFFFF0000, v16;
	v27 =	vld.idx.msk [tilespmem:v27+s22+$0x0], $0xffff;
	v21 =	vadd.f32 v21, v30;
	v26 =	vadd.f32 v52, v26  }
0x347: {  	v30 =	vld.idx.msk [tilespmem:v47+s22+$0x0], $0xffff;
	v53 =	vshll.u32 v22, $0x10;
	v18 =	vmul.bf16 v18, v28;
	v19 =	vand.u32 $0xFFFF0000, v22  }
0x348: {  	v20 =	vmul.bf16 v24, v20;
	v22 =	vadd.f32 v25, v29;
	v15 =	vadd.f32 v53, v15  }
0x349: {  	v16 =	vadd.f32 v16, v26;
	v21 =	vadd.f32 v31, v21  }
0x34a: {  	v24 =	vand.u32 $0xFFFF0000, v18;
	v18 =	vshll.u32 v18, $0x10;
	v25 =	vand.u32 $0xFFFF0000, v20  }
0x34b: {  	v20 =	vshll.u32 v20, $0x10;
	v19 =	vadd.f32 v19, v22;
	v22 =	vmul.bf16 v27, v23  }
0x34c: {  	v15 =	vadd.f32 v20, v15;
	v16 =	vadd.f32 v24, v16;
	v17 =	vmul.bf16 v30, v17  }
0x34d: {  	v18 =	vadd.f32 v18, v21;
	v19 =	vadd.f32 v25, v19  }
0x34e: {  	v21 =	vand.u32 $0xFFFF0000, v22;
	v20 =	vand.u32 $0xFFFF0000, v17;
	v17 =	vshll.u32 v17, $0x10  }
0x34f: {  	v22 =	vshll.u32 v22, $0x10;
	v16 =	vadd.f32 v21, v16;
	v15 =	vadd.f32 v17, v15  }
0x350: {  	v17 =	vadd.f32 v22, v18;
	v18 =	vadd.f32 v20, v19;
	_ =	sdelay $0x1  }
0x351: {  	v15 =	vadd.f32 v15, v18;
	v16 =	vadd.f32 v17, v16;
	_ =	sdelay $0x1  }
0x352: {  	v15 =	vadd.f32 v16, v15;
	_ =	sdelay $0x1  }
0x353: {  	v15 =	vsub.f32 $0.0e+00, v15;
	_ =	sdelay $0x1  }
0x354: {  	v15 =	vmul.f32 $1.442695020e+00, v15;
	_ =	sdelay $0x1  }
0x355: {  	(erf) = vpow2.f32 v15;
	_ =	sdelay $0x8  }
0x356: {  	v15 =	vpop (erf)  }
0x357: {  	v15 =	vadd.f32 $1.000000000e+00, v15;
	_ =	sdelay $0x1  }
0x358: {  	v1 =	vld [tilespmem:$0x1FE00];
	(erf) = vrcp.f32 v15  }
0x359: {  	v3 =	vld [tilespmem:$0x1FE20]  }
0x35a: {  	v2 =	vld [tilespmem:$0x1FE10]  }
0x35b: {  	v6 =	vld [tilespmem:$0x1FE40]  }
0x35c: {  	v4 =	vld [tilespmem:$0x1FE30]  }
0x35d: {  	s8 =	simm.s32 $0x0;
	v43 =	vld [tilespmem:$0x1FE60]  }
0x35e: {  	v7 =	vld [tilespmem:$0x1FE50];
	v16 =	vor.u32 s8, v1  }
0x35f: {  	v45 =	vld [tilespmem:$0x1FE80]  }
0x360: {  	v44 =	vld [tilespmem:$0x1FE70];
	v17 =	vor.u32 s8, v3  }
0x361: {  	v46 =	vld [tilespmem:$0x1FE90];
	v18 =	vpop (erf)  }
0x362: {  	v47 =	vld [tilespmem:$0x1FEA0];
	v20 =	vor.u32 s8, v2;
	[tilespmem:$0xEDB0] =	vst v18  }
0x363: {  	v19 =	vld.idx.msk [tilespmem:v16+s22+$0x0], $0xffff  }
0x364: {  	v22 =	vor.u32 s8, v6;
	v16 =	vld.idx.msk [tilespmem:v16+s20+$0x0], $0xffff  }
0x365: {  	v21 =	vld.idx.msk [tilespmem:v17+s22+$0x0], $0xffff  }
0x366: {  	v26 =	vor.u32 s8, v43;
	v17 =	vld.idx.msk [tilespmem:v17+s20+$0x0], $0xffff  }
0x367: {  	v15 =	vor.u32 $0x1000, v48;
	v25 =	vld.idx.msk [tilespmem:v20+s20+$0x0], $0xffff  }
0x368: {  	v18 =	vor.u32 s8, v15;
	v20 =	vld.idx.msk [tilespmem:v20+s22+$0x0], $0xffff  }
0x369: {  	v28 =	vld.idx.msk [tilespmem:v22+s20+$0x0], $0xffff  }
0x36a: {  	v22 =	vld.idx.msk [tilespmem:v22+s22+$0x0], $0xffff  }
0x36b: {  	v23 =	vor.u32 s8, v4;
	v55 =	vld.idx.msk [tilespmem:v26+s20+$0x0], $0xffff  }
0x36c: {  	v26 =	vld.idx.msk [tilespmem:v26+s22+$0x0], $0xffff  }
0x36d: {  	v27 =	vor.u32 s8, v7;
	v24 =	vld.idx.msk [tilespmem:v18+s20+$0x0], $0xffff  }
0x36e: {  	v36 =	vor.u32 s8, v45;
	v18 =	vld.idx.msk [tilespmem:v18+s22+$0x0], $0xffff  }
0x36f: {  	v53 =	vld [tilespmem:$0x1FB90]  }
0x370: {  	v60 =	vor.u32 s8, v44;
	v30 =	vor.u32 s8, v47;
	v29 =	vld.idx.msk [tilespmem:v23+s22+$0x0], $0xffff;
	v17 =	vmul.bf16 v21, v17  }
0x371: {  	v16 =	vmul.bf16 v19, v16;
	v19 =	vld.idx.msk [tilespmem:v23+s20+$0x0], $0xffff;
	v23 =	vimm.f32 $0.0e+00;
	v20 =	vmul.bf16 v20, v25  }
0x372: {  	v22 =	vmul.bf16 v22, v28;
	v28 =	vld.idx.msk [tilespmem:v27+s20+$0x0], $0xffff;
	v35 =	vmul.bf16 v26, v55;
	v62 =	vand.u32 $0xFFFF0000, v17  }
0x373: {  	v26 =	vld.idx.msk [tilespmem:v36+s22+$0x0], $0xffff;
	v37 =	vshll.u32 v17, $0x10;
	v33 =	vshll.u32 v20, $0x10;
	v21 =	vmul.bf16 v18, v24  }
0x374: {  	v55 =	vld [tilespmem:$0x1FBB0];
	v63 =	vshll.u32 v22, $0x10;
	v18 =	vand.u32 $0xFFFF0000, v16;
	v16 =	vshll.u32 v16, $0x10  }
0x375: {  	v17 =	vld.idx.msk [tilespmem:v30+s20+$0x0], $0xffff;
	v31 =	vadd.f32 v18, v23;
	v16 =	vadd.f32 v16, v23;
	v24 =	vshll.u32 v21, $0x10  }
0x376: {  	v18 =	vld.idx.msk [tilespmem:v27+s22+$0x0], $0xffff;
	v25 =	vmul.bf16 v29, v19;
	v21 =	vand.u32 $0xFFFF0000, v21;
	v24 =	vadd.f32 v24, v23  }
0x377: {  	v19 =	vld.idx.msk [tilespmem:v30+s22+$0x0], $0xffff;
	v21 =	vadd.f32 v21, v23;
	v23 =	vor.u32 s8, v46;
	v16 =	vadd.f32 v37, v16  }
0x378: {  	v29 =	vand.u32 $0xFFFF0000, v20;
	v20 =	vld.idx.msk [tilespmem:v60+s22+$0x0], $0xffff;
	v31 =	vadd.f32 v62, v31;
	v32 =	vand.u32 $0xFFFF0000, v25  }
0x379: {  	v30 =	vadd.f32 v29, v21;
	v21 =	vand.u32 $0xFFFF0000, v22;
	v34 =	vadd.f32 v63, v16;
	v63 =	vld [tilespmem:$0x1FC00]  }
0x37a: {  	v29 =	vshll.u32 v25, $0x10;
	v25 =	vld.idx.msk [tilespmem:v60+s20+$0x0], $0xffff;
	v27 =	vadd.f32 v21, v31;
	v31 =	vor.u32 s8, v9  }
0x37b: {  	s9 =	simm.s32 $0x10;
	v22 =	vld.idx.msk [tilespmem:v36+s20+$0x0], $0xffff;
	v21 =	vor.u32 s8, v8  }
.LBB2_14:
0x37c: {  	v16 =	vor.u32 s9, v47;
	p2 =	sne.s32 s9, $0x30;
	v24 =	vadd.f32 v33, v24;
	v33 =	vld.idx.msk [tilespmem:v23+s22+$0x0], $0xffff;
	v36 =	vor.u32 s8, v10;
	s10 =	smov.u32 s9;
	s9 =	sadd.s32 $0x10, s9  }
0x37d: {  	v30 =	vadd.f32 v32, v30;
	v18 =	vmul.bf16 v18, v28;
	v28 =	vand.u32 $0xFFFF0000, v35;
	v23 =	vld.idx.msk [tilespmem:v23+s20+$0x0], $0xffff  }
0x37e: {  	v32 =	vor.u32 s8, v11;
	s8 =	smov.u32 s10;
	v24 =	vadd.f32 v29, v24;
	v29 =	vshll.u32 v35, $0x10  }
0x37f: {  	v17 =	vmul.bf16 v19, v17;
	v35 =	vand.u32 $0xFFFF0000, v18;
	v29 =	vadd.f32 v29, v34;
	v19 =	vld.idx.msk [tilespmem:v31+s20+$0x0], $0xffff  }
0x380: {  	v27 =	vadd.f32 v28, v27;
	v20 =	vmul.bf16 v20, v25;
	v25 =	vld.idx.msk [tilespmem:v31+s22+$0x0], $0xffff  }
0x381: {  	v28 =	vor.u32 s8, v15;
	v34 =	vshll.u32 v17, $0x10;
	v31 =	vor.u32 s8, v1;
	v37 =	vld.idx.msk [tilespmem:v21+s22+$0x0], $0xffff  }
0x382: {  	v18 =	vshll.u32 v18, $0x10;
	v38 =	vand.u32 $0xFFFF0000, v20;
	v22 =	vmul.bf16 v26, v22;
	v21 =	vld.idx.msk [tilespmem:v21+s20+$0x0], $0xffff  }
0x383: {  	v30 =	vadd.f32 v35, v30;
	v26 =	vor.u32 s8, v3;
	v23 =	vmul.bf16 v33, v23;
	v33 =	vld.idx.msk [tilespmem:v32+s20+$0x0], $0xffff  }
0x384: {  	v20 =	vshll.u32 v20, $0x10;
	v35 =	vand.u32 $0xFFFF0000, v22;
	v22 =	vshll.u32 v22, $0x10;
	v32 =	vld.idx.msk [tilespmem:v32+s22+$0x0], $0xffff  }
0x385: {  	v18 =	vadd.f32 v18, v24;
	v22 =	vadd.f32 v22, v29;
	v24 =	vshll.u32 v23, $0x10;
	v29 =	vld.idx.msk [tilespmem:v36+s20+$0x0], $0xffff  }
0x386: {  	v17 =	vand.u32 $0xFFFF0000, v17;
	v27 =	vadd.f32 v35, v27;
	v19 =	vmul.bf16 v25, v19;
	v25 =	vld.idx.msk [tilespmem:v36+s22+$0x0], $0xffff  }
0x387: {  	v18 =	vadd.f32 v20, v18;
	v20 =	vand.u32 $0xFFFF0000, v23;
	v36 =	vor.u32 s8, v2;
	v35 =	vld.idx.msk [tilespmem:v31+s22+$0x0], $0xffff  }
0x388: {  	v17 =	vadd.f32 v17, v27;
	v22 =	vadd.f32 v34, v22;
	v21 =	vmul.bf16 v37, v21;
	v23 =	vld.idx.msk [tilespmem:v31+s20+$0x0], $0xffff  }
0x389: {  	v30 =	vadd.f32 v38, v30;
	v34 =	vand.u32 $0xFFFF0000, v19;
	v31 =	vor.u32 s8, v6;
	v27 =	vld.idx.msk [tilespmem:v26+s22+$0x0], $0xffff  }
0x38a: {  	v18 =	vadd.f32 v24, v18;
	v37 =	vor.u32 s8, v4;
	v19 =	vshll.u32 v19, $0x10;
	v26 =	vld.idx.msk [tilespmem:v26+s20+$0x0], $0xffff  }
0x38b: {  	v17 =	vadd.f32 v34, v17;
	v38 =	vand.u32 $0xFFFF0000, v21;
	v21 =	vshll.u32 v21, $0x10;
	v24 =	vld.idx.msk [tilespmem:v28+s20+$0x0], $0xffff  }
0x38c: {  	v20 =	vadd.f32 v20, v30;
	v25 =	vmul.bf16 v25, v29;
	v29 =	vmul.bf16 v32, v33;
	v28 =	vld.idx.msk [tilespmem:v28+s22+$0x0], $0xffff  }
0x38d: {  	v19 =	vadd.f32 v19, v22;
	v18 =	vadd.f32 v21, v18;
	v32 =	vor.u32 s8, v43;
	v30 =	vld.idx.msk [tilespmem:v36+s20+$0x0], $0xffff  }
0x38e: {  	v22 =	vor.u32 s8, v7;
	v33 =	vand.u32 $0xFFFF0000, v25;
	v25 =	vshll.u32 v25, $0x10;
	v21 =	vld.idx.msk [tilespmem:v36+s22+$0x0], $0xffff  }
0x38f: {  	v20 =	vadd.f32 v38, v20;
	v36 =	vand.u32 $0xFFFF0000, v29;
	v29 =	vshll.u32 v29, $0x10;
	v34 =	vld.idx.msk [tilespmem:v31+s20+$0x0], $0xffff  }
0x390: {  	v23 =	vmul.bf16 v35, v23;
	v25 =	vadd.f32 v25, v18;
	v17 =	vadd.f32 v36, v17;
	v35 =	vld.idx.msk [tilespmem:v37+s22+$0x0], $0xffff  }
0x391: {  	v18 =	vmul.bf16 v27, v26;
	v36 =	vor.u32 s8, v45;
	v19 =	vadd.f32 v29, v19;
	v26 =	vld.idx.msk [tilespmem:v37+s20+$0x0], $0xffff  }
0x392: {  	v20 =	vadd.f32 v33, v20;
	v27 =	vand.u32 $0xFFFF0000, v23;
	v24 =	vmul.bf16 v28, v24;
	v28 =	vld.idx.msk [tilespmem:v31+s22+$0x0], $0xffff  }
0x393: {  	v23 =	vshll.u32 v23, $0x10;
	v17 =	vadd.f32 v27, v17;
	v27 =	vor.u32 s8, v44;
	v37 =	vld.idx.msk [tilespmem:v32+s20+$0x0], $0xffff  }
0x394: {  	v38 =	vshll.u32 v18, $0x10;
	v31 =	vand.u32 $0xFFFF0000, v18;
	v29 =	vshll.u32 v24, $0x10;
	v18 =	vld.idx.msk [tilespmem:v22+s22+$0x0], $0xffff  }
0x395: {  	v39 =	vadd.f32 v23, v19;
	v33 =	vand.u32 $0xFFFF0000, v24;
	v21 =	vmul.bf16 v21, v30;
	v40 =	vld.idx.msk [tilespmem:v32+s22+$0x0], $0xffff  }
0x396: {  	v31 =	vadd.f32 v31, v17;
	v24 =	vadd.f32 v29, v25;
	v17 =	vld.idx.msk [tilespmem:v16+s20+$0x0], $0xffff  }
0x397: {  	v23 =	vor.u32 s8, v46;
	v20 =	vadd.f32 v33, v20;
	v25 =	vmul.bf16 v35, v26;
	v19 =	vld.idx.msk [tilespmem:v16+s22+$0x0], $0xffff  }
.Ltmp6:
0x398: {  	v33 =	vshll.u32 v21, $0x10;
	v16 =	vand.u32 $0xFFFF0000, v21;
	v21 =	vmul.bf16 v28, v34;
	v28 =	vld.idx.msk [tilespmem:v22+s20+$0x0], $0xffff;
	(pc) =	sbr.rel @p2 .LBB2_14-.Ltmp6, $4  }
0x399: {  	v30 =	vadd.f32 v16, v20;
	v32 =	vand.u32 $0xFFFF0000, v25;
	v29 =	vshll.u32 v25, $0x10;
	v20 =	vld.idx.msk [tilespmem:v27+s22+$0x0], $0xffff  }
0x39a: {  	v16 =	vadd.f32 v38, v39;
	v22 =	vand.u32 $0xFFFF0000, v21;
	v26 =	vshll.u32 v21, $0x10;
	v25 =	vld.idx.msk [tilespmem:v27+s20+$0x0], $0xffff  }
0x39b: {  	v21 =	vor.u32 s8, v8;
	v27 =	vadd.f32 v22, v31;
	v31 =	vor.u32 s8, v9;
	v22 =	vld.idx.msk [tilespmem:v36+s20+$0x0], $0xffff  }
0x39c: {  	v34 =	vadd.f32 v26, v16;
	v35 =	vmul.bf16 v40, v37;
	v26 =	vld.idx.msk [tilespmem:v36+s22+$0x0], $0xffff  }
0x39d: {  	_ =	sdelay $0x3  }
0x39e: {  	v16 =	vadd.f32 v33, v24;
	v24 =	vld.idx.msk [tilespmem:v23+s22+$0x0], $0xffff;
	v43 =	vor.u32 s8, v10  }
0x39f: {  	v18 =	vmul.bf16 v18, v28;
	v23 =	vld.idx.msk [tilespmem:v23+s20+$0x0], $0xffff;
	v28 =	vor.u32 s8, v11;
	v30 =	vadd.f32 v32, v30  }
0x3a0: {  	v17 =	vmul.bf16 v19, v17;
	v45 =	vshll.u32 v35, $0x10;
	v16 =	vadd.f32 v29, v16;
	v29 =	vld.idx.msk [tilespmem:v31+s20+$0x0], $0xffff  }
0x3a1: {  	v44 =	vand.u32 $0xFFFF0000, v35;
	v19 =	vand.u32 $0xFFFF0000, v18;
	v31 =	vld.idx.msk [tilespmem:v31+s22+$0x0], $0xffff;
	v34 =	vadd.f32 v45, v34  }
0x3a2: {  	v27 =	vadd.f32 v44, v27;
	v20 =	vmul.bf16 v20, v25;
	v25 =	vld.idx.msk [tilespmem:v21+s22+$0x0], $0xffff;
	v46 =	vshll.u32 v17, $0x10  }
0x3a3: {  	v18 =	vshll.u32 v18, $0x10;
	v21 =	vld.idx.msk [tilespmem:v21+s20+$0x0], $0xffff;
	v19 =	vadd.f32 v19, v30;
	v22 =	vmul.bf16 v26, v22  }
0x3a4: {  	v26 =	vand.u32 $0xFFFF0000, v20;
	v16 =	vadd.f32 v18, v16;
	v23 =	vmul.bf16 v24, v23;
	v24 =	vld.idx.msk [tilespmem:v28+s20+$0x0], $0xffff  }
0x3a5: {  	v17 =	vand.u32 $0xFFFF0000, v17;
	v20 =	vshll.u32 v20, $0x10;
	v18 =	vld.idx.msk [tilespmem:v43+s20+$0x0], $0xffff;
	v19 =	vadd.f32 v26, v19  }
0x3a6: {  	v28 =	vld.idx.msk [tilespmem:v28+s22+$0x0], $0xffff;
	v30 =	vand.u32 $0xFFFF0000, v22;
	v22 =	vshll.u32 v22, $0x10;
	v16 =	vadd.f32 v20, v16  }
0x3a7: {  	v22 =	vadd.f32 v22, v34;
	v27 =	vadd.f32 v30, v27;
	v30 =	vld.idx.msk [tilespmem:v43+s22+$0x0], $0xffff;
	v47 =	vshll.u32 v23, $0x10  }
0x3a8: {  	v29 =	vmul.bf16 v31, v29;
	v20 =	vand.u32 $0xFFFF0000, v23;
	v16 =	vadd.f32 v47, v16  }
0x3a9: {  	v21 =	vmul.bf16 v25, v21;
	v19 =	vadd.f32 v20, v19;
	v17 =	vadd.f32 v17, v27  }
0x3aa: {  	v22 =	vadd.f32 v46, v22;
	v23 =	vand.u32 $0xFFFF0000, v29;
	v25 =	vshll.u32 v29, $0x10  }
0x3ab: {  	v26 =	vand.u32 $0xFFFF0000, v21;
	v21 =	vshll.u32 v21, $0x10;
	v20 =	vmul.bf16 v28, v24  }
0x3ac: {  	v16 =	vadd.f32 v21, v16;
	v19 =	vadd.f32 v26, v19;
	v18 =	vmul.bf16 v30, v18  }
0x3ad: {  	v17 =	vadd.f32 v23, v17;
	v21 =	vadd.f32 v25, v22  }
0x3ae: {  	v23 =	vand.u32 $0xFFFF0000, v20;
	v22 =	vand.u32 $0xFFFF0000, v18;
	v18 =	vshll.u32 v18, $0x10  }
0x3af: {  	v20 =	vshll.u32 v20, $0x10;
	v17 =	vadd.f32 v23, v17;
	v16 =	vadd.f32 v18, v16  }
0x3b0: {  	v18 =	vadd.f32 v20, v21;
	v19 =	vadd.f32 v22, v19;
	_ =	sdelay $0x1  }
0x3b1: {  	v16 =	vadd.f32 v16, v19;
	v17 =	vadd.f32 v18, v17;
	_ =	sdelay $0x1  }
0x3b2: {  	v16 =	vadd.f32 v17, v16;
	_ =	sdelay $0x1  }
0x3b3: {  	v16 =	vsub.f32 $0.0e+00, v16;
	_ =	sdelay $0x1  }
0x3b4: {  	v16 =	vmul.f32 $1.442695020e+00, v16;
	_ =	sdelay $0x1  }
0x3b5: {  	(erf) = vpow2.f32 v16;
	_ =	sdelay $0x8  }
0x3b6: {  	v16 =	vpop (erf)  }
0x3b7: {  	v16 =	vadd.f32 $1.000000000e+00, v16;
	_ =	sdelay $0x1  }
0x3b8: {  	(erf) = vrcp.f32 v16;
	_ =	sdelay $0x6  }
0x3b9: {  	s10 =	sadd.s32 s5, s7  }
0x3ba: {  	s8 =	smul.u32 $0xA, s10  }
0x3bb: {  	v16 =	vpop (erf)  }
0x3bc: {  	s8 =	sadd.s32 s0, s8;
	[tilespmem:$0xEDC0] =	vst v16  }
0x3bd: {  	[hbm4b:s8+s4] =	stream.linear.scatter [tilespmem:s30], [sflag:$0x3], $0x50, $0x38;
	[tilespmem:$0xEE20] =	vst v63  }
0x3be: {  	_ =	swait.ge [sflag:s24], $0x1400  }
0x3bf: {  	[sflag:s24] =	ssyncset.done $0x0  }
0x3c0: {  	[sflag:s24] =	ssyncadd.s32 $0xFFFFEC00  }
0x3c1: {  	_ =	swait.ge [sflag:s24], $0x1400  }
0x3c2: {  	[sflag:s24] =	ssyncset.done $0x0  }
0x3c3: {  	s8 =	simm.s32 @!p0 $0x2;
	[sflag:s24] =	ssyncadd.s32 $0xFFFFEC00  }
0x3c4: {  	s9 =	simm.s32 @!p0 $0x9C40;
	_ =	swait.ge @!p0 [sflag:s8], $0xA0  }
0x3c5: {  	s7 =	smin.u32 @!p0 s7, $0x79;
	s10 =	simm.s32 @!p0 $0x9D80;
	[sflag:s8] =	ssyncset.done @!p0 $0x0  }
0x3c6: {  	s7 =	sadd.s32 @!p0 s7, s12;
	[sflag:s8] =	ssyncadd.s32 @!p0 $0xFFFFFF60;
	s8 =	simm.s32 @!p0 $0x50  }
0x3c7: {  	[tilespmem:s10], [sflag:$0x1] =	stream.indirect.gather @!p0 [spmem:s2], $0x40, s9, s8, $0xb8;
	[tilespmem:$0xEE20] =	vst v63  }
0x3c8: {  	s7 =	smul.u32 @!p0 $0xA, s7;
	s9 =	simm.s32 @!p0 $0x9C90;
	s10 =	simm.s32 @!p0 $0xC580  }
0x3c9: {  	[tilespmem:s10], [sflag:$0x1] =	stream.indirect.gather @!p0 [spmem:s2], $0x40, s9, s8, $0xb8;
	[tilespmem:$0xEE20] =	vst v63  }
0x3ca: {  	s7 =	sadd.s32 @!p0 s6, s7;
	s9 =	simm.s32 @!p0 $0x4E200;
	s10 =	simm.s32 @!p0 $0x9CE0  }
0x3cb: {  	[tilespmem:s10], [sflag:$0x2] =	stream.strided.gather @!p0 [hbm4b:s7+s8], $0xA0, s9, s8, $0x38;
	[tilespmem:$0xEE20] =	vst v63  }
0x3cc: {  	s7 =	simm.s32 $0x0  }
0x3cd: {  	v16 =	vor.u32 s7, v48  }
0x3ce: {  	p0 =	por p0, !p1;
	v17 =	vor.u32 s7, v50  }
0x3cf: {  	_ =	swait.ge @p0 [sflag:s3], $0x50;
	v18 =	vor.u32 s7, v49  }
0x3d0: {  	v19 =	vor.u32 s7, v53;
	[sflag:s3] =	ssyncset.done @p0 $0x0  }
0x3d1: {  	v60 =	vld [tilespmem:$0x1FBD0];
	[sflag:s3] =	ssyncadd.s32 @p0 $0xFFFFFFB0  }
0x3d2: {  	v22 =	vld.idx.msk [tilespmem:v16+s29+$0x0], $0xffff  }
0x3d3: {  	v24 =	vld.idx.msk [tilespmem:v17+s29+$0x0], $0xffff  }
0x3d4: {  	v20 =	vor.u32 s7, v54;
	v21 =	vld.idx.msk [tilespmem:v18+s29+$0x0], $0xffff  }
0x3d5: {  	v25 =	vld.idx.msk [tilespmem:v19+s26+$0x0], $0xffff  }
0x3d6: {  	v23 =	vld.idx.msk [tilespmem:v18+s26+$0x0], $0xffff  }
0x3d7: {  	v28 =	vor.u32 s7, v59;
	v26 =	vld.idx.msk [tilespmem:v19+s29+$0x0], $0xffff  }
0x3d8: {  	v29 =	vor.u32 s7, v42;
	v17 =	vld.idx.msk [tilespmem:v17+s26+$0x0], $0xffff  }
0x3d9: {  	v18 =	vor.u32 s7, v56;
	v27 =	vld.idx.msk [tilespmem:v20+s26+$0x0], $0xffff  }
0x3da: {  	v30 =	vld.idx.msk [tilespmem:v16+s26+$0x0], $0xffff  }
0x3db: {  	v31 =	vor.u32 s7, v55;
	v51 =	vld.idx.msk [tilespmem:v20+s29+$0x0], $0xffff  }
0x3dc: {  	v19 =	vld.idx.msk [tilespmem:v28+s26+$0x0], $0xffff  }
0x3dd: {  	v20 =	vld.idx.msk [tilespmem:v29+s29+$0x0], $0xffff  }
0x3de: {  	v16 =	vld.idx.msk [tilespmem:v18+s26+$0x0], $0xffff  }
0x3df: {  	v36 =	vimm.f32 $0.0e+00;
	v18 =	vld.idx.msk [tilespmem:v18+s29+$0x0], $0xffff;
	v52 =	vmul.bf16 v21, v23;
	v23 =	vor.u32 s7, v57  }
0x3e0: {  	v38 =	vimm.f32 $0.0e+00;
	v21 =	vor.u32 s7, v60;
	v37 =	vmul.bf16 v26, v25;
	v26 =	vld.idx.msk [tilespmem:v31+s29+$0x0], $0xffff  }
0x3e1: {  	v2 =	vmovc v61;
	v34 =	vmul.bf16 v22, v30;
	v32 =	vmul.bf16 v24, v17;
	v24 =	vld.idx.msk [tilespmem:v29+s26+$0x0], $0xffff;
	v22 =	vor.u32 s7, v0  }
0x3e2: {  	v1 =	vmovc v41;
	v61 =	vmovc v0;
	v31 =	vld.idx.msk [tilespmem:v31+s26+$0x0], $0xffff;
	v35 =	vmul.bf16 v51, v27;
	v27 =	vor.u32 s7, v58;
	v25 =	vshll.u32 v52, $0x10  }
0x3e3: {  	v62 =	vmovc v50;
	v51 =	vmovc v48;
	v33 =	vand.u32 $0xFFFF0000, v52;
	v17 =	vand.u32 $0xFFFF0000, v37;
	v30 =	vadd.f32 v25, v36;
	v25 =	vld.idx.msk [tilespmem:v28+s29+$0x0], $0xffff  }
0x3e4: {  	s8 =	simm.s32 $0x10;
	v0 =	vmovc v42;
	v39 =	vand.u32 $0xFFFF0000, v34;
	v29 =	vshll.u32 v37, $0x10;
	v37 =	vimm.f32 $0.0e+00;
	v52 =	vmovc v49;
	v28 =	vld.idx.msk [tilespmem:v23+s26+$0x0], $0xffff  }
.LBB2_16:
0x3e5: {  	p0 =	sne.s32 s8, $0x30;
	v34 =	vshll.u32 v34, $0x10;
	v36 =	vadd.f32 v39, v36;
	v33 =	vadd.f32 v33, v38;
	v38 =	vld.idx.msk [tilespmem:v21+s29+$0x0], $0xffff;
	s9 =	smov.u32 s8;
	s8 =	sadd.s32 $0x10, s8  }
0x3e6: {  	v39 =	vshll.u32 v32, $0x10;
	v40 =	vand.u32 $0xFFFF0000, v35;
	v41 =	vor.u32 s7, v1;
	v23 =	vld.idx.msk [tilespmem:v23+s29+$0x0], $0xffff  }
0x3e7: {  	v32 =	vand.u32 $0xFFFF0000, v32;
	v35 =	vshll.u32 v35, $0x10;
	v42 =	vor.u32 s7, v63;
	v21 =	vld.idx.msk [tilespmem:v21+s26+$0x0], $0xffff  }
0x3e8: {  	v34 =	vadd.f32 v34, v37;
	v37 =	vor.u32 s7, v2;
	s7 =	smov.u32 s9;
	v26 =	vmul.bf16 v26, v31;
	v31 =	vld.idx.msk [tilespmem:v27+s29+$0x0], $0xffff  }
0x3e9: {  	v30 =	vadd.f32 v35, v30;
	v43 =	vor.u32 s7, v51;
	v44 =	vor.u32 s7, v52;
	v35 =	vld.idx.msk [tilespmem:v22+s29+$0x0], $0xffff  }
0x3ea: {  	v20 =	vmul.bf16 v20, v24;
	v33 =	vadd.f32 v40, v33;
	v34 =	vadd.f32 v39, v34;
	v24 =	vld.idx.msk [tilespmem:v27+s26+$0x0], $0xffff  }
0x3eb: {  	v29 =	vadd.f32 v29, v30;
	v19 =	vmul.bf16 v25, v19;
	v27 =	vor.u32 s7, v62;
	v25 =	vld.idx.msk [tilespmem:v41+s29+$0x0], $0xffff  }
0x3ec: {  	v16 =	vmul.bf16 v18, v16;
	v23 =	vmul.bf16 v23, v28;
	v28 =	vand.u32 $0xFFFF0000, v26;
	v18 =	vld.idx.msk [tilespmem:v22+s26+$0x0], $0xffff  }
0x3ed: {  	v30 =	vor.u32 s7, v53;
	v22 =	vor.u32 s7, v54;
	v21 =	vmul.bf16 v38, v21;
	v38 =	vld.idx.msk [tilespmem:v41+s26+$0x0], $0xffff  }
0x3ee: {  	v40 =	vand.u32 $0xFFFF0000, v16;
	v39 =	vand.u32 $0xFFFF0000, v23;
	v41 =	vshll.u32 v16, $0x10;
	v16 =	vld.idx.msk [tilespmem:v42+s26+$0x0], $0xffff  }
0x3ef: {  	v46 =	vshll.u32 v19, $0x10;
	v26 =	vshll.u32 v26, $0x10;
	v45 =	vand.u32 $0xFFFF0000, v21;
	v47 =	vld.idx.msk [tilespmem:v37+s29+$0x0], $0xffff  }
0x3f0: {  	v32 =	vadd.f32 v32, v36;
	v23 =	vshll.u32 v23, $0x10;
	v24 =	vmul.bf16 v31, v24;
	v31 =	vld.idx.msk [tilespmem:v42+s29+$0x0], $0xffff  }
0x3f1: {  	v36 =	vand.u32 $0xFFFF0000, v20;
	v19 =	vand.u32 $0xFFFF0000, v19;
	v21 =	vshll.u32 v21, $0x10;
	v37 =	vld.idx.msk [tilespmem:v37+s26+$0x0], $0xffff  }
0x3f2: {  	v17 =	vadd.f32 v17, v33;
	v33 =	vand.u32 $0xFFFF0000, v24;
	v24 =	vshll.u32 v24, $0x10;
	v42 =	vld.idx.msk [tilespmem:v43+s29+$0x0], $0xffff  }
0x3f3: {  	v20 =	vshll.u32 v20, $0x10;
	v32 =	vadd.f32 v36, v32;
	v35 =	vmul.bf16 v35, v18;
	v48 =	vld.idx.msk [tilespmem:v27+s29+$0x0], $0xffff  }
0x3f4: {  	v17 =	vadd.f32 v28, v17;
	v26 =	vadd.f32 v26, v29;
	v25 =	vmul.bf16 v25, v38;
	v18 =	vld.idx.msk [tilespmem:v44+s29+$0x0], $0xffff  }
0x3f5: {  	v20 =	vadd.f32 v20, v34;
	v28 =	vor.u32 s7, v0;
	v34 =	vand.u32 $0xFFFF0000, v35;
	v29 =	vld.idx.msk [tilespmem:v30+s26+$0x0], $0xffff  }
0x3f6: {  	v17 =	vadd.f32 v45, v17;
	v38 =	vor.u32 s7, v56;
	v36 =	vld.idx.msk [tilespmem:v44+s26+$0x0], $0xffff;
	v44 =	vor.u32 s7, v55  }
0x3f7: {  	v45 =	vshll.u32 v25, $0x10;
	v31 =	vmul.bf16 v31, v16;
	v16 =	vmul.bf16 v47, v37;
	v30 =	vld.idx.msk [tilespmem:v30+s29+$0x0], $0xffff  }
0x3f8: {  	v26 =	vadd.f32 v21, v26;
	v25 =	vand.u32 $0xFFFF0000, v25;
	v37 =	vor.u32 s7, v59;
	v27 =	vld.idx.msk [tilespmem:v27+s26+$0x0], $0xffff  }
0x3f9: {  	v20 =	vadd.f32 v23, v20;
	v49 =	vand.u32 $0xFFFF0000, v16;
	v50 =	vshll.u32 v16, $0x10;
	v47 =	vld.idx.msk [tilespmem:v22+s26+$0x0], $0xffff  }
0x3fa: {  	v23 =	vor.u32 s7, v57;
	v32 =	vadd.f32 v39, v32;
	v39 =	vand.u32 $0xFFFF0000, v31;
	v43 =	vld.idx.msk [tilespmem:v43+s26+$0x0], $0xffff  }
0x3fb: {  	v21 =	vor.u32 s7, v60;
	v17 =	vadd.f32 v19, v17;
	v26 =	vadd.f32 v46, v26;
	v16 =	vld.idx.msk [tilespmem:v38+s26+$0x0], $0xffff  }
0x3fc: {  	v32 =	vadd.f32 v40, v32;
	v36 =	vmul.bf16 v18, v36;
	v18 =	vld.idx.msk [tilespmem:v38+s29+$0x0], $0xffff;
	v38 =	vadd.f32 v41, v20  }
0x3fd: {  	v17 =	vadd.f32 v34, v17;
	v29 =	vmul.bf16 v30, v29;
	v40 =	vld.idx.msk [tilespmem:v22+s29+$0x0], $0xffff;
	v22 =	vshll.u32 v35, $0x10  }
0x3fe: {  	v32 =	vadd.f32 v33, v32;
	v31 =	vshll.u32 v31, $0x10;
	v30 =	vshll.u32 v36, $0x10;
	v19 =	vld.idx.msk [tilespmem:v37+s26+$0x0], $0xffff  }
0x3ff: {  	v33 =	vand.u32 $0xFFFF0000, v36;
	v35 =	vadd.f32 v24, v38;
	v22 =	vadd.f32 v22, v26;
	v20 =	vld.idx.msk [tilespmem:v28+s29+$0x0], $0xffff  }
.Ltmp7:
0x400: {  	v36 =	vadd.f32 v39, v32;
	v38 =	vadd.f32 v49, v17;
	v34 =	vmul.bf16 v42, v43;
	v26 =	vld.idx.msk [tilespmem:v44+s29+$0x0], $0xffff;
	(pc) =	sbr.rel @p0 .LBB2_16-.Ltmp7, $4  }
0x401: {  	v32 =	vmul.bf16 v48, v27;
	v41 =	vadd.f32 v31, v35;
	v27 =	vadd.f32 v50, v22;
	v24 =	vld.idx.msk [tilespmem:v28+s26+$0x0], $0xffff  }
0x402: {  	v17 =	vand.u32 $0xFFFF0000, v29;
	v36 =	vadd.f32 v25, v36;
	v22 =	vor.u32 s7, v61;
	v31 =	vld.idx.msk [tilespmem:v44+s26+$0x0], $0xffff  }
0x403: {  	v30 =	vadd.f32 v30, v27;
	v35 =	vmul.bf16 v40, v47;
	v27 =	vor.u32 s7, v58;
	v25 =	vld.idx.msk [tilespmem:v37+s29+$0x0], $0xffff  }
0x404: {  	v29 =	vshll.u32 v29, $0x10;
	v39 =	vand.u32 $0xFFFF0000, v34;
	v37 =	vadd.f32 v45, v41;
	v28 =	vld.idx.msk [tilespmem:v23+s26+$0x0], $0xffff  }
0x405: {  	_ =	sdelay $0x3  }
0x406: {  	v34 =	vshll.u32 v34, $0x10;
	v40 =	vld.idx.msk [tilespmem:v21+s29+$0x0], $0xffff  }
0x407: {  	v36 =	vadd.f32 v39, v36;
	v33 =	vadd.f32 v33, v38;
	v23 =	vld.idx.msk [tilespmem:v23+s29+$0x0], $0xffff;
	v49 =	vor.u32 s7, v1  }
0x408: {  	v50 =	vshll.u32 v32, $0x10;
	v41 =	vand.u32 $0xFFFF0000, v35;
	v51 =	vand.u32 $0xFFFF0000, v32;
	v21 =	vld.idx.msk [tilespmem:v21+s26+$0x0], $0xffff  }
0x409: {  	v52 =	vshll.u32 v35, $0x10;
	v42 =	vor.u32 s7, v63;
	v53 =	vld.idx.msk [tilespmem:v27+s29+$0x0], $0xffff;
	v16 =	vmul.bf16 v18, v16  }
0x40a: {  	v54 =	vld.idx.msk [tilespmem:v22+s29+$0x0], $0xffff;
	v34 =	vadd.f32 v34, v37;
	v30 =	vadd.f32 v52, v30;
	v20 =	vmul.bf16 v20, v24  }
0x40b: {  	v22 =	vld.idx.msk [tilespmem:v22+s26+$0x0], $0xffff;
	v26 =	vmul.bf16 v26, v31;
	v33 =	vadd.f32 v41, v33;
	v32 =	vadd.f32 v51, v36  }
0x40c: {  	v24 =	vld.idx.msk [tilespmem:v27+s26+$0x0], $0xffff;
	v31 =	vor.u32 s7, v2;
	v34 =	vadd.f32 v50, v34;
	v27 =	vadd.f32 v29, v30  }
0x40d: {  	v18 =	vmul.bf16 v25, v19;
	v30 =	vand.u32 $0xFFFF0000, v16;
	v16 =	vshll.u32 v16, $0x10  }
0x40e: {  	v59 =	vand.u32 $0xFFFF0000, v20;
	v20 =	vshll.u32 v20, $0x10;
	v19 =	vand.u32 $0xFFFF0000, v26;
	v29 =	vld.idx.msk [tilespmem:v49+s29+$0x0], $0xffff  }
0x40f: {  	v26 =	vshll.u32 v26, $0x10;
	v17 =	vadd.f32 v17, v33;
	v32 =	vadd.f32 v59, v32;
	v25 =	vld.idx.msk [tilespmem:v49+s26+$0x0], $0xffff  }
0x410: {  	v23 =	vmul.bf16 v23, v28;
	v21 =	vmul.bf16 v40, v21;
	v55 =	vld.idx.msk [tilespmem:v42+s26+$0x0], $0xffff;
	v57 =	vshll.u32 v18, $0x10  }
0x411: {  	v60 =	vld.idx.msk [tilespmem:v42+s29+$0x0], $0xffff;
	v18 =	vand.u32 $0xFFFF0000, v18;
	v22 =	vmul.bf16 v54, v22;
	v20 =	vadd.f32 v20, v34  }
0x412: {  	v24 =	vmul.bf16 v53, v24;
	v17 =	vadd.f32 v19, v17;
	v28 =	vand.u32 $0xFFFF0000, v23;
	v58 =	vld.idx.msk [tilespmem:v31+s29+$0x0], $0xffff  }
0x413: {  	v56 =	vand.u32 $0xFFFF0000, v21;
	v23 =	vshll.u32 v23, $0x10;
	v21 =	vshll.u32 v21, $0x10;
	v31 =	vld.idx.msk [tilespmem:v31+s26+$0x0], $0xffff  }
0x414: {  	v37 =	vand.u32 $0xFFFF0000, v24;
	v19 =	vshll.u32 v24, $0x10;
	v24 =	vadd.f32 v26, v27  }
0x415: {  	v26 =	vand.u32 $0xFFFF0000, v22;
	v20 =	vadd.f32 v23, v20;
	v23 =	vadd.f32 v28, v32  }
0x416: {  	v17 =	vadd.f32 v56, v17;
	v25 =	vmul.bf16 v29, v25;
	v21 =	vadd.f32 v21, v24  }
0x417: {  	v28 =	vmul.bf16 v60, v55;
	v23 =	vadd.f32 v30, v23;
	v16 =	vadd.f32 v16, v20  }
0x418: {  	v17 =	vadd.f32 v18, v17;
	v27 =	vmul.bf16 v58, v31;
	v29 =	vshll.u32 v25, $0x10  }
0x419: {  	v18 =	vadd.f32 v57, v21;
	v21 =	vshll.u32 v22, $0x10;
	v22 =	vadd.f32 v37, v23  }
0x41a: {  	v20 =	vand.u32 $0xFFFF0000, v28;
	v16 =	vadd.f32 v19, v16;
	v17 =	vadd.f32 v26, v17  }
0x41b: {  	v19 =	vshll.u32 v28, $0x10;
	v24 =	vand.u32 $0xFFFF0000, v27;
	v18 =	vadd.f32 v21, v18  }
0x41c: {  	v21 =	vshll.u32 v27, $0x10;
	v20 =	vadd.f32 v20, v22;
	v16 =	vadd.f32 v19, v16  }
0x41d: {  	v19 =	vand.u32 $0xFFFF0000, v25;
	v17 =	vadd.f32 v24, v17;
	v18 =	vadd.f32 v21, v18  }
0x41e: {  	v19 =	vadd.f32 v19, v20;
	v16 =	vadd.f32 v29, v16;
	_ =	sdelay $0x1  }
0x41f: {  	v16 =	vadd.f32 v16, v19;
	v17 =	vadd.f32 v18, v17;
	_ =	sdelay $0x1  }
0x420: {  	v16 =	vadd.f32 v17, v16;
	_ =	sdelay $0x1  }
0x421: {  	v16 =	vsub.f32 $0.0e+00, v16;
	_ =	sdelay $0x1  }
0x422: {  	v16 =	vmul.f32 $1.442695020e+00, v16;
	_ =	sdelay $0x1  }
0x423: {  	(erf) = vpow2.f32 v16;
	_ =	sdelay $0x8  }
0x424: {  	v1 =	vld [tilespmem:$0x1FF10];
	v16 =	vpop (erf)  }
0x425: {  	v0 =	vld [tilespmem:$0x1FF00];
	v16 =	vadd.f32 $1.000000000e+00, v16  }
0x426: {  	v3 =	vld [tilespmem:$0x1FC30]  }
0x427: {  	v4 =	vld [tilespmem:$0x1FC50];
	(erf) = vrcp.f32 v16  }
0x428: {  	v52 =	vld [tilespmem:$0x1FC40]  }
0x429: {  	v2 =	vld [tilespmem:$0x1FF20]  }
0x42a: {  	v51 =	vld [tilespmem:$0x1FC20]  }
0x42b: {  	v59 =	vld [tilespmem:$0x1FCC0]  }
0x42c: {  	s7 =	simm.s32 $0x0;
	v54 =	vld [tilespmem:$0x1FC70]  }
0x42d: {  	v53 =	vld [tilespmem:$0x1FC60];
	v16 =	vor.u32 s7, v12  }
0x42e: {  	v56 =	vld [tilespmem:$0x1FC90];
	v17 =	vor.u32 s7, v1  }
0x42f: {  	v55 =	vld [tilespmem:$0x1FC80];
	v18 =	vor.u32 s7, v0  }
0x430: {  	v58 =	vld [tilespmem:$0x1FCB0];
	v20 =	vor.u32 s7, v3;
	v19 =	vpop (erf)  }
0x431: {  	v57 =	vld [tilespmem:$0x1FCA0];
	[tilespmem:$0xEDD0] =	vst v19  }
0x432: {  	v22 =	vld.idx.msk [tilespmem:v16+s29+$0x0], $0xffff  }
0x433: {  	v24 =	vld.idx.msk [tilespmem:v17+s29+$0x0], $0xffff  }
0x434: {  	v21 =	vld.idx.msk [tilespmem:v18+s29+$0x0], $0xffff  }
0x435: {  	v29 =	vor.u32 s7, v51;
	v25 =	vld.idx.msk [tilespmem:v20+s26+$0x0], $0xffff  }
0x436: {  	v19 =	vor.u32 s7, v2;
	v23 =	vld.idx.msk [tilespmem:v18+s26+$0x0], $0xffff  }
0x437: {  	v26 =	vld.idx.msk [tilespmem:v20+s29+$0x0], $0xffff  }
0x438: {  	v28 =	vor.u32 s7, v56;
	v17 =	vld.idx.msk [tilespmem:v17+s26+$0x0], $0xffff  }
0x439: {  	v18 =	vor.u32 s7, v53;
	v30 =	vld.idx.msk [tilespmem:v16+s26+$0x0], $0xffff  }
0x43a: {  	v20 =	vld.idx.msk [tilespmem:v29+s29+$0x0], $0xffff  }
0x43b: {  	v31 =	vor.u32 s7, v4;
	v27 =	vld.idx.msk [tilespmem:v19+s26+$0x0], $0xffff  }
0x43c: {  	v61 =	vld.idx.msk [tilespmem:v19+s29+$0x0], $0xffff  }
0x43d: {  	v19 =	vld.idx.msk [tilespmem:v28+s26+$0x0], $0xffff  }
0x43e: {  	v16 =	vld.idx.msk [tilespmem:v18+s26+$0x0], $0xffff  }
0x43f: {  	v18 =	vld.idx.msk [tilespmem:v18+s29+$0x0], $0xffff  }
0x440: {  	v62 =	vmul.bf16 v21, v23;
	v23 =	vor.u32 s7, v52;
	v63 =	vmul.bf16 v26, v25;
	v26 =	vld.idx.msk [tilespmem:v31+s29+$0x0], $0xffff  }
0x441: {  	v38 =	vimm.f32 $0.0e+00;
	v21 =	vor.u32 s7, v54;
	v32 =	vmul.bf16 v24, v17;
	v24 =	vld.idx.msk [tilespmem:v29+s26+$0x0], $0xffff  }
0x442: {  	v36 =	vimm.f32 $0.0e+00;
	v37 =	vimm.f32 $0.0e+00;
	v31 =	vld.idx.msk [tilespmem:v31+s26+$0x0], $0xffff;
	v25 =	vshll.u32 v62, $0x10  }
0x443: {  	v34 =	vmul.bf16 v22, v30;
	v22 =	vor.u32 s7, v58;
	v30 =	vadd.f32 v25, v36;
	v25 =	vld.idx.msk [tilespmem:v28+s29+$0x0], $0xffff  }
0x444: {  	v33 =	vand.u32 $0xFFFF0000, v62;
	v35 =	vmul.bf16 v61, v27;
	v27 =	vor.u32 s7, v55;
	v61 =	vld [tilespmem:$0x1FCD0]  }
0x445: {  	s8 =	simm.s32 $0x10;
	v17 =	vand.u32 $0xFFFF0000, v63;
	v39 =	vand.u32 $0xFFFF0000, v34;
	v29 =	vshll.u32 v63, $0x10;
	v28 =	vld.idx.msk [tilespmem:v23+s26+$0x0], $0xffff  }
.LBB2_18:
0x446: {  	p0 =	sne.s32 s8, $0x30;
	v34 =	vshll.u32 v34, $0x10;
	v36 =	vadd.f32 v39, v36;
	v33 =	vadd.f32 v33, v38;
	v38 =	vld.idx.msk [tilespmem:v21+s29+$0x0], $0xffff;
	s9 =	smov.u32 s8;
	s8 =	sadd.s32 $0x10, s8  }
0x447: {  	v39 =	vshll.u32 v32, $0x10;
	v40 =	vand.u32 $0xFFFF0000, v35;
	v41 =	vor.u32 s7, v59;
	v23 =	vld.idx.msk [tilespmem:v23+s29+$0x0], $0xffff  }
0x448: {  	v32 =	vand.u32 $0xFFFF0000, v32;
	v35 =	vshll.u32 v35, $0x10;
	v42 =	vor.u32 s7, v57;
	v21 =	vld.idx.msk [tilespmem:v21+s26+$0x0], $0xffff  }
0x449: {  	v34 =	vadd.f32 v34, v37;
	v37 =	vor.u32 s7, v61;
	s7 =	smov.u32 s9;
	v26 =	vmul.bf16 v26, v31;
	v31 =	vld.idx.msk [tilespmem:v27+s29+$0x0], $0xffff  }
0x44a: {  	v30 =	vadd.f32 v35, v30;
	v43 =	vor.u32 s7, v12;
	v44 =	vor.u32 s7, v0;
	v35 =	vld.idx.msk [tilespmem:v22+s29+$0x0], $0xffff  }
0x44b: {  	v20 =	vmul.bf16 v20, v24;
	v33 =	vadd.f32 v40, v33;
	v34 =	vadd.f32 v39, v34;
	v24 =	vld.idx.msk [tilespmem:v27+s26+$0x0], $0xffff  }
0x44c: {  	v29 =	vadd.f32 v29, v30;
	v19 =	vmul.bf16 v25, v19;
	v27 =	vor.u32 s7, v1;
	v25 =	vld.idx.msk [tilespmem:v41+s29+$0x0], $0xffff  }
0x44d: {  	v16 =	vmul.bf16 v18, v16;
	v23 =	vmul.bf16 v23, v28;
	v28 =	vand.u32 $0xFFFF0000, v26;
	v18 =	vld.idx.msk [tilespmem:v22+s26+$0x0], $0xffff  }
0x44e: {  	v30 =	vor.u32 s7, v3;
	v22 =	vor.u32 s7, v2;
	v21 =	vmul.bf16 v38, v21;
	v38 =	vld.idx.msk [tilespmem:v41+s26+$0x0], $0xffff  }
0x44f: {  	v40 =	vand.u32 $0xFFFF0000, v16;
	v39 =	vand.u32 $0xFFFF0000, v23;
	v41 =	vshll.u32 v16, $0x10;
	v16 =	vld.idx.msk [tilespmem:v42+s26+$0x0], $0xffff  }
0x450: {  	v46 =	vshll.u32 v19, $0x10;
	v26 =	vshll.u32 v26, $0x10;
	v45 =	vand.u32 $0xFFFF0000, v21;
	v47 =	vld.idx.msk [tilespmem:v37+s29+$0x0], $0xffff  }
0x451: {  	v32 =	vadd.f32 v32, v36;
	v23 =	vshll.u32 v23, $0x10;
	v24 =	vmul.bf16 v31, v24;
	v31 =	vld.idx.msk [tilespmem:v42+s29+$0x0], $0xffff  }
0x452: {  	v36 =	vand.u32 $0xFFFF0000, v20;
	v19 =	vand.u32 $0xFFFF0000, v19;
	v21 =	vshll.u32 v21, $0x10;
	v37 =	vld.idx.msk [tilespmem:v37+s26+$0x0], $0xffff  }
0x453: {  	v17 =	vadd.f32 v17, v33;
	v33 =	vand.u32 $0xFFFF0000, v24;
	v24 =	vshll.u32 v24, $0x10;
	v42 =	vld.idx.msk [tilespmem:v43+s29+$0x0], $0xffff  }
0x454: {  	v20 =	vshll.u32 v20, $0x10;
	v32 =	vadd.f32 v36, v32;
	v35 =	vmul.bf16 v35, v18;
	v48 =	vld.idx.msk [tilespmem:v27+s29+$0x0], $0xffff  }
0x455: {  	v17 =	vadd.f32 v28, v17;
	v26 =	vadd.f32 v26, v29;
	v25 =	vmul.bf16 v25, v38;
	v18 =	vld.idx.msk [tilespmem:v44+s29+$0x0], $0xffff  }
0x456: {  	v20 =	vadd.f32 v20, v34;
	v28 =	vor.u32 s7, v51;
	v34 =	vand.u32 $0xFFFF0000, v35;
	v29 =	vld.idx.msk [tilespmem:v30+s26+$0x0], $0xffff  }
0x457: {  	v17 =	vadd.f32 v45, v17;
	v38 =	vor.u32 s7, v53;
	v36 =	vld.idx.msk [tilespmem:v44+s26+$0x0], $0xffff;
	v44 =	vor.u32 s7, v4  }
0x458: {  	v45 =	vshll.u32 v25, $0x10;
	v31 =	vmul.bf16 v31, v16;
	v16 =	vmul.bf16 v47, v37;
	v30 =	vld.idx.msk [tilespmem:v30+s29+$0x0], $0xffff  }
0x459: {  	v26 =	vadd.f32 v21, v26;
	v25 =	vand.u32 $0xFFFF0000, v25;
	v37 =	vor.u32 s7, v56;
	v27 =	vld.idx.msk [tilespmem:v27+s26+$0x0], $0xffff  }
0x45a: {  	v20 =	vadd.f32 v23, v20;
	v49 =	vand.u32 $0xFFFF0000, v16;
	v50 =	vshll.u32 v16, $0x10;
	v47 =	vld.idx.msk [tilespmem:v22+s26+$0x0], $0xffff  }
0x45b: {  	v23 =	vor.u32 s7, v52;
	v32 =	vadd.f32 v39, v32;
	v39 =	vand.u32 $0xFFFF0000, v31;
	v43 =	vld.idx.msk [tilespmem:v43+s26+$0x0], $0xffff  }
0x45c: {  	v21 =	vor.u32 s7, v54;
	v17 =	vadd.f32 v19, v17;
	v26 =	vadd.f32 v46, v26;
	v16 =	vld.idx.msk [tilespmem:v38+s26+$0x0], $0xffff  }
0x45d: {  	v32 =	vadd.f32 v40, v32;
	v36 =	vmul.bf16 v18, v36;
	v18 =	vld.idx.msk [tilespmem:v38+s29+$0x0], $0xffff;
	v38 =	vadd.f32 v41, v20  }
0x45e: {  	v17 =	vadd.f32 v34, v17;
	v29 =	vmul.bf16 v30, v29;
	v40 =	vld.idx.msk [tilespmem:v22+s29+$0x0], $0xffff;
	v22 =	vshll.u32 v35, $0x10  }
0x45f: {  	v32 =	vadd.f32 v33, v32;
	v31 =	vshll.u32 v31, $0x10;
	v30 =	vshll.u32 v36, $0x10;
	v19 =	vld.idx.msk [tilespmem:v37+s26+$0x0], $0xffff  }
0x460: {  	v33 =	vand.u32 $0xFFFF0000, v36;
	v35 =	vadd.f32 v24, v38;
	v22 =	vadd.f32 v22, v26;
	v20 =	vld.idx.msk [tilespmem:v28+s29+$0x0], $0xffff  }
.Ltmp8:
0x461: {  	v36 =	vadd.f32 v39, v32;
	v38 =	vadd.f32 v49, v17;
	v34 =	vmul.bf16 v42, v43;
	v26 =	vld.idx.msk [tilespmem:v44+s29+$0x0], $0xffff;
	(pc) =	sbr.rel @p0 .LBB2_18-.Ltmp8, $4  }
0x462: {  	v32 =	vmul.bf16 v48, v27;
	v41 =	vadd.f32 v31, v35;
	v27 =	vadd.f32 v50, v22;
	v24 =	vld.idx.msk [tilespmem:v28+s26+$0x0], $0xffff  }
0x463: {  	v17 =	vand.u32 $0xFFFF0000, v29;
	v36 =	vadd.f32 v25, v36;
	v22 =	vor.u32 s7, v58;
	v31 =	vld.idx.msk [tilespmem:v44+s26+$0x0], $0xffff  }
0x464: {  	v30 =	vadd.f32 v30, v27;
	v35 =	vmul.bf16 v40, v47;
	v27 =	vor.u32 s7, v55;
	v25 =	vld.idx.msk [tilespmem:v37+s29+$0x0], $0xffff  }
0x465: {  	v29 =	vshll.u32 v29, $0x10;
	v39 =	vand.u32 $0xFFFF0000, v34;
	v37 =	vadd.f32 v45, v41;
	v28 =	vld.idx.msk [tilespmem:v23+s26+$0x0], $0xffff  }
0x466: {  	_ =	sdelay $0x3  }
0x467: {  	v34 =	vshll.u32 v34, $0x10;
	v40 =	vld.idx.msk [tilespmem:v21+s29+$0x0], $0xffff  }
0x468: {  	v36 =	vadd.f32 v39, v36;
	v33 =	vadd.f32 v33, v38;
	v23 =	vld.idx.msk [tilespmem:v23+s29+$0x0], $0xffff;
	v59 =	vor.u32 s7, v59  }
0x469: {  	v60 =	vshll.u32 v32, $0x10;
	v41 =	vand.u32 $0xFFFF0000, v35;
	v62 =	vand.u32 $0xFFFF0000, v32;
	v21 =	vld.idx.msk [tilespmem:v21+s26+$0x0], $0xffff  }
0x46a: {  	v63 =	vshll.u32 v35, $0x10;
	v42 =	vor.u32 s7, v57;
	v44 =	vld.idx.msk [tilespmem:v27+s29+$0x0], $0xffff;
	v16 =	vmul.bf16 v18, v16  }
0x46b: {  	v45 =	vld.idx.msk [tilespmem:v22+s29+$0x0], $0xffff;
	v34 =	vadd.f32 v34, v37;
	v30 =	vadd.f32 v63, v30;
	v20 =	vmul.bf16 v20, v24  }
0x46c: {  	v22 =	vld.idx.msk [tilespmem:v22+s26+$0x0], $0xffff;
	v26 =	vmul.bf16 v26, v31;
	v33 =	vadd.f32 v41, v33;
	v32 =	vadd.f32 v62, v36  }
0x46d: {  	v24 =	vld.idx.msk [tilespmem:v27+s26+$0x0], $0xffff;
	v31 =	vor.u32 s7, v61;
	v34 =	vadd.f32 v60, v34;
	v27 =	vadd.f32 v29, v30  }
0x46e: {  	v18 =	vmul.bf16 v25, v19;
	v30 =	vand.u32 $0xFFFF0000, v16;
	v16 =	vshll.u32 v16, $0x10  }
0x46f: {  	v50 =	vand.u32 $0xFFFF0000, v20;
	v20 =	vshll.u32 v20, $0x10;
	v19 =	vand.u32 $0xFFFF0000, v26;
	v29 =	vld.idx.msk [tilespmem:v59+s29+$0x0], $0xffff  }
0x470: {  	v26 =	vshll.u32 v26, $0x10;
	v17 =	vadd.f32 v17, v33;
	v32 =	vadd.f32 v50, v32;
	v25 =	vld.idx.msk [tilespmem:v59+s26+$0x0], $0xffff  }
0x471: {  	v23 =	vmul.bf16 v23, v28;
	v21 =	vmul.bf16 v40, v21;
	v46 =	vld.idx.msk [tilespmem:v42+s26+$0x0], $0xffff;
	v48 =	vshll.u32 v18, $0x10  }
0x472: {  	v51 =	vld.idx.msk [tilespmem:v42+s29+$0x0], $0xffff;
	v18 =	vand.u32 $0xFFFF0000, v18;
	v22 =	vmul.bf16 v45, v22;
	v20 =	vadd.f32 v20, v34  }
0x473: {  	v24 =	vmul.bf16 v44, v24;
	v17 =	vadd.f32 v19, v17;
	v28 =	vand.u32 $0xFFFF0000, v23;
	v49 =	vld.idx.msk [tilespmem:v31+s29+$0x0], $0xffff  }
0x474: {  	v47 =	vand.u32 $0xFFFF0000, v21;
	v23 =	vshll.u32 v23, $0x10;
	v21 =	vshll.u32 v21, $0x10;
	v31 =	vld.idx.msk [tilespmem:v31+s26+$0x0], $0xffff  }
0x475: {  	v37 =	vand.u32 $0xFFFF0000, v24;
	v19 =	vshll.u32 v24, $0x10;
	v24 =	vadd.f32 v26, v27  }
0x476: {  	v26 =	vand.u32 $0xFFFF0000, v22;
	v20 =	vadd.f32 v23, v20;
	v23 =	vadd.f32 v28, v32  }
0x477: {  	v17 =	vadd.f32 v47, v17;
	v25 =	vmul.bf16 v29, v25;
	v21 =	vadd.f32 v21, v24  }
0x478: {  	v28 =	vmul.bf16 v51, v46;
	v23 =	vadd.f32 v30, v23;
	v16 =	vadd.f32 v16, v20  }
0x479: {  	v17 =	vadd.f32 v18, v17;
	v27 =	vmul.bf16 v49, v31;
	v29 =	vshll.u32 v25, $0x10  }
0x47a: {  	v18 =	vadd.f32 v48, v21;
	v21 =	vshll.u32 v22, $0x10;
	v22 =	vadd.f32 v37, v23  }
0x47b: {  	v20 =	vand.u32 $0xFFFF0000, v28;
	v16 =	vadd.f32 v19, v16;
	v17 =	vadd.f32 v26, v17  }
0x47c: {  	v19 =	vshll.u32 v28, $0x10;
	v24 =	vand.u32 $0xFFFF0000, v27;
	v18 =	vadd.f32 v21, v18  }
0x47d: {  	v21 =	vshll.u32 v27, $0x10;
	v20 =	vadd.f32 v20, v22;
	v16 =	vadd.f32 v19, v16  }
0x47e: {  	v19 =	vand.u32 $0xFFFF0000, v25;
	v17 =	vadd.f32 v24, v17;
	v18 =	vadd.f32 v21, v18  }
0x47f: {  	v19 =	vadd.f32 v19, v20;
	v16 =	vadd.f32 v29, v16;
	_ =	sdelay $0x1  }
0x480: {  	v16 =	vadd.f32 v16, v19;
	v17 =	vadd.f32 v18, v17;
	_ =	sdelay $0x1  }
0x481: {  	v16 =	vadd.f32 v17, v16;
	_ =	sdelay $0x1  }
0x482: {  	v16 =	vsub.f32 $0.0e+00, v16;
	_ =	sdelay $0x1  }
0x483: {  	v16 =	vmul.f32 $1.442695020e+00, v16;
	_ =	sdelay $0x1  }
0x484: {  	(erf) = vpow2.f32 v16;
	_ =	sdelay $0x7  }
0x485: {  	v4 =	vld [tilespmem:$0x1FF40]  }
0x486: {  	v3 =	vld [tilespmem:$0x1FF30];
	v16 =	vpop (erf)  }
0x487: {  	v6 =	vld [tilespmem:$0x1FF70];
	v16 =	vadd.f32 $1.000000000e+00, v16  }
0x488: {  	v5 =	vld [tilespmem:$0x1FF50]  }
0x489: {  	v58 =	vld [tilespmem:$0x1FFA0];
	(erf) = vrcp.f32 v16  }
0x48a: {  	v0 =	vld [tilespmem:$0x1FCE0]  }
0x48b: {  	v7 =	vld [tilespmem:$0x1FF60]  }
0x48c: {  	v57 =	vld [tilespmem:$0x1FF90]  }
0x48d: {  	v56 =	vld [tilespmem:$0x1FF80]  }
0x48e: {  	v63 =	vld [tilespmem:$0x1FFE0];
	s7 =	simm.s32 $0x0  }
0x48f: {  	v62 =	vld [tilespmem:$0x1FD00];
	v16 =	vor.u32 s7, v13  }
0x490: {  	v61 =	vld [tilespmem:$0x1FFC0];
	v17 =	vor.u32 s7, v4  }
0x491: {  	v60 =	vld [tilespmem:$0x1FCF0];
	v18 =	vor.u32 s7, v3  }
0x492: {  	v59 =	vld [tilespmem:$0x1FFB0];
	v20 =	vor.u32 s7, v6;
	v19 =	vpop (erf)  }
0x493: {  	v51 =	vld [tilespmem:$0x1FD10];
	[tilespmem:$0xEDE0] =	vst v19  }
0x494: {  	v22 =	vld.idx.msk [tilespmem:v16+s29+$0x0], $0xffff  }
0x495: {  	v24 =	vld.idx.msk [tilespmem:v17+s29+$0x0], $0xffff  }
0x496: {  	v21 =	vld.idx.msk [tilespmem:v18+s29+$0x0], $0xffff  }
0x497: {  	v29 =	vor.u32 s7, v7;
	v25 =	vld.idx.msk [tilespmem:v20+s26+$0x0], $0xffff  }
0x498: {  	v19 =	vor.u32 s7, v5;
	v23 =	vld.idx.msk [tilespmem:v18+s26+$0x0], $0xffff  }
0x499: {  	v26 =	vld.idx.msk [tilespmem:v20+s29+$0x0], $0xffff  }
0x49a: {  	v28 =	vor.u32 s7, v0;
	v17 =	vld.idx.msk [tilespmem:v17+s26+$0x0], $0xffff  }
0x49b: {  	v18 =	vor.u32 s7, v58;
	v30 =	vld.idx.msk [tilespmem:v16+s26+$0x0], $0xffff  }
0x49c: {  	v20 =	vld.idx.msk [tilespmem:v29+s29+$0x0], $0xffff  }
0x49d: {  	v31 =	vor.u32 s7, v57;
	v27 =	vld.idx.msk [tilespmem:v19+s26+$0x0], $0xffff  }
0x49e: {  	v52 =	vld.idx.msk [tilespmem:v19+s29+$0x0], $0xffff  }
0x49f: {  	v19 =	vld.idx.msk [tilespmem:v28+s26+$0x0], $0xffff  }
0x4a0: {  	v16 =	vld.idx.msk [tilespmem:v18+s26+$0x0], $0xffff  }
0x4a1: {  	v18 =	vld.idx.msk [tilespmem:v18+s29+$0x0], $0xffff  }
0x4a2: {  	v53 =	vmul.bf16 v21, v23;
	v23 =	vor.u32 s7, v56;
	v55 =	vmul.bf16 v26, v25;
	v26 =	vld.idx.msk [tilespmem:v31+s29+$0x0], $0xffff  }
0x4a3: {  	v38 =	vimm.f32 $0.0e+00;
	v21 =	vor.u32 s7, v59;
	v32 =	vmul.bf16 v24, v17;
	v24 =	vld.idx.msk [tilespmem:v29+s26+$0x0], $0xffff  }
0x4a4: {  	v36 =	vimm.f32 $0.0e+00;
	v37 =	vimm.f32 $0.0e+00;
	v31 =	vld.idx.msk [tilespmem:v31+s26+$0x0], $0xffff;
	v25 =	vshll.u32 v53, $0x10  }
0x4a5: {  	v34 =	vmul.bf16 v22, v30;
	v22 =	vor.u32 s7, v62;
	v30 =	vadd.f32 v25, v36;
	v25 =	vld.idx.msk [tilespmem:v28+s29+$0x0], $0xffff  }
0x4a6: {  	v33 =	vand.u32 $0xFFFF0000, v53;
	v35 =	vmul.bf16 v52, v27;
	v27 =	vor.u32 s7, v61;
	v52 =	vld [tilespmem:$0x1FD20]  }
0x4a7: {  	s8 =	simm.s32 $0x10;
	v17 =	vand.u32 $0xFFFF0000, v55;
	v39 =	vand.u32 $0xFFFF0000, v34;
	v29 =	vshll.u32 v55, $0x10;
	v28 =	vld.idx.msk [tilespmem:v23+s26+$0x0], $0xffff  }
.LBB2_20:
0x4a8: {  	p0 =	sne.s32 s8, $0x30;
	v34 =	vshll.u32 v34, $0x10;
	v36 =	vadd.f32 v39, v36;
	v33 =	vadd.f32 v33, v38;
	v38 =	vld.idx.msk [tilespmem:v21+s29+$0x0], $0xffff;
	s9 =	smov.u32 s8;
	s8 =	sadd.s32 $0x10, s8  }
0x4a9: {  	v39 =	vshll.u32 v32, $0x10;
	v40 =	vand.u32 $0xFFFF0000, v35;
	v41 =	vor.u32 s7, v51;
	v23 =	vld.idx.msk [tilespmem:v23+s29+$0x0], $0xffff  }
0x4aa: {  	v32 =	vand.u32 $0xFFFF0000, v32;
	v35 =	vshll.u32 v35, $0x10;
	v42 =	vor.u32 s7, v60;
	v21 =	vld.idx.msk [tilespmem:v21+s26+$0x0], $0xffff  }
0x4ab: {  	v34 =	vadd.f32 v34, v37;
	v37 =	vor.u32 s7, v52;
	s7 =	smov.u32 s9;
	v26 =	vmul.bf16 v26, v31;
	v31 =	vld.idx.msk [tilespmem:v27+s29+$0x0], $0xffff  }
0x4ac: {  	v30 =	vadd.f32 v35, v30;
	v43 =	vor.u32 s7, v13;
	v44 =	vor.u32 s7, v3;
	v35 =	vld.idx.msk [tilespmem:v22+s29+$0x0], $0xffff  }
0x4ad: {  	v20 =	vmul.bf16 v20, v24;
	v33 =	vadd.f32 v40, v33;
	v34 =	vadd.f32 v39, v34;
	v24 =	vld.idx.msk [tilespmem:v27+s26+$0x0], $0xffff  }
0x4ae: {  	v29 =	vadd.f32 v29, v30;
	v19 =	vmul.bf16 v25, v19;
	v27 =	vor.u32 s7, v4;
	v25 =	vld.idx.msk [tilespmem:v41+s29+$0x0], $0xffff  }
0x4af: {  	v16 =	vmul.bf16 v18, v16;
	v23 =	vmul.bf16 v23, v28;
	v28 =	vand.u32 $0xFFFF0000, v26;
	v18 =	vld.idx.msk [tilespmem:v22+s26+$0x0], $0xffff  }
0x4b0: {  	v30 =	vor.u32 s7, v6;
	v22 =	vor.u32 s7, v5;
	v21 =	vmul.bf16 v38, v21;
	v38 =	vld.idx.msk [tilespmem:v41+s26+$0x0], $0xffff  }
0x4b1: {  	v40 =	vand.u32 $0xFFFF0000, v16;
	v39 =	vand.u32 $0xFFFF0000, v23;
	v41 =	vshll.u32 v16, $0x10;
	v16 =	vld.idx.msk [tilespmem:v42+s26+$0x0], $0xffff  }
0x4b2: {  	v46 =	vshll.u32 v19, $0x10;
	v26 =	vshll.u32 v26, $0x10;
	v45 =	vand.u32 $0xFFFF0000, v21;
	v47 =	vld.idx.msk [tilespmem:v37+s29+$0x0], $0xffff  }
0x4b3: {  	v32 =	vadd.f32 v32, v36;
	v23 =	vshll.u32 v23, $0x10;
	v24 =	vmul.bf16 v31, v24;
	v31 =	vld.idx.msk [tilespmem:v42+s29+$0x0], $0xffff  }
0x4b4: {  	v36 =	vand.u32 $0xFFFF0000, v20;
	v19 =	vand.u32 $0xFFFF0000, v19;
	v21 =	vshll.u32 v21, $0x10;
	v37 =	vld.idx.msk [tilespmem:v37+s26+$0x0], $0xffff  }
0x4b5: {  	v17 =	vadd.f32 v17, v33;
	v33 =	vand.u32 $0xFFFF0000, v24;
	v24 =	vshll.u32 v24, $0x10;
	v42 =	vld.idx.msk [tilespmem:v43+s29+$0x0], $0xffff  }
0x4b6: {  	v20 =	vshll.u32 v20, $0x10;
	v32 =	vadd.f32 v36, v32;
	v35 =	vmul.bf16 v35, v18;
	v48 =	vld.idx.msk [tilespmem:v27+s29+$0x0], $0xffff  }
0x4b7: {  	v17 =	vadd.f32 v28, v17;
	v26 =	vadd.f32 v26, v29;
	v25 =	vmul.bf16 v25, v38;
	v18 =	vld.idx.msk [tilespmem:v44+s29+$0x0], $0xffff  }
0x4b8: {  	v20 =	vadd.f32 v20, v34;
	v28 =	vor.u32 s7, v7;
	v34 =	vand.u32 $0xFFFF0000, v35;
	v29 =	vld.idx.msk [tilespmem:v30+s26+$0x0], $0xffff  }
0x4b9: {  	v17 =	vadd.f32 v45, v17;
	v38 =	vor.u32 s7, v58;
	v36 =	vld.idx.msk [tilespmem:v44+s26+$0x0], $0xffff;
	v44 =	vor.u32 s7, v57  }
0x4ba: {  	v45 =	vshll.u32 v25, $0x10;
	v31 =	vmul.bf16 v31, v16;
	v16 =	vmul.bf16 v47, v37;
	v30 =	vld.idx.msk [tilespmem:v30+s29+$0x0], $0xffff  }
0x4bb: {  	v26 =	vadd.f32 v21, v26;
	v25 =	vand.u32 $0xFFFF0000, v25;
	v37 =	vor.u32 s7, v0;
	v27 =	vld.idx.msk [tilespmem:v27+s26+$0x0], $0xffff  }
0x4bc: {  	v20 =	vadd.f32 v23, v20;
	v49 =	vand.u32 $0xFFFF0000, v16;
	v50 =	vshll.u32 v16, $0x10;
	v47 =	vld.idx.msk [tilespmem:v22+s26+$0x0], $0xffff  }
0x4bd: {  	v23 =	vor.u32 s7, v56;
	v32 =	vadd.f32 v39, v32;
	v39 =	vand.u32 $0xFFFF0000, v31;
	v43 =	vld.idx.msk [tilespmem:v43+s26+$0x0], $0xffff  }
0x4be: {  	v21 =	vor.u32 s7, v59;
	v17 =	vadd.f32 v19, v17;
	v26 =	vadd.f32 v46, v26;
	v16 =	vld.idx.msk [tilespmem:v38+s26+$0x0], $0xffff  }
0x4bf: {  	v32 =	vadd.f32 v40, v32;
	v36 =	vmul.bf16 v18, v36;
	v18 =	vld.idx.msk [tilespmem:v38+s29+$0x0], $0xffff;
	v38 =	vadd.f32 v41, v20  }
0x4c0: {  	v17 =	vadd.f32 v34, v17;
	v29 =	vmul.bf16 v30, v29;
	v40 =	vld.idx.msk [tilespmem:v22+s29+$0x0], $0xffff;
	v22 =	vshll.u32 v35, $0x10  }
0x4c1: {  	v32 =	vadd.f32 v33, v32;
	v31 =	vshll.u32 v31, $0x10;
	v30 =	vshll.u32 v36, $0x10;
	v19 =	vld.idx.msk [tilespmem:v37+s26+$0x0], $0xffff  }
0x4c2: {  	v33 =	vand.u32 $0xFFFF0000, v36;
	v35 =	vadd.f32 v24, v38;
	v22 =	vadd.f32 v22, v26;
	v20 =	vld.idx.msk [tilespmem:v28+s29+$0x0], $0xffff  }
.Ltmp9:
0x4c3: {  	v36 =	vadd.f32 v39, v32;
	v38 =	vadd.f32 v49, v17;
	v34 =	vmul.bf16 v42, v43;
	v26 =	vld.idx.msk [tilespmem:v44+s29+$0x0], $0xffff;
	(pc) =	sbr.rel @p0 .LBB2_20-.Ltmp9, $4  }
0x4c4: {  	v32 =	vmul.bf16 v48, v27;
	v41 =	vadd.f32 v31, v35;
	v27 =	vadd.f32 v50, v22;
	v24 =	vld.idx.msk [tilespmem:v28+s26+$0x0], $0xffff  }
0x4c5: {  	v17 =	vand.u32 $0xFFFF0000, v29;
	v36 =	vadd.f32 v25, v36;
	v22 =	vor.u32 s7, v62;
	v31 =	vld.idx.msk [tilespmem:v44+s26+$0x0], $0xffff  }
0x4c6: {  	v30 =	vadd.f32 v30, v27;
	v35 =	vmul.bf16 v40, v47;
	v27 =	vor.u32 s7, v61;
	v25 =	vld.idx.msk [tilespmem:v37+s29+$0x0], $0xffff  }
0x4c7: {  	v29 =	vshll.u32 v29, $0x10;
	v39 =	vand.u32 $0xFFFF0000, v34;
	v37 =	vadd.f32 v45, v41;
	v28 =	vld.idx.msk [tilespmem:v23+s26+$0x0], $0xffff  }
0x4c8: {  	_ =	sdelay $0x3  }
0x4c9: {  	v13 =	vshll.u32 v34, $0x10;
	v45 =	vld.idx.msk [tilespmem:v21+s29+$0x0], $0xffff  }
0x4ca: {  	v36 =	vadd.f32 v39, v36;
	v33 =	vadd.f32 v33, v38;
	v23 =	vld.idx.msk [tilespmem:v23+s29+$0x0], $0xffff;
	v46 =	vor.u32 s7, v51  }
0x4cb: {  	v47 =	vshll.u32 v32, $0x10;
	v40 =	vand.u32 $0xFFFF0000, v35;
	v48 =	vand.u32 $0xFFFF0000, v32;
	v21 =	vld.idx.msk [tilespmem:v21+s26+$0x0], $0xffff  }
0x4cc: {  	v49 =	vshll.u32 v35, $0x10;
	v41 =	vor.u32 s7, v60;
	v50 =	vld.idx.msk [tilespmem:v27+s29+$0x0], $0xffff;
	v16 =	vmul.bf16 v18, v16  }
0x4cd: {  	v51 =	vld.idx.msk [tilespmem:v22+s29+$0x0], $0xffff;
	v13 =	vadd.f32 v13, v37;
	v30 =	vadd.f32 v49, v30;
	v20 =	vmul.bf16 v20, v24  }
0x4ce: {  	v22 =	vld.idx.msk [tilespmem:v22+s26+$0x0], $0xffff;
	v26 =	vmul.bf16 v26, v31;
	v33 =	vadd.f32 v40, v33;
	v32 =	vadd.f32 v48, v36  }
0x4cf: {  	v24 =	vld.idx.msk [tilespmem:v27+s26+$0x0], $0xffff;
	v31 =	vor.u32 s7, v52;
	v13 =	vadd.f32 v47, v13;
	v27 =	vadd.f32 v29, v30  }
0x4d0: {  	v18 =	vmul.bf16 v25, v19;
	v30 =	vand.u32 $0xFFFF0000, v16;
	v16 =	vshll.u32 v16, $0x10  }
0x4d1: {  	v56 =	vand.u32 $0xFFFF0000, v20;
	v20 =	vshll.u32 v20, $0x10;
	v19 =	vand.u32 $0xFFFF0000, v26;
	v29 =	vld.idx.msk [tilespmem:v46+s29+$0x0], $0xffff  }
0x4d2: {  	v26 =	vshll.u32 v26, $0x10;
	v17 =	vadd.f32 v17, v33;
	v32 =	vadd.f32 v56, v32;
	v25 =	vld.idx.msk [tilespmem:v46+s26+$0x0], $0xffff  }
0x4d3: {  	v23 =	vmul.bf16 v23, v28;
	v21 =	vmul.bf16 v45, v21;
	v52 =	vld.idx.msk [tilespmem:v41+s26+$0x0], $0xffff;
	v54 =	vshll.u32 v18, $0x10  }
0x4d4: {  	v57 =	vld.idx.msk [tilespmem:v41+s29+$0x0], $0xffff;
	v18 =	vand.u32 $0xFFFF0000, v18;
	v22 =	vmul.bf16 v51, v22;
	v24 =	vmul.bf16 v50, v24  }
0x4d5: {  	v13 =	vadd.f32 v20, v13;
	v17 =	vadd.f32 v19, v17;
	v28 =	vand.u32 $0xFFFF0000, v23;
	v55 =	vld.idx.msk [tilespmem:v31+s29+$0x0], $0xffff  }
0x4d6: {  	v53 =	vand.u32 $0xFFFF0000, v21;
	v23 =	vshll.u32 v23, $0x10;
	v31 =	vld.idx.msk [tilespmem:v31+s26+$0x0], $0xffff;
	v37 =	vand.u32 $0xFFFF0000, v24  }
0x4d7: {  	v19 =	vshll.u32 v24, $0x10;
	v24 =	vadd.f32 v26, v27;
	v17 =	vadd.f32 v53, v17  }
0x4d8: {  	v21 =	vshll.u32 v21, $0x10;
	v13 =	vadd.f32 v23, v13;
	v23 =	vadd.f32 v28, v32  }
0x4d9: {  	v20 =	vmul.bf16 v29, v25;
	v25 =	vand.u32 $0xFFFF0000, v22;
	v21 =	vadd.f32 v21, v24  }
0x4da: {  	v27 =	vmul.bf16 v57, v52;
	v23 =	vadd.f32 v30, v23;
	v13 =	vadd.f32 v16, v13  }
0x4db: {  	v17 =	vadd.f32 v18, v17;
	v26 =	vmul.bf16 v55, v31;
	v28 =	vshll.u32 v20, $0x10  }
0x4dc: {  	v18 =	vadd.f32 v54, v21;
	v21 =	vshll.u32 v22, $0x10;
	v22 =	vadd.f32 v37, v23  }
0x4dd: {  	v16 =	vand.u32 $0xFFFF0000, v27;
	v13 =	vadd.f32 v19, v13;
	v17 =	vadd.f32 v25, v17  }
0x4de: {  	v19 =	vshll.u32 v27, $0x10;
	v24 =	vand.u32 $0xFFFF0000, v26;
	v18 =	vadd.f32 v21, v18  }
0x4df: {  	v21 =	vshll.u32 v26, $0x10;
	v16 =	vadd.f32 v16, v22;
	v13 =	vadd.f32 v19, v13  }
0x4e0: {  	v19 =	vand.u32 $0xFFFF0000, v20;
	v17 =	vadd.f32 v24, v17;
	v18 =	vadd.f32 v21, v18  }
0x4e1: {  	v16 =	vadd.f32 v19, v16;
	v13 =	vadd.f32 v28, v13;
	_ =	sdelay $0x1  }
0x4e2: {  	v13 =	vadd.f32 v13, v16;
	v16 =	vadd.f32 v18, v17;
	_ =	sdelay $0x1  }
0x4e3: {  	v13 =	vadd.f32 v16, v13;
	_ =	sdelay $0x1  }
0x4e4: {  	v13 =	vsub.f32 $0.0e+00, v13;
	_ =	sdelay $0x1  }
0x4e5: {  	v13 =	vmul.f32 $1.442695020e+00, v13;
	_ =	sdelay $0x1  }
0x4e6: {  	(erf) = vpow2.f32 v13;
	_ =	sdelay $0x8  }
0x4e7: {  	v60 =	vld [tilespmem:$0x1FD70];
	v13 =	vpop (erf)  }
0x4e8: {  	v3 =	vld [tilespmem:$0x1FDA0];
	v13 =	vadd.f32 $1.000000000e+00, v13  }
0x4e9: {  	v62 =	vld [tilespmem:$0x1FD60]  }
0x4ea: {  	v0 =	vld [tilespmem:$0x1FD80];
	(erf) = vrcp.f32 v13  }
0x4eb: {  	v4 =	vld [tilespmem:$0x1FDB0]  }
0x4ec: {  	v51 =	vld [tilespmem:$0x1FD40]  }
0x4ed: {  	v50 =	vld [tilespmem:$0x1FD30]  }
0x4ee: {  	v6 =	vld [tilespmem:$0x1FDD0]  }
0x4ef: {  	v7 =	vld [tilespmem:$0x1FDF0];
	s7 =	simm.s32 $0x0  }
0x4f0: {  	v53 =	vld [tilespmem:$0x1FD90];
	v13 =	vor.u32 s7, v14  }
0x4f1: {  	v52 =	vld [tilespmem:$0x1FD50];
	v16 =	vor.u32 s7, v51  }
0x4f2: {  	v5 =	vmov v63;
	v27 =	vor.u32 s7, v63;
	v63 =	vld [tilespmem:$0x1FDC0];
	v17 =	vor.u32 s7, v50  }
0x4f3: {  	v55 =	vld [tilespmem:$0x1FFF0];
	v19 =	vor.u32 s7, v60;
	v18 =	vpop (erf)  }
0x4f4: {  	v54 =	vld [tilespmem:$0x1FDE0];
	[tilespmem:$0xEDF0] =	vst v18  }
0x4f5: {  	v21 =	vld.idx.msk [tilespmem:v13+s29+$0x0], $0xffff  }
0x4f6: {  	v23 =	vld.idx.msk [tilespmem:v16+s29+$0x0], $0xffff  }
0x4f7: {  	v20 =	vld.idx.msk [tilespmem:v17+s29+$0x0], $0xffff  }
0x4f8: {  	v28 =	vor.u32 s7, v62;
	v24 =	vld.idx.msk [tilespmem:v19+s26+$0x0], $0xffff  }
0x4f9: {  	v18 =	vor.u32 s7, v52;
	v22 =	vld.idx.msk [tilespmem:v17+s26+$0x0], $0xffff  }
0x4fa: {  	v25 =	vld.idx.msk [tilespmem:v19+s29+$0x0], $0xffff  }
0x4fb: {  	v16 =	vld.idx.msk [tilespmem:v16+s26+$0x0], $0xffff  }
0x4fc: {  	v17 =	vor.u32 s7, v3;
	v29 =	vld.idx.msk [tilespmem:v13+s26+$0x0], $0xffff  }
0x4fd: {  	v19 =	vld.idx.msk [tilespmem:v28+s29+$0x0], $0xffff  }
0x4fe: {  	v30 =	vor.u32 s7, v53;
	v26 =	vld.idx.msk [tilespmem:v18+s26+$0x0], $0xffff  }
0x4ff: {  	v58 =	vld.idx.msk [tilespmem:v18+s29+$0x0], $0xffff  }
0x500: {  	v18 =	vld.idx.msk [tilespmem:v27+s26+$0x0], $0xffff  }
0x501: {  	v13 =	vld.idx.msk [tilespmem:v17+s26+$0x0], $0xffff  }
0x502: {  	v35 =	vimm.f32 $0.0e+00;
	v17 =	vld.idx.msk [tilespmem:v17+s29+$0x0], $0xffff;
	v31 =	vmul.bf16 v20, v22;
	v22 =	vor.u32 s7, v0  }
0x503: {  	v36 =	vimm.f32 $0.0e+00;
	v20 =	vor.u32 s7, v4;
	v59 =	vmul.bf16 v25, v24;
	v25 =	vld.idx.msk [tilespmem:v30+s29+$0x0], $0xffff  }
0x504: {  	v37 =	vimm.f32 $0.0e+00;
	v33 =	vmul.bf16 v21, v29;
	v30 =	vld.idx.msk [tilespmem:v30+s26+$0x0], $0xffff;
	v21 =	vor.u32 s7, v6  }
0x505: {  	v24 =	vshll.u32 v31, $0x10;
	v32 =	vand.u32 $0xFFFF0000, v31;
	v31 =	vmul.bf16 v23, v16;
	v23 =	vld.idx.msk [tilespmem:v28+s26+$0x0], $0xffff  }
0x506: {  	v29 =	vadd.f32 v24, v35;
	v24 =	vld.idx.msk [tilespmem:v27+s29+$0x0], $0xffff;
	v34 =	vmul.bf16 v58, v26;
	v26 =	vor.u32 s7, v63  }
0x507: {  	s8 =	simm.s32 $0x10;
	v16 =	vand.u32 $0xFFFF0000, v59;
	v38 =	vand.u32 $0xFFFF0000, v33;
	v28 =	vshll.u32 v59, $0x10;
	v27 =	vld.idx.msk [tilespmem:v22+s26+$0x0], $0xffff  }
.LBB2_22:
0x508: {  	p0 =	sne.s32 s8, $0x30;
	v33 =	vshll.u32 v33, $0x10;
	v35 =	vadd.f32 v38, v35;
	v32 =	vadd.f32 v32, v37;
	v37 =	vld.idx.msk [tilespmem:v20+s29+$0x0], $0xffff;
	s9 =	smov.u32 s8;
	s8 =	sadd.s32 $0x10, s8  }
0x509: {  	v38 =	vshll.u32 v31, $0x10;
	v39 =	vand.u32 $0xFFFF0000, v34;
	v40 =	vor.u32 s7, v54;
	v22 =	vld.idx.msk [tilespmem:v22+s29+$0x0], $0xffff  }
0x50a: {  	v31 =	vand.u32 $0xFFFF0000, v31;
	v34 =	vshll.u32 v34, $0x10;
	v41 =	vor.u32 s7, v55;
	v20 =	vld.idx.msk [tilespmem:v20+s26+$0x0], $0xffff  }
0x50b: {  	v33 =	vadd.f32 v33, v36;
	v36 =	vor.u32 s7, v7;
	s7 =	smov.u32 s9;
	v25 =	vmul.bf16 v25, v30;
	v30 =	vld.idx.msk [tilespmem:v26+s29+$0x0], $0xffff  }
0x50c: {  	v29 =	vadd.f32 v34, v29;
	v42 =	vor.u32 s7, v14;
	v43 =	vor.u32 s7, v50;
	v34 =	vld.idx.msk [tilespmem:v21+s29+$0x0], $0xffff  }
0x50d: {  	v19 =	vmul.bf16 v19, v23;
	v32 =	vadd.f32 v39, v32;
	v33 =	vadd.f32 v38, v33;
	v23 =	vld.idx.msk [tilespmem:v26+s26+$0x0], $0xffff  }
0x50e: {  	v28 =	vadd.f32 v28, v29;
	v18 =	vmul.bf16 v24, v18;
	v26 =	vor.u32 s7, v51;
	v24 =	vld.idx.msk [tilespmem:v40+s29+$0x0], $0xffff  }
0x50f: {  	v13 =	vmul.bf16 v17, v13;
	v22 =	vmul.bf16 v22, v27;
	v27 =	vand.u32 $0xFFFF0000, v25;
	v17 =	vld.idx.msk [tilespmem:v21+s26+$0x0], $0xffff  }
0x510: {  	v29 =	vor.u32 s7, v60;
	v21 =	vor.u32 s7, v52;
	v20 =	vmul.bf16 v37, v20;
	v37 =	vld.idx.msk [tilespmem:v40+s26+$0x0], $0xffff  }
0x511: {  	v39 =	vand.u32 $0xFFFF0000, v13;
	v38 =	vand.u32 $0xFFFF0000, v22;
	v40 =	vshll.u32 v13, $0x10;
	v13 =	vld.idx.msk [tilespmem:v41+s26+$0x0], $0xffff  }
0x512: {  	v45 =	vshll.u32 v18, $0x10;
	v25 =	vshll.u32 v25, $0x10;
	v44 =	vand.u32 $0xFFFF0000, v20;
	v46 =	vld.idx.msk [tilespmem:v36+s29+$0x0], $0xffff  }
0x513: {  	v31 =	vadd.f32 v31, v35;
	v22 =	vshll.u32 v22, $0x10;
	v23 =	vmul.bf16 v30, v23;
	v30 =	vld.idx.msk [tilespmem:v41+s29+$0x0], $0xffff  }
0x514: {  	v35 =	vand.u32 $0xFFFF0000, v19;
	v18 =	vand.u32 $0xFFFF0000, v18;
	v20 =	vshll.u32 v20, $0x10;
	v36 =	vld.idx.msk [tilespmem:v36+s26+$0x0], $0xffff  }
0x515: {  	v16 =	vadd.f32 v16, v32;
	v32 =	vand.u32 $0xFFFF0000, v23;
	v23 =	vshll.u32 v23, $0x10;
	v41 =	vld.idx.msk [tilespmem:v42+s29+$0x0], $0xffff  }
0x516: {  	v19 =	vshll.u32 v19, $0x10;
	v31 =	vadd.f32 v35, v31;
	v34 =	vmul.bf16 v34, v17;
	v47 =	vld.idx.msk [tilespmem:v26+s29+$0x0], $0xffff  }
0x517: {  	v16 =	vadd.f32 v27, v16;
	v25 =	vadd.f32 v25, v28;
	v24 =	vmul.bf16 v24, v37;
	v17 =	vld.idx.msk [tilespmem:v43+s29+$0x0], $0xffff  }
0x518: {  	v19 =	vadd.f32 v19, v33;
	v27 =	vor.u32 s7, v62;
	v33 =	vand.u32 $0xFFFF0000, v34;
	v28 =	vld.idx.msk [tilespmem:v29+s26+$0x0], $0xffff  }
0x519: {  	v16 =	vadd.f32 v44, v16;
	v37 =	vor.u32 s7, v3;
	v35 =	vld.idx.msk [tilespmem:v43+s26+$0x0], $0xffff;
	v43 =	vor.u32 s7, v53  }
0x51a: {  	v44 =	vshll.u32 v24, $0x10;
	v30 =	vmul.bf16 v30, v13;
	v13 =	vmul.bf16 v46, v36;
	v29 =	vld.idx.msk [tilespmem:v29+s29+$0x0], $0xffff  }
0x51b: {  	v25 =	vadd.f32 v20, v25;
	v24 =	vand.u32 $0xFFFF0000, v24;
	v36 =	vor.u32 s7, v5;
	v26 =	vld.idx.msk [tilespmem:v26+s26+$0x0], $0xffff  }
0x51c: {  	v19 =	vadd.f32 v22, v19;
	v48 =	vand.u32 $0xFFFF0000, v13;
	v49 =	vshll.u32 v13, $0x10;
	v46 =	vld.idx.msk [tilespmem:v21+s26+$0x0], $0xffff  }
0x51d: {  	v22 =	vor.u32 s7, v0;
	v31 =	vadd.f32 v38, v31;
	v38 =	vand.u32 $0xFFFF0000, v30;
	v42 =	vld.idx.msk [tilespmem:v42+s26+$0x0], $0xffff  }
0x51e: {  	v20 =	vor.u32 s7, v4;
	v16 =	vadd.f32 v18, v16;
	v25 =	vadd.f32 v45, v25;
	v13 =	vld.idx.msk [tilespmem:v37+s26+$0x0], $0xffff  }
0x51f: {  	v31 =	vadd.f32 v39, v31;
	v35 =	vmul.bf16 v17, v35;
	v17 =	vld.idx.msk [tilespmem:v37+s29+$0x0], $0xffff;
	v37 =	vadd.f32 v40, v19  }
0x520: {  	v16 =	vadd.f32 v33, v16;
	v28 =	vmul.bf16 v29, v28;
	v39 =	vld.idx.msk [tilespmem:v21+s29+$0x0], $0xffff;
	v21 =	vshll.u32 v34, $0x10  }
0x521: {  	v31 =	vadd.f32 v32, v31;
	v30 =	vshll.u32 v30, $0x10;
	v29 =	vshll.u32 v35, $0x10;
	v18 =	vld.idx.msk [tilespmem:v36+s26+$0x0], $0xffff  }
0x522: {  	v32 =	vand.u32 $0xFFFF0000, v35;
	v34 =	vadd.f32 v23, v37;
	v21 =	vadd.f32 v21, v25;
	v19 =	vld.idx.msk [tilespmem:v27+s29+$0x0], $0xffff  }
.Ltmp10:
0x523: {  	v35 =	vadd.f32 v38, v31;
	v37 =	vadd.f32 v48, v16;
	v33 =	vmul.bf16 v41, v42;
	v25 =	vld.idx.msk [tilespmem:v43+s29+$0x0], $0xffff;
	(pc) =	sbr.rel @p0 .LBB2_22-.Ltmp10, $4  }
0x524: {  	v31 =	vmul.bf16 v47, v26;
	v40 =	vadd.f32 v30, v34;
	v26 =	vadd.f32 v49, v21;
	v23 =	vld.idx.msk [tilespmem:v27+s26+$0x0], $0xffff  }
0x525: {  	v16 =	vand.u32 $0xFFFF0000, v28;
	v35 =	vadd.f32 v24, v35;
	v21 =	vor.u32 s7, v6;
	v30 =	vld.idx.msk [tilespmem:v43+s26+$0x0], $0xffff  }
0x526: {  	v29 =	vadd.f32 v29, v26;
	v34 =	vmul.bf16 v39, v46;
	v26 =	vor.u32 s7, v63;
	v24 =	vld.idx.msk [tilespmem:v36+s29+$0x0], $0xffff  }
0x527: {  	v28 =	vshll.u32 v28, $0x10;
	v38 =	vand.u32 $0xFFFF0000, v33;
	v36 =	vadd.f32 v44, v40;
	v27 =	vld.idx.msk [tilespmem:v22+s26+$0x0], $0xffff  }
0x528: {  	_ =	sdelay $0x3  }
0x529: {  	v14 =	vshll.u32 v33, $0x10;
	v49 =	vld.idx.msk [tilespmem:v20+s29+$0x0], $0xffff  }
0x52a: {  	v35 =	vadd.f32 v38, v35;
	v32 =	vadd.f32 v32, v37;
	v22 =	vld.idx.msk [tilespmem:v22+s29+$0x0], $0xffff;
	v50 =	vor.u32 s7, v54  }
0x52b: {  	v51 =	vshll.u32 v31, $0x10;
	v39 =	vand.u32 $0xFFFF0000, v34;
	v31 =	vand.u32 $0xFFFF0000, v31;
	v20 =	vld.idx.msk [tilespmem:v20+s26+$0x0], $0xffff  }
0x52c: {  	v52 =	vshll.u32 v34, $0x10;
	v40 =	vor.u32 s7, v55;
	v53 =	vld.idx.msk [tilespmem:v26+s29+$0x0], $0xffff;
	v13 =	vmul.bf16 v17, v13  }
0x52d: {  	v54 =	vld.idx.msk [tilespmem:v21+s29+$0x0], $0xffff;
	v14 =	vadd.f32 v14, v36;
	v29 =	vadd.f32 v52, v29;
	v19 =	vmul.bf16 v19, v23  }
0x52e: {  	v21 =	vld.idx.msk [tilespmem:v21+s26+$0x0], $0xffff;
	v25 =	vmul.bf16 v25, v30;
	v32 =	vadd.f32 v39, v32;
	v31 =	vadd.f32 v31, v35  }
0x52f: {  	v23 =	vld.idx.msk [tilespmem:v26+s26+$0x0], $0xffff;
	v30 =	vor.u32 s7, v7;
	v14 =	vadd.f32 v51, v14;
	v26 =	vadd.f32 v28, v29  }
0x530: {  	v17 =	vmul.bf16 v24, v18;
	v29 =	vand.u32 $0xFFFF0000, v13;
	v13 =	vshll.u32 v13, $0x10  }
0x531: {  	v60 =	vand.u32 $0xFFFF0000, v19;
	v19 =	vshll.u32 v19, $0x10;
	v18 =	vand.u32 $0xFFFF0000, v25;
	v28 =	vld.idx.msk [tilespmem:v50+s29+$0x0], $0xffff  }
0x532: {  	v25 =	vshll.u32 v25, $0x10;
	v16 =	vadd.f32 v16, v32;
	v31 =	vadd.f32 v60, v31;
	v24 =	vld.idx.msk [tilespmem:v50+s26+$0x0], $0xffff  }
0x533: {  	v22 =	vmul.bf16 v22, v27;
	v20 =	vmul.bf16 v49, v20;
	v56 =	vld.idx.msk [tilespmem:v40+s26+$0x0], $0xffff;
	v58 =	vshll.u32 v17, $0x10  }
0x534: {  	v61 =	vld.idx.msk [tilespmem:v40+s29+$0x0], $0xffff;
	v17 =	vand.u32 $0xFFFF0000, v17;
	v21 =	vmul.bf16 v54, v21;
	v23 =	vmul.bf16 v53, v23  }
0x535: {  	v14 =	vadd.f32 v19, v14;
	v16 =	vadd.f32 v18, v16;
	v27 =	vand.u32 $0xFFFF0000, v22;
	v59 =	vld.idx.msk [tilespmem:v30+s29+$0x0], $0xffff  }
0x536: {  	v57 =	vand.u32 $0xFFFF0000, v20;
	v22 =	vshll.u32 v22, $0x10;
	v30 =	vld.idx.msk [tilespmem:v30+s26+$0x0], $0xffff;
	v36 =	vand.u32 $0xFFFF0000, v23  }
0x537: {  	v18 =	vshll.u32 v23, $0x10;
	v23 =	vadd.f32 v25, v26;
	v16 =	vadd.f32 v57, v16  }
0x538: {  	v20 =	vshll.u32 v20, $0x10;
	v14 =	vadd.f32 v22, v14;
	v22 =	vadd.f32 v27, v31  }
0x539: {  	v19 =	vmul.bf16 v28, v24;
	v24 =	vand.u32 $0xFFFF0000, v21;
	v20 =	vadd.f32 v20, v23  }
0x53a: {  	v26 =	vmul.bf16 v61, v56;
	v22 =	vadd.f32 v29, v22;
	v13 =	vadd.f32 v13, v14  }
0x53b: {  	v16 =	vadd.f32 v17, v16;
	v25 =	vmul.bf16 v59, v30;
	v27 =	vshll.u32 v19, $0x10  }
0x53c: {  	v17 =	vadd.f32 v58, v20;
	v20 =	vshll.u32 v21, $0x10;
	v21 =	vadd.f32 v36, v22  }
0x53d: {  	v14 =	vand.u32 $0xFFFF0000, v26;
	v13 =	vadd.f32 v18, v13;
	v16 =	vadd.f32 v24, v16  }
0x53e: {  	v18 =	vshll.u32 v26, $0x10;
	v23 =	vand.u32 $0xFFFF0000, v25;
	v17 =	vadd.f32 v20, v17  }
0x53f: {  	v20 =	vshll.u32 v25, $0x10;
	v14 =	vadd.f32 v14, v21;
	v13 =	vadd.f32 v18, v13  }
0x540: {  	v18 =	vand.u32 $0xFFFF0000, v19;
	v16 =	vadd.f32 v23, v16;
	v17 =	vadd.f32 v20, v17  }
0x541: {  	v14 =	vadd.f32 v18, v14;
	v13 =	vadd.f32 v27, v13;
	_ =	sdelay $0x1  }
0x542: {  	v13 =	vadd.f32 v13, v14;
	v14 =	vadd.f32 v17, v16;
	_ =	sdelay $0x1  }
0x543: {  	v13 =	vadd.f32 v14, v13;
	_ =	sdelay $0x1  }
0x544: {  	v13 =	vsub.f32 $0.0e+00, v13;
	_ =	sdelay $0x1  }
0x545: {  	v13 =	vmul.f32 $1.442695020e+00, v13;
	_ =	sdelay $0x1  }
0x546: {  	(erf) = vpow2.f32 v13;
	_ =	sdelay $0x8  }
0x547: {  	v3 =	vld [tilespmem:$0x1FE10];
	v13 =	vpop (erf)  }
0x548: {  	v0 =	vld [tilespmem:$0x1FE00];
	v13 =	vadd.f32 $1.000000000e+00, v13  }
0x549: {  	v4 =	vld [tilespmem:$0x1FE20]  }
0x54a: {  	v47 =	vld [tilespmem:$0x1FE70];
	(erf) = vrcp.f32 v13  }
0x54b: {  	v6 =	vld [tilespmem:$0x1FE30]  }
0x54c: {  	v5 =	vld [tilespmem:$0x1FE90]  }
0x54d: {  	v52 =	vld [tilespmem:$0x1FE60]  }
0x54e: {  	v7 =	vld [tilespmem:$0x1FE40]  }
0x54f: {  	s7 =	simm.s32 $0x0;
	v51 =	vld [tilespmem:$0x1FE50]  }
0x550: {  	v60 =	vld [tilespmem:$0x1FFD0];
	v13 =	vor.u32 s7, v15  }
0x551: {  	v54 =	vld [tilespmem:$0x1FEA0];
	v14 =	vor.u32 s7, v3  }
0x552: {  	v49 =	vld [tilespmem:$0x1FEC0];
	v16 =	vor.u32 s7, v0  }
0x553: {  	v50 =	vld [tilespmem:$0x1FED0];
	v18 =	vor.u32 s7, v7;
	v17 =	vpop (erf)  }
0x554: {  	v53 =	vld [tilespmem:$0x1FE80];
	[tilespmem:$0xEE00] =	vst v17  }
0x555: {  	v20 =	vld.idx.msk [tilespmem:v13+s29+$0x0], $0xffff  }
0x556: {  	v22 =	vld.idx.msk [tilespmem:v14+s29+$0x0], $0xffff  }
0x557: {  	v19 =	vld.idx.msk [tilespmem:v16+s29+$0x0], $0xffff  }
0x558: {  	v27 =	vor.u32 s7, v6;
	v23 =	vld.idx.msk [tilespmem:v18+s26+$0x0], $0xffff  }
0x559: {  	v17 =	vor.u32 s7, v4;
	v21 =	vld.idx.msk [tilespmem:v16+s26+$0x0], $0xffff  }
0x55a: {  	v24 =	vld.idx.msk [tilespmem:v18+s29+$0x0], $0xffff  }
0x55b: {  	v26 =	vor.u32 s7, v54;
	v14 =	vld.idx.msk [tilespmem:v14+s26+$0x0], $0xffff  }
0x55c: {  	v16 =	vor.u32 s7, v47;
	v28 =	vld.idx.msk [tilespmem:v13+s26+$0x0], $0xffff  }
0x55d: {  	v18 =	vld.idx.msk [tilespmem:v27+s29+$0x0], $0xffff  }
0x55e: {  	v29 =	vor.u32 s7, v52;
	v25 =	vld.idx.msk [tilespmem:v17+s26+$0x0], $0xffff  }
0x55f: {  	v62 =	vld.idx.msk [tilespmem:v17+s29+$0x0], $0xffff  }
0x560: {  	v17 =	vld.idx.msk [tilespmem:v26+s26+$0x0], $0xffff  }
0x561: {  	v13 =	vld.idx.msk [tilespmem:v16+s26+$0x0], $0xffff  }
0x562: {  	v16 =	vld.idx.msk [tilespmem:v16+s29+$0x0], $0xffff  }
0x563: {  	v30 =	vmul.bf16 v19, v21;
	v21 =	vor.u32 s7, v51;
	v63 =	vmul.bf16 v24, v23;
	v24 =	vld.idx.msk [tilespmem:v29+s29+$0x0], $0xffff  }
0x564: {  	v34 =	vimm.f32 $0.0e+00;
	v35 =	vimm.f32 $0.0e+00;
	v19 =	vor.u32 s7, v53;
	v29 =	vld.idx.msk [tilespmem:v29+s26+$0x0], $0xffff  }
0x565: {  	v23 =	vshll.u32 v30, $0x10;
	v31 =	vand.u32 $0xFFFF0000, v30;
	v30 =	vmul.bf16 v22, v14;
	v22 =	vld.idx.msk [tilespmem:v27+s26+$0x0], $0xffff  }
0x566: {  	v36 =	vimm.f32 $0.0e+00;
	v32 =	vmul.bf16 v20, v28;
	v28 =	vadd.f32 v23, v34;
	v23 =	vld.idx.msk [tilespmem:v26+s29+$0x0], $0xffff  }
0x567: {  	v20 =	vor.u32 s7, v9;
	v14 =	vand.u32 $0xFFFF0000, v63;
	v33 =	vmul.bf16 v62, v25;
	v62 =	vld [tilespmem:$0x1FEE0]  }
0x568: {  	s8 =	simm.s32 $0x10;
	v37 =	vand.u32 $0xFFFF0000, v32;
	v27 =	vshll.u32 v63, $0x10;
	v25 =	vor.u32 s7, v5;
	v5 =	vmovc v55;
	v26 =	vld.idx.msk [tilespmem:v21+s26+$0x0], $0xffff  }
.LBB2_24:
0x569: {  	v58 =	vld.idx.msk [tilespmem:v19+s29+$0x0], $0xffff  }
0x56a: {  	v21 =	vld.idx.msk [tilespmem:v21+s29+$0x0], $0xffff  }
0x56b: {  	v32 =	vshll.u32 v32, $0x10;
	v34 =	vadd.f32 v37, v34;
	v39 =	vor.u32 s7, v10;
	v19 =	vld.idx.msk [tilespmem:v19+s26+$0x0], $0xffff  }
0x56c: {  	v59 =	vshll.u32 v30, $0x10;
	v30 =	vand.u32 $0xFFFF0000, v30;
	v40 =	vor.u32 s7, v8;
	v48 =	vld.idx.msk [tilespmem:v20+s29+$0x0], $0xffff  }
0x56d: {  	s9 =	smov.u32 s8;
	v63 =	vor.u32 s7, v11;
	v31 =	vadd.f32 v31, v36;
	v13 =	vmul.bf16 v16, v13;
	v16 =	vld.idx.msk [tilespmem:v20+s26+$0x0], $0xffff  }
0x56e: {  	v38 =	vand.u32 $0xFFFF0000, v33;
	v61 =	vshll.u32 v33, $0x10;
	s7 =	smov.u32 s9;
	v24 =	vmul.bf16 v24, v29;
	v29 =	vld.idx.msk [tilespmem:v25+s29+$0x0], $0xffff  }
0x56f: {  	v32 =	vadd.f32 v32, v35;
	v41 =	vor.u32 s7, v15;
	v18 =	vmul.bf16 v18, v22;
	v22 =	vld.idx.msk [tilespmem:v25+s26+$0x0], $0xffff  }
0x570: {  	v42 =	vor.u32 s7, v0;
	v28 =	vadd.f32 v61, v28;
	v17 =	vmul.bf16 v23, v17;
	v23 =	vld.idx.msk [tilespmem:v39+s29+$0x0], $0xffff  }
0x571: {  	v20 =	vor.u32 s7, v4;
	v30 =	vadd.f32 v30, v34;
	v32 =	vadd.f32 v59, v32;
	v55 =	vld.idx.msk [tilespmem:v39+s26+$0x0], $0xffff  }
0x572: {  	v31 =	vadd.f32 v38, v31;
	v38 =	vand.u32 $0xFFFF0000, v13;
	v57 =	vshll.u32 v13, $0x10;
	v13 =	vld.idx.msk [tilespmem:v40+s26+$0x0], $0xffff  }
0x573: {  	v25 =	vor.u32 s7, v3;
	v27 =	vadd.f32 v27, v28;
	v28 =	vor.u32 s7, v7;
	v45 =	vld.idx.msk [tilespmem:v63+s29+$0x0], $0xffff  }
0x574: {  	v21 =	vmul.bf16 v21, v26;
	v19 =	vmul.bf16 v58, v19;
	v35 =	vld.idx.msk [tilespmem:v63+s26+$0x0], $0xffff;
	v14 =	vadd.f32 v14, v31  }
0x575: {  	v63 =	vor.u32 s7, v47;
	v47 =	vld [tilespmem:$0x1FE70];
	v26 =	vand.u32 $0xFFFF0000, v24;
	v24 =	vshll.u32 v24, $0x10  }
0x576: {  	v44 =	vshll.u32 v17, $0x10;
	v58 =	vand.u32 $0xFFFF0000, v18;
	v33 =	vmul.bf16 v48, v16;
	v16 =	vld.idx.msk [tilespmem:v42+s29+$0x0], $0xffff  }
0x577: {  	v17 =	vand.u32 $0xFFFF0000, v17;
	v18 =	vshll.u32 v18, $0x10;
	v56 =	vand.u32 $0xFFFF0000, v21;
	v61 =	vld.idx.msk [tilespmem:v42+s26+$0x0], $0xffff  }
0x578: {  	v43 =	vand.u32 $0xFFFF0000, v19;
	v21 =	vshll.u32 v21, $0x10;
	v30 =	vadd.f32 v58, v30;
	v58 =	vld.idx.msk [tilespmem:v20+s29+$0x0], $0xffff  }
0x579: {  	v19 =	vshll.u32 v19, $0x10;
	v14 =	vadd.f32 v26, v14;
	v22 =	vmul.bf16 v29, v22;
	v29 =	vld.idx.msk [tilespmem:v40+s29+$0x0], $0xffff  }
0x57a: {  	v24 =	vadd.f32 v24, v27;
	v26 =	vor.u32 s7, v6;
	v18 =	vadd.f32 v18, v32;
	v40 =	vld.idx.msk [tilespmem:v41+s29+$0x0], $0xffff  }
0x57b: {  	v42 =	vor.u32 s7, v52;
	v46 =	vld.idx.msk [tilespmem:v25+s29+$0x0], $0xffff;
	v59 =	vand.u32 $0xFFFF0000, v33;
	v14 =	vadd.f32 v43, v14  }
0x57c: {  	v27 =	vld.idx.msk [tilespmem:v28+s26+$0x0], $0xffff;
	v24 =	vadd.f32 v19, v24;
	v18 =	vadd.f32 v21, v18;
	v21 =	vor.u32 s7, v51  }
0x57d: {  	v28 =	vld.idx.msk [tilespmem:v28+s29+$0x0], $0xffff;
	v30 =	vadd.f32 v56, v30;
	v19 =	vor.u32 s7, v53;
	v23 =	vmul.bf16 v23, v55  }
0x57e: {  	v25 =	vld.idx.msk [tilespmem:v25+s26+$0x0], $0xffff;
	v31 =	vand.u32 $0xFFFF0000, v22;
	v14 =	vadd.f32 v17, v14;
	v24 =	vadd.f32 v44, v24  }
0x57f: {  	v41 =	vld.idx.msk [tilespmem:v41+s26+$0x0], $0xffff;
	v22 =	vshll.u32 v22, $0x10;
	v30 =	vadd.f32 v38, v30;
	v57 =	vadd.f32 v57, v18  }
0x580: {  	v43 =	vshll.u32 v23, $0x10;
	v34 =	vmul.bf16 v16, v61;
	v16 =	vld.idx.msk [tilespmem:v63+s29+$0x0], $0xffff;
	v29 =	vmul.bf16 v29, v13  }
0x581: {  	v23 =	vand.u32 $0xFFFF0000, v23;
	v18 =	vld.idx.msk [tilespmem:v26+s29+$0x0], $0xffff;
	v14 =	vadd.f32 v59, v14;
	v30 =	vadd.f32 v31, v30  }
0x582: {  	v59 =	vadd.f32 v22, v57;
	v22 =	vld.idx.msk [tilespmem:v26+s26+$0x0], $0xffff;
	v13 =	vmul.bf16 v45, v35;
	v56 =	vand.u32 $0xFFFF0000, v29  }
0x583: {  	v35 =	vor.u32 s7, v54;
	v45 =	vld.idx.msk [tilespmem:v20+s26+$0x0], $0xffff;
	v27 =	vmul.bf16 v28, v27;
	v61 =	vadd.f32 v56, v30  }
0x584: {  	v20 =	vshll.u32 v33, $0x10;
	v28 =	vshll.u32 v34, $0x10;
	v31 =	vand.u32 $0xFFFF0000, v34;
	v26 =	vld.idx.msk [tilespmem:v21+s26+$0x0], $0xffff  }
0x585: {  	p0 =	sne.s32 s8, $0x30;
	v32 =	vmul.bf16 v40, v41;
	v20 =	vadd.f32 v20, v24;
	v34 =	vadd.f32 v23, v61;
	v23 =	vld [tilespmem:$0x1FE90]  }
.Ltmp11:
0x586: {  	v24 =	vld.idx.msk [tilespmem:v42+s29+$0x0], $0xffff;
	v55 =	vand.u32 $0xFFFF0000, v13;
	v48 =	vshll.u32 v13, $0x10;
	v29 =	vshll.u32 v29, $0x10;
	(pc) =	sbr.rel @p0 .LBB2_24-.Ltmp11, $4  }
0x587: {  	v13 =	vld.idx.msk [tilespmem:v63+s26+$0x0], $0xffff;
	v37 =	vand.u32 $0xFFFF0000, v32;
	v30 =	vmul.bf16 v46, v25;
	v25 =	vadd.f32 v48, v20  }
0x588: {  	v36 =	vadd.f32 v55, v14;
	v63 =	vadd.f32 v29, v59;
	v14 =	vand.u32 $0xFFFF0000, v27;
	v29 =	vld.idx.msk [tilespmem:v42+s26+$0x0], $0xffff  }
0x589: {  	v20 =	vor.u32 s7, v9;
	v27 =	vshll.u32 v27, $0x10;
	v17 =	vld.idx.msk [tilespmem:v35+s26+$0x0], $0xffff;
	v28 =	vadd.f32 v28, v25  }
0x58a: {  	s8 =	sadd.s32 $0x10, s8;
	v33 =	vmul.bf16 v58, v45;
	v25 =	vor.u32 s7, v23;
	v23 =	vld.idx.msk [tilespmem:v35+s29+$0x0], $0xffff;
	v35 =	vadd.f32 v43, v63  }
0x58b: {  	_ =	sdelay $0x3  }
0x58c: {  	v42 =	vld.idx.msk [tilespmem:v19+s29+$0x0], $0xffff  }
0x58d: {  	v15 =	vshll.u32 v32, $0x10;
	v21 =	vld.idx.msk [tilespmem:v21+s29+$0x0], $0xffff  }
0x58e: {  	v34 =	vadd.f32 v37, v34;
	v31 =	vadd.f32 v31, v36;
	v43 =	vor.u32 s7, v10;
	v46 =	vld.idx.msk [tilespmem:v19+s26+$0x0], $0xffff  }
0x58f: {  	v44 =	vshll.u32 v30, $0x10;
	v45 =	vand.u32 $0xFFFF0000, v30;
	v39 =	vor.u32 s7, v8;
	v48 =	vld.idx.msk [tilespmem:v25+s29+$0x0], $0xffff  }
0x590: {  	v51 =	vor.u32 s7, v11;
	v52 =	vld.idx.msk [tilespmem:v20+s29+$0x0], $0xffff;
	v18 =	vmul.bf16 v18, v22;
	v38 =	vand.u32 $0xFFFF0000, v33  }
0x591: {  	v53 =	vld.idx.msk [tilespmem:v25+s26+$0x0], $0xffff;
	v47 =	vshll.u32 v33, $0x10;
	v15 =	vadd.f32 v15, v35;
	v13 =	vmul.bf16 v16, v13  }
0x592: {  	v58 =	vld.idx.msk [tilespmem:v20+s26+$0x0], $0xffff;
	v24 =	vmul.bf16 v24, v29;
	v28 =	vadd.f32 v47, v28;
	v31 =	vadd.f32 v38, v31  }
0x593: {  	v30 =	vadd.f32 v45, v34;
	v15 =	vadd.f32 v44, v15;
	v61 =	vand.u32 $0xFFFF0000, v13  }
0x594: {  	v13 =	vshll.u32 v13, $0x10;
	v54 =	vadd.f32 v27, v28;
	v56 =	vmul.bf16 v23, v17  }
0x595: {  	v57 =	vand.u32 $0xFFFF0000, v24;
	v24 =	vshll.u32 v24, $0x10;
	v55 =	vld.idx.msk [tilespmem:v43+s29+$0x0], $0xffff;
	v21 =	vmul.bf16 v21, v26  }
0x596: {  	v14 =	vadd.f32 v14, v31;
	v19 =	vmul.bf16 v42, v46;
	v59 =	vld.idx.msk [tilespmem:v43+s26+$0x0], $0xffff;
	v22 =	vmul.bf16 v48, v53  }
0x597: {  	v63 =	vld.idx.msk [tilespmem:v39+s26+$0x0], $0xffff;
	v43 =	vand.u32 $0xFFFF0000, v18;
	v18 =	vshll.u32 v18, $0x10;
	v20 =	vmul.bf16 v52, v58  }
0x598: {  	v42 =	vld.idx.msk [tilespmem:v51+s29+$0x0], $0xffff;
	v41 =	vshll.u32 v56, $0x10;
	v30 =	vadd.f32 v43, v30;
	v14 =	vadd.f32 v57, v14  }
0x599: {  	v29 =	vld.idx.msk [tilespmem:v51+s26+$0x0], $0xffff;
	v16 =	vand.u32 $0xFFFF0000, v56;
	v46 =	vadd.f32 v24, v54;
	v15 =	vadd.f32 v18, v15  }
0x59a: {  	v44 =	vld.idx.msk [tilespmem:v39+s29+$0x0], $0xffff;
	v26 =	vand.u32 $0xFFFF0000, v21;
	v40 =	vand.u32 $0xFFFF0000, v19;
	v21 =	vshll.u32 v21, $0x10  }
0x59b: {  	v19 =	vshll.u32 v19, $0x10;
	v35 =	vand.u32 $0xFFFF0000, v22;
	v45 =	vshll.u32 v22, $0x10  }
0x59c: {  	v48 =	vand.u32 $0xFFFF0000, v20;
	v14 =	vadd.f32 v40, v14;
	v52 =	vadd.f32 v26, v30  }
0x59d: {  	v57 =	vshll.u32 v20, $0x10;
	v15 =	vadd.f32 v21, v15;
	v19 =	vadd.f32 v19, v46  }
0x59e: {  	v47 =	vmul.bf16 v55, v59;
	v51 =	vmul.bf16 v42, v29;
	v21 =	vadd.f32 v61, v52  }
0x59f: {  	v53 =	vmul.bf16 v44, v63;
	v13 =	vadd.f32 v13, v15;
	v14 =	vadd.f32 v16, v14  }
0x5a0: {  	v56 =	vadd.f32 v41, v19;
	v54 =	vshll.u32 v47, $0x10;
	v55 =	vand.u32 $0xFFFF0000, v51  }
0x5a1: {  	v15 =	vand.u32 $0xFFFF0000, v53;
	v58 =	vadd.f32 v35, v21;
	v13 =	vadd.f32 v45, v13  }
0x5a2: {  	v14 =	vadd.f32 v48, v14;
	v59 =	vshll.u32 v53, $0x10;
	v16 =	vadd.f32 v57, v56  }
0x5a3: {  	v61 =	vshll.u32 v51, $0x10;
	v15 =	vadd.f32 v15, v58;
	v13 =	vadd.f32 v59, v13  }
0x5a4: {  	v63 =	vand.u32 $0xFFFF0000, v47;
	v14 =	vadd.f32 v55, v14;
	v16 =	vadd.f32 v61, v16  }
0x5a5: {  	v15 =	vadd.f32 v63, v15;
	v13 =	vadd.f32 v54, v13;
	_ =	sdelay $0x1  }
0x5a6: {  	v14 =	vadd.f32 v16, v14;
	v13 =	vadd.f32 v13, v15;
	_ =	sdelay $0x1  }
0x5a7: {  	v13 =	vadd.f32 v14, v13;
	_ =	sdelay $0x1  }
0x5a8: {  	v13 =	vsub.f32 $0.0e+00, v13;
	_ =	sdelay $0x1  }
0x5a9: {  	v13 =	vmul.f32 $1.442695020e+00, v13;
	_ =	sdelay $0x1  }
0x5aa: {  	(erf) = vpow2.f32 v13;
	_ =	sdelay $0x8  }
0x5ab: {  	v13 =	vpop (erf)  }
0x5ac: {  	v13 =	vadd.f32 $1.000000000e+00, v13;
	_ =	sdelay $0x1  }
0x5ad: {  	(erf) = vrcp.f32 v13;
	_ =	sdelay $0x4  }
0x5ae: {  	s17 =	sadd.s32 $0x1, s17  }
0x5af: {  	s18 =	smin.u32 s18, $0x7C;
	p0 =	sne.s32 s17, $0x3F  }
.Ltmp12:
0x5b0: {  	s7 =	sadd.s32 s5, s18;
	v63 =	vld [tilespmem:$0x1FFE0];
	(pc) =	sbr.rel @p0 .LBB2_2-.Ltmp12, $4  }
0x5b1: {  	s7 =	smul.u32 $0xA, s7  }
0x5b2: {  	v0 =	vld [tilespmem:$0x1FEF0];
	v13 =	vpop (erf)  }
0x5b3: {  	v3 =	vld [tilespmem:$0x1FF00];
	s7 =	sadd.s32 s0, s7;
	[tilespmem:$0xEE10] =	vst v13  }
0x5b4: {  	v48 =	vld [tilespmem:$0x1FEB0];
	[hbm4b:s7+s4] =	stream.linear.scatter [tilespmem:s31], [sflag:$0x4], $0x50, $0x38  }
0x5b5: {  	s21 =	sadd.s32 $0x1, s21  }
0x5b6: {  	_ =	swait.ge [sflag:s1], $0x50;
	p0 =	sne.s32 s21, s13  }
.Ltmp13:
0x5b7: {  	[sflag:s1] =	ssyncset.done $0x0;
	(pc) =	sbr.rel @p0 .LBB2_1-.Ltmp13, $4  }
0x5b8: {  	[sflag:s1] =	ssyncadd.s32 $0xFFFFFFB0  }
0x5b9: {  	_ =	swait.ge [sflag:s3], $0x50  }
0x5ba: {  	[sflag:s3] =	ssyncset.done $0x0  }
0x5bb: {  	[sflag:s3] =	ssyncadd.s32 $0xFFFFFFB0  }
0x5bc: {  	_ =	sfence.sel $0x180000  }
0x5bd: {  	[bflag:$0x0] =	sbarrier.arrive $0xFFFF  }
0x5be: {  	_ =	strace $0x90000047  }
0x5bf: {  	s0 =	stileid.u32;
	[bflag:$0x2] =	sbarrier.arrive $0xFFFF  }
0x5c0: {  	p0 =	sne.s32 s0, $0x0;
	s0 =	rddreg [dreg:$0x3]  }
0x5c1: {  	s0 =	sadd.s32 @!p0 $0x100000, s0  }
0x5c2: {  	[sflag:s0] =	ssyncadd.tile.s32 @!p0 $0x1;
	_ =	shalt  }
.Lfunc_end2:
_tile_overlayer_lowered:
.L_overlay_start_2:
0x5c3: {  	(tag) =	ssettag $0x2  }
0x5c4: {  	s0 =	rddreg [dreg:$0x0];
	s2 =	stileid.u32  }
0x5c5: {  	s1 =	rddreg [dreg:$0x1];
	p0 =	sne.s32 s2, $0x0  }
0x5c6: {  	s3 =	rddreg [dreg:$0x2];
	[bflag:$0x3] =	sbarrier.arrive $0xFFFF;
	s2 =	simm.s32 @!p0 $0x1C06  }
0x5c7: {  	[timem:s3], [sflag:s2] =	dma.local @!p0 [hbm:s0], s1  }
0x5c8: {  	s0 =	simm.s32 @!p0 $0x6  }
0x5c9: {  	_ =	swait.ge @!p0 [sflag:s0], s1  }
0x5ca: {  	s1 =	ssub.s32 @!p0 $0x0, s1;
	[sflag:s0] =	ssyncset.done @!p0 $0x0  }
0x5cb: {  	[sflag:s0] =	ssyncadd.s32 @!p0 s1  }
0x5cc: {  	[bflag:$0x3] =	sbarrier.arrive $0xFFFF  }
0x5cd: {  	_ =	shalt  }

</sc_bundles>
